<compile_context>
chip_gen: v7x
topology: tpu7x:2x2x1
jax: 0.10.2.dev20260603
libtpu: 0.0.44.dev20260713+nightly
codegen_flags: <defaults>
</compile_context>

<pallas_src>
import functools

import jax
import jax.numpy as jnp
from jax import lax
from jax.experimental import pallas as pl
from jax.experimental.pallas import tpu as pltpu
from jax.experimental.pallas import tpu_sc as plsc

B = 4096
N = 1000
NPAD = 1024
TOPK = 5
TCOST = 0.001
A_CONST = 249500250.0
DENOM = 83333250.0 + 1e-8

ROWS_BLK = 32
NHALF = 1
BH = B // NHALF
NSTEPS = BH // ROWS_BLK



_NSTAGE = 55


def _pack_key(x, col):
    bits = lax.bitcast_convert_type(x, jnp.int32)
    mono = jnp.where(bits < 0, bits ^ jnp.int32(0x7FFFFFFF), bits)
    return (mono & jnp.int32(-1024)) | col


def _sort_body(p_ref, t_ref, sp_ref, mse_ref):
    pid = pl.program_id(0)
    p = p_ref[...]
    t = t_ref[...]
    col = lax.broadcasted_iota(jnp.int32, (ROWS_BLK, NPAD), 1)
    valid = col < N
    diff = jnp.where(valid, p - t, 0.0)
    msep = jnp.sum(diff * diff)

    @pl.when(pid == 0)
    def _():
        mse_ref[...] = jnp.zeros_like(mse_ref)

    mse_ref[...] += jnp.reshape(msep, (1, 1))

    def substage(key, k, d, bit0, take_min):
        up = pltpu.roll(key, NPAD - d, 1)
        dn = pltpu.roll(key, d, 1)
        pk = jnp.where(bit0, up, dn)
        mn = jnp.minimum(key, pk)
        mx = jnp.maximum(key, pk)
        return jnp.where(take_min, mn, mx)

    kp = _pack_key(p, col)
    kt = _pack_key(t, col)
    k = 2
    while k <= NPAD:
        d = k // 2
        while d >= 1:
            bit0 = (col & d) == 0
            take_min = ((col & k) == 0) == bit0
            kp = substage(kp, k, d, bit0, take_min)
            kt = substage(kt, k, d, bit0, take_min)
            d //= 2
        k *= 2

    sp_ref[...] = (kp & jnp.int32(NPAD - 1)) | ((kt & jnp.int32(NPAD - 1)) << 10)


def _run_sort(pred_pad, targ_pad, half):
    off = half * (BH // ROWS_BLK)
    return pl.pallas_call(
        _sort_body,
        grid=(NSTEPS,),
        in_specs=[
            pl.BlockSpec((ROWS_BLK, NPAD), lambda i: (i + off, 0)),
            pl.BlockSpec((ROWS_BLK, NPAD), lambda i: (i + off, 0)),
        ],
        out_specs=[
            pl.BlockSpec((ROWS_BLK, NPAD), lambda i: (i, 0)),
            pl.BlockSpec((1, 1), lambda i: (0, 0)),
        ],
        out_shape=[
            jax.ShapeDtypeStruct((BH, NPAD), jnp.int32),
            jax.ShapeDtypeStruct((1, 1), jnp.float32),
        ],
    )(pred_pad, targ_pad)



NC = 2
NS = 16
NW = NC * NS
RPW = BH // NW
CHUNK = 16
NCHUNK = RPW // CHUNK

_VREGS = NPAD // 16


def _sc_row_compute(i, sp_v, tv_v, tr_v, ic_buf, ret_buf):
    sbase = i * NPAD
    tbase = i * N
    lanes = lax.iota(jnp.int32, 16)
    m10 = jnp.int32(NPAD - 1)
    for k in range(_VREGS):
        idx = (sp_v[pl.ds(sbase + k * 16, 16)] >> 10) & m10
        val = (lanes + (k * 16)).astype(jnp.float32)
        plsc.store_scatter(tr_v, [idx], val)
    acc = jnp.zeros((16,), jnp.float32)
    for k in range(63):
        ip = sp_v[pl.ds(sbase + k * 16, 16)] & m10
        g = plsc.load_gather(tr_v, [ip])
        p_idx = lanes + (k * 16)
        w = jnp.where(p_idx < N, p_idx, 0).astype(jnp.float32)
        acc = acc + w * g
    icn = jnp.sum(acc)
    ib = sp_v[pl.ds(sbase, 16)] & m10
    gb = plsc.load_gather(tv_v, [jnp.minimum(ib, N - 1) + tbase])
    bsum = jnp.sum(jnp.where(lanes < TOPK, gb, 0.0))
    it = sp_v[pl.ds(sbase + 992, 16)] & m10
    gt = plsc.load_gather(tv_v, [jnp.minimum(it, N - 1) + tbase])
    tmask = (lanes >= 3) & (lanes < 8)
    tsum = jnp.sum(jnp.where(tmask, gt, 0.0))
    ret = (1.0 / TOPK) * (tsum - bsum) - TCOST * 2.0

    lane0 = lanes == 0
    widx = jnp.full((16,), i, jnp.int32)
    plsc.store_scatter(ic_buf, [widx], jnp.full((16,), icn, jnp.float32),
                       mask=lane0)
    plsc.store_scatter(ret_buf, [widx], jnp.full((16,), ret, jnp.float32),
                       mask=lane0)


def _sc_body(sp_hbm, tgt_hbm, icnum_hbm, ret_hbm,
             sp_v, tv_v, tr_v, ic_buf, ret_buf):
    wid = lax.axis_index("s") * NC + lax.axis_index("c")
    base = wid * RPW

    def chunk_fn(c, carry):
        r0 = base + c * CHUNK
        pltpu.sync_copy(sp_hbm.at[pl.ds(r0 * NPAD, CHUNK * NPAD)], sp_v)
        pltpu.sync_copy(tgt_hbm.at[pl.ds(r0 * N, CHUNK * N)], tv_v)

        def row_fn(i, carry2):
            _sc_row_compute(i, sp_v, tv_v, tr_v,
                            ic_buf.at[pl.ds(c * CHUNK, CHUNK)],
                            ret_buf.at[pl.ds(c * CHUNK, CHUNK)])
            return carry2

        lax.fori_loop(0, CHUNK, row_fn, 0)
        return carry

    lax.fori_loop(0, NCHUNK, chunk_fn, 0)
    pltpu.sync_copy(ic_buf, icnum_hbm.at[pl.ds(base, RPW)])
    pltpu.sync_copy(ret_buf, ret_hbm.at[pl.ds(base, RPW)])


def _run_sc(sp_flat, tgt_flat):
    mesh = plsc.VectorSubcoreMesh(core_axis_name="c", subcore_axis_name="s")
    fn = functools.partial(
        pl.kernel,
        mesh=mesh,
        compiler_params=pltpu.CompilerParams(needs_layout_passes=False),
        out_type=[
            jax.ShapeDtypeStruct((BH,), jnp.float32),
            jax.ShapeDtypeStruct((BH,), jnp.float32),
        ],
        scratch_types=[
            pltpu.VMEM((CHUNK * NPAD,), jnp.int32),
            pltpu.VMEM((CHUNK * N,), jnp.float32),
            pltpu.VMEM((NPAD,), jnp.float32),
            pltpu.VMEM((RPW,), jnp.float32),
            pltpu.VMEM((RPW,), jnp.float32),
        ],
    )(_sc_body)
    return fn(sp_flat, tgt_flat)




def _combine_body(*refs):
    ic_refs = refs[:NHALF]
    ret_refs = refs[NHALF:2 * NHALF]
    mse_refs = refs[2 * NHALF:3 * NHALF]
    fw_ref = refs[3 * NHALF]
    out_ref = refs[3 * NHALF + 1]
    nb = float(B)
    icn = sum(jnp.sum(r[...]) for r in ic_refs)
    sret = sum(jnp.sum(r[...]) for r in ret_refs)
    ic_loss = -(icn - nb * A_CONST) / (DENOM * nb)
    mean_ret = sret / nb
    dev = sum(jnp.sum((r[...] - mean_ret) ** 2) for r in ret_refs)
    var = dev / (nb - 1.0)
    sharpe_loss = -(mean_ret / (jnp.sqrt(var) + 1e-8))
    l1 = jnp.sum(jnp.abs(fw_ref[...]))
    mse = sum(r[0, 0] for r in mse_refs) / (nb * float(N))
    total = mse + 0.5 * ic_loss + 0.5 * sharpe_loss + 0.0001 * l1
    out_ref[...] = jnp.reshape(total, (1, 1))


def _run_combine(ics, rets, mses, factor_weights):
    args = ([ic.reshape(1, BH) for ic in ics]
            + [r.reshape(1, BH) for r in rets]
            + list(mses) + [factor_weights])
    return pl.pallas_call(
        _combine_body,
        out_shape=jax.ShapeDtypeStruct((1, 1), jnp.float32),
    )(*args)




def kernel(predictions, targets, factor_weights):
    pred_pad = jnp.pad(predictions, ((0, 0), (0, NPAD - N)),
                       constant_values=jnp.inf)
    targ_pad = jnp.pad(targets, ((0, 0), (0, NPAD - N)),
                       constant_values=jnp.inf)
    tgt_flat = targets.reshape(-1)
    ics, rets, mses = [], [], []
    for h in range(NHALF):
        spst, mse_h = _run_sort(pred_pad, targ_pad, h)
        icn, ret = _run_sc(spst.reshape(-1),
                           lax.dynamic_slice(tgt_flat, (h * BH * N,), (BH * N,)))
        ics.append(icn)
        rets.append(ret)
        mses.append(mse_h)
    out = _run_combine(ics, rets, mses, factor_weights)
    return out.reshape(())

# --- scband reference (transcript-rebuilt; emitter-appended) ---
"""Pipeline reference for scband-composite-loss-34445637714386 (READ-ONLY COPY).

The authoritative reference and input builder live on the scoring server;
editing this copy changes nothing except your own understanding.
"""

import jax, jax.numpy as jnp
import numpy as np

MSE_W = 1.0
IC_W = 0.5
SHARPE_W = 0.5
L1_W = 0.0001
TOP_K = 5
TC = 0.001


def _get_ranks(x):
    sorted_indices = jnp.argsort(x, axis=1)
    ranks = jnp.argsort(sorted_indices, axis=1).astype(jnp.float32)
    return ranks


def _ic_loss(predictions, targets):
    pred_ranks = _get_ranks(predictions)
    target_ranks = _get_ranks(targets)
    pred_centered = pred_ranks - pred_ranks.mean(axis=1, keepdims=True)
    target_centered = target_ranks - target_ranks.mean(axis=1, keepdims=True)
    numerator = (pred_centered * target_centered).sum(axis=1)
    pred_std = jnp.sqrt((pred_centered ** 2).sum(axis=1))
    target_std = jnp.sqrt((target_centered ** 2).sum(axis=1))
    ic = numerator / (pred_std * target_std + 1e-08)
    return -ic.mean()


def _portfolio_weights(predictions):
    _, top_indices = jax.lax.top_k(predictions, TOP_K)
    _, bottom_indices = jax.lax.top_k(-predictions, TOP_K)
    weights = jnp.zeros_like(predictions)
    bidx = jnp.arange(predictions.shape[0])[:, None]
    weights = weights.at[bidx, top_indices].set(1.0 / TOP_K)
    weights = weights.at[bidx, bottom_indices].set(-1.0 / TOP_K)
    return weights


def _sharpe_loss(predictions, targets):
    weights = _portfolio_weights(predictions)
    portfolio_returns = (weights * targets).sum(axis=1)
    portfolio_returns = portfolio_returns - TC * jnp.abs(weights).sum(axis=1)
    mean_return = portfolio_returns.mean()
    std_return = jnp.std(portfolio_returns, ddof=1) + 1e-08
    return -(mean_return / std_return)


def setup_inputs(seed: int = 0) -> dict:
    key = jax.random.key(seed)
    k1, k2, k3 = jax.random.split(key, 3)
    predictions = jax.random.normal(k1, (4096, 1000), dtype=jnp.float32)
    targets = jax.random.normal(k2, (4096, 1000), dtype=jnp.float32) * 0.02
    factor_weights = jax.random.normal(k3, (512, 1000), dtype=jnp.float32)
    return {"predictions": predictions, "targets": targets, "factor_weights": factor_weights}


def reference(predictions, targets, factor_weights):
    mse = jnp.mean((predictions - targets) ** 2)
    ic = _ic_loss(predictions, targets)
    sharpe = _sharpe_loss(predictions, targets)
    l1 = jnp.abs(factor_weights).sum()
    total_loss = MSE_W * mse + IC_W * ic + SHARPE_W * sharpe + L1_W * l1
    return total_loss

if __name__ == "__main__":
    import jax
    _d = setup_inputs()
    print(jax.jit(kernel)(*tuple(_d.values())))

</pallas_src>

<mosaic_0001>
#map = affine_map<(d0, d1) -> (0)>
module attributes {stable_mosaic.version = 14 : i64} {
  func.func @_sc_body(%arg0: i32, %arg1: i32, %arg2: memref<4194304xi32, #tpu.memory_space<hbm>>, %arg3: memref<4096000xf32, #tpu.memory_space<hbm>>, %arg4: memref<4096xf32, #tpu.memory_space<hbm>>, %arg5: memref<4096xf32, #tpu.memory_space<hbm>>, %arg6: memref<16384xi32, #tpu.memory_space<vmem>>, %arg7: memref<16000xf32, #tpu.memory_space<vmem>>, %arg8: memref<1024xf32, #tpu.memory_space<vmem>>, %arg9: memref<128xf32, #tpu.memory_space<vmem>>, %arg10: memref<128xf32, #tpu.memory_space<vmem>>) attributes {dimension_semantics = [#tpu.dimension_semantics<core_parallel>, #tpu.dimension_semantics<subcore_parallel>], iteration_bounds = array<i64: 2, 16>, scalar_prefetch = 0 : i64, scratch_operands = 5 : i64, tpu.core_type = #tpu.core_type<sc_vector_subcore>, window_params = [{transform_indices = #map}, {transform_indices = #map}, {transform_indices = #map}, {transform_indices = #map}]} {
    %mul3A = arith.constant 2 : i32
    %mul3A_0 = arith.muli %arg1, %mul3A : i32
    %add3A = arith.addi %mul3A_0, %arg0 : i32
    %mul3A_1 = arith.constant 128 : i32
    %mul3A_2 = arith.muli %add3A, %mul3A_1 : i32
    %scan3A = arith.constant 0 : i32
    %scan3A_3 = arith.constant 0 : i32
    %scan3A_4 = arith.constant 8 : i32
    %scan3A_5 = arith.addi %scan3A_3, %scan3A_4 : i32
    %scan3A_6 = arith.constant 1 : i32
    scf.for %scan3A_8 = %scan3A_3 to %scan3A_5 step %scan3A_6  : i32 {
      %mul3A_9 = arith.constant 16 : i32
      %mul3A_10 = arith.muli %scan3A_8, %mul3A_9 : i32
      %add3A_11 = arith.addi %mul3A_2, %mul3A_10 : i32
      %mul3A_12 = arith.constant 1024 : i32
      %mul3A_13 = arith.muli %add3A_11, %mul3A_12 : i32
      "tpu.region"() ({
        %run_scoped3A = tpu.sem_alloc : memref<!tpu.dma_semaphore, #tpu.memory_space<semaphore_mem>>
        %dma_start3A = tpu.memref_slice %arg2[%mul3A_13] : memref<4194304xi32, #tpu.memory_space<hbm>> -> memref<16384xi32, #tpu.memory_space<hbm>>
        %dma_start3A_22 = tpu.memref_slice %arg2[%mul3A_13] : memref<4194304xi32, #tpu.memory_space<hbm>> -> memref<16384xi32, #tpu.memory_space<hbm>>
        tpu.enqueue_dma source(%dma_start3A_22 : memref<16384xi32, #tpu.memory_space<hbm>>) target(%arg6 : memref<16384xi32, #tpu.memory_space<vmem>>) target_semaphore(%run_scoped3A : memref<!tpu.dma_semaphore, #tpu.memory_space<semaphore_mem>>)
        %dma_wait3A = tpu.memref_slice %arg2[%mul3A_13] : memref<4194304xi32, #tpu.memory_space<hbm>> -> memref<16384xi32, #tpu.memory_space<hbm>>
        %dma_wait3A_23 = tpu.memref_slice %arg2[%mul3A_13] : memref<4194304xi32, #tpu.memory_space<hbm>> -> memref<16384xi32, #tpu.memory_space<hbm>>
        tpu.wait_dma2 semaphore(%run_scoped3A : memref<!tpu.dma_semaphore, #tpu.memory_space<semaphore_mem>>) src(%dma_wait3A_23 : memref<16384xi32, #tpu.memory_space<hbm>>) dst(%arg6 : memref<16384xi32, #tpu.memory_space<vmem>>)
        tpu.yield
      }) : () -> ()
      %mul3A_14 = arith.constant 1000 : i32
      %mul3A_15 = arith.muli %add3A_11, %mul3A_14 : i32
      "tpu.region"() ({
        %run_scoped3A = tpu.sem_alloc : memref<!tpu.dma_semaphore, #tpu.memory_space<semaphore_mem>>
        %dma_start3A = tpu.memref_slice %arg3[%mul3A_15] : memref<4096000xf32, #tpu.memory_space<hbm>> -> memref<16000xf32, #tpu.memory_space<hbm>>
        %dma_start3A_22 = tpu.memref_slice %arg3[%mul3A_15] : memref<4096000xf32, #tpu.memory_space<hbm>> -> memref<16000xf32, #tpu.memory_space<hbm>>
        tpu.enqueue_dma source(%dma_start3A_22 : memref<16000xf32, #tpu.memory_space<hbm>>) target(%arg7 : memref<16000xf32, #tpu.memory_space<vmem>>) target_semaphore(%run_scoped3A : memref<!tpu.dma_semaphore, #tpu.memory_space<semaphore_mem>>)
        %dma_wait3A = tpu.memref_slice %arg3[%mul3A_15] : memref<4096000xf32, #tpu.memory_space<hbm>> -> memref<16000xf32, #tpu.memory_space<hbm>>
        %dma_wait3A_23 = tpu.memref_slice %arg3[%mul3A_15] : memref<4096000xf32, #tpu.memory_space<hbm>> -> memref<16000xf32, #tpu.memory_space<hbm>>
        tpu.wait_dma2 semaphore(%run_scoped3A : memref<!tpu.dma_semaphore, #tpu.memory_space<semaphore_mem>>) src(%dma_wait3A_23 : memref<16000xf32, #tpu.memory_space<hbm>>) dst(%arg7 : memref<16000xf32, #tpu.memory_space<vmem>>)
        tpu.yield
      }) : () -> ()
      %scan3A_16 = arith.constant 0 : i32
      %scan3A_17 = arith.constant 0 : i32
      %scan3A_18 = arith.constant 16 : i32
      %scan3A_19 = arith.addi %scan3A_17, %scan3A_18 : i32
      %scan3A_20 = arith.constant 1 : i32
      scf.for %scan3A_22 = %scan3A_17 to %scan3A_19 step %scan3A_20  : i32 {
        %mul3A_23 = arith.constant 16 : i32
        %mul3A_24 = arith.muli %scan3A_8, %mul3A_23 : i32
        %mul3A_25 = arith.constant 16 : i32
        %mul3A_26 = arith.muli %scan3A_8, %mul3A_25 : i32
        %mul3A_27 = arith.constant 1024 : i32
        %mul3A_28 = arith.muli %scan3A_22, %mul3A_27 : i32
        %mul3A_29 = arith.constant 1000 : i32
        %mul3A_30 = arith.muli %scan3A_22, %mul3A_29 : i32
        %iota3A = tpu.iota {dimensions = array<i32: 0>} : vector<16xi32>
        %add3A_31 = arith.constant 0 : i32
        %add3A_32 = arith.addi %mul3A_28, %add3A_31 : i32
        %get3A = arith.index_cast %add3A_32 : i32 to index
        %get3A_33 = tpu.vector_load %arg6[%get3A] {strides = array<i32>} : memref<16384xi32, #tpu.memory_space<vmem>>, vector<16xi32>,
        %shift_right_arithmetic3A = arith.constant 10 : i32
        %shift_right_arithmetic3A_34 = vector.broadcast %shift_right_arithmetic3A : i32 to vector<16xi32>
        %shift_right_arithmetic3A_35 = arith.shrsi %get3A_33, %shift_right_arithmetic3A_34 : vector<16xi32>
        %and3A = arith.constant 1023 : i32
        %and3A_36 = vector.broadcast %and3A : i32 to vector<16xi32>
        %and3A_37 = arith.andi %shift_right_arithmetic3A_35, %and3A_36 : vector<16xi32>
        %add3A_38 = arith.constant 0 : i32
        %add3A_39 = vector.broadcast %add3A_38 : i32 to vector<16xi32>
        %add3A_40 = arith.addi %iota3A, %add3A_39 : vector<16xi32>
        %convert_element_type3A = arith.sitofp %add3A_40 : vector<16xi32> to vector<16xf32>
        tpu.vector_store_idx %arg8[%and3A_37], %convert_element_type3A : memref<1024xf32, #tpu.memory_space<vmem>>[vector<16xi32>], vector<16xf32>,
        %add3A_41 = arith.constant 16 : i32
        %add3A_42 = arith.addi %mul3A_28, %add3A_41 : i32
        %get3A_43 = arith.index_cast %add3A_42 : i32 to index
        %get3A_44 = tpu.vector_load %arg6[%get3A_43] {strides = array<i32>} : memref<16384xi32, #tpu.memory_space<vmem>>, vector<16xi32>,
        %shift_right_arithmetic3A_45 = arith.constant 10 : i32
        %shift_right_arithmetic3A_46 = vector.broadcast %shift_right_arithmetic3A_45 : i32 to vector<16xi32>
        %shift_right_arithmetic3A_47 = arith.shrsi %get3A_44, %shift_right_arithmetic3A_46 : vector<16xi32>
        %and3A_48 = arith.constant 1023 : i32
        %and3A_49 = vector.broadcast %and3A_48 : i32 to vector<16xi32>
        %and3A_50 = arith.andi %shift_right_arithmetic3A_47, %and3A_49 : vector<16xi32>
        %add3A_51 = arith.constant 16 : i32
        %add3A_52 = vector.broadcast %add3A_51 : i32 to vector<16xi32>
        %add3A_53 = arith.addi %iota3A, %add3A_52 : vector<16xi32>
        %convert_element_type3A_54 = arith.sitofp %add3A_53 : vector<16xi32> to vector<16xf32>
        tpu.vector_store_idx %arg8[%and3A_50], %convert_element_type3A_54 : memref<1024xf32, #tpu.memory_space<vmem>>[vector<16xi32>], vector<16xf32>,
        %add3A_55 = arith.constant 32 : i32
        %add3A_56 = arith.addi %mul3A_28, %add3A_55 : i32
        %get3A_57 = arith.index_cast %add3A_56 : i32 to index
        %get3A_58 = tpu.vector_load %arg6[%get3A_57] {strides = array<i32>} : memref<16384xi32, #tpu.memory_space<vmem>>, vector<16xi32>,
        %shift_right_arithmetic3A_59 = arith.constant 10 : i32
        %shift_right_arithmetic3A_60 = vector.broadcast %shift_right_arithmetic3A_59 : i32 to vector<16xi32>
        %shift_right_arithmetic3A_61 = arith.shrsi %get3A_58, %shift_right_arithmetic3A_60 : vector<16xi32>
        %and3A_62 = arith.constant 1023 : i32
        %and3A_63 = vector.broadcast %and3A_62 : i32 to vector<16xi32>
        %and3A_64 = arith.andi %shift_right_arithmetic3A_61, %and3A_63 : vector<16xi32>
        %add3A_65 = arith.constant 32 : i32
        %add3A_66 = vector.broadcast %add3A_65 : i32 to vector<16xi32>
        %add3A_67 = arith.addi %iota3A, %add3A_66 : vector<16xi32>
        %convert_element_type3A_68 = arith.sitofp %add3A_67 : vector<16xi32> to vector<16xf32>
        tpu.vector_store_idx %arg8[%and3A_64], %convert_element_type3A_68 : memref<1024xf32, #tpu.memory_space<vmem>>[vector<16xi32>], vector<16xf32>,
        %add3A_69 = arith.constant 48 : i32
        %add3A_70 = arith.addi %mul3A_28, %add3A_69 : i32
        %get3A_71 = arith.index_cast %add3A_70 : i32 to index
        %get3A_72 = tpu.vector_load %arg6[%get3A_71] {strides = array<i32>} : memref<16384xi32, #tpu.memory_space<vmem>>, vector<16xi32>,
        %shift_right_arithmetic3A_73 = arith.constant 10 : i32
        %shift_right_arithmetic3A_74 = vector.broadcast %shift_right_arithmetic3A_73 : i32 to vector<16xi32>
        %shift_right_arithmetic3A_75 = arith.shrsi %get3A_72, %shift_right_arithmetic3A_74 : vector<16xi32>
        %and3A_76 = arith.constant 1023 : i32
        %and3A_77 = vector.broadcast %and3A_76 : i32 to vector<16xi32>
        %and3A_78 = arith.andi %shift_right_arithmetic3A_75, %and3A_77 : vector<16xi32>
        %add3A_79 = arith.constant 48 : i32
        %add3A_80 = vector.broadcast %add3A_79 : i32 to vector<16xi32>
        %add3A_81 = arith.addi %iota3A, %add3A_80 : vector<16xi32>
        %convert_element_type3A_82 = arith.sitofp %add3A_81 : vector<16xi32> to vector<16xf32>
        tpu.vector_store_idx %arg8[%and3A_78], %convert_element_type3A_82 : memref<1024xf32, #tpu.memory_space<vmem>>[vector<16xi32>], vector<16xf32>,
        %add3A_83 = arith.constant 64 : i32
        %add3A_84 = arith.addi %mul3A_28, %add3A_83 : i32
        %get3A_85 = arith.index_cast %add3A_84 : i32 to index
        %get3A_86 = tpu.vector_load %arg6[%get3A_85] {strides = array<i32>} : memref<16384xi32, #tpu.memory_space<vmem>>, vector<16xi32>,
        %shift_right_arithmetic3A_87 = arith.constant 10 : i32
        %shift_right_arithmetic3A_88 = vector.broadcast %shift_right_arithmetic3A_87 : i32 to vector<16xi32>
        %shift_right_arithmetic3A_89 = arith.shrsi %get3A_86, %shift_right_arithmetic3A_88 : vector<16xi32>
        %and3A_90 = arith.constant 1023 : i32
        %and3A_91 = vector.broadcast %and3A_90 : i32 to vector<16xi32>
        %and3A_92 = arith.andi %shift_right_arithmetic3A_89, %and3A_91 : vector<16xi32>
        %add3A_93 = arith.constant 64 : i32
        %add3A_94 = vector.broadcast %add3A_93 : i32 to vector<16xi32>
        %add3A_95 = arith.addi %iota3A, %add3A_94 : vector<16xi32>
        %convert_element_type3A_96 = arith.sitofp %add3A_95 : vector<16xi32> to vector<16xf32>
        tpu.vector_store_idx %arg8[%and3A_92], %convert_element_type3A_96 : memref<1024xf32, #tpu.memory_space<vmem>>[vector<16xi32>], vector<16xf32>,
        %add3A_97 = arith.constant 80 : i32
        %add3A_98 = arith.addi %mul3A_28, %add3A_97 : i32
        %get3A_99 = arith.index_cast %add3A_98 : i32 to index
        %get3A_100 = tpu.vector_load %arg6[%get3A_99] {strides = array<i32>} : memref<16384xi32, #tpu.memory_space<vmem>>, vector<16xi32>,
        %shift_right_arithmetic3A_101 = arith.constant 10 : i32
        %shift_right_arithmetic3A_102 = vector.broadcast %shift_right_arithmetic3A_101 : i32 to vector<16xi32>
        %shift_right_arithmetic3A_103 = arith.shrsi %get3A_100, %shift_right_arithmetic3A_102 : vector<16xi32>
        %and3A_104 = arith.constant 1023 : i32
        %and3A_105 = vector.broadcast %and3A_104 : i32 to vector<16xi32>
        %and3A_106 = arith.andi %shift_right_arithmetic3A_103, %and3A_105 : vector<16xi32>
        %add3A_107 = arith.constant 80 : i32
        %add3A_108 = vector.broadcast %add3A_107 : i32 to vector<16xi32>
        %add3A_109 = arith.addi %iota3A, %add3A_108 : vector<16xi32>
        %convert_element_type3A_110 = arith.sitofp %add3A_109 : vector<16xi32> to vector<16xf32>
        tpu.vector_store_idx %arg8[%and3A_106], %convert_element_type3A_110 : memref<1024xf32, #tpu.memory_space<vmem>>[vector<16xi32>], vector<16xf32>,
        %add3A_111 = arith.constant 96 : i32
        %add3A_112 = arith.addi %mul3A_28, %add3A_111 : i32
        %get3A_113 = arith.index_cast %add3A_112 : i32 to index
        %get3A_114 = tpu.vector_load %arg6[%get3A_113] {strides = array<i32>} : memref<16384xi32, #tpu.memory_space<vmem>>, vector<16xi32>,
        %shift_right_arithmetic3A_115 = arith.constant 10 : i32
        %shift_right_arithmetic3A_116 = vector.broadcast %shift_right_arithmetic3A_115 : i32 to vector<16xi32>
        %shift_right_arithmetic3A_117 = arith.shrsi %get3A_114, %shift_right_arithmetic3A_116 : vector<16xi32>
        %and3A_118 = arith.constant 1023 : i32
        %and3A_119 = vector.broadcast %and3A_118 : i32 to vector<16xi32>
        %and3A_120 = arith.andi %shift_right_arithmetic3A_117, %and3A_119 : vector<16xi32>
        %add3A_121 = arith.constant 96 : i32
        %add3A_122 = vector.broadcast %add3A_121 : i32 to vector<16xi32>
        %add3A_123 = arith.addi %iota3A, %add3A_122 : vector<16xi32>
        %convert_element_type3A_124 = arith.sitofp %add3A_123 : vector<16xi32> to vector<16xf32>
        tpu.vector_store_idx %arg8[%and3A_120], %convert_element_type3A_124 : memref<1024xf32, #tpu.memory_space<vmem>>[vector<16xi32>], vector<16xf32>,
        %add3A_125 = arith.constant 112 : i32
        %add3A_126 = arith.addi %mul3A_28, %add3A_125 : i32
        %get3A_127 = arith.index_cast %add3A_126 : i32 to index
        %get3A_128 = tpu.vector_load %arg6[%get3A_127] {strides = array<i32>} : memref<16384xi32, #tpu.memory_space<vmem>>, vector<16xi32>,
        %shift_right_arithmetic3A_129 = arith.constant 10 : i32
        %shift_right_arithmetic3A_130 = vector.broadcast %shift_right_arithmetic3A_129 : i32 to vector<16xi32>
        %shift_right_arithmetic3A_131 = arith.shrsi %get3A_128, %shift_right_arithmetic3A_130 : vector<16xi32>
        %and3A_132 = arith.constant 1023 : i32
        %and3A_133 = vector.broadcast %and3A_132 : i32 to vector<16xi32>
        %and3A_134 = arith.andi %shift_right_arithmetic3A_131, %and3A_133 : vector<16xi32>
        %add3A_135 = arith.constant 112 : i32
        %add3A_136 = vector.broadcast %add3A_135 : i32 to vector<16xi32>
        %add3A_137 = arith.addi %iota3A, %add3A_136 : vector<16xi32>
        %convert_element_type3A_138 = arith.sitofp %add3A_137 : vector<16xi32> to vector<16xf32>
        tpu.vector_store_idx %arg8[%and3A_134], %convert_element_type3A_138 : memref<1024xf32, #tpu.memory_space<vmem>>[vector<16xi32>], vector<16xf32>,
        %add3A_139 = arith.constant 128 : i32
        %add3A_140 = arith.addi %mul3A_28, %add3A_139 : i32
        %get3A_141 = arith.index_cast %add3A_140 : i32 to index
        %get3A_142 = tpu.vector_load %arg6[%get3A_141] {strides = array<i32>} : memref<16384xi32, #tpu.memory_space<vmem>>, vector<16xi32>,
        %shift_right_arithmetic3A_143 = arith.constant 10 : i32
        %shift_right_arithmetic3A_144 = vector.broadcast %shift_right_arithmetic3A_143 : i32 to vector<16xi32>
        %shift_right_arithmetic3A_145 = arith.shrsi %get3A_142, %shift_right_arithmetic3A_144 : vector<16xi32>
        %and3A_146 = arith.constant 1023 : i32
        %and3A_147 = vector.broadcast %and3A_146 : i32 to vector<16xi32>
        %and3A_148 = arith.andi %shift_right_arithmetic3A_145, %and3A_147 : vector<16xi32>
        %add3A_149 = arith.constant 128 : i32
        %add3A_150 = vector.broadcast %add3A_149 : i32 to vector<16xi32>
        %add3A_151 = arith.addi %iota3A, %add3A_150 : vector<16xi32>
        %convert_element_type3A_152 = arith.sitofp %add3A_151 : vector<16xi32> to vector<16xf32>
        tpu.vector_store_idx %arg8[%and3A_148], %convert_element_type3A_152 : memref<1024xf32, #tpu.memory_space<vmem>>[vector<16xi32>], vector<16xf32>,
        %add3A_153 = arith.constant 144 : i32
        %add3A_154 = arith.addi %mul3A_28, %add3A_153 : i32
        %get3A_155 = arith.index_cast %add3A_154 : i32 to index
        %get3A_156 = tpu.vector_load %arg6[%get3A_155] {strides = array<i32>} : memref<16384xi32, #tpu.memory_space<vmem>>, vector<16xi32>,
        %shift_right_arithmetic3A_157 = arith.constant 10 : i32
        %shift_right_arithmetic3A_158 = vector.broadcast %shift_right_arithmetic3A_157 : i32 to vector<16xi32>
        %shift_right_arithmetic3A_159 = arith.shrsi %get3A_156, %shift_right_arithmetic3A_158 : vector<16xi32>
        %and3A_160 = arith.constant 1023 : i32
        %and3A_161 = vector.broadcast %and3A_160 : i32 to vector<16xi32>
        %and3A_162 = arith.andi %shift_right_arithmetic3A_159, %and3A_161 : vector<16xi32>
        %add3A_163 = arith.constant 144 : i32
        %add3A_164 = vector.broadcast %add3A_163 : i32 to vector<16xi32>
        %add3A_165 = arith.addi %iota3A, %add3A_164 : vector<16xi32>
        %convert_element_type3A_166 = arith.sitofp %add3A_165 : vector<16xi32> to vector<16xf32>
        tpu.vector_store_idx %arg8[%and3A_162], %convert_element_type3A_166 : memref<1024xf32, #tpu.memory_space<vmem>>[vector<16xi32>], vector<16xf32>,
        %add3A_167 = arith.constant 160 : i32
        %add3A_168 = arith.addi %mul3A_28, %add3A_167 : i32
        %get3A_169 = arith.index_cast %add3A_168 : i32 to index
        %get3A_170 = tpu.vector_load %arg6[%get3A_169] {strides = array<i32>} : memref<16384xi32, #tpu.memory_space<vmem>>, vector<16xi32>,
        %shift_right_arithmetic3A_171 = arith.constant 10 : i32
        %shift_right_arithmetic3A_172 = vector.broadcast %shift_right_arithmetic3A_171 : i32 to vector<16xi32>
        %shift_right_arithmetic3A_173 = arith.shrsi %get3A_170, %shift_right_arithmetic3A_172 : vector<16xi32>
        %and3A_174 = arith.constant 1023 : i32
        %and3A_175 = vector.broadcast %and3A_174 : i32 to vector<16xi32>
        %and3A_176 = arith.andi %shift_right_arithmetic3A_173, %and3A_175 : vector<16xi32>
        %add3A_177 = arith.constant 160 : i32
        %add3A_178 = vector.broadcast %add3A_177 : i32 to vector<16xi32>
        %add3A_179 = arith.addi %iota3A, %add3A_178 : vector<16xi32>
        %convert_element_type3A_180 = arith.sitofp %add3A_179 : vector<16xi32> to vector<16xf32>
        tpu.vector_store_idx %arg8[%and3A_176], %convert_element_type3A_180 : memref<1024xf32, #tpu.memory_space<vmem>>[vector<16xi32>], vector<16xf32>,
        %add3A_181 = arith.constant 176 : i32
        %add3A_182 = arith.addi %mul3A_28, %add3A_181 : i32
        %get3A_183 = arith.index_cast %add3A_182 : i32 to index
        %get3A_184 = tpu.vector_load %arg6[%get3A_183] {strides = array<i32>} : memref<16384xi32, #tpu.memory_space<vmem>>, vector<16xi32>,
        %shift_right_arithmetic3A_185 = arith.constant 10 : i32
        %shift_right_arithmetic3A_186 = vector.broadcast %shift_right_arithmetic3A_185 : i32 to vector<16xi32>
        %shift_right_arithmetic3A_187 = arith.shrsi %get3A_184, %shift_right_arithmetic3A_186 : vector<16xi32>
        %and3A_188 = arith.constant 1023 : i32
        %and3A_189 = vector.broadcast %and3A_188 : i32 to vector<16xi32>
        %and3A_190 = arith.andi %shift_right_arithmetic3A_187, %and3A_189 : vector<16xi32>
        %add3A_191 = arith.constant 176 : i32
        %add3A_192 = vector.broadcast %add3A_191 : i32 to vector<16xi32>
        %add3A_193 = arith.addi %iota3A, %add3A_192 : vector<16xi32>
        %convert_element_type3A_194 = arith.sitofp %add3A_193 : vector<16xi32> to vector<16xf32>
        tpu.vector_store_idx %arg8[%and3A_190], %convert_element_type3A_194 : memref<1024xf32, #tpu.memory_space<vmem>>[vector<16xi32>], vector<16xf32>,
        %add3A_195 = arith.constant 192 : i32
        %add3A_196 = arith.addi %mul3A_28, %add3A_195 : i32
        %get3A_197 = arith.index_cast %add3A_196 : i32 to index
        %get3A_198 = tpu.vector_load %arg6[%get3A_197] {strides = array<i32>} : memref<16384xi32, #tpu.memory_space<vmem>>, vector<16xi32>,
        %shift_right_arithmetic3A_199 = arith.constant 10 : i32
        %shift_right_arithmetic3A_200 = vector.broadcast %shift_right_arithmetic3A_199 : i32 to vector<16xi32>
        %shift_right_arithmetic3A_201 = arith.shrsi %get3A_198, %shift_right_arithmetic3A_200 : vector<16xi32>
        %and3A_202 = arith.constant 1023 : i32
        %and3A_203 = vector.broadcast %and3A_202 : i32 to vector<16xi32>
        %and3A_204 = arith.andi %shift_right_arithmetic3A_201, %and3A_203 : vector<16xi32>
        %add3A_205 = arith.constant 192 : i32
        %add3A_206 = vector.broadcast %add3A_205 : i32 to vector<16xi32>
        %add3A_207 = arith.addi %iota3A, %add3A_206 : vector<16xi32>
        %convert_element_type3A_208 = arith.sitofp %add3A_207 : vector<16xi32> to vector<16xf32>
        tpu.vector_store_idx %arg8[%and3A_204], %convert_element_type3A_208 : memref<1024xf32, #tpu.memory_space<vmem>>[vector<16xi32>], vector<16xf32>,
        %add3A_209 = arith.constant 208 : i32
        %add3A_210 = arith.addi %mul3A_28, %add3A_209 : i32
        %get3A_211 = arith.index_cast %add3A_210 : i32 to index
        %get3A_212 = tpu.vector_load %arg6[%get3A_211] {strides = array<i32>} : memref<16384xi32, #tpu.memory_space<vmem>>, vector<16xi32>,
        %shift_right_arithmetic3A_213 = arith.constant 10 : i32
        %shift_right_arithmetic3A_214 = vector.broadcast %shift_right_arithmetic3A_213 : i32 to vector<16xi32>
        %shift_right_arithmetic3A_215 = arith.shrsi %get3A_212, %shift_right_arithmetic3A_214 : vector<16xi32>
        %and3A_216 = arith.constant 1023 : i32
        %and3A_217 = vector.broadcast %and3A_216 : i32 to vector<16xi32>
        %and3A_218 = arith.andi %shift_right_arithmetic3A_215, %and3A_217 : vector<16xi32>
        %add3A_219 = arith.constant 208 : i32
        %add3A_220 = vector.broadcast %add3A_219 : i32 to vector<16xi32>
        %add3A_221 = arith.addi %iota3A, %add3A_220 : vector<16xi32>
        %convert_element_type3A_222 = arith.sitofp %add3A_221 : vector<16xi32> to vector<16xf32>
        tpu.vector_store_idx %arg8[%and3A_218], %convert_element_type3A_222 : memref<1024xf32, #tpu.memory_space<vmem>>[vector<16xi32>], vector<16xf32>,
        %add3A_223 = arith.constant 224 : i32
        %add3A_224 = arith.addi %mul3A_28, %add3A_223 : i32
        %get3A_225 = arith.index_cast %add3A_224 : i32 to index
        %get3A_226 = tpu.vector_load %arg6[%get3A_225] {strides = array<i32>} : memref<16384xi32, #tpu.memory_space<vmem>>, vector<16xi32>,
        %shift_right_arithmetic3A_227 = arith.constant 10 : i32
        %shift_right_arithmetic3A_228 = vector.broadcast %shift_right_arithmetic3A_227 : i32 to vector<16xi32>
        %shift_right_arithmetic3A_229 = arith.shrsi %get3A_226, %shift_right_arithmetic3A_228 : vector<16xi32>
        %and3A_230 = arith.constant 1023 : i32
        %and3A_231 = vector.broadcast %and3A_230 : i32 to vector<16xi32>
        %and3A_232 = arith.andi %shift_right_arithmetic3A_229, %and3A_231 : vector<16xi32>
        %add3A_233 = arith.constant 224 : i32
        %add3A_234 = vector.broadcast %add3A_233 : i32 to vector<16xi32>
        %add3A_235 = arith.addi %iota3A, %add3A_234 : vector<16xi32>
        %convert_element_type3A_236 = arith.sitofp %add3A_235 : vector<16xi32> to vector<16xf32>
        tpu.vector_store_idx %arg8[%and3A_232], %convert_element_type3A_236 : memref<1024xf32, #tpu.memory_space<vmem>>[vector<16xi32>], vector<16xf32>,
        %add3A_237 = arith.constant 240 : i32
        %add3A_238 = arith.addi %mul3A_28, %add3A_237 : i32
        %get3A_239 = arith.index_cast %add3A_238 : i32 to index
        %get3A_240 = tpu.vector_load %arg6[%get3A_239] {strides = array<i32>} : memref<16384xi32, #tpu.memory_space<vmem>>, vector<16xi32>,
        %shift_right_arithmetic3A_241 = arith.constant 10 : i32
        %shift_right_arithmetic3A_242 = vector.broadcast %shift_right_arithmetic3A_241 : i32 to vector<16xi32>
        %shift_right_arithmetic3A_243 = arith.shrsi %get3A_240, %shift_right_arithmetic3A_242 : vector<16xi32>
        %and3A_244 = arith.constant 1023 : i32
        %and3A_245 = vector.broadcast %and3A_244 : i32 to vector<16xi32>
        %and3A_246 = arith.andi %shift_right_arithmetic3A_243, %and3A_245 : vector<16xi32>
        %add3A_247 = arith.constant 240 : i32
        %add3A_248 = vector.broadcast %add3A_247 : i32 to vector<16xi32>
        %add3A_249 = arith.addi %iota3A, %add3A_248 : vector<16xi32>
        %convert_element_type3A_250 = arith.sitofp %add3A_249 : vector<16xi32> to vector<16xf32>
        tpu.vector_store_idx %arg8[%and3A_246], %convert_element_type3A_250 : memref<1024xf32, #tpu.memory_space<vmem>>[vector<16xi32>], vector<16xf32>,
        %add3A_251 = arith.constant 256 : i32
        %add3A_252 = arith.addi %mul3A_28, %add3A_251 : i32
        %get3A_253 = arith.index_cast %add3A_252 : i32 to index
        %get3A_254 = tpu.vector_load %arg6[%get3A_253] {strides = array<i32>} : memref<16384xi32, #tpu.memory_space<vmem>>, vector<16xi32>,
        %shift_right_arithmetic3A_255 = arith.constant 10 : i32
        %shift_right_arithmetic3A_256 = vector.broadcast %shift_right_arithmetic3A_255 : i32 to vector<16xi32>
        %shift_right_arithmetic3A_257 = arith.shrsi %get3A_254, %shift_right_arithmetic3A_256 : vector<16xi32>
        %and3A_258 = arith.constant 1023 : i32
        %and3A_259 = vector.broadcast %and3A_258 : i32 to vector<16xi32>
        %and3A_260 = arith.andi %shift_right_arithmetic3A_257, %and3A_259 : vector<16xi32>
        %add3A_261 = arith.constant 256 : i32
        %add3A_262 = vector.broadcast %add3A_261 : i32 to vector<16xi32>
        %add3A_263 = arith.addi %iota3A, %add3A_262 : vector<16xi32>
        %convert_element_type3A_264 = arith.sitofp %add3A_263 : vector<16xi32> to vector<16xf32>
        tpu.vector_store_idx %arg8[%and3A_260], %convert_element_type3A_264 : memref<1024xf32, #tpu.memory_space<vmem>>[vector<16xi32>], vector<16xf32>,
        %add3A_265 = arith.constant 272 : i32
        %add3A_266 = arith.addi %mul3A_28, %add3A_265 : i32
        %get3A_267 = arith.index_cast %add3A_266 : i32 to index
        %get3A_268 = tpu.vector_load %arg6[%get3A_267] {strides = array<i32>} : memref<16384xi32, #tpu.memory_space<vmem>>, vector<16xi32>,
        %shift_right_arithmetic3A_269 = arith.constant 10 : i32
        %shift_right_arithmetic3A_270 = vector.broadcast %shift_right_arithmetic3A_269 : i32 to vector<16xi32>
        %shift_right_arithmetic3A_271 = arith.shrsi %get3A_268, %shift_right_arithmetic3A_270 : vector<16xi32>
        %and3A_272 = arith.constant 1023 : i32
        %and3A_273 = vector.broadcast %and3A_272 : i32 to vector<16xi32>
        %and3A_274 = arith.andi %shift_right_arithmetic3A_271, %and3A_273 : vector<16xi32>
        %add3A_275 = arith.constant 272 : i32
        %add3A_276 = vector.broadcast %add3A_275 : i32 to vector<16xi32>
        %add3A_277 = arith.addi %iota3A, %add3A_276 : vector<16xi32>
        %convert_element_type3A_278 = arith.sitofp %add3A_277 : vector<16xi32> to vector<16xf32>
        tpu.vector_store_idx %arg8[%and3A_274], %convert_element_type3A_278 : memref<1024xf32, #tpu.memory_space<vmem>>[vector<16xi32>], vector<16xf32>,
        %add3A_279 = arith.constant 288 : i32
        %add3A_280 = arith.addi %mul3A_28, %add3A_279 : i32
        %get3A_281 = arith.index_cast %add3A_280 : i32 to index
        %get3A_282 = tpu.vector_load %arg6[%get3A_281] {strides = array<i32>} : memref<16384xi32, #tpu.memory_space<vmem>>, vector<16xi32>,
        %shift_right_arithmetic3A_283 = arith.constant 10 : i32
        %shift_right_arithmetic3A_284 = vector.broadcast %shift_right_arithmetic3A_283 : i32 to vector<16xi32>
        %shift_right_arithmetic3A_285 = arith.shrsi %get3A_282, %shift_right_arithmetic3A_284 : vector<16xi32>
        %and3A_286 = arith.constant 1023 : i32
        %and3A_287 = vector.broadcast %and3A_286 : i32 to vector<16xi32>
        %and3A_288 = arith.andi %shift_right_arithmetic3A_285, %and3A_287 : vector<16xi32>
        %add3A_289 = arith.constant 288 : i32
        %add3A_290 = vector.broadcast %add3A_289 : i32 to vector<16xi32>
        %add3A_291 = arith.addi %iota3A, %add3A_290 : vector<16xi32>
        %convert_element_type3A_292 = arith.sitofp %add3A_291 : vector<16xi32> to vector<16xf32>
        tpu.vector_store_idx %arg8[%and3A_288], %convert_element_type3A_292 : memref<1024xf32, #tpu.memory_space<vmem>>[vector<16xi32>], vector<16xf32>,
        %add3A_293 = arith.constant 304 : i32
        %add3A_294 = arith.addi %mul3A_28, %add3A_293 : i32
        %get3A_295 = arith.index_cast %add3A_294 : i32 to index
        %get3A_296 = tpu.vector_load %arg6[%get3A_295] {strides = array<i32>} : memref<16384xi32, #tpu.memory_space<vmem>>, vector<16xi32>,
        %shift_right_arithmetic3A_297 = arith.constant 10 : i32
        %shift_right_arithmetic3A_298 = vector.broadcast %shift_right_arithmetic3A_297 : i32 to vector<16xi32>
        %shift_right_arithmetic3A_299 = arith.shrsi %get3A_296, %shift_right_arithmetic3A_298 : vector<16xi32>
        %and3A_300 = arith.constant 1023 : i32
        %and3A_301 = vector.broadcast %and3A_300 : i32 to vector<16xi32>
        %and3A_302 = arith.andi %shift_right_arithmetic3A_299, %and3A_301 : vector<16xi32>
        %add3A_303 = arith.constant 304 : i32
        %add3A_304 = vector.broadcast %add3A_303 : i32 to vector<16xi32>
        %add3A_305 = arith.addi %iota3A, %add3A_304 : vector<16xi32>
        %convert_element_type3A_306 = arith.sitofp %add3A_305 : vector<16xi32> to vector<16xf32>
        tpu.vector_store_idx %arg8[%and3A_302], %convert_element_type3A_306 : memref<1024xf32, #tpu.memory_space<vmem>>[vector<16xi32>], vector<16xf32>,
        %add3A_307 = arith.constant 320 : i32
        %add3A_308 = arith.addi %mul3A_28, %add3A_307 : i32
        %get3A_309 = arith.index_cast %add3A_308 : i32 to index
        %get3A_310 = tpu.vector_load %arg6[%get3A_309] {strides = array<i32>} : memref<16384xi32, #tpu.memory_space<vmem>>, vector<16xi32>,
        %shift_right_arithmetic3A_311 = arith.constant 10 : i32
        %shift_right_arithmetic3A_312 = vector.broadcast %shift_right_arithmetic3A_311 : i32 to vector<16xi32>
        %shift_right_arithmetic3A_313 = arith.shrsi %get3A_310, %shift_right_arithmetic3A_312 : vector<16xi32>
        %and3A_314 = arith.constant 1023 : i32
        %and3A_315 = vector.broadcast %and3A_314 : i32 to vector<16xi32>
        %and3A_316 = arith.andi %shift_right_arithmetic3A_313, %and3A_315 : vector<16xi32>
        %add3A_317 = arith.constant 320 : i32
        %add3A_318 = vector.broadcast %add3A_317 : i32 to vector<16xi32>
        %add3A_319 = arith.addi %iota3A, %add3A_318 : vector<16xi32>
        %convert_element_type3A_320 = arith.sitofp %add3A_319 : vector<16xi32> to vector<16xf32>
        tpu.vector_store_idx %arg8[%and3A_316], %convert_element_type3A_320 : memref<1024xf32, #tpu.memory_space<vmem>>[vector<16xi32>], vector<16xf32>,
        %add3A_321 = arith.constant 336 : i32
        %add3A_322 = arith.addi %mul3A_28, %add3A_321 : i32
        %get3A_323 = arith.index_cast %add3A_322 : i32 to index
        %get3A_324 = tpu.vector_load %arg6[%get3A_323] {strides = array<i32>} : memref<16384xi32, #tpu.memory_space<vmem>>, vector<16xi32>,
        %shift_right_arithmetic3A_325 = arith.constant 10 : i32
        %shift_right_arithmetic3A_326 = vector.broadcast %shift_right_arithmetic3A_325 : i32 to vector<16xi32>
        %shift_right_arithmetic3A_327 = arith.shrsi %get3A_324, %shift_right_arithmetic3A_326 : vector<16xi32>
        %and3A_328 = arith.constant 1023 : i32
        %and3A_329 = vector.broadcast %and3A_328 : i32 to vector<16xi32>
        %and3A_330 = arith.andi %shift_right_arithmetic3A_327, %and3A_329 : vector<16xi32>
        %add3A_331 = arith.constant 336 : i32
        %add3A_332 = vector.broadcast %add3A_331 : i32 to vector<16xi32>
        %add3A_333 = arith.addi %iota3A, %add3A_332 : vector<16xi32>
        %convert_element_type3A_334 = arith.sitofp %add3A_333 : vector<16xi32> to vector<16xf32>
        tpu.vector_store_idx %arg8[%and3A_330], %convert_element_type3A_334 : memref<1024xf32, #tpu.memory_space<vmem>>[vector<16xi32>], vector<16xf32>,
        %add3A_335 = arith.constant 352 : i32
        %add3A_336 = arith.addi %mul3A_28, %add3A_335 : i32
        %get3A_337 = arith.index_cast %add3A_336 : i32 to index
        %get3A_338 = tpu.vector_load %arg6[%get3A_337] {strides = array<i32>} : memref<16384xi32, #tpu.memory_space<vmem>>, vector<16xi32>,
        %shift_right_arithmetic3A_339 = arith.constant 10 : i32
        %shift_right_arithmetic3A_340 = vector.broadcast %shift_right_arithmetic3A_339 : i32 to vector<16xi32>
        %shift_right_arithmetic3A_341 = arith.shrsi %get3A_338, %shift_right_arithmetic3A_340 : vector<16xi32>
        %and3A_342 = arith.constant 1023 : i32
        %and3A_343 = vector.broadcast %and3A_342 : i32 to vector<16xi32>
        %and3A_344 = arith.andi %shift_right_arithmetic3A_341, %and3A_343 : vector<16xi32>
        %add3A_345 = arith.constant 352 : i32
        %add3A_346 = vector.broadcast %add3A_345 : i32 to vector<16xi32>
        %add3A_347 = arith.addi %iota3A, %add3A_346 : vector<16xi32>
        %convert_element_type3A_348 = arith.sitofp %add3A_347 : vector<16xi32> to vector<16xf32>
        tpu.vector_store_idx %arg8[%and3A_344], %convert_element_type3A_348 : memref<1024xf32, #tpu.memory_space<vmem>>[vector<16xi32>], vector<16xf32>,
        %add3A_349 = arith.constant 368 : i32
        %add3A_350 = arith.addi %mul3A_28, %add3A_349 : i32
        %get3A_351 = arith.index_cast %add3A_350 : i32 to index
        %get3A_352 = tpu.vector_load %arg6[%get3A_351] {strides = array<i32>} : memref<16384xi32, #tpu.memory_space<vmem>>, vector<16xi32>,
        %shift_right_arithmetic3A_353 = arith.constant 10 : i32
        %shift_right_arithmetic3A_354 = vector.broadcast %shift_right_arithmetic3A_353 : i32 to vector<16xi32>
        %shift_right_arithmetic3A_355 = arith.shrsi %get3A_352, %shift_right_arithmetic3A_354 : vector<16xi32>
        %and3A_356 = arith.constant 1023 : i32
        %and3A_357 = vector.broadcast %and3A_356 : i32 to vector<16xi32>
        %and3A_358 = arith.andi %shift_right_arithmetic3A_355, %and3A_357 : vector<16xi32>
        %add3A_359 = arith.constant 368 : i32
        %add3A_360 = vector.broadcast %add3A_359 : i32 to vector<16xi32>
        %add3A_361 = arith.addi %iota3A, %add3A_360 : vector<16xi32>
        %convert_element_type3A_362 = arith.sitofp %add3A_361 : vector<16xi32> to vector<16xf32>
        tpu.vector_store_idx %arg8[%and3A_358], %convert_element_type3A_362 : memref<1024xf32, #tpu.memory_space<vmem>>[vector<16xi32>], vector<16xf32>,
        %add3A_363 = arith.constant 384 : i32
        %add3A_364 = arith.addi %mul3A_28, %add3A_363 : i32
        %get3A_365 = arith.index_cast %add3A_364 : i32 to index
        %get3A_366 = tpu.vector_load %arg6[%get3A_365] {strides = array<i32>} : memref<16384xi32, #tpu.memory_space<vmem>>, vector<16xi32>,
        %shift_right_arithmetic3A_367 = arith.constant 10 : i32
        %shift_right_arithmetic3A_368 = vector.broadcast %shift_right_arithmetic3A_367 : i32 to vector<16xi32>
        %shift_right_arithmetic3A_369 = arith.shrsi %get3A_366, %shift_right_arithmetic3A_368 : vector<16xi32>
        %and3A_370 = arith.constant 1023 : i32
        %and3A_371 = vector.broadcast %and3A_370 : i32 to vector<16xi32>
        %and3A_372 = arith.andi %shift_right_arithmetic3A_369, %and3A_371 : vector<16xi32>
        %add3A_373 = arith.constant 384 : i32
        %add3A_374 = vector.broadcast %add3A_373 : i32 to vector<16xi32>
        %add3A_375 = arith.addi %iota3A, %add3A_374 : vector<16xi32>
        %convert_element_type3A_376 = arith.sitofp %add3A_375 : vector<16xi32> to vector<16xf32>
        tpu.vector_store_idx %arg8[%and3A_372], %convert_element_type3A_376 : memref<1024xf32, #tpu.memory_space<vmem>>[vector<16xi32>], vector<16xf32>,
        %add3A_377 = arith.constant 400 : i32
        %add3A_378 = arith.addi %mul3A_28, %add3A_377 : i32
        %get3A_379 = arith.index_cast %add3A_378 : i32 to index
        %get3A_380 = tpu.vector_load %arg6[%get3A_379] {strides = array<i32>} : memref<16384xi32, #tpu.memory_space<vmem>>, vector<16xi32>,
        %shift_right_arithmetic3A_381 = arith.constant 10 : i32
        %shift_right_arithmetic3A_382 = vector.broadcast %shift_right_arithmetic3A_381 : i32 to vector<16xi32>
        %shift_right_arithmetic3A_383 = arith.shrsi %get3A_380, %shift_right_arithmetic3A_382 : vector<16xi32>
        %and3A_384 = arith.constant 1023 : i32
        %and3A_385 = vector.broadcast %and3A_384 : i32 to vector<16xi32>
        %and3A_386 = arith.andi %shift_right_arithmetic3A_383, %and3A_385 : vector<16xi32>
        %add3A_387 = arith.constant 400 : i32
        %add3A_388 = vector.broadcast %add3A_387 : i32 to vector<16xi32>
        %add3A_389 = arith.addi %iota3A, %add3A_388 : vector<16xi32>
        %convert_element_type3A_390 = arith.sitofp %add3A_389 : vector<16xi32> to vector<16xf32>
        tpu.vector_store_idx %arg8[%and3A_386], %convert_element_type3A_390 : memref<1024xf32, #tpu.memory_space<vmem>>[vector<16xi32>], vector<16xf32>,
        %add3A_391 = arith.constant 416 : i32
        %add3A_392 = arith.addi %mul3A_28, %add3A_391 : i32
        %get3A_393 = arith.index_cast %add3A_392 : i32 to index
        %get3A_394 = tpu.vector_load %arg6[%get3A_393] {strides = array<i32>} : memref<16384xi32, #tpu.memory_space<vmem>>, vector<16xi32>,
        %shift_right_arithmetic3A_395 = arith.constant 10 : i32
        %shift_right_arithmetic3A_396 = vector.broadcast %shift_right_arithmetic3A_395 : i32 to vector<16xi32>
        %shift_right_arithmetic3A_397 = arith.shrsi %get3A_394, %shift_right_arithmetic3A_396 : vector<16xi32>
        %and3A_398 = arith.constant 1023 : i32
        %and3A_399 = vector.broadcast %and3A_398 : i32 to vector<16xi32>
        %and3A_400 = arith.andi %shift_right_arithmetic3A_397, %and3A_399 : vector<16xi32>
        %add3A_401 = arith.constant 416 : i32
        %add3A_402 = vector.broadcast %add3A_401 : i32 to vector<16xi32>
        %add3A_403 = arith.addi %iota3A, %add3A_402 : vector<16xi32>
        %convert_element_type3A_404 = arith.sitofp %add3A_403 : vector<16xi32> to vector<16xf32>
        tpu.vector_store_idx %arg8[%and3A_400], %convert_element_type3A_404 : memref<1024xf32, #tpu.memory_space<vmem>>[vector<16xi32>], vector<16xf32>,
        %add3A_405 = arith.constant 432 : i32
        %add3A_406 = arith.addi %mul3A_28, %add3A_405 : i32
        %get3A_407 = arith.index_cast %add3A_406 : i32 to index
        %get3A_408 = tpu.vector_load %arg6[%get3A_407] {strides = array<i32>} : memref<16384xi32, #tpu.memory_space<vmem>>, vector<16xi32>,
        %shift_right_arithmetic3A_409 = arith.constant 10 : i32
        %shift_right_arithmetic3A_410 = vector.broadcast %shift_right_arithmetic3A_409 : i32 to vector<16xi32>
        %shift_right_arithmetic3A_411 = arith.shrsi %get3A_408, %shift_right_arithmetic3A_410 : vector<16xi32>
        %and3A_412 = arith.constant 1023 : i32
        %and3A_413 = vector.broadcast %and3A_412 : i32 to vector<16xi32>
        %and3A_414 = arith.andi %shift_right_arithmetic3A_411, %and3A_413 : vector<16xi32>
        %add3A_415 = arith.constant 432 : i32
        %add3A_416 = vector.broadcast %add3A_415 : i32 to vector<16xi32>
        %add3A_417 = arith.addi %iota3A, %add3A_416 : vector<16xi32>
        %convert_element_type3A_418 = arith.sitofp %add3A_417 : vector<16xi32> to vector<16xf32>
        tpu.vector_store_idx %arg8[%and3A_414], %convert_element_type3A_418 : memref<1024xf32, #tpu.memory_space<vmem>>[vector<16xi32>], vector<16xf32>,
        %add3A_419 = arith.constant 448 : i32
        %add3A_420 = arith.addi %mul3A_28, %add3A_419 : i32
        %get3A_421 = arith.index_cast %add3A_420 : i32 to index
        %get3A_422 = tpu.vector_load %arg6[%get3A_421] {strides = array<i32>} : memref<16384xi32, #tpu.memory_space<vmem>>, vector<16xi32>,
        %shift_right_arithmetic3A_423 = arith.constant 10 : i32
        %shift_right_arithmetic3A_424 = vector.broadcast %shift_right_arithmetic3A_423 : i32 to vector<16xi32>
        %shift_right_arithmetic3A_425 = arith.shrsi %get3A_422, %shift_right_arithmetic3A_424 : vector<16xi32>
        %and3A_426 = arith.constant 1023 : i32
        %and3A_427 = vector.broadcast %and3A_426 : i32 to vector<16xi32>
        %and3A_428 = arith.andi %shift_right_arithmetic3A_425, %and3A_427 : vector<16xi32>
        %add3A_429 = arith.constant 448 : i32
        %add3A_430 = vector.broadcast %add3A_429 : i32 to vector<16xi32>
        %add3A_431 = arith.addi %iota3A, %add3A_430 : vector<16xi32>
        %convert_element_type3A_432 = arith.sitofp %add3A_431 : vector<16xi32> to vector<16xf32>
        tpu.vector_store_idx %arg8[%and3A_428], %convert_element_type3A_432 : memref<1024xf32, #tpu.memory_space<vmem>>[vector<16xi32>], vector<16xf32>,
        %add3A_433 = arith.constant 464 : i32
        %add3A_434 = arith.addi %mul3A_28, %add3A_433 : i32
        %get3A_435 = arith.index_cast %add3A_434 : i32 to index
        %get3A_436 = tpu.vector_load %arg6[%get3A_435] {strides = array<i32>} : memref<16384xi32, #tpu.memory_space<vmem>>, vector<16xi32>,
        %shift_right_arithmetic3A_437 = arith.constant 10 : i32
        %shift_right_arithmetic3A_438 = vector.broadcast %shift_right_arithmetic3A_437 : i32 to vector<16xi32>
        %shift_right_arithmetic3A_439 = arith.shrsi %get3A_436, %shift_right_arithmetic3A_438 : vector<16xi32>
        %and3A_440 = arith.constant 1023 : i32
        %and3A_441 = vector.broadcast %and3A_440 : i32 to vector<16xi32>
        %and3A_442 = arith.andi %shift_right_arithmetic3A_439, %and3A_441 : vector<16xi32>
        %add3A_443 = arith.constant 464 : i32
        %add3A_444 = vector.broadcast %add3A_443 : i32 to vector<16xi32>
        %add3A_445 = arith.addi %iota3A, %add3A_444 : vector<16xi32>
        %convert_element_type3A_446 = arith.sitofp %add3A_445 : vector<16xi32> to vector<16xf32>
        tpu.vector_store_idx %arg8[%and3A_442], %convert_element_type3A_446 : memref<1024xf32, #tpu.memory_space<vmem>>[vector<16xi32>], vector<16xf32>,
        %add3A_447 = arith.constant 480 : i32
        %add3A_448 = arith.addi %mul3A_28, %add3A_447 : i32
        %get3A_449 = arith.index_cast %add3A_448 : i32 to index
        %get3A_450 = tpu.vector_load %arg6[%get3A_449] {strides = array<i32>} : memref<16384xi32, #tpu.memory_space<vmem>>, vector<16xi32>,
        %shift_right_arithmetic3A_451 = arith.constant 10 : i32
        %shift_right_arithmetic3A_452 = vector.broadcast %shift_right_arithmetic3A_451 : i32 to vector<16xi32>
        %shift_right_arithmetic3A_453 = arith.shrsi %get3A_450, %shift_right_arithmetic3A_452 : vector<16xi32>
        %and3A_454 = arith.constant 1023 : i32
        %and3A_455 = vector.broadcast %and3A_454 : i32 to vector<16xi32>
        %and3A_456 = arith.andi %shift_right_arithmetic3A_453, %and3A_455 : vector<16xi32>
        %add3A_457 = arith.constant 480 : i32
        %add3A_458 = vector.broadcast %add3A_457 : i32 to vector<16xi32>
        %add3A_459 = arith.addi %iota3A, %add3A_458 : vector<16xi32>
        %convert_element_type3A_460 = arith.sitofp %add3A_459 : vector<16xi32> to vector<16xf32>
        tpu.vector_store_idx %arg8[%and3A_456], %convert_element_type3A_460 : memref<1024xf32, #tpu.memory_space<vmem>>[vector<16xi32>], vector<16xf32>,
        %add3A_461 = arith.constant 496 : i32
        %add3A_462 = arith.addi %mul3A_28, %add3A_461 : i32
        %get3A_463 = arith.index_cast %add3A_462 : i32 to index
        %get3A_464 = tpu.vector_load %arg6[%get3A_463] {strides = array<i32>} : memref<16384xi32, #tpu.memory_space<vmem>>, vector<16xi32>,
        %shift_right_arithmetic3A_465 = arith.constant 10 : i32
        %shift_right_arithmetic3A_466 = vector.broadcast %shift_right_arithmetic3A_465 : i32 to vector<16xi32>
        %shift_right_arithmetic3A_467 = arith.shrsi %get3A_464, %shift_right_arithmetic3A_466 : vector<16xi32>
        %and3A_468 = arith.constant 1023 : i32
        %and3A_469 = vector.broadcast %and3A_468 : i32 to vector<16xi32>
        %and3A_470 = arith.andi %shift_right_arithmetic3A_467, %and3A_469 : vector<16xi32>
        %add3A_471 = arith.constant 496 : i32
        %add3A_472 = vector.broadcast %add3A_471 : i32 to vector<16xi32>
        %add3A_473 = arith.addi %iota3A, %add3A_472 : vector<16xi32>
        %convert_element_type3A_474 = arith.sitofp %add3A_473 : vector<16xi32> to vector<16xf32>
        tpu.vector_store_idx %arg8[%and3A_470], %convert_element_type3A_474 : memref<1024xf32, #tpu.memory_space<vmem>>[vector<16xi32>], vector<16xf32>,
        %add3A_475 = arith.constant 512 : i32
        %add3A_476 = arith.addi %mul3A_28, %add3A_475 : i32
        %get3A_477 = arith.index_cast %add3A_476 : i32 to index
        %get3A_478 = tpu.vector_load %arg6[%get3A_477] {strides = array<i32>} : memref<16384xi32, #tpu.memory_space<vmem>>, vector<16xi32>,
        %shift_right_arithmetic3A_479 = arith.constant 10 : i32
        %shift_right_arithmetic3A_480 = vector.broadcast %shift_right_arithmetic3A_479 : i32 to vector<16xi32>
        %shift_right_arithmetic3A_481 = arith.shrsi %get3A_478, %shift_right_arithmetic3A_480 : vector<16xi32>
        %and3A_482 = arith.constant 1023 : i32
        %and3A_483 = vector.broadcast %and3A_482 : i32 to vector<16xi32>
        %and3A_484 = arith.andi %shift_right_arithmetic3A_481, %and3A_483 : vector<16xi32>
        %add3A_485 = arith.constant 512 : i32
        %add3A_486 = vector.broadcast %add3A_485 : i32 to vector<16xi32>
        %add3A_487 = arith.addi %iota3A, %add3A_486 : vector<16xi32>
        %convert_element_type3A_488 = arith.sitofp %add3A_487 : vector<16xi32> to vector<16xf32>
        tpu.vector_store_idx %arg8[%and3A_484], %convert_element_type3A_488 : memref<1024xf32, #tpu.memory_space<vmem>>[vector<16xi32>], vector<16xf32>,
        %add3A_489 = arith.constant 528 : i32
        %add3A_490 = arith.addi %mul3A_28, %add3A_489 : i32
        %get3A_491 = arith.index_cast %add3A_490 : i32 to index
        %get3A_492 = tpu.vector_load %arg6[%get3A_491] {strides = array<i32>} : memref<16384xi32, #tpu.memory_space<vmem>>, vector<16xi32>,
        %shift_right_arithmetic3A_493 = arith.constant 10 : i32
        %shift_right_arithmetic3A_494 = vector.broadcast %shift_right_arithmetic3A_493 : i32 to vector<16xi32>
        %shift_right_arithmetic3A_495 = arith.shrsi %get3A_492, %shift_right_arithmetic3A_494 : vector<16xi32>
        %and3A_496 = arith.constant 1023 : i32
        %and3A_497 = vector.broadcast %and3A_496 : i32 to vector<16xi32>
        %and3A_498 = arith.andi %shift_right_arithmetic3A_495, %and3A_497 : vector<16xi32>
        %add3A_499 = arith.constant 528 : i32
        %add3A_500 = vector.broadcast %add3A_499 : i32 to vector<16xi32>
        %add3A_501 = arith.addi %iota3A, %add3A_500 : vector<16xi32>
        %convert_element_type3A_502 = arith.sitofp %add3A_501 : vector<16xi32> to vector<16xf32>
        tpu.vector_store_idx %arg8[%and3A_498], %convert_element_type3A_502 : memref<1024xf32, #tpu.memory_space<vmem>>[vector<16xi32>], vector<16xf32>,
        %add3A_503 = arith.constant 544 : i32
        %add3A_504 = arith.addi %mul3A_28, %add3A_503 : i32
        %get3A_505 = arith.index_cast %add3A_504 : i32 to index
        %get3A_506 = tpu.vector_load %arg6[%get3A_505] {strides = array<i32>} : memref<16384xi32, #tpu.memory_space<vmem>>, vector<16xi32>,
        %shift_right_arithmetic3A_507 = arith.constant 10 : i32
        %shift_right_arithmetic3A_508 = vector.broadcast %shift_right_arithmetic3A_507 : i32 to vector<16xi32>
        %shift_right_arithmetic3A_509 = arith.shrsi %get3A_506, %shift_right_arithmetic3A_508 : vector<16xi32>
        %and3A_510 = arith.constant 1023 : i32
        %and3A_511 = vector.broadcast %and3A_510 : i32 to vector<16xi32>
        %and3A_512 = arith.andi %shift_right_arithmetic3A_509, %and3A_511 : vector<16xi32>
        %add3A_513 = arith.constant 544 : i32
        %add3A_514 = vector.broadcast %add3A_513 : i32 to vector<16xi32>
        %add3A_515 = arith.addi %iota3A, %add3A_514 : vector<16xi32>
        %convert_element_type3A_516 = arith.sitofp %add3A_515 : vector<16xi32> to vector<16xf32>
        tpu.vector_store_idx %arg8[%and3A_512], %convert_element_type3A_516 : memref<1024xf32, #tpu.memory_space<vmem>>[vector<16xi32>], vector<16xf32>,
        %add3A_517 = arith.constant 560 : i32
        %add3A_518 = arith.addi %mul3A_28, %add3A_517 : i32
        %get3A_519 = arith.index_cast %add3A_518 : i32 to index
        %get3A_520 = tpu.vector_load %arg6[%get3A_519] {strides = array<i32>} : memref<16384xi32, #tpu.memory_space<vmem>>, vector<16xi32>,
        %shift_right_arithmetic3A_521 = arith.constant 10 : i32
        %shift_right_arithmetic3A_522 = vector.broadcast %shift_right_arithmetic3A_521 : i32 to vector<16xi32>
        %shift_right_arithmetic3A_523 = arith.shrsi %get3A_520, %shift_right_arithmetic3A_522 : vector<16xi32>
        %and3A_524 = arith.constant 1023 : i32
        %and3A_525 = vector.broadcast %and3A_524 : i32 to vector<16xi32>
        %and3A_526 = arith.andi %shift_right_arithmetic3A_523, %and3A_525 : vector<16xi32>
        %add3A_527 = arith.constant 560 : i32
        %add3A_528 = vector.broadcast %add3A_527 : i32 to vector<16xi32>
        %add3A_529 = arith.addi %iota3A, %add3A_528 : vector<16xi32>
        %convert_element_type3A_530 = arith.sitofp %add3A_529 : vector<16xi32> to vector<16xf32>
        tpu.vector_store_idx %arg8[%and3A_526], %convert_element_type3A_530 : memref<1024xf32, #tpu.memory_space<vmem>>[vector<16xi32>], vector<16xf32>,
        %add3A_531 = arith.constant 576 : i32
        %add3A_532 = arith.addi %mul3A_28, %add3A_531 : i32
        %get3A_533 = arith.index_cast %add3A_532 : i32 to index
        %get3A_534 = tpu.vector_load %arg6[%get3A_533] {strides = array<i32>} : memref<16384xi32, #tpu.memory_space<vmem>>, vector<16xi32>,
        %shift_right_arithmetic3A_535 = arith.constant 10 : i32
        %shift_right_arithmetic3A_536 = vector.broadcast %shift_right_arithmetic3A_535 : i32 to vector<16xi32>
        %shift_right_arithmetic3A_537 = arith.shrsi %get3A_534, %shift_right_arithmetic3A_536 : vector<16xi32>
        %and3A_538 = arith.constant 1023 : i32
        %and3A_539 = vector.broadcast %and3A_538 : i32 to vector<16xi32>
        %and3A_540 = arith.andi %shift_right_arithmetic3A_537, %and3A_539 : vector<16xi32>
        %add3A_541 = arith.constant 576 : i32
        %add3A_542 = vector.broadcast %add3A_541 : i32 to vector<16xi32>
        %add3A_543 = arith.addi %iota3A, %add3A_542 : vector<16xi32>
        %convert_element_type3A_544 = arith.sitofp %add3A_543 : vector<16xi32> to vector<16xf32>
        tpu.vector_store_idx %arg8[%and3A_540], %convert_element_type3A_544 : memref<1024xf32, #tpu.memory_space<vmem>>[vector<16xi32>], vector<16xf32>,
        %add3A_545 = arith.constant 592 : i32
        %add3A_546 = arith.addi %mul3A_28, %add3A_545 : i32
        %get3A_547 = arith.index_cast %add3A_546 : i32 to index
        %get3A_548 = tpu.vector_load %arg6[%get3A_547] {strides = array<i32>} : memref<16384xi32, #tpu.memory_space<vmem>>, vector<16xi32>,
        %shift_right_arithmetic3A_549 = arith.constant 10 : i32
        %shift_right_arithmetic3A_550 = vector.broadcast %shift_right_arithmetic3A_549 : i32 to vector<16xi32>
        %shift_right_arithmetic3A_551 = arith.shrsi %get3A_548, %shift_right_arithmetic3A_550 : vector<16xi32>
        %and3A_552 = arith.constant 1023 : i32
        %and3A_553 = vector.broadcast %and3A_552 : i32 to vector<16xi32>
        %and3A_554 = arith.andi %shift_right_arithmetic3A_551, %and3A_553 : vector<16xi32>
        %add3A_555 = arith.constant 592 : i32
        %add3A_556 = vector.broadcast %add3A_555 : i32 to vector<16xi32>
        %add3A_557 = arith.addi %iota3A, %add3A_556 : vector<16xi32>
        %convert_element_type3A_558 = arith.sitofp %add3A_557 : vector<16xi32> to vector<16xf32>
        tpu.vector_store_idx %arg8[%and3A_554], %convert_element_type3A_558 : memref<1024xf32, #tpu.memory_space<vmem>>[vector<16xi32>], vector<16xf32>,
        %add3A_559 = arith.constant 608 : i32
        %add3A_560 = arith.addi %mul3A_28, %add3A_559 : i32
        %get3A_561 = arith.index_cast %add3A_560 : i32 to index
        %get3A_562 = tpu.vector_load %arg6[%get3A_561] {strides = array<i32>} : memref<16384xi32, #tpu.memory_space<vmem>>, vector<16xi32>,
        %shift_right_arithmetic3A_563 = arith.constant 10 : i32
        %shift_right_arithmetic3A_564 = vector.broadcast %shift_right_arithmetic3A_563 : i32 to vector<16xi32>
        %shift_right_arithmetic3A_565 = arith.shrsi %get3A_562, %shift_right_arithmetic3A_564 : vector<16xi32>
        %and3A_566 = arith.constant 1023 : i32
        %and3A_567 = vector.broadcast %and3A_566 : i32 to vector<16xi32>
        %and3A_568 = arith.andi %shift_right_arithmetic3A_565, %and3A_567 : vector<16xi32>
        %add3A_569 = arith.constant 608 : i32
        %add3A_570 = vector.broadcast %add3A_569 : i32 to vector<16xi32>
        %add3A_571 = arith.addi %iota3A, %add3A_570 : vector<16xi32>
        %convert_element_type3A_572 = arith.sitofp %add3A_571 : vector<16xi32> to vector<16xf32>
        tpu.vector_store_idx %arg8[%and3A_568], %convert_element_type3A_572 : memref<1024xf32, #tpu.memory_space<vmem>>[vector<16xi32>], vector<16xf32>,
        %add3A_573 = arith.constant 624 : i32
        %add3A_574 = arith.addi %mul3A_28, %add3A_573 : i32
        %get3A_575 = arith.index_cast %add3A_574 : i32 to index
        %get3A_576 = tpu.vector_load %arg6[%get3A_575] {strides = array<i32>} : memref<16384xi32, #tpu.memory_space<vmem>>, vector<16xi32>,
        %shift_right_arithmetic3A_577 = arith.constant 10 : i32
        %shift_right_arithmetic3A_578 = vector.broadcast %shift_right_arithmetic3A_577 : i32 to vector<16xi32>
        %shift_right_arithmetic3A_579 = arith.shrsi %get3A_576, %shift_right_arithmetic3A_578 : vector<16xi32>
        %and3A_580 = arith.constant 1023 : i32
        %and3A_581 = vector.broadcast %and3A_580 : i32 to vector<16xi32>
        %and3A_582 = arith.andi %shift_right_arithmetic3A_579, %and3A_581 : vector<16xi32>
        %add3A_583 = arith.constant 624 : i32
        %add3A_584 = vector.broadcast %add3A_583 : i32 to vector<16xi32>
        %add3A_585 = arith.addi %iota3A, %add3A_584 : vector<16xi32>
        %convert_element_type3A_586 = arith.sitofp %add3A_585 : vector<16xi32> to vector<16xf32>
        tpu.vector_store_idx %arg8[%and3A_582], %convert_element_type3A_586 : memref<1024xf32, #tpu.memory_space<vmem>>[vector<16xi32>], vector<16xf32>,
        %add3A_587 = arith.constant 640 : i32
        %add3A_588 = arith.addi %mul3A_28, %add3A_587 : i32
        %get3A_589 = arith.index_cast %add3A_588 : i32 to index
        %get3A_590 = tpu.vector_load %arg6[%get3A_589] {strides = array<i32>} : memref<16384xi32, #tpu.memory_space<vmem>>, vector<16xi32>,
        %shift_right_arithmetic3A_591 = arith.constant 10 : i32
        %shift_right_arithmetic3A_592 = vector.broadcast %shift_right_arithmetic3A_591 : i32 to vector<16xi32>
        %shift_right_arithmetic3A_593 = arith.shrsi %get3A_590, %shift_right_arithmetic3A_592 : vector<16xi32>
        %and3A_594 = arith.constant 1023 : i32
        %and3A_595 = vector.broadcast %and3A_594 : i32 to vector<16xi32>
        %and3A_596 = arith.andi %shift_right_arithmetic3A_593, %and3A_595 : vector<16xi32>
        %add3A_597 = arith.constant 640 : i32
        %add3A_598 = vector.broadcast %add3A_597 : i32 to vector<16xi32>
        %add3A_599 = arith.addi %iota3A, %add3A_598 : vector<16xi32>
        %convert_element_type3A_600 = arith.sitofp %add3A_599 : vector<16xi32> to vector<16xf32>
        tpu.vector_store_idx %arg8[%and3A_596], %convert_element_type3A_600 : memref<1024xf32, #tpu.memory_space<vmem>>[vector<16xi32>], vector<16xf32>,
        %add3A_601 = arith.constant 656 : i32
        %add3A_602 = arith.addi %mul3A_28, %add3A_601 : i32
        %get3A_603 = arith.index_cast %add3A_602 : i32 to index
        %get3A_604 = tpu.vector_load %arg6[%get3A_603] {strides = array<i32>} : memref<16384xi32, #tpu.memory_space<vmem>>, vector<16xi32>,
        %shift_right_arithmetic3A_605 = arith.constant 10 : i32
        %shift_right_arithmetic3A_606 = vector.broadcast %shift_right_arithmetic3A_605 : i32 to vector<16xi32>
        %shift_right_arithmetic3A_607 = arith.shrsi %get3A_604, %shift_right_arithmetic3A_606 : vector<16xi32>
        %and3A_608 = arith.constant 1023 : i32
        %and3A_609 = vector.broadcast %and3A_608 : i32 to vector<16xi32>
        %and3A_610 = arith.andi %shift_right_arithmetic3A_607, %and3A_609 : vector<16xi32>
        %add3A_611 = arith.constant 656 : i32
        %add3A_612 = vector.broadcast %add3A_611 : i32 to vector<16xi32>
        %add3A_613 = arith.addi %iota3A, %add3A_612 : vector<16xi32>
        %convert_element_type3A_614 = arith.sitofp %add3A_613 : vector<16xi32> to vector<16xf32>
        tpu.vector_store_idx %arg8[%and3A_610], %convert_element_type3A_614 : memref<1024xf32, #tpu.memory_space<vmem>>[vector<16xi32>], vector<16xf32>,
        %add3A_615 = arith.constant 672 : i32
        %add3A_616 = arith.addi %mul3A_28, %add3A_615 : i32
        %get3A_617 = arith.index_cast %add3A_616 : i32 to index
        %get3A_618 = tpu.vector_load %arg6[%get3A_617] {strides = array<i32>} : memref<16384xi32, #tpu.memory_space<vmem>>, vector<16xi32>,
        %shift_right_arithmetic3A_619 = arith.constant 10 : i32
        %shift_right_arithmetic3A_620 = vector.broadcast %shift_right_arithmetic3A_619 : i32 to vector<16xi32>
        %shift_right_arithmetic3A_621 = arith.shrsi %get3A_618, %shift_right_arithmetic3A_620 : vector<16xi32>
        %and3A_622 = arith.constant 1023 : i32
        %and3A_623 = vector.broadcast %and3A_622 : i32 to vector<16xi32>
        %and3A_624 = arith.andi %shift_right_arithmetic3A_621, %and3A_623 : vector<16xi32>
        %add3A_625 = arith.constant 672 : i32
        %add3A_626 = vector.broadcast %add3A_625 : i32 to vector<16xi32>
        %add3A_627 = arith.addi %iota3A, %add3A_626 : vector<16xi32>
        %convert_element_type3A_628 = arith.sitofp %add3A_627 : vector<16xi32> to vector<16xf32>
        tpu.vector_store_idx %arg8[%and3A_624], %convert_element_type3A_628 : memref<1024xf32, #tpu.memory_space<vmem>>[vector<16xi32>], vector<16xf32>,
        %add3A_629 = arith.constant 688 : i32
        %add3A_630 = arith.addi %mul3A_28, %add3A_629 : i32
        %get3A_631 = arith.index_cast %add3A_630 : i32 to index
        %get3A_632 = tpu.vector_load %arg6[%get3A_631] {strides = array<i32>} : memref<16384xi32, #tpu.memory_space<vmem>>, vector<16xi32>,
        %shift_right_arithmetic3A_633 = arith.constant 10 : i32
        %shift_right_arithmetic3A_634 = vector.broadcast %shift_right_arithmetic3A_633 : i32 to vector<16xi32>
        %shift_right_arithmetic3A_635 = arith.shrsi %get3A_632, %shift_right_arithmetic3A_634 : vector<16xi32>
        %and3A_636 = arith.constant 1023 : i32
        %and3A_637 = vector.broadcast %and3A_636 : i32 to vector<16xi32>
        %and3A_638 = arith.andi %shift_right_arithmetic3A_635, %and3A_637 : vector<16xi32>
        %add3A_639 = arith.constant 688 : i32
        %add3A_640 = vector.broadcast %add3A_639 : i32 to vector<16xi32>
        %add3A_641 = arith.addi %iota3A, %add3A_640 : vector<16xi32>
        %convert_element_type3A_642 = arith.sitofp %add3A_641 : vector<16xi32> to vector<16xf32>
        tpu.vector_store_idx %arg8[%and3A_638], %convert_element_type3A_642 : memref<1024xf32, #tpu.memory_space<vmem>>[vector<16xi32>], vector<16xf32>,
        %add3A_643 = arith.constant 704 : i32
        %add3A_644 = arith.addi %mul3A_28, %add3A_643 : i32
        %get3A_645 = arith.index_cast %add3A_644 : i32 to index
        %get3A_646 = tpu.vector_load %arg6[%get3A_645] {strides = array<i32>} : memref<16384xi32, #tpu.memory_space<vmem>>, vector<16xi32>,
        %shift_right_arithmetic3A_647 = arith.constant 10 : i32
        %shift_right_arithmetic3A_648 = vector.broadcast %shift_right_arithmetic3A_647 : i32 to vector<16xi32>
        %shift_right_arithmetic3A_649 = arith.shrsi %get3A_646, %shift_right_arithmetic3A_648 : vector<16xi32>
        %and3A_650 = arith.constant 1023 : i32
        %and3A_651 = vector.broadcast %and3A_650 : i32 to vector<16xi32>
        %and3A_652 = arith.andi %shift_right_arithmetic3A_649, %and3A_651 : vector<16xi32>
        %add3A_653 = arith.constant 704 : i32
        %add3A_654 = vector.broadcast %add3A_653 : i32 to vector<16xi32>
        %add3A_655 = arith.addi %iota3A, %add3A_654 : vector<16xi32>
        %convert_element_type3A_656 = arith.sitofp %add3A_655 : vector<16xi32> to vector<16xf32>
        tpu.vector_store_idx %arg8[%and3A_652], %convert_element_type3A_656 : memref<1024xf32, #tpu.memory_space<vmem>>[vector<16xi32>], vector<16xf32>,
        %add3A_657 = arith.constant 720 : i32
        %add3A_658 = arith.addi %mul3A_28, %add3A_657 : i32
        %get3A_659 = arith.index_cast %add3A_658 : i32 to index
        %get3A_660 = tpu.vector_load %arg6[%get3A_659] {strides = array<i32>} : memref<16384xi32, #tpu.memory_space<vmem>>, vector<16xi32>,
        %shift_right_arithmetic3A_661 = arith.constant 10 : i32
        %shift_right_arithmetic3A_662 = vector.broadcast %shift_right_arithmetic3A_661 : i32 to vector<16xi32>
        %shift_right_arithmetic3A_663 = arith.shrsi %get3A_660, %shift_right_arithmetic3A_662 : vector<16xi32>
        %and3A_664 = arith.constant 1023 : i32
        %and3A_665 = vector.broadcast %and3A_664 : i32 to vector<16xi32>
        %and3A_666 = arith.andi %shift_right_arithmetic3A_663, %and3A_665 : vector<16xi32>
        %add3A_667 = arith.constant 720 : i32
        %add3A_668 = vector.broadcast %add3A_667 : i32 to vector<16xi32>
        %add3A_669 = arith.addi %iota3A, %add3A_668 : vector<16xi32>
        %convert_element_type3A_670 = arith.sitofp %add3A_669 : vector<16xi32> to vector<16xf32>
        tpu.vector_store_idx %arg8[%and3A_666], %convert_element_type3A_670 : memref<1024xf32, #tpu.memory_space<vmem>>[vector<16xi32>], vector<16xf32>,
        %add3A_671 = arith.constant 736 : i32
        %add3A_672 = arith.addi %mul3A_28, %add3A_671 : i32
        %get3A_673 = arith.index_cast %add3A_672 : i32 to index
        %get3A_674 = tpu.vector_load %arg6[%get3A_673] {strides = array<i32>} : memref<16384xi32, #tpu.memory_space<vmem>>, vector<16xi32>,
        %shift_right_arithmetic3A_675 = arith.constant 10 : i32
        %shift_right_arithmetic3A_676 = vector.broadcast %shift_right_arithmetic3A_675 : i32 to vector<16xi32>
        %shift_right_arithmetic3A_677 = arith.shrsi %get3A_674, %shift_right_arithmetic3A_676 : vector<16xi32>
        %and3A_678 = arith.constant 1023 : i32
        %and3A_679 = vector.broadcast %and3A_678 : i32 to vector<16xi32>
        %and3A_680 = arith.andi %shift_right_arithmetic3A_677, %and3A_679 : vector<16xi32>
        %add3A_681 = arith.constant 736 : i32
        %add3A_682 = vector.broadcast %add3A_681 : i32 to vector<16xi32>
        %add3A_683 = arith.addi %iota3A, %add3A_682 : vector<16xi32>
        %convert_element_type3A_684 = arith.sitofp %add3A_683 : vector<16xi32> to vector<16xf32>
        tpu.vector_store_idx %arg8[%and3A_680], %convert_element_type3A_684 : memref<1024xf32, #tpu.memory_space<vmem>>[vector<16xi32>], vector<16xf32>,
        %add3A_685 = arith.constant 752 : i32
        %add3A_686 = arith.addi %mul3A_28, %add3A_685 : i32
        %get3A_687 = arith.index_cast %add3A_686 : i32 to index
        %get3A_688 = tpu.vector_load %arg6[%get3A_687] {strides = array<i32>} : memref<16384xi32, #tpu.memory_space<vmem>>, vector<16xi32>,
        %shift_right_arithmetic3A_689 = arith.constant 10 : i32
        %shift_right_arithmetic3A_690 = vector.broadcast %shift_right_arithmetic3A_689 : i32 to vector<16xi32>
        %shift_right_arithmetic3A_691 = arith.shrsi %get3A_688, %shift_right_arithmetic3A_690 : vector<16xi32>
        %and3A_692 = arith.constant 1023 : i32
        %and3A_693 = vector.broadcast %and3A_692 : i32 to vector<16xi32>
        %and3A_694 = arith.andi %shift_right_arithmetic3A_691, %and3A_693 : vector<16xi32>
        %add3A_695 = arith.constant 752 : i32
        %add3A_696 = vector.broadcast %add3A_695 : i32 to vector<16xi32>
        %add3A_697 = arith.addi %iota3A, %add3A_696 : vector<16xi32>
        %convert_element_type3A_698 = arith.sitofp %add3A_697 : vector<16xi32> to vector<16xf32>
        tpu.vector_store_idx %arg8[%and3A_694], %convert_element_type3A_698 : memref<1024xf32, #tpu.memory_space<vmem>>[vector<16xi32>], vector<16xf32>,
        %add3A_699 = arith.constant 768 : i32
        %add3A_700 = arith.addi %mul3A_28, %add3A_699 : i32
        %get3A_701 = arith.index_cast %add3A_700 : i32 to index
        %get3A_702 = tpu.vector_load %arg6[%get3A_701] {strides = array<i32>} : memref<16384xi32, #tpu.memory_space<vmem>>, vector<16xi32>,
        %shift_right_arithmetic3A_703 = arith.constant 10 : i32
        %shift_right_arithmetic3A_704 = vector.broadcast %shift_right_arithmetic3A_703 : i32 to vector<16xi32>
        %shift_right_arithmetic3A_705 = arith.shrsi %get3A_702, %shift_right_arithmetic3A_704 : vector<16xi32>
        %and3A_706 = arith.constant 1023 : i32
        %and3A_707 = vector.broadcast %and3A_706 : i32 to vector<16xi32>
        %and3A_708 = arith.andi %shift_right_arithmetic3A_705, %and3A_707 : vector<16xi32>
        %add3A_709 = arith.constant 768 : i32
        %add3A_710 = vector.broadcast %add3A_709 : i32 to vector<16xi32>
        %add3A_711 = arith.addi %iota3A, %add3A_710 : vector<16xi32>
        %convert_element_type3A_712 = arith.sitofp %add3A_711 : vector<16xi32> to vector<16xf32>
        tpu.vector_store_idx %arg8[%and3A_708], %convert_element_type3A_712 : memref<1024xf32, #tpu.memory_space<vmem>>[vector<16xi32>], vector<16xf32>,
        %add3A_713 = arith.constant 784 : i32
        %add3A_714 = arith.addi %mul3A_28, %add3A_713 : i32
        %get3A_715 = arith.index_cast %add3A_714 : i32 to index
        %get3A_716 = tpu.vector_load %arg6[%get3A_715] {strides = array<i32>} : memref<16384xi32, #tpu.memory_space<vmem>>, vector<16xi32>,
        %shift_right_arithmetic3A_717 = arith.constant 10 : i32
        %shift_right_arithmetic3A_718 = vector.broadcast %shift_right_arithmetic3A_717 : i32 to vector<16xi32>
        %shift_right_arithmetic3A_719 = arith.shrsi %get3A_716, %shift_right_arithmetic3A_718 : vector<16xi32>
        %and3A_720 = arith.constant 1023 : i32
        %and3A_721 = vector.broadcast %and3A_720 : i32 to vector<16xi32>
        %and3A_722 = arith.andi %shift_right_arithmetic3A_719, %and3A_721 : vector<16xi32>
        %add3A_723 = arith.constant 784 : i32
        %add3A_724 = vector.broadcast %add3A_723 : i32 to vector<16xi32>
        %add3A_725 = arith.addi %iota3A, %add3A_724 : vector<16xi32>
        %convert_element_type3A_726 = arith.sitofp %add3A_725 : vector<16xi32> to vector<16xf32>
        tpu.vector_store_idx %arg8[%and3A_722], %convert_element_type3A_726 : memref<1024xf32, #tpu.memory_space<vmem>>[vector<16xi32>], vector<16xf32>,
        %add3A_727 = arith.constant 800 : i32
        %add3A_728 = arith.addi %mul3A_28, %add3A_727 : i32
        %get3A_729 = arith.index_cast %add3A_728 : i32 to index
        %get3A_730 = tpu.vector_load %arg6[%get3A_729] {strides = array<i32>} : memref<16384xi32, #tpu.memory_space<vmem>>, vector<16xi32>,
        %shift_right_arithmetic3A_731 = arith.constant 10 : i32
        %shift_right_arithmetic3A_732 = vector.broadcast %shift_right_arithmetic3A_731 : i32 to vector<16xi32>
        %shift_right_arithmetic3A_733 = arith.shrsi %get3A_730, %shift_right_arithmetic3A_732 : vector<16xi32>
        %and3A_734 = arith.constant 1023 : i32
        %and3A_735 = vector.broadcast %and3A_734 : i32 to vector<16xi32>
        %and3A_736 = arith.andi %shift_right_arithmetic3A_733, %and3A_735 : vector<16xi32>
        %add3A_737 = arith.constant 800 : i32
        %add3A_738 = vector.broadcast %add3A_737 : i32 to vector<16xi32>
        %add3A_739 = arith.addi %iota3A, %add3A_738 : vector<16xi32>
        %convert_element_type3A_740 = arith.sitofp %add3A_739 : vector<16xi32> to vector<16xf32>
        tpu.vector_store_idx %arg8[%and3A_736], %convert_element_type3A_740 : memref<1024xf32, #tpu.memory_space<vmem>>[vector<16xi32>], vector<16xf32>,
        %add3A_741 = arith.constant 816 : i32
        %add3A_742 = arith.addi %mul3A_28, %add3A_741 : i32
        %get3A_743 = arith.index_cast %add3A_742 : i32 to index
        %get3A_744 = tpu.vector_load %arg6[%get3A_743] {strides = array<i32>} : memref<16384xi32, #tpu.memory_space<vmem>>, vector<16xi32>,
        %shift_right_arithmetic3A_745 = arith.constant 10 : i32
        %shift_right_arithmetic3A_746 = vector.broadcast %shift_right_arithmetic3A_745 : i32 to vector<16xi32>
        %shift_right_arithmetic3A_747 = arith.shrsi %get3A_744, %shift_right_arithmetic3A_746 : vector<16xi32>
        %and3A_748 = arith.constant 1023 : i32
        %and3A_749 = vector.broadcast %and3A_748 : i32 to vector<16xi32>
        %and3A_750 = arith.andi %shift_right_arithmetic3A_747, %and3A_749 : vector<16xi32>
        %add3A_751 = arith.constant 816 : i32
        %add3A_752 = vector.broadcast %add3A_751 : i32 to vector<16xi32>
        %add3A_753 = arith.addi %iota3A, %add3A_752 : vector<16xi32>
        %convert_element_type3A_754 = arith.sitofp %add3A_753 : vector<16xi32> to vector<16xf32>
        tpu.vector_store_idx %arg8[%and3A_750], %convert_element_type3A_754 : memref<1024xf32, #tpu.memory_space<vmem>>[vector<16xi32>], vector<16xf32>,
        %add3A_755 = arith.constant 832 : i32
        %add3A_756 = arith.addi %mul3A_28, %add3A_755 : i32
        %get3A_757 = arith.index_cast %add3A_756 : i32 to index
        %get3A_758 = tpu.vector_load %arg6[%get3A_757] {strides = array<i32>} : memref<16384xi32, #tpu.memory_space<vmem>>, vector<16xi32>,
        %shift_right_arithmetic3A_759 = arith.constant 10 : i32
        %shift_right_arithmetic3A_760 = vector.broadcast %shift_right_arithmetic3A_759 : i32 to vector<16xi32>
        %shift_right_arithmetic3A_761 = arith.shrsi %get3A_758, %shift_right_arithmetic3A_760 : vector<16xi32>
        %and3A_762 = arith.constant 1023 : i32
        %and3A_763 = vector.broadcast %and3A_762 : i32 to vector<16xi32>
        %and3A_764 = arith.andi %shift_right_arithmetic3A_761, %and3A_763 : vector<16xi32>
        %add3A_765 = arith.constant 832 : i32
        %add3A_766 = vector.broadcast %add3A_765 : i32 to vector<16xi32>
        %add3A_767 = arith.addi %iota3A, %add3A_766 : vector<16xi32>
        %convert_element_type3A_768 = arith.sitofp %add3A_767 : vector<16xi32> to vector<16xf32>
        tpu.vector_store_idx %arg8[%and3A_764], %convert_element_type3A_768 : memref<1024xf32, #tpu.memory_space<vmem>>[vector<16xi32>], vector<16xf32>,
        %add3A_769 = arith.constant 848 : i32
        %add3A_770 = arith.addi %mul3A_28, %add3A_769 : i32
        %get3A_771 = arith.index_cast %add3A_770 : i32 to index
        %get3A_772 = tpu.vector_load %arg6[%get3A_771] {strides = array<i32>} : memref<16384xi32, #tpu.memory_space<vmem>>, vector<16xi32>,
        %shift_right_arithmetic3A_773 = arith.constant 10 : i32
        %shift_right_arithmetic3A_774 = vector.broadcast %shift_right_arithmetic3A_773 : i32 to vector<16xi32>
        %shift_right_arithmetic3A_775 = arith.shrsi %get3A_772, %shift_right_arithmetic3A_774 : vector<16xi32>
        %and3A_776 = arith.constant 1023 : i32
        %and3A_777 = vector.broadcast %and3A_776 : i32 to vector<16xi32>
        %and3A_778 = arith.andi %shift_right_arithmetic3A_775, %and3A_777 : vector<16xi32>
        %add3A_779 = arith.constant 848 : i32
        %add3A_780 = vector.broadcast %add3A_779 : i32 to vector<16xi32>
        %add3A_781 = arith.addi %iota3A, %add3A_780 : vector<16xi32>
        %convert_element_type3A_782 = arith.sitofp %add3A_781 : vector<16xi32> to vector<16xf32>
        tpu.vector_store_idx %arg8[%and3A_778], %convert_element_type3A_782 : memref<1024xf32, #tpu.memory_space<vmem>>[vector<16xi32>], vector<16xf32>,
        %add3A_783 = arith.constant 864 : i32
        %add3A_784 = arith.addi %mul3A_28, %add3A_783 : i32
        %get3A_785 = arith.index_cast %add3A_784 : i32 to index
        %get3A_786 = tpu.vector_load %arg6[%get3A_785] {strides = array<i32>} : memref<16384xi32, #tpu.memory_space<vmem>>, vector<16xi32>,
        %shift_right_arithmetic3A_787 = arith.constant 10 : i32
        %shift_right_arithmetic3A_788 = vector.broadcast %shift_right_arithmetic3A_787 : i32 to vector<16xi32>
        %shift_right_arithmetic3A_789 = arith.shrsi %get3A_786, %shift_right_arithmetic3A_788 : vector<16xi32>
        %and3A_790 = arith.constant 1023 : i32
        %and3A_791 = vector.broadcast %and3A_790 : i32 to vector<16xi32>
        %and3A_792 = arith.andi %shift_right_arithmetic3A_789, %and3A_791 : vector<16xi32>
        %add3A_793 = arith.constant 864 : i32
        %add3A_794 = vector.broadcast %add3A_793 : i32 to vector<16xi32>
        %add3A_795 = arith.addi %iota3A, %add3A_794 : vector<16xi32>
        %convert_element_type3A_796 = arith.sitofp %add3A_795 : vector<16xi32> to vector<16xf32>
        tpu.vector_store_idx %arg8[%and3A_792], %convert_element_type3A_796 : memref<1024xf32, #tpu.memory_space<vmem>>[vector<16xi32>], vector<16xf32>,
        %add3A_797 = arith.constant 880 : i32
        %add3A_798 = arith.addi %mul3A_28, %add3A_797 : i32
        %get3A_799 = arith.index_cast %add3A_798 : i32 to index
        %get3A_800 = tpu.vector_load %arg6[%get3A_799] {strides = array<i32>} : memref<16384xi32, #tpu.memory_space<vmem>>, vector<16xi32>,
        %shift_right_arithmetic3A_801 = arith.constant 10 : i32
        %shift_right_arithmetic3A_802 = vector.broadcast %shift_right_arithmetic3A_801 : i32 to vector<16xi32>
        %shift_right_arithmetic3A_803 = arith.shrsi %get3A_800, %shift_right_arithmetic3A_802 : vector<16xi32>
        %and3A_804 = arith.constant 1023 : i32
        %and3A_805 = vector.broadcast %and3A_804 : i32 to vector<16xi32>
        %and3A_806 = arith.andi %shift_right_arithmetic3A_803, %and3A_805 : vector<16xi32>
        %add3A_807 = arith.constant 880 : i32
        %add3A_808 = vector.broadcast %add3A_807 : i32 to vector<16xi32>
        %add3A_809 = arith.addi %iota3A, %add3A_808 : vector<16xi32>
        %convert_element_type3A_810 = arith.sitofp %add3A_809 : vector<16xi32> to vector<16xf32>
        tpu.vector_store_idx %arg8[%and3A_806], %convert_element_type3A_810 : memref<1024xf32, #tpu.memory_space<vmem>>[vector<16xi32>], vector<16xf32>,
        %add3A_811 = arith.constant 896 : i32
        %add3A_812 = arith.addi %mul3A_28, %add3A_811 : i32
        %get3A_813 = arith.index_cast %add3A_812 : i32 to index
        %get3A_814 = tpu.vector_load %arg6[%get3A_813] {strides = array<i32>} : memref<16384xi32, #tpu.memory_space<vmem>>, vector<16xi32>,
        %shift_right_arithmetic3A_815 = arith.constant 10 : i32
        %shift_right_arithmetic3A_816 = vector.broadcast %shift_right_arithmetic3A_815 : i32 to vector<16xi32>
        %shift_right_arithmetic3A_817 = arith.shrsi %get3A_814, %shift_right_arithmetic3A_816 : vector<16xi32>
        %and3A_818 = arith.constant 1023 : i32
        %and3A_819 = vector.broadcast %and3A_818 : i32 to vector<16xi32>
        %and3A_820 = arith.andi %shift_right_arithmetic3A_817, %and3A_819 : vector<16xi32>
        %add3A_821 = arith.constant 896 : i32
        %add3A_822 = vector.broadcast %add3A_821 : i32 to vector<16xi32>
        %add3A_823 = arith.addi %iota3A, %add3A_822 : vector<16xi32>
        %convert_element_type3A_824 = arith.sitofp %add3A_823 : vector<16xi32> to vector<16xf32>
        tpu.vector_store_idx %arg8[%and3A_820], %convert_element_type3A_824 : memref<1024xf32, #tpu.memory_space<vmem>>[vector<16xi32>], vector<16xf32>,
        %add3A_825 = arith.constant 912 : i32
        %add3A_826 = arith.addi %mul3A_28, %add3A_825 : i32
        %get3A_827 = arith.index_cast %add3A_826 : i32 to index
        %get3A_828 = tpu.vector_load %arg6[%get3A_827] {strides = array<i32>} : memref<16384xi32, #tpu.memory_space<vmem>>, vector<16xi32>,
        %shift_right_arithmetic3A_829 = arith.constant 10 : i32
        %shift_right_arithmetic3A_830 = vector.broadcast %shift_right_arithmetic3A_829 : i32 to vector<16xi32>
        %shift_right_arithmetic3A_831 = arith.shrsi %get3A_828, %shift_right_arithmetic3A_830 : vector<16xi32>
        %and3A_832 = arith.constant 1023 : i32
        %and3A_833 = vector.broadcast %and3A_832 : i32 to vector<16xi32>
        %and3A_834 = arith.andi %shift_right_arithmetic3A_831, %and3A_833 : vector<16xi32>
        %add3A_835 = arith.constant 912 : i32
        %add3A_836 = vector.broadcast %add3A_835 : i32 to vector<16xi32>
        %add3A_837 = arith.addi %iota3A, %add3A_836 : vector<16xi32>
        %convert_element_type3A_838 = arith.sitofp %add3A_837 : vector<16xi32> to vector<16xf32>
        tpu.vector_store_idx %arg8[%and3A_834], %convert_element_type3A_838 : memref<1024xf32, #tpu.memory_space<vmem>>[vector<16xi32>], vector<16xf32>,
        %add3A_839 = arith.constant 928 : i32
        %add3A_840 = arith.addi %mul3A_28, %add3A_839 : i32
        %get3A_841 = arith.index_cast %add3A_840 : i32 to index
        %get3A_842 = tpu.vector_load %arg6[%get3A_841] {strides = array<i32>} : memref<16384xi32, #tpu.memory_space<vmem>>, vector<16xi32>,
        %shift_right_arithmetic3A_843 = arith.constant 10 : i32
        %shift_right_arithmetic3A_844 = vector.broadcast %shift_right_arithmetic3A_843 : i32 to vector<16xi32>
        %shift_right_arithmetic3A_845 = arith.shrsi %get3A_842, %shift_right_arithmetic3A_844 : vector<16xi32>
        %and3A_846 = arith.constant 1023 : i32
        %and3A_847 = vector.broadcast %and3A_846 : i32 to vector<16xi32>
        %and3A_848 = arith.andi %shift_right_arithmetic3A_845, %and3A_847 : vector<16xi32>
        %add3A_849 = arith.constant 928 : i32
        %add3A_850 = vector.broadcast %add3A_849 : i32 to vector<16xi32>
        %add3A_851 = arith.addi %iota3A, %add3A_850 : vector<16xi32>
        %convert_element_type3A_852 = arith.sitofp %add3A_851 : vector<16xi32> to vector<16xf32>
        tpu.vector_store_idx %arg8[%and3A_848], %convert_element_type3A_852 : memref<1024xf32, #tpu.memory_space<vmem>>[vector<16xi32>], vector<16xf32>,
        %add3A_853 = arith.constant 944 : i32
        %add3A_854 = arith.addi %mul3A_28, %add3A_853 : i32
        %get3A_855 = arith.index_cast %add3A_854 : i32 to index
        %get3A_856 = tpu.vector_load %arg6[%get3A_855] {strides = array<i32>} : memref<16384xi32, #tpu.memory_space<vmem>>, vector<16xi32>,
        %shift_right_arithmetic3A_857 = arith.constant 10 : i32
        %shift_right_arithmetic3A_858 = vector.broadcast %shift_right_arithmetic3A_857 : i32 to vector<16xi32>
        %shift_right_arithmetic3A_859 = arith.shrsi %get3A_856, %shift_right_arithmetic3A_858 : vector<16xi32>
        %and3A_860 = arith.constant 1023 : i32
        %and3A_861 = vector.broadcast %and3A_860 : i32 to vector<16xi32>
        %and3A_862 = arith.andi %shift_right_arithmetic3A_859, %and3A_861 : vector<16xi32>
        %add3A_863 = arith.constant 944 : i32
        %add3A_864 = vector.broadcast %add3A_863 : i32 to vector<16xi32>
        %add3A_865 = arith.addi %iota3A, %add3A_864 : vector<16xi32>
        %convert_element_type3A_866 = arith.sitofp %add3A_865 : vector<16xi32> to vector<16xf32>
        tpu.vector_store_idx %arg8[%and3A_862], %convert_element_type3A_866 : memref<1024xf32, #tpu.memory_space<vmem>>[vector<16xi32>], vector<16xf32>,
        %add3A_867 = arith.constant 960 : i32
        %add3A_868 = arith.addi %mul3A_28, %add3A_867 : i32
        %get3A_869 = arith.index_cast %add3A_868 : i32 to index
        %get3A_870 = tpu.vector_load %arg6[%get3A_869] {strides = array<i32>} : memref<16384xi32, #tpu.memory_space<vmem>>, vector<16xi32>,
        %shift_right_arithmetic3A_871 = arith.constant 10 : i32
        %shift_right_arithmetic3A_872 = vector.broadcast %shift_right_arithmetic3A_871 : i32 to vector<16xi32>
        %shift_right_arithmetic3A_873 = arith.shrsi %get3A_870, %shift_right_arithmetic3A_872 : vector<16xi32>
        %and3A_874 = arith.constant 1023 : i32
        %and3A_875 = vector.broadcast %and3A_874 : i32 to vector<16xi32>
        %and3A_876 = arith.andi %shift_right_arithmetic3A_873, %and3A_875 : vector<16xi32>
        %add3A_877 = arith.constant 960 : i32
        %add3A_878 = vector.broadcast %add3A_877 : i32 to vector<16xi32>
        %add3A_879 = arith.addi %iota3A, %add3A_878 : vector<16xi32>
        %convert_element_type3A_880 = arith.sitofp %add3A_879 : vector<16xi32> to vector<16xf32>
        tpu.vector_store_idx %arg8[%and3A_876], %convert_element_type3A_880 : memref<1024xf32, #tpu.memory_space<vmem>>[vector<16xi32>], vector<16xf32>,
        %add3A_881 = arith.constant 976 : i32
        %add3A_882 = arith.addi %mul3A_28, %add3A_881 : i32
        %get3A_883 = arith.index_cast %add3A_882 : i32 to index
        %get3A_884 = tpu.vector_load %arg6[%get3A_883] {strides = array<i32>} : memref<16384xi32, #tpu.memory_space<vmem>>, vector<16xi32>,
        %shift_right_arithmetic3A_885 = arith.constant 10 : i32
        %shift_right_arithmetic3A_886 = vector.broadcast %shift_right_arithmetic3A_885 : i32 to vector<16xi32>
        %shift_right_arithmetic3A_887 = arith.shrsi %get3A_884, %shift_right_arithmetic3A_886 : vector<16xi32>
        %and3A_888 = arith.constant 1023 : i32
        %and3A_889 = vector.broadcast %and3A_888 : i32 to vector<16xi32>
        %and3A_890 = arith.andi %shift_right_arithmetic3A_887, %and3A_889 : vector<16xi32>
        %add3A_891 = arith.constant 976 : i32
        %add3A_892 = vector.broadcast %add3A_891 : i32 to vector<16xi32>
        %add3A_893 = arith.addi %iota3A, %add3A_892 : vector<16xi32>
        %convert_element_type3A_894 = arith.sitofp %add3A_893 : vector<16xi32> to vector<16xf32>
        tpu.vector_store_idx %arg8[%and3A_890], %convert_element_type3A_894 : memref<1024xf32, #tpu.memory_space<vmem>>[vector<16xi32>], vector<16xf32>,
        %add3A_895 = arith.constant 992 : i32
        %add3A_896 = arith.addi %mul3A_28, %add3A_895 : i32
        %get3A_897 = arith.index_cast %add3A_896 : i32 to index
        %get3A_898 = tpu.vector_load %arg6[%get3A_897] {strides = array<i32>} : memref<16384xi32, #tpu.memory_space<vmem>>, vector<16xi32>,
        %shift_right_arithmetic3A_899 = arith.constant 10 : i32
        %shift_right_arithmetic3A_900 = vector.broadcast %shift_right_arithmetic3A_899 : i32 to vector<16xi32>
        %shift_right_arithmetic3A_901 = arith.shrsi %get3A_898, %shift_right_arithmetic3A_900 : vector<16xi32>
        %and3A_902 = arith.constant 1023 : i32
        %and3A_903 = vector.broadcast %and3A_902 : i32 to vector<16xi32>
        %and3A_904 = arith.andi %shift_right_arithmetic3A_901, %and3A_903 : vector<16xi32>
        %add3A_905 = arith.constant 992 : i32
        %add3A_906 = vector.broadcast %add3A_905 : i32 to vector<16xi32>
        %add3A_907 = arith.addi %iota3A, %add3A_906 : vector<16xi32>
        %convert_element_type3A_908 = arith.sitofp %add3A_907 : vector<16xi32> to vector<16xf32>
        tpu.vector_store_idx %arg8[%and3A_904], %convert_element_type3A_908 : memref<1024xf32, #tpu.memory_space<vmem>>[vector<16xi32>], vector<16xf32>,
        %add3A_909 = arith.constant 1008 : i32
        %add3A_910 = arith.addi %mul3A_28, %add3A_909 : i32
        %get3A_911 = arith.index_cast %add3A_910 : i32 to index
        %get3A_912 = tpu.vector_load %arg6[%get3A_911] {strides = array<i32>} : memref<16384xi32, #tpu.memory_space<vmem>>, vector<16xi32>,
        %shift_right_arithmetic3A_913 = arith.constant 10 : i32
        %shift_right_arithmetic3A_914 = vector.broadcast %shift_right_arithmetic3A_913 : i32 to vector<16xi32>
        %shift_right_arithmetic3A_915 = arith.shrsi %get3A_912, %shift_right_arithmetic3A_914 : vector<16xi32>
        %and3A_916 = arith.constant 1023 : i32
        %and3A_917 = vector.broadcast %and3A_916 : i32 to vector<16xi32>
        %and3A_918 = arith.andi %shift_right_arithmetic3A_915, %and3A_917 : vector<16xi32>
        %add3A_919 = arith.constant 1008 : i32
        %add3A_920 = vector.broadcast %add3A_919 : i32 to vector<16xi32>
        %add3A_921 = arith.addi %iota3A, %add3A_920 : vector<16xi32>
        %convert_element_type3A_922 = arith.sitofp %add3A_921 : vector<16xi32> to vector<16xf32>
        tpu.vector_store_idx %arg8[%and3A_918], %convert_element_type3A_922 : memref<1024xf32, #tpu.memory_space<vmem>>[vector<16xi32>], vector<16xf32>,
        %broadcast_in_dim3A = arith.constant 0.000000e+00 : f32
        %broadcast_in_dim3A_923 = vector.broadcast %broadcast_in_dim3A : f32 to vector<16xf32>
        %add3A_924 = arith.constant 0 : i32
        %add3A_925 = arith.addi %mul3A_28, %add3A_924 : i32
        %get3A_926 = arith.index_cast %add3A_925 : i32 to index
        %get3A_927 = tpu.vector_load %arg6[%get3A_926] {strides = array<i32>} : memref<16384xi32, #tpu.memory_space<vmem>>, vector<16xi32>,
        %and3A_928 = arith.constant 1023 : i32
        %and3A_929 = vector.broadcast %and3A_928 : i32 to vector<16xi32>
        %and3A_930 = arith.andi %get3A_927, %and3A_929 : vector<16xi32>
        %gather3A = tpu.vector_load_idx %arg8[%and3A_930] : memref<1024xf32, #tpu.memory_space<vmem>>[vector<16xi32>], vector<16xf32>,
        %add3A_931 = arith.constant 0 : i32
        %add3A_932 = vector.broadcast %add3A_931 : i32 to vector<16xi32>
        %add3A_933 = arith.addi %iota3A, %add3A_932 : vector<16xi32>
        %lt3A = arith.constant 1000 : i32
        %lt3A_934 = vector.broadcast %lt3A : i32 to vector<16xi32>
        %lt3A_935 = arith.cmpi slt, %add3A_933, %lt3A_934 : vector<16xi32>
        %jit3A = arith.constant 0 : i32
        %broadcast_in_dim3A_936 = vector.broadcast %jit3A : i32 to vector<16xi32>
        %select_n3A = arith.select %lt3A_935, %add3A_933, %broadcast_in_dim3A_936 : vector<16xi1>, vector<16xi32>
        %convert_element_type3A_937 = arith.sitofp %select_n3A : vector<16xi32> to vector<16xf32>
        %mul3A_938 = arith.mulf %convert_element_type3A_937, %gather3A : vector<16xf32>
        %add3A_939 = arith.addf %broadcast_in_dim3A_923, %mul3A_938 : vector<16xf32>
        %add3A_940 = arith.constant 16 : i32
        %add3A_941 = arith.addi %mul3A_28, %add3A_940 : i32
        %get3A_942 = arith.index_cast %add3A_941 : i32 to index
        %get3A_943 = tpu.vector_load %arg6[%get3A_942] {strides = array<i32>} : memref<16384xi32, #tpu.memory_space<vmem>>, vector<16xi32>,
        %and3A_944 = arith.constant 1023 : i32
        %and3A_945 = vector.broadcast %and3A_944 : i32 to vector<16xi32>
        %and3A_946 = arith.andi %get3A_943, %and3A_945 : vector<16xi32>
        %gather3A_947 = tpu.vector_load_idx %arg8[%and3A_946] : memref<1024xf32, #tpu.memory_space<vmem>>[vector<16xi32>], vector<16xf32>,
        %add3A_948 = arith.constant 16 : i32
        %add3A_949 = vector.broadcast %add3A_948 : i32 to vector<16xi32>
        %add3A_950 = arith.addi %iota3A, %add3A_949 : vector<16xi32>
        %lt3A_951 = arith.constant 1000 : i32
        %lt3A_952 = vector.broadcast %lt3A_951 : i32 to vector<16xi32>
        %lt3A_953 = arith.cmpi slt, %add3A_950, %lt3A_952 : vector<16xi32>
        %jit3A_954 = arith.constant 0 : i32
        %broadcast_in_dim3A_955 = vector.broadcast %jit3A_954 : i32 to vector<16xi32>
        %select_n3A_956 = arith.select %lt3A_953, %add3A_950, %broadcast_in_dim3A_955 : vector<16xi1>, vector<16xi32>
        %convert_element_type3A_957 = arith.sitofp %select_n3A_956 : vector<16xi32> to vector<16xf32>
        %mul3A_958 = arith.mulf %convert_element_type3A_957, %gather3A_947 : vector<16xf32>
        %add3A_959 = arith.addf %add3A_939, %mul3A_958 : vector<16xf32>
        %add3A_960 = arith.constant 32 : i32
        %add3A_961 = arith.addi %mul3A_28, %add3A_960 : i32
        %get3A_962 = arith.index_cast %add3A_961 : i32 to index
        %get3A_963 = tpu.vector_load %arg6[%get3A_962] {strides = array<i32>} : memref<16384xi32, #tpu.memory_space<vmem>>, vector<16xi32>,
        %and3A_964 = arith.constant 1023 : i32
        %and3A_965 = vector.broadcast %and3A_964 : i32 to vector<16xi32>
        %and3A_966 = arith.andi %get3A_963, %and3A_965 : vector<16xi32>
        %gather3A_967 = tpu.vector_load_idx %arg8[%and3A_966] : memref<1024xf32, #tpu.memory_space<vmem>>[vector<16xi32>], vector<16xf32>,
        %add3A_968 = arith.constant 32 : i32
        %add3A_969 = vector.broadcast %add3A_968 : i32 to vector<16xi32>
        %add3A_970 = arith.addi %iota3A, %add3A_969 : vector<16xi32>
        %lt3A_971 = arith.constant 1000 : i32
        %lt3A_972 = vector.broadcast %lt3A_971 : i32 to vector<16xi32>
        %lt3A_973 = arith.cmpi slt, %add3A_970, %lt3A_972 : vector<16xi32>
        %jit3A_974 = arith.constant 0 : i32
        %broadcast_in_dim3A_975 = vector.broadcast %jit3A_974 : i32 to vector<16xi32>
        %select_n3A_976 = arith.select %lt3A_973, %add3A_970, %broadcast_in_dim3A_975 : vector<16xi1>, vector<16xi32>
        %convert_element_type3A_977 = arith.sitofp %select_n3A_976 : vector<16xi32> to vector<16xf32>
        %mul3A_978 = arith.mulf %convert_element_type3A_977, %gather3A_967 : vector<16xf32>
        %add3A_979 = arith.addf %add3A_959, %mul3A_978 : vector<16xf32>
        %add3A_980 = arith.constant 48 : i32
        %add3A_981 = arith.addi %mul3A_28, %add3A_980 : i32
        %get3A_982 = arith.index_cast %add3A_981 : i32 to index
        %get3A_983 = tpu.vector_load %arg6[%get3A_982] {strides = array<i32>} : memref<16384xi32, #tpu.memory_space<vmem>>, vector<16xi32>,
        %and3A_984 = arith.constant 1023 : i32
        %and3A_985 = vector.broadcast %and3A_984 : i32 to vector<16xi32>
        %and3A_986 = arith.andi %get3A_983, %and3A_985 : vector<16xi32>
        %gather3A_987 = tpu.vector_load_idx %arg8[%and3A_986] : memref<1024xf32, #tpu.memory_space<vmem>>[vector<16xi32>], vector<16xf32>,
        %add3A_988 = arith.constant 48 : i32
        %add3A_989 = vector.broadcast %add3A_988 : i32 to vector<16xi32>
        %add3A_990 = arith.addi %iota3A, %add3A_989 : vector<16xi32>
        %lt3A_991 = arith.constant 1000 : i32
        %lt3A_992 = vector.broadcast %lt3A_991 : i32 to vector<16xi32>
        %lt3A_993 = arith.cmpi slt, %add3A_990, %lt3A_992 : vector<16xi32>
        %jit3A_994 = arith.constant 0 : i32
        %broadcast_in_dim3A_995 = vector.broadcast %jit3A_994 : i32 to vector<16xi32>
        %select_n3A_996 = arith.select %lt3A_993, %add3A_990, %broadcast_in_dim3A_995 : vector<16xi1>, vector<16xi32>
        %convert_element_type3A_997 = arith.sitofp %select_n3A_996 : vector<16xi32> to vector<16xf32>
        %mul3A_998 = arith.mulf %convert_element_type3A_997, %gather3A_987 : vector<16xf32>
        %add3A_999 = arith.addf %add3A_979, %mul3A_998 : vector<16xf32>
        %add3A_1000 = arith.constant 64 : i32
        %add3A_1001 = arith.addi %mul3A_28, %add3A_1000 : i32
        %get3A_1002 = arith.index_cast %add3A_1001 : i32 to index
        %get3A_1003 = tpu.vector_load %arg6[%get3A_1002] {strides = array<i32>} : memref<16384xi32, #tpu.memory_space<vmem>>, vector<16xi32>,
        %and3A_1004 = arith.constant 1023 : i32
        %and3A_1005 = vector.broadcast %and3A_1004 : i32 to vector<16xi32>
        %and3A_1006 = arith.andi %get3A_1003, %and3A_1005 : vector<16xi32>
        %gather3A_1007 = tpu.vector_load_idx %arg8[%and3A_1006] : memref<1024xf32, #tpu.memory_space<vmem>>[vector<16xi32>], vector<16xf32>,
        %add3A_1008 = arith.constant 64 : i32
        %add3A_1009 = vector.broadcast %add3A_1008 : i32 to vector<16xi32>
        %add3A_1010 = arith.addi %iota3A, %add3A_1009 : vector<16xi32>
        %lt3A_1011 = arith.constant 1000 : i32
        %lt3A_1012 = vector.broadcast %lt3A_1011 : i32 to vector<16xi32>
        %lt3A_1013 = arith.cmpi slt, %add3A_1010, %lt3A_1012 : vector<16xi32>
        %jit3A_1014 = arith.constant 0 : i32
        %broadcast_in_dim3A_1015 = vector.broadcast %jit3A_1014 : i32 to vector<16xi32>
        %select_n3A_1016 = arith.select %lt3A_1013, %add3A_1010, %broadcast_in_dim3A_1015 : vector<16xi1>, vector<16xi32>
        %convert_element_type3A_1017 = arith.sitofp %select_n3A_1016 : vector<16xi32> to vector<16xf32>
        %mul3A_1018 = arith.mulf %convert_element_type3A_1017, %gather3A_1007 : vector<16xf32>
        %add3A_1019 = arith.addf %add3A_999, %mul3A_1018 : vector<16xf32>
        %add3A_1020 = arith.constant 80 : i32
        %add3A_1021 = arith.addi %mul3A_28, %add3A_1020 : i32
        %get3A_1022 = arith.index_cast %add3A_1021 : i32 to index
        %get3A_1023 = tpu.vector_load %arg6[%get3A_1022] {strides = array<i32>} : memref<16384xi32, #tpu.memory_space<vmem>>, vector<16xi32>,
        %and3A_1024 = arith.constant 1023 : i32
        %and3A_1025 = vector.broadcast %and3A_1024 : i32 to vector<16xi32>
        %and3A_1026 = arith.andi %get3A_1023, %and3A_1025 : vector<16xi32>
        %gather3A_1027 = tpu.vector_load_idx %arg8[%and3A_1026] : memref<1024xf32, #tpu.memory_space<vmem>>[vector<16xi32>], vector<16xf32>,
        %add3A_1028 = arith.constant 80 : i32
        %add3A_1029 = vector.broadcast %add3A_1028 : i32 to vector<16xi32>
        %add3A_1030 = arith.addi %iota3A, %add3A_1029 : vector<16xi32>
        %lt3A_1031 = arith.constant 1000 : i32
        %lt3A_1032 = vector.broadcast %lt3A_1031 : i32 to vector<16xi32>
        %lt3A_1033 = arith.cmpi slt, %add3A_1030, %lt3A_1032 : vector<16xi32>
        %jit3A_1034 = arith.constant 0 : i32
        %broadcast_in_dim3A_1035 = vector.broadcast %jit3A_1034 : i32 to vector<16xi32>
        %select_n3A_1036 = arith.select %lt3A_1033, %add3A_1030, %broadcast_in_dim3A_1035 : vector<16xi1>, vector<16xi32>
        %convert_element_type3A_1037 = arith.sitofp %select_n3A_1036 : vector<16xi32> to vector<16xf32>
        %mul3A_1038 = arith.mulf %convert_element_type3A_1037, %gather3A_1027 : vector<16xf32>
        %add3A_1039 = arith.addf %add3A_1019, %mul3A_1038 : vector<16xf32>
        %add3A_1040 = arith.constant 96 : i32
        %add3A_1041 = arith.addi %mul3A_28, %add3A_1040 : i32
        %get3A_1042 = arith.index_cast %add3A_1041 : i32 to index
        %get3A_1043 = tpu.vector_load %arg6[%get3A_1042] {strides = array<i32>} : memref<16384xi32, #tpu.memory_space<vmem>>, vector<16xi32>,
        %and3A_1044 = arith.constant 1023 : i32
        %and3A_1045 = vector.broadcast %and3A_1044 : i32 to vector<16xi32>
        %and3A_1046 = arith.andi %get3A_1043, %and3A_1045 : vector<16xi32>
        %gather3A_1047 = tpu.vector_load_idx %arg8[%and3A_1046] : memref<1024xf32, #tpu.memory_space<vmem>>[vector<16xi32>], vector<16xf32>,
        %add3A_1048 = arith.constant 96 : i32
        %add3A_1049 = vector.broadcast %add3A_1048 : i32 to vector<16xi32>
        %add3A_1050 = arith.addi %iota3A, %add3A_1049 : vector<16xi32>
        %lt3A_1051 = arith.constant 1000 : i32
        %lt3A_1052 = vector.broadcast %lt3A_1051 : i32 to vector<16xi32>
        %lt3A_1053 = arith.cmpi slt, %add3A_1050, %lt3A_1052 : vector<16xi32>
        %jit3A_1054 = arith.constant 0 : i32
        %broadcast_in_dim3A_1055 = vector.broadcast %jit3A_1054 : i32 to vector<16xi32>
        %select_n3A_1056 = arith.select %lt3A_1053, %add3A_1050, %broadcast_in_dim3A_1055 : vector<16xi1>, vector<16xi32>
        %convert_element_type3A_1057 = arith.sitofp %select_n3A_1056 : vector<16xi32> to vector<16xf32>
        %mul3A_1058 = arith.mulf %convert_element_type3A_1057, %gather3A_1047 : vector<16xf32>
        %add3A_1059 = arith.addf %add3A_1039, %mul3A_1058 : vector<16xf32>
        %add3A_1060 = arith.constant 112 : i32
        %add3A_1061 = arith.addi %mul3A_28, %add3A_1060 : i32
        %get3A_1062 = arith.index_cast %add3A_1061 : i32 to index
        %get3A_1063 = tpu.vector_load %arg6[%get3A_1062] {strides = array<i32>} : memref<16384xi32, #tpu.memory_space<vmem>>, vector<16xi32>,
        %and3A_1064 = arith.constant 1023 : i32
        %and3A_1065 = vector.broadcast %and3A_1064 : i32 to vector<16xi32>
        %and3A_1066 = arith.andi %get3A_1063, %and3A_1065 : vector<16xi32>
        %gather3A_1067 = tpu.vector_load_idx %arg8[%and3A_1066] : memref<1024xf32, #tpu.memory_space<vmem>>[vector<16xi32>], vector<16xf32>,
        %add3A_1068 = arith.constant 112 : i32
        %add3A_1069 = vector.broadcast %add3A_1068 : i32 to vector<16xi32>
        %add3A_1070 = arith.addi %iota3A, %add3A_1069 : vector<16xi32>
        %lt3A_1071 = arith.constant 1000 : i32
        %lt3A_1072 = vector.broadcast %lt3A_1071 : i32 to vector<16xi32>
        %lt3A_1073 = arith.cmpi slt, %add3A_1070, %lt3A_1072 : vector<16xi32>
        %jit3A_1074 = arith.constant 0 : i32
        %broadcast_in_dim3A_1075 = vector.broadcast %jit3A_1074 : i32 to vector<16xi32>
        %select_n3A_1076 = arith.select %lt3A_1073, %add3A_1070, %broadcast_in_dim3A_1075 : vector<16xi1>, vector<16xi32>
        %convert_element_type3A_1077 = arith.sitofp %select_n3A_1076 : vector<16xi32> to vector<16xf32>
        %mul3A_1078 = arith.mulf %convert_element_type3A_1077, %gather3A_1067 : vector<16xf32>
        %add3A_1079 = arith.addf %add3A_1059, %mul3A_1078 : vector<16xf32>
        %add3A_1080 = arith.constant 128 : i32
        %add3A_1081 = arith.addi %mul3A_28, %add3A_1080 : i32
        %get3A_1082 = arith.index_cast %add3A_1081 : i32 to index
        %get3A_1083 = tpu.vector_load %arg6[%get3A_1082] {strides = array<i32>} : memref<16384xi32, #tpu.memory_space<vmem>>, vector<16xi32>,
        %and3A_1084 = arith.constant 1023 : i32
        %and3A_1085 = vector.broadcast %and3A_1084 : i32 to vector<16xi32>
        %and3A_1086 = arith.andi %get3A_1083, %and3A_1085 : vector<16xi32>
        %gather3A_1087 = tpu.vector_load_idx %arg8[%and3A_1086] : memref<1024xf32, #tpu.memory_space<vmem>>[vector<16xi32>], vector<16xf32>,
        %add3A_1088 = arith.constant 128 : i32
        %add3A_1089 = vector.broadcast %add3A_1088 : i32 to vector<16xi32>
        %add3A_1090 = arith.addi %iota3A, %add3A_1089 : vector<16xi32>
        %lt3A_1091 = arith.constant 1000 : i32
        %lt3A_1092 = vector.broadcast %lt3A_1091 : i32 to vector<16xi32>
        %lt3A_1093 = arith.cmpi slt, %add3A_1090, %lt3A_1092 : vector<16xi32>
        %jit3A_1094 = arith.constant 0 : i32
        %broadcast_in_dim3A_1095 = vector.broadcast %jit3A_1094 : i32 to vector<16xi32>
        %select_n3A_1096 = arith.select %lt3A_1093, %add3A_1090, %broadcast_in_dim3A_1095 : vector<16xi1>, vector<16xi32>
        %convert_element_type3A_1097 = arith.sitofp %select_n3A_1096 : vector<16xi32> to vector<16xf32>
        %mul3A_1098 = arith.mulf %convert_element_type3A_1097, %gather3A_1087 : vector<16xf32>
        %add3A_1099 = arith.addf %add3A_1079, %mul3A_1098 : vector<16xf32>
        %add3A_1100 = arith.constant 144 : i32
        %add3A_1101 = arith.addi %mul3A_28, %add3A_1100 : i32
        %get3A_1102 = arith.index_cast %add3A_1101 : i32 to index
        %get3A_1103 = tpu.vector_load %arg6[%get3A_1102] {strides = array<i32>} : memref<16384xi32, #tpu.memory_space<vmem>>, vector<16xi32>,
        %and3A_1104 = arith.constant 1023 : i32
        %and3A_1105 = vector.broadcast %and3A_1104 : i32 to vector<16xi32>
        %and3A_1106 = arith.andi %get3A_1103, %and3A_1105 : vector<16xi32>
        %gather3A_1107 = tpu.vector_load_idx %arg8[%and3A_1106] : memref<1024xf32, #tpu.memory_space<vmem>>[vector<16xi32>], vector<16xf32>,
        %add3A_1108 = arith.constant 144 : i32
        %add3A_1109 = vector.broadcast %add3A_1108 : i32 to vector<16xi32>
        %add3A_1110 = arith.addi %iota3A, %add3A_1109 : vector<16xi32>
        %lt3A_1111 = arith.constant 1000 : i32
        %lt3A_1112 = vector.broadcast %lt3A_1111 : i32 to vector<16xi32>
        %lt3A_1113 = arith.cmpi slt, %add3A_1110, %lt3A_1112 : vector<16xi32>
        %jit3A_1114 = arith.constant 0 : i32
        %broadcast_in_dim3A_1115 = vector.broadcast %jit3A_1114 : i32 to vector<16xi32>
        %select_n3A_1116 = arith.select %lt3A_1113, %add3A_1110, %broadcast_in_dim3A_1115 : vector<16xi1>, vector<16xi32>
        %convert_element_type3A_1117 = arith.sitofp %select_n3A_1116 : vector<16xi32> to vector<16xf32>
        %mul3A_1118 = arith.mulf %convert_element_type3A_1117, %gather3A_1107 : vector<16xf32>
        %add3A_1119 = arith.addf %add3A_1099, %mul3A_1118 : vector<16xf32>
        %add3A_1120 = arith.constant 160 : i32
        %add3A_1121 = arith.addi %mul3A_28, %add3A_1120 : i32
        %get3A_1122 = arith.index_cast %add3A_1121 : i32 to index
        %get3A_1123 = tpu.vector_load %arg6[%get3A_1122] {strides = array<i32>} : memref<16384xi32, #tpu.memory_space<vmem>>, vector<16xi32>,
        %and3A_1124 = arith.constant 1023 : i32
        %and3A_1125 = vector.broadcast %and3A_1124 : i32 to vector<16xi32>
        %and3A_1126 = arith.andi %get3A_1123, %and3A_1125 : vector<16xi32>
        %gather3A_1127 = tpu.vector_load_idx %arg8[%and3A_1126] : memref<1024xf32, #tpu.memory_space<vmem>>[vector<16xi32>], vector<16xf32>,
        %add3A_1128 = arith.constant 160 : i32
        %add3A_1129 = vector.broadcast %add3A_1128 : i32 to vector<16xi32>
        %add3A_1130 = arith.addi %iota3A, %add3A_1129 : vector<16xi32>
        %lt3A_1131 = arith.constant 1000 : i32
        %lt3A_1132 = vector.broadcast %lt3A_1131 : i32 to vector<16xi32>
        %lt3A_1133 = arith.cmpi slt, %add3A_1130, %lt3A_1132 : vector<16xi32>
        %jit3A_1134 = arith.constant 0 : i32
        %broadcast_in_dim3A_1135 = vector.broadcast %jit3A_1134 : i32 to vector<16xi32>
        %select_n3A_1136 = arith.select %lt3A_1133, %add3A_1130, %broadcast_in_dim3A_1135 : vector<16xi1>, vector<16xi32>
        %convert_element_type3A_1137 = arith.sitofp %select_n3A_1136 : vector<16xi32> to vector<16xf32>
        %mul3A_1138 = arith.mulf %convert_element_type3A_1137, %gather3A_1127 : vector<16xf32>
        %add3A_1139 = arith.addf %add3A_1119, %mul3A_1138 : vector<16xf32>
        %add3A_1140 = arith.constant 176 : i32
        %add3A_1141 = arith.addi %mul3A_28, %add3A_1140 : i32
        %get3A_1142 = arith.index_cast %add3A_1141 : i32 to index
        %get3A_1143 = tpu.vector_load %arg6[%get3A_1142] {strides = array<i32>} : memref<16384xi32, #tpu.memory_space<vmem>>, vector<16xi32>,
        %and3A_1144 = arith.constant 1023 : i32
        %and3A_1145 = vector.broadcast %and3A_1144 : i32 to vector<16xi32>
        %and3A_1146 = arith.andi %get3A_1143, %and3A_1145 : vector<16xi32>
        %gather3A_1147 = tpu.vector_load_idx %arg8[%and3A_1146] : memref<1024xf32, #tpu.memory_space<vmem>>[vector<16xi32>], vector<16xf32>,
        %add3A_1148 = arith.constant 176 : i32
        %add3A_1149 = vector.broadcast %add3A_1148 : i32 to vector<16xi32>
        %add3A_1150 = arith.addi %iota3A, %add3A_1149 : vector<16xi32>
        %lt3A_1151 = arith.constant 1000 : i32
        %lt3A_1152 = vector.broadcast %lt3A_1151 : i32 to vector<16xi32>
        %lt3A_1153 = arith.cmpi slt, %add3A_1150, %lt3A_1152 : vector<16xi32>
        %jit3A_1154 = arith.constant 0 : i32
        %broadcast_in_dim3A_1155 = vector.broadcast %jit3A_1154 : i32 to vector<16xi32>
        %select_n3A_1156 = arith.select %lt3A_1153, %add3A_1150, %broadcast_in_dim3A_1155 : vector<16xi1>, vector<16xi32>
        %convert_element_type3A_1157 = arith.sitofp %select_n3A_1156 : vector<16xi32> to vector<16xf32>
        %mul3A_1158 = arith.mulf %convert_element_type3A_1157, %gather3A_1147 : vector<16xf32>
        %add3A_1159 = arith.addf %add3A_1139, %mul3A_1158 : vector<16xf32>
        %add3A_1160 = arith.constant 192 : i32
        %add3A_1161 = arith.addi %mul3A_28, %add3A_1160 : i32
        %get3A_1162 = arith.index_cast %add3A_1161 : i32 to index
        %get3A_1163 = tpu.vector_load %arg6[%get3A_1162] {strides = array<i32>} : memref<16384xi32, #tpu.memory_space<vmem>>, vector<16xi32>,
        %and3A_1164 = arith.constant 1023 : i32
        %and3A_1165 = vector.broadcast %and3A_1164 : i32 to vector<16xi32>
        %and3A_1166 = arith.andi %get3A_1163, %and3A_1165 : vector<16xi32>
        %gather3A_1167 = tpu.vector_load_idx %arg8[%and3A_1166] : memref<1024xf32, #tpu.memory_space<vmem>>[vector<16xi32>], vector<16xf32>,
        %add3A_1168 = arith.constant 192 : i32
        %add3A_1169 = vector.broadcast %add3A_1168 : i32 to vector<16xi32>
        %add3A_1170 = arith.addi %iota3A, %add3A_1169 : vector<16xi32>
        %lt3A_1171 = arith.constant 1000 : i32
        %lt3A_1172 = vector.broadcast %lt3A_1171 : i32 to vector<16xi32>
        %lt3A_1173 = arith.cmpi slt, %add3A_1170, %lt3A_1172 : vector<16xi32>
        %jit3A_1174 = arith.constant 0 : i32
        %broadcast_in_dim3A_1175 = vector.broadcast %jit3A_1174 : i32 to vector<16xi32>
        %select_n3A_1176 = arith.select %lt3A_1173, %add3A_1170, %broadcast_in_dim3A_1175 : vector<16xi1>, vector<16xi32>
        %convert_element_type3A_1177 = arith.sitofp %select_n3A_1176 : vector<16xi32> to vector<16xf32>
        %mul3A_1178 = arith.mulf %convert_element_type3A_1177, %gather3A_1167 : vector<16xf32>
        %add3A_1179 = arith.addf %add3A_1159, %mul3A_1178 : vector<16xf32>
        %add3A_1180 = arith.constant 208 : i32
        %add3A_1181 = arith.addi %mul3A_28, %add3A_1180 : i32
        %get3A_1182 = arith.index_cast %add3A_1181 : i32 to index
        %get3A_1183 = tpu.vector_load %arg6[%get3A_1182] {strides = array<i32>} : memref<16384xi32, #tpu.memory_space<vmem>>, vector<16xi32>,
        %and3A_1184 = arith.constant 1023 : i32
        %and3A_1185 = vector.broadcast %and3A_1184 : i32 to vector<16xi32>
        %and3A_1186 = arith.andi %get3A_1183, %and3A_1185 : vector<16xi32>
        %gather3A_1187 = tpu.vector_load_idx %arg8[%and3A_1186] : memref<1024xf32, #tpu.memory_space<vmem>>[vector<16xi32>], vector<16xf32>,
        %add3A_1188 = arith.constant 208 : i32
        %add3A_1189 = vector.broadcast %add3A_1188 : i32 to vector<16xi32>
        %add3A_1190 = arith.addi %iota3A, %add3A_1189 : vector<16xi32>
        %lt3A_1191 = arith.constant 1000 : i32
        %lt3A_1192 = vector.broadcast %lt3A_1191 : i32 to vector<16xi32>
        %lt3A_1193 = arith.cmpi slt, %add3A_1190, %lt3A_1192 : vector<16xi32>
        %jit3A_1194 = arith.constant 0 : i32
        %broadcast_in_dim3A_1195 = vector.broadcast %jit3A_1194 : i32 to vector<16xi32>
        %select_n3A_1196 = arith.select %lt3A_1193, %add3A_1190, %broadcast_in_dim3A_1195 : vector<16xi1>, vector<16xi32>
        %convert_element_type3A_1197 = arith.sitofp %select_n3A_1196 : vector<16xi32> to vector<16xf32>
        %mul3A_1198 = arith.mulf %convert_element_type3A_1197, %gather3A_1187 : vector<16xf32>
        %add3A_1199 = arith.addf %add3A_1179, %mul3A_1198 : vector<16xf32>
        %add3A_1200 = arith.constant 224 : i32
        %add3A_1201 = arith.addi %mul3A_28, %add3A_1200 : i32
        %get3A_1202 = arith.index_cast %add3A_1201 : i32 to index
        %get3A_1203 = tpu.vector_load %arg6[%get3A_1202] {strides = array<i32>} : memref<16384xi32, #tpu.memory_space<vmem>>, vector<16xi32>,
        %and3A_1204 = arith.constant 1023 : i32
        %and3A_1205 = vector.broadcast %and3A_1204 : i32 to vector<16xi32>
        %and3A_1206 = arith.andi %get3A_1203, %and3A_1205 : vector<16xi32>
        %gather3A_1207 = tpu.vector_load_idx %arg8[%and3A_1206] : memref<1024xf32, #tpu.memory_space<vmem>>[vector<16xi32>], vector<16xf32>,
        %add3A_1208 = arith.constant 224 : i32
        %add3A_1209 = vector.broadcast %add3A_1208 : i32 to vector<16xi32>
        %add3A_1210 = arith.addi %iota3A, %add3A_1209 : vector<16xi32>
        %lt3A_1211 = arith.constant 1000 : i32
        %lt3A_1212 = vector.broadcast %lt3A_1211 : i32 to vector<16xi32>
        %lt3A_1213 = arith.cmpi slt, %add3A_1210, %lt3A_1212 : vector<16xi32>
        %jit3A_1214 = arith.constant 0 : i32
        %broadcast_in_dim3A_1215 = vector.broadcast %jit3A_1214 : i32 to vector<16xi32>
        %select_n3A_1216 = arith.select %lt3A_1213, %add3A_1210, %broadcast_in_dim3A_1215 : vector<16xi1>, vector<16xi32>
        %convert_element_type3A_1217 = arith.sitofp %select_n3A_1216 : vector<16xi32> to vector<16xf32>
        %mul3A_1218 = arith.mulf %convert_element_type3A_1217, %gather3A_1207 : vector<16xf32>
        %add3A_1219 = arith.addf %add3A_1199, %mul3A_1218 : vector<16xf32>
        %add3A_1220 = arith.constant 240 : i32
        %add3A_1221 = arith.addi %mul3A_28, %add3A_1220 : i32
        %get3A_1222 = arith.index_cast %add3A_1221 : i32 to index
        %get3A_1223 = tpu.vector_load %arg6[%get3A_1222] {strides = array<i32>} : memref<16384xi32, #tpu.memory_space<vmem>>, vector<16xi32>,
        %and3A_1224 = arith.constant 1023 : i32
        %and3A_1225 = vector.broadcast %and3A_1224 : i32 to vector<16xi32>
        %and3A_1226 = arith.andi %get3A_1223, %and3A_1225 : vector<16xi32>
        %gather3A_1227 = tpu.vector_load_idx %arg8[%and3A_1226] : memref<1024xf32, #tpu.memory_space<vmem>>[vector<16xi32>], vector<16xf32>,
        %add3A_1228 = arith.constant 240 : i32
        %add3A_1229 = vector.broadcast %add3A_1228 : i32 to vector<16xi32>
        %add3A_1230 = arith.addi %iota3A, %add3A_1229 : vector<16xi32>
        %lt3A_1231 = arith.constant 1000 : i32
        %lt3A_1232 = vector.broadcast %lt3A_1231 : i32 to vector<16xi32>
        %lt3A_1233 = arith.cmpi slt, %add3A_1230, %lt3A_1232 : vector<16xi32>
        %jit3A_1234 = arith.constant 0 : i32
        %broadcast_in_dim3A_1235 = vector.broadcast %jit3A_1234 : i32 to vector<16xi32>
        %select_n3A_1236 = arith.select %lt3A_1233, %add3A_1230, %broadcast_in_dim3A_1235 : vector<16xi1>, vector<16xi32>
        %convert_element_type3A_1237 = arith.sitofp %select_n3A_1236 : vector<16xi32> to vector<16xf32>
        %mul3A_1238 = arith.mulf %convert_element_type3A_1237, %gather3A_1227 : vector<16xf32>
        %add3A_1239 = arith.addf %add3A_1219, %mul3A_1238 : vector<16xf32>
        %add3A_1240 = arith.constant 256 : i32
        %add3A_1241 = arith.addi %mul3A_28, %add3A_1240 : i32
        %get3A_1242 = arith.index_cast %add3A_1241 : i32 to index
        %get3A_1243 = tpu.vector_load %arg6[%get3A_1242] {strides = array<i32>} : memref<16384xi32, #tpu.memory_space<vmem>>, vector<16xi32>,
        %and3A_1244 = arith.constant 1023 : i32
        %and3A_1245 = vector.broadcast %and3A_1244 : i32 to vector<16xi32>
        %and3A_1246 = arith.andi %get3A_1243, %and3A_1245 : vector<16xi32>
        %gather3A_1247 = tpu.vector_load_idx %arg8[%and3A_1246] : memref<1024xf32, #tpu.memory_space<vmem>>[vector<16xi32>], vector<16xf32>,
        %add3A_1248 = arith.constant 256 : i32
        %add3A_1249 = vector.broadcast %add3A_1248 : i32 to vector<16xi32>
        %add3A_1250 = arith.addi %iota3A, %add3A_1249 : vector<16xi32>
        %lt3A_1251 = arith.constant 1000 : i32
        %lt3A_1252 = vector.broadcast %lt3A_1251 : i32 to vector<16xi32>
        %lt3A_1253 = arith.cmpi slt, %add3A_1250, %lt3A_1252 : vector<16xi32>
        %jit3A_1254 = arith.constant 0 : i32
        %broadcast_in_dim3A_1255 = vector.broadcast %jit3A_1254 : i32 to vector<16xi32>
        %select_n3A_1256 = arith.select %lt3A_1253, %add3A_1250, %broadcast_in_dim3A_1255 : vector<16xi1>, vector<16xi32>
        %convert_element_type3A_1257 = arith.sitofp %select_n3A_1256 : vector<16xi32> to vector<16xf32>
        %mul3A_1258 = arith.mulf %convert_element_type3A_1257, %gather3A_1247 : vector<16xf32>
        %add3A_1259 = arith.addf %add3A_1239, %mul3A_1258 : vector<16xf32>
        %add3A_1260 = arith.constant 272 : i32
        %add3A_1261 = arith.addi %mul3A_28, %add3A_1260 : i32
        %get3A_1262 = arith.index_cast %add3A_1261 : i32 to index
        %get3A_1263 = tpu.vector_load %arg6[%get3A_1262] {strides = array<i32>} : memref<16384xi32, #tpu.memory_space<vmem>>, vector<16xi32>,
        %and3A_1264 = arith.constant 1023 : i32
        %and3A_1265 = vector.broadcast %and3A_1264 : i32 to vector<16xi32>
        %and3A_1266 = arith.andi %get3A_1263, %and3A_1265 : vector<16xi32>
        %gather3A_1267 = tpu.vector_load_idx %arg8[%and3A_1266] : memref<1024xf32, #tpu.memory_space<vmem>>[vector<16xi32>], vector<16xf32>,
        %add3A_1268 = arith.constant 272 : i32
        %add3A_1269 = vector.broadcast %add3A_1268 : i32 to vector<16xi32>
        %add3A_1270 = arith.addi %iota3A, %add3A_1269 : vector<16xi32>
        %lt3A_1271 = arith.constant 1000 : i32
        %lt3A_1272 = vector.broadcast %lt3A_1271 : i32 to vector<16xi32>
        %lt3A_1273 = arith.cmpi slt, %add3A_1270, %lt3A_1272 : vector<16xi32>
        %jit3A_1274 = arith.constant 0 : i32
        %broadcast_in_dim3A_1275 = vector.broadcast %jit3A_1274 : i32 to vector<16xi32>
        %select_n3A_1276 = arith.select %lt3A_1273, %add3A_1270, %broadcast_in_dim3A_1275 : vector<16xi1>, vector<16xi32>
        %convert_element_type3A_1277 = arith.sitofp %select_n3A_1276 : vector<16xi32> to vector<16xf32>
        %mul3A_1278 = arith.mulf %convert_element_type3A_1277, %gather3A_1267 : vector<16xf32>
        %add3A_1279 = arith.addf %add3A_1259, %mul3A_1278 : vector<16xf32>
        %add3A_1280 = arith.constant 288 : i32
        %add3A_1281 = arith.addi %mul3A_28, %add3A_1280 : i32
        %get3A_1282 = arith.index_cast %add3A_1281 : i32 to index
        %get3A_1283 = tpu.vector_load %arg6[%get3A_1282] {strides = array<i32>} : memref<16384xi32, #tpu.memory_space<vmem>>, vector<16xi32>,
        %and3A_1284 = arith.constant 1023 : i32
        %and3A_1285 = vector.broadcast %and3A_1284 : i32 to vector<16xi32>
        %and3A_1286 = arith.andi %get3A_1283, %and3A_1285 : vector<16xi32>
        %gather3A_1287 = tpu.vector_load_idx %arg8[%and3A_1286] : memref<1024xf32, #tpu.memory_space<vmem>>[vector<16xi32>], vector<16xf32>,
        %add3A_1288 = arith.constant 288 : i32
        %add3A_1289 = vector.broadcast %add3A_1288 : i32 to vector<16xi32>
        %add3A_1290 = arith.addi %iota3A, %add3A_1289 : vector<16xi32>
        %lt3A_1291 = arith.constant 1000 : i32
        %lt3A_1292 = vector.broadcast %lt3A_1291 : i32 to vector<16xi32>
        %lt3A_1293 = arith.cmpi slt, %add3A_1290, %lt3A_1292 : vector<16xi32>
        %jit3A_1294 = arith.constant 0 : i32
        %broadcast_in_dim3A_1295 = vector.broadcast %jit3A_1294 : i32 to vector<16xi32>
        %select_n3A_1296 = arith.select %lt3A_1293, %add3A_1290, %broadcast_in_dim3A_1295 : vector<16xi1>, vector<16xi32>
        %convert_element_type3A_1297 = arith.sitofp %select_n3A_1296 : vector<16xi32> to vector<16xf32>
        %mul3A_1298 = arith.mulf %convert_element_type3A_1297, %gather3A_1287 : vector<16xf32>
        %add3A_1299 = arith.addf %add3A_1279, %mul3A_1298 : vector<16xf32>
        %add3A_1300 = arith.constant 304 : i32
        %add3A_1301 = arith.addi %mul3A_28, %add3A_1300 : i32
        %get3A_1302 = arith.index_cast %add3A_1301 : i32 to index
        %get3A_1303 = tpu.vector_load %arg6[%get3A_1302] {strides = array<i32>} : memref<16384xi32, #tpu.memory_space<vmem>>, vector<16xi32>,
        %and3A_1304 = arith.constant 1023 : i32
        %and3A_1305 = vector.broadcast %and3A_1304 : i32 to vector<16xi32>
        %and3A_1306 = arith.andi %get3A_1303, %and3A_1305 : vector<16xi32>
        %gather3A_1307 = tpu.vector_load_idx %arg8[%and3A_1306] : memref<1024xf32, #tpu.memory_space<vmem>>[vector<16xi32>], vector<16xf32>,
        %add3A_1308 = arith.constant 304 : i32
        %add3A_1309 = vector.broadcast %add3A_1308 : i32 to vector<16xi32>
        %add3A_1310 = arith.addi %iota3A, %add3A_1309 : vector<16xi32>
        %lt3A_1311 = arith.constant 1000 : i32
        %lt3A_1312 = vector.broadcast %lt3A_1311 : i32 to vector<16xi32>
        %lt3A_1313 = arith.cmpi slt, %add3A_1310, %lt3A_1312 : vector<16xi32>
        %jit3A_1314 = arith.constant 0 : i32
        %broadcast_in_dim3A_1315 = vector.broadcast %jit3A_1314 : i32 to vector<16xi32>
        %select_n3A_1316 = arith.select %lt3A_1313, %add3A_1310, %broadcast_in_dim3A_1315 : vector<16xi1>, vector<16xi32>
        %convert_element_type3A_1317 = arith.sitofp %select_n3A_1316 : vector<16xi32> to vector<16xf32>
        %mul3A_1318 = arith.mulf %convert_element_type3A_1317, %gather3A_1307 : vector<16xf32>
        %add3A_1319 = arith.addf %add3A_1299, %mul3A_1318 : vector<16xf32>
        %add3A_1320 = arith.constant 320 : i32
        %add3A_1321 = arith.addi %mul3A_28, %add3A_1320 : i32
        %get3A_1322 = arith.index_cast %add3A_1321 : i32 to index
        %get3A_1323 = tpu.vector_load %arg6[%get3A_1322] {strides = array<i32>} : memref<16384xi32, #tpu.memory_space<vmem>>, vector<16xi32>,
        %and3A_1324 = arith.constant 1023 : i32
        %and3A_1325 = vector.broadcast %and3A_1324 : i32 to vector<16xi32>
        %and3A_1326 = arith.andi %get3A_1323, %and3A_1325 : vector<16xi32>
        %gather3A_1327 = tpu.vector_load_idx %arg8[%and3A_1326] : memref<1024xf32, #tpu.memory_space<vmem>>[vector<16xi32>], vector<16xf32>,
        %add3A_1328 = arith.constant 320 : i32
        %add3A_1329 = vector.broadcast %add3A_1328 : i32 to vector<16xi32>
        %add3A_1330 = arith.addi %iota3A, %add3A_1329 : vector<16xi32>
        %lt3A_1331 = arith.constant 1000 : i32
        %lt3A_1332 = vector.broadcast %lt3A_1331 : i32 to vector<16xi32>
        %lt3A_1333 = arith.cmpi slt, %add3A_1330, %lt3A_1332 : vector<16xi32>
        %jit3A_1334 = arith.constant 0 : i32
        %broadcast_in_dim3A_1335 = vector.broadcast %jit3A_1334 : i32 to vector<16xi32>
        %select_n3A_1336 = arith.select %lt3A_1333, %add3A_1330, %broadcast_in_dim3A_1335 : vector<16xi1>, vector<16xi32>
        %convert_element_type3A_1337 = arith.sitofp %select_n3A_1336 : vector<16xi32> to vector<16xf32>
        %mul3A_1338 = arith.mulf %convert_element_type3A_1337, %gather3A_1327 : vector<16xf32>
        %add3A_1339 = arith.addf %add3A_1319, %mul3A_1338 : vector<16xf32>
        %add3A_1340 = arith.constant 336 : i32
        %add3A_1341 = arith.addi %mul3A_28, %add3A_1340 : i32
        %get3A_1342 = arith.index_cast %add3A_1341 : i32 to index
        %get3A_1343 = tpu.vector_load %arg6[%get3A_1342] {strides = array<i32>} : memref<16384xi32, #tpu.memory_space<vmem>>, vector<16xi32>,
        %and3A_1344 = arith.constant 1023 : i32
        %and3A_1345 = vector.broadcast %and3A_1344 : i32 to vector<16xi32>
        %and3A_1346 = arith.andi %get3A_1343, %and3A_1345 : vector<16xi32>
        %gather3A_1347 = tpu.vector_load_idx %arg8[%and3A_1346] : memref<1024xf32, #tpu.memory_space<vmem>>[vector<16xi32>], vector<16xf32>,
        %add3A_1348 = arith.constant 336 : i32
        %add3A_1349 = vector.broadcast %add3A_1348 : i32 to vector<16xi32>
        %add3A_1350 = arith.addi %iota3A, %add3A_1349 : vector<16xi32>
        %lt3A_1351 = arith.constant 1000 : i32
        %lt3A_1352 = vector.broadcast %lt3A_1351 : i32 to vector<16xi32>
        %lt3A_1353 = arith.cmpi slt, %add3A_1350, %lt3A_1352 : vector<16xi32>
        %jit3A_1354 = arith.constant 0 : i32
        %broadcast_in_dim3A_1355 = vector.broadcast %jit3A_1354 : i32 to vector<16xi32>
        %select_n3A_1356 = arith.select %lt3A_1353, %add3A_1350, %broadcast_in_dim3A_1355 : vector<16xi1>, vector<16xi32>
        %convert_element_type3A_1357 = arith.sitofp %select_n3A_1356 : vector<16xi32> to vector<16xf32>
        %mul3A_1358 = arith.mulf %convert_element_type3A_1357, %gather3A_1347 : vector<16xf32>
        %add3A_1359 = arith.addf %add3A_1339, %mul3A_1358 : vector<16xf32>
        %add3A_1360 = arith.constant 352 : i32
        %add3A_1361 = arith.addi %mul3A_28, %add3A_1360 : i32
        %get3A_1362 = arith.index_cast %add3A_1361 : i32 to index
        %get3A_1363 = tpu.vector_load %arg6[%get3A_1362] {strides = array<i32>} : memref<16384xi32, #tpu.memory_space<vmem>>, vector<16xi32>,
        %and3A_1364 = arith.constant 1023 : i32
        %and3A_1365 = vector.broadcast %and3A_1364 : i32 to vector<16xi32>
        %and3A_1366 = arith.andi %get3A_1363, %and3A_1365 : vector<16xi32>
        %gather3A_1367 = tpu.vector_load_idx %arg8[%and3A_1366] : memref<1024xf32, #tpu.memory_space<vmem>>[vector<16xi32>], vector<16xf32>,
        %add3A_1368 = arith.constant 352 : i32
        %add3A_1369 = vector.broadcast %add3A_1368 : i32 to vector<16xi32>
        %add3A_1370 = arith.addi %iota3A, %add3A_1369 : vector<16xi32>
        %lt3A_1371 = arith.constant 1000 : i32
        %lt3A_1372 = vector.broadcast %lt3A_1371 : i32 to vector<16xi32>
        %lt3A_1373 = arith.cmpi slt, %add3A_1370, %lt3A_1372 : vector<16xi32>
        %jit3A_1374 = arith.constant 0 : i32
        %broadcast_in_dim3A_1375 = vector.broadcast %jit3A_1374 : i32 to vector<16xi32>
        %select_n3A_1376 = arith.select %lt3A_1373, %add3A_1370, %broadcast_in_dim3A_1375 : vector<16xi1>, vector<16xi32>
        %convert_element_type3A_1377 = arith.sitofp %select_n3A_1376 : vector<16xi32> to vector<16xf32>
        %mul3A_1378 = arith.mulf %convert_element_type3A_1377, %gather3A_1367 : vector<16xf32>
        %add3A_1379 = arith.addf %add3A_1359, %mul3A_1378 : vector<16xf32>
        %add3A_1380 = arith.constant 368 : i32
        %add3A_1381 = arith.addi %mul3A_28, %add3A_1380 : i32
        %get3A_1382 = arith.index_cast %add3A_1381 : i32 to index
        %get3A_1383 = tpu.vector_load %arg6[%get3A_1382] {strides = array<i32>} : memref<16384xi32, #tpu.memory_space<vmem>>, vector<16xi32>,
        %and3A_1384 = arith.constant 1023 : i32
        %and3A_1385 = vector.broadcast %and3A_1384 : i32 to vector<16xi32>
        %and3A_1386 = arith.andi %get3A_1383, %and3A_1385 : vector<16xi32>
        %gather3A_1387 = tpu.vector_load_idx %arg8[%and3A_1386] : memref<1024xf32, #tpu.memory_space<vmem>>[vector<16xi32>], vector<16xf32>,
        %add3A_1388 = arith.constant 368 : i32
        %add3A_1389 = vector.broadcast %add3A_1388 : i32 to vector<16xi32>
        %add3A_1390 = arith.addi %iota3A, %add3A_1389 : vector<16xi32>
        %lt3A_1391 = arith.constant 1000 : i32
        %lt3A_1392 = vector.broadcast %lt3A_1391 : i32 to vector<16xi32>
        %lt3A_1393 = arith.cmpi slt, %add3A_1390, %lt3A_1392 : vector<16xi32>
        %jit3A_1394 = arith.constant 0 : i32
        %broadcast_in_dim3A_1395 = vector.broadcast %jit3A_1394 : i32 to vector<16xi32>
        %select_n3A_1396 = arith.select %lt3A_1393, %add3A_1390, %broadcast_in_dim3A_1395 : vector<16xi1>, vector<16xi32>
        %convert_element_type3A_1397 = arith.sitofp %select_n3A_1396 : vector<16xi32> to vector<16xf32>
        %mul3A_1398 = arith.mulf %convert_element_type3A_1397, %gather3A_1387 : vector<16xf32>
        %add3A_1399 = arith.addf %add3A_1379, %mul3A_1398 : vector<16xf32>
        %add3A_1400 = arith.constant 384 : i32
        %add3A_1401 = arith.addi %mul3A_28, %add3A_1400 : i32
        %get3A_1402 = arith.index_cast %add3A_1401 : i32 to index
        %get3A_1403 = tpu.vector_load %arg6[%get3A_1402] {strides = array<i32>} : memref<16384xi32, #tpu.memory_space<vmem>>, vector<16xi32>,
        %and3A_1404 = arith.constant 1023 : i32
        %and3A_1405 = vector.broadcast %and3A_1404 : i32 to vector<16xi32>
        %and3A_1406 = arith.andi %get3A_1403, %and3A_1405 : vector<16xi32>
        %gather3A_1407 = tpu.vector_load_idx %arg8[%and3A_1406] : memref<1024xf32, #tpu.memory_space<vmem>>[vector<16xi32>], vector<16xf32>,
        %add3A_1408 = arith.constant 384 : i32
        %add3A_1409 = vector.broadcast %add3A_1408 : i32 to vector<16xi32>
        %add3A_1410 = arith.addi %iota3A, %add3A_1409 : vector<16xi32>
        %lt3A_1411 = arith.constant 1000 : i32
        %lt3A_1412 = vector.broadcast %lt3A_1411 : i32 to vector<16xi32>
        %lt3A_1413 = arith.cmpi slt, %add3A_1410, %lt3A_1412 : vector<16xi32>
        %jit3A_1414 = arith.constant 0 : i32
        %broadcast_in_dim3A_1415 = vector.broadcast %jit3A_1414 : i32 to vector<16xi32>
        %select_n3A_1416 = arith.select %lt3A_1413, %add3A_1410, %broadcast_in_dim3A_1415 : vector<16xi1>, vector<16xi32>
        %convert_element_type3A_1417 = arith.sitofp %select_n3A_1416 : vector<16xi32> to vector<16xf32>
        %mul3A_1418 = arith.mulf %convert_element_type3A_1417, %gather3A_1407 : vector<16xf32>
        %add3A_1419 = arith.addf %add3A_1399, %mul3A_1418 : vector<16xf32>
        %add3A_1420 = arith.constant 400 : i32
        %add3A_1421 = arith.addi %mul3A_28, %add3A_1420 : i32
        %get3A_1422 = arith.index_cast %add3A_1421 : i32 to index
        %get3A_1423 = tpu.vector_load %arg6[%get3A_1422] {strides = array<i32>} : memref<16384xi32, #tpu.memory_space<vmem>>, vector<16xi32>,
        %and3A_1424 = arith.constant 1023 : i32
        %and3A_1425 = vector.broadcast %and3A_1424 : i32 to vector<16xi32>
        %and3A_1426 = arith.andi %get3A_1423, %and3A_1425 : vector<16xi32>
        %gather3A_1427 = tpu.vector_load_idx %arg8[%and3A_1426] : memref<1024xf32, #tpu.memory_space<vmem>>[vector<16xi32>], vector<16xf32>,
        %add3A_1428 = arith.constant 400 : i32
        %add3A_1429 = vector.broadcast %add3A_1428 : i32 to vector<16xi32>
        %add3A_1430 = arith.addi %iota3A, %add3A_1429 : vector<16xi32>
        %lt3A_1431 = arith.constant 1000 : i32
        %lt3A_1432 = vector.broadcast %lt3A_1431 : i32 to vector<16xi32>
        %lt3A_1433 = arith.cmpi slt, %add3A_1430, %lt3A_1432 : vector<16xi32>
        %jit3A_1434 = arith.constant 0 : i32
        %broadcast_in_dim3A_1435 = vector.broadcast %jit3A_1434 : i32 to vector<16xi32>
        %select_n3A_1436 = arith.select %lt3A_1433, %add3A_1430, %broadcast_in_dim3A_1435 : vector<16xi1>, vector<16xi32>
        %convert_element_type3A_1437 = arith.sitofp %select_n3A_1436 : vector<16xi32> to vector<16xf32>
        %mul3A_1438 = arith.mulf %convert_element_type3A_1437, %gather3A_1427 : vector<16xf32>
        %add3A_1439 = arith.addf %add3A_1419, %mul3A_1438 : vector<16xf32>
        %add3A_1440 = arith.constant 416 : i32
        %add3A_1441 = arith.addi %mul3A_28, %add3A_1440 : i32
        %get3A_1442 = arith.index_cast %add3A_1441 : i32 to index
        %get3A_1443 = tpu.vector_load %arg6[%get3A_1442] {strides = array<i32>} : memref<16384xi32, #tpu.memory_space<vmem>>, vector<16xi32>,
        %and3A_1444 = arith.constant 1023 : i32
        %and3A_1445 = vector.broadcast %and3A_1444 : i32 to vector<16xi32>
        %and3A_1446 = arith.andi %get3A_1443, %and3A_1445 : vector<16xi32>
        %gather3A_1447 = tpu.vector_load_idx %arg8[%and3A_1446] : memref<1024xf32, #tpu.memory_space<vmem>>[vector<16xi32>], vector<16xf32>,
        %add3A_1448 = arith.constant 416 : i32
        %add3A_1449 = vector.broadcast %add3A_1448 : i32 to vector<16xi32>
        %add3A_1450 = arith.addi %iota3A, %add3A_1449 : vector<16xi32>
        %lt3A_1451 = arith.constant 1000 : i32
        %lt3A_1452 = vector.broadcast %lt3A_1451 : i32 to vector<16xi32>
        %lt3A_1453 = arith.cmpi slt, %add3A_1450, %lt3A_1452 : vector<16xi32>
        %jit3A_1454 = arith.constant 0 : i32
        %broadcast_in_dim3A_1455 = vector.broadcast %jit3A_1454 : i32 to vector<16xi32>
        %select_n3A_1456 = arith.select %lt3A_1453, %add3A_1450, %broadcast_in_dim3A_1455 : vector<16xi1>, vector<16xi32>
        %convert_element_type3A_1457 = arith.sitofp %select_n3A_1456 : vector<16xi32> to vector<16xf32>
        %mul3A_1458 = arith.mulf %convert_element_type3A_1457, %gather3A_1447 : vector<16xf32>
        %add3A_1459 = arith.addf %add3A_1439, %mul3A_1458 : vector<16xf32>
        %add3A_1460 = arith.constant 432 : i32
        %add3A_1461 = arith.addi %mul3A_28, %add3A_1460 : i32
        %get3A_1462 = arith.index_cast %add3A_1461 : i32 to index
        %get3A_1463 = tpu.vector_load %arg6[%get3A_1462] {strides = array<i32>} : memref<16384xi32, #tpu.memory_space<vmem>>, vector<16xi32>,
        %and3A_1464 = arith.constant 1023 : i32
        %and3A_1465 = vector.broadcast %and3A_1464 : i32 to vector<16xi32>
        %and3A_1466 = arith.andi %get3A_1463, %and3A_1465 : vector<16xi32>
        %gather3A_1467 = tpu.vector_load_idx %arg8[%and3A_1466] : memref<1024xf32, #tpu.memory_space<vmem>>[vector<16xi32>], vector<16xf32>,
        %add3A_1468 = arith.constant 432 : i32
        %add3A_1469 = vector.broadcast %add3A_1468 : i32 to vector<16xi32>
        %add3A_1470 = arith.addi %iota3A, %add3A_1469 : vector<16xi32>
        %lt3A_1471 = arith.constant 1000 : i32
        %lt3A_1472 = vector.broadcast %lt3A_1471 : i32 to vector<16xi32>
        %lt3A_1473 = arith.cmpi slt, %add3A_1470, %lt3A_1472 : vector<16xi32>
        %jit3A_1474 = arith.constant 0 : i32
        %broadcast_in_dim3A_1475 = vector.broadcast %jit3A_1474 : i32 to vector<16xi32>
        %select_n3A_1476 = arith.select %lt3A_1473, %add3A_1470, %broadcast_in_dim3A_1475 : vector<16xi1>, vector<16xi32>
        %convert_element_type3A_1477 = arith.sitofp %select_n3A_1476 : vector<16xi32> to vector<16xf32>
        %mul3A_1478 = arith.mulf %convert_element_type3A_1477, %gather3A_1467 : vector<16xf32>
        %add3A_1479 = arith.addf %add3A_1459, %mul3A_1478 : vector<16xf32>
        %add3A_1480 = arith.constant 448 : i32
        %add3A_1481 = arith.addi %mul3A_28, %add3A_1480 : i32
        %get3A_1482 = arith.index_cast %add3A_1481 : i32 to index
        %get3A_1483 = tpu.vector_load %arg6[%get3A_1482] {strides = array<i32>} : memref<16384xi32, #tpu.memory_space<vmem>>, vector<16xi32>,
        %and3A_1484 = arith.constant 1023 : i32
        %and3A_1485 = vector.broadcast %and3A_1484 : i32 to vector<16xi32>
        %and3A_1486 = arith.andi %get3A_1483, %and3A_1485 : vector<16xi32>
        %gather3A_1487 = tpu.vector_load_idx %arg8[%and3A_1486] : memref<1024xf32, #tpu.memory_space<vmem>>[vector<16xi32>], vector<16xf32>,
        %add3A_1488 = arith.constant 448 : i32
        %add3A_1489 = vector.broadcast %add3A_1488 : i32 to vector<16xi32>
        %add3A_1490 = arith.addi %iota3A, %add3A_1489 : vector<16xi32>
        %lt3A_1491 = arith.constant 1000 : i32
        %lt3A_1492 = vector.broadcast %lt3A_1491 : i32 to vector<16xi32>
        %lt3A_1493 = arith.cmpi slt, %add3A_1490, %lt3A_1492 : vector<16xi32>
        %jit3A_1494 = arith.constant 0 : i32
        %broadcast_in_dim3A_1495 = vector.broadcast %jit3A_1494 : i32 to vector<16xi32>
        %select_n3A_1496 = arith.select %lt3A_1493, %add3A_1490, %broadcast_in_dim3A_1495 : vector<16xi1>, vector<16xi32>
        %convert_element_type3A_1497 = arith.sitofp %select_n3A_1496 : vector<16xi32> to vector<16xf32>
        %mul3A_1498 = arith.mulf %convert_element_type3A_1497, %gather3A_1487 : vector<16xf32>
        %add3A_1499 = arith.addf %add3A_1479, %mul3A_1498 : vector<16xf32>
        %add3A_1500 = arith.constant 464 : i32
        %add3A_1501 = arith.addi %mul3A_28, %add3A_1500 : i32
        %get3A_1502 = arith.index_cast %add3A_1501 : i32 to index
        %get3A_1503 = tpu.vector_load %arg6[%get3A_1502] {strides = array<i32>} : memref<16384xi32, #tpu.memory_space<vmem>>, vector<16xi32>,
        %and3A_1504 = arith.constant 1023 : i32
        %and3A_1505 = vector.broadcast %and3A_1504 : i32 to vector<16xi32>
        %and3A_1506 = arith.andi %get3A_1503, %and3A_1505 : vector<16xi32>
        %gather3A_1507 = tpu.vector_load_idx %arg8[%and3A_1506] : memref<1024xf32, #tpu.memory_space<vmem>>[vector<16xi32>], vector<16xf32>,
        %add3A_1508 = arith.constant 464 : i32
        %add3A_1509 = vector.broadcast %add3A_1508 : i32 to vector<16xi32>
        %add3A_1510 = arith.addi %iota3A, %add3A_1509 : vector<16xi32>
        %lt3A_1511 = arith.constant 1000 : i32
        %lt3A_1512 = vector.broadcast %lt3A_1511 : i32 to vector<16xi32>
        %lt3A_1513 = arith.cmpi slt, %add3A_1510, %lt3A_1512 : vector<16xi32>
        %jit3A_1514 = arith.constant 0 : i32
        %broadcast_in_dim3A_1515 = vector.broadcast %jit3A_1514 : i32 to vector<16xi32>
        %select_n3A_1516 = arith.select %lt3A_1513, %add3A_1510, %broadcast_in_dim3A_1515 : vector<16xi1>, vector<16xi32>
        %convert_element_type3A_1517 = arith.sitofp %select_n3A_1516 : vector<16xi32> to vector<16xf32>
        %mul3A_1518 = arith.mulf %convert_element_type3A_1517, %gather3A_1507 : vector<16xf32>
        %add3A_1519 = arith.addf %add3A_1499, %mul3A_1518 : vector<16xf32>
        %add3A_1520 = arith.constant 480 : i32
        %add3A_1521 = arith.addi %mul3A_28, %add3A_1520 : i32
        %get3A_1522 = arith.index_cast %add3A_1521 : i32 to index
        %get3A_1523 = tpu.vector_load %arg6[%get3A_1522] {strides = array<i32>} : memref<16384xi32, #tpu.memory_space<vmem>>, vector<16xi32>,
        %and3A_1524 = arith.constant 1023 : i32
        %and3A_1525 = vector.broadcast %and3A_1524 : i32 to vector<16xi32>
        %and3A_1526 = arith.andi %get3A_1523, %and3A_1525 : vector<16xi32>
        %gather3A_1527 = tpu.vector_load_idx %arg8[%and3A_1526] : memref<1024xf32, #tpu.memory_space<vmem>>[vector<16xi32>], vector<16xf32>,
        %add3A_1528 = arith.constant 480 : i32
        %add3A_1529 = vector.broadcast %add3A_1528 : i32 to vector<16xi32>
        %add3A_1530 = arith.addi %iota3A, %add3A_1529 : vector<16xi32>
        %lt3A_1531 = arith.constant 1000 : i32
        %lt3A_1532 = vector.broadcast %lt3A_1531 : i32 to vector<16xi32>
        %lt3A_1533 = arith.cmpi slt, %add3A_1530, %lt3A_1532 : vector<16xi32>
        %jit3A_1534 = arith.constant 0 : i32
        %broadcast_in_dim3A_1535 = vector.broadcast %jit3A_1534 : i32 to vector<16xi32>
        %select_n3A_1536 = arith.select %lt3A_1533, %add3A_1530, %broadcast_in_dim3A_1535 : vector<16xi1>, vector<16xi32>
        %convert_element_type3A_1537 = arith.sitofp %select_n3A_1536 : vector<16xi32> to vector<16xf32>
        %mul3A_1538 = arith.mulf %convert_element_type3A_1537, %gather3A_1527 : vector<16xf32>
        %add3A_1539 = arith.addf %add3A_1519, %mul3A_1538 : vector<16xf32>
        %add3A_1540 = arith.constant 496 : i32
        %add3A_1541 = arith.addi %mul3A_28, %add3A_1540 : i32
        %get3A_1542 = arith.index_cast %add3A_1541 : i32 to index
        %get3A_1543 = tpu.vector_load %arg6[%get3A_1542] {strides = array<i32>} : memref<16384xi32, #tpu.memory_space<vmem>>, vector<16xi32>,
        %and3A_1544 = arith.constant 1023 : i32
        %and3A_1545 = vector.broadcast %and3A_1544 : i32 to vector<16xi32>
        %and3A_1546 = arith.andi %get3A_1543, %and3A_1545 : vector<16xi32>
        %gather3A_1547 = tpu.vector_load_idx %arg8[%and3A_1546] : memref<1024xf32, #tpu.memory_space<vmem>>[vector<16xi32>], vector<16xf32>,
        %add3A_1548 = arith.constant 496 : i32
        %add3A_1549 = vector.broadcast %add3A_1548 : i32 to vector<16xi32>
        %add3A_1550 = arith.addi %iota3A, %add3A_1549 : vector<16xi32>
        %lt3A_1551 = arith.constant 1000 : i32
        %lt3A_1552 = vector.broadcast %lt3A_1551 : i32 to vector<16xi32>
        %lt3A_1553 = arith.cmpi slt, %add3A_1550, %lt3A_1552 : vector<16xi32>
        %jit3A_1554 = arith.constant 0 : i32
        %broadcast_in_dim3A_1555 = vector.broadcast %jit3A_1554 : i32 to vector<16xi32>
        %select_n3A_1556 = arith.select %lt3A_1553, %add3A_1550, %broadcast_in_dim3A_1555 : vector<16xi1>, vector<16xi32>
        %convert_element_type3A_1557 = arith.sitofp %select_n3A_1556 : vector<16xi32> to vector<16xf32>
        %mul3A_1558 = arith.mulf %convert_element_type3A_1557, %gather3A_1547 : vector<16xf32>
        %add3A_1559 = arith.addf %add3A_1539, %mul3A_1558 : vector<16xf32>
        %add3A_1560 = arith.constant 512 : i32
        %add3A_1561 = arith.addi %mul3A_28, %add3A_1560 : i32
        %get3A_1562 = arith.index_cast %add3A_1561 : i32 to index
        %get3A_1563 = tpu.vector_load %arg6[%get3A_1562] {strides = array<i32>} : memref<16384xi32, #tpu.memory_space<vmem>>, vector<16xi32>,
        %and3A_1564 = arith.constant 1023 : i32
        %and3A_1565 = vector.broadcast %and3A_1564 : i32 to vector<16xi32>
        %and3A_1566 = arith.andi %get3A_1563, %and3A_1565 : vector<16xi32>
        %gather3A_1567 = tpu.vector_load_idx %arg8[%and3A_1566] : memref<1024xf32, #tpu.memory_space<vmem>>[vector<16xi32>], vector<16xf32>,
        %add3A_1568 = arith.constant 512 : i32
        %add3A_1569 = vector.broadcast %add3A_1568 : i32 to vector<16xi32>
        %add3A_1570 = arith.addi %iota3A, %add3A_1569 : vector<16xi32>
        %lt3A_1571 = arith.constant 1000 : i32
        %lt3A_1572 = vector.broadcast %lt3A_1571 : i32 to vector<16xi32>
        %lt3A_1573 = arith.cmpi slt, %add3A_1570, %lt3A_1572 : vector<16xi32>
        %jit3A_1574 = arith.constant 0 : i32
        %broadcast_in_dim3A_1575 = vector.broadcast %jit3A_1574 : i32 to vector<16xi32>
        %select_n3A_1576 = arith.select %lt3A_1573, %add3A_1570, %broadcast_in_dim3A_1575 : vector<16xi1>, vector<16xi32>
        %convert_element_type3A_1577 = arith.sitofp %select_n3A_1576 : vector<16xi32> to vector<16xf32>
        %mul3A_1578 = arith.mulf %convert_element_type3A_1577, %gather3A_1567 : vector<16xf32>
        %add3A_1579 = arith.addf %add3A_1559, %mul3A_1578 : vector<16xf32>
        %add3A_1580 = arith.constant 528 : i32
        %add3A_1581 = arith.addi %mul3A_28, %add3A_1580 : i32
        %get3A_1582 = arith.index_cast %add3A_1581 : i32 to index
        %get3A_1583 = tpu.vector_load %arg6[%get3A_1582] {strides = array<i32>} : memref<16384xi32, #tpu.memory_space<vmem>>, vector<16xi32>,
        %and3A_1584 = arith.constant 1023 : i32
        %and3A_1585 = vector.broadcast %and3A_1584 : i32 to vector<16xi32>
        %and3A_1586 = arith.andi %get3A_1583, %and3A_1585 : vector<16xi32>
        %gather3A_1587 = tpu.vector_load_idx %arg8[%and3A_1586] : memref<1024xf32, #tpu.memory_space<vmem>>[vector<16xi32>], vector<16xf32>,
        %add3A_1588 = arith.constant 528 : i32
        %add3A_1589 = vector.broadcast %add3A_1588 : i32 to vector<16xi32>
        %add3A_1590 = arith.addi %iota3A, %add3A_1589 : vector<16xi32>
        %lt3A_1591 = arith.constant 1000 : i32
        %lt3A_1592 = vector.broadcast %lt3A_1591 : i32 to vector<16xi32>
        %lt3A_1593 = arith.cmpi slt, %add3A_1590, %lt3A_1592 : vector<16xi32>
        %jit3A_1594 = arith.constant 0 : i32
        %broadcast_in_dim3A_1595 = vector.broadcast %jit3A_1594 : i32 to vector<16xi32>
        %select_n3A_1596 = arith.select %lt3A_1593, %add3A_1590, %broadcast_in_dim3A_1595 : vector<16xi1>, vector<16xi32>
        %convert_element_type3A_1597 = arith.sitofp %select_n3A_1596 : vector<16xi32> to vector<16xf32>
        %mul3A_1598 = arith.mulf %convert_element_type3A_1597, %gather3A_1587 : vector<16xf32>
        %add3A_1599 = arith.addf %add3A_1579, %mul3A_1598 : vector<16xf32>
        %add3A_1600 = arith.constant 544 : i32
        %add3A_1601 = arith.addi %mul3A_28, %add3A_1600 : i32
        %get3A_1602 = arith.index_cast %add3A_1601 : i32 to index
        %get3A_1603 = tpu.vector_load %arg6[%get3A_1602] {strides = array<i32>} : memref<16384xi32, #tpu.memory_space<vmem>>, vector<16xi32>,
        %and3A_1604 = arith.constant 1023 : i32
        %and3A_1605 = vector.broadcast %and3A_1604 : i32 to vector<16xi32>
        %and3A_1606 = arith.andi %get3A_1603, %and3A_1605 : vector<16xi32>
        %gather3A_1607 = tpu.vector_load_idx %arg8[%and3A_1606] : memref<1024xf32, #tpu.memory_space<vmem>>[vector<16xi32>], vector<16xf32>,
        %add3A_1608 = arith.constant 544 : i32
        %add3A_1609 = vector.broadcast %add3A_1608 : i32 to vector<16xi32>
        %add3A_1610 = arith.addi %iota3A, %add3A_1609 : vector<16xi32>
        %lt3A_1611 = arith.constant 1000 : i32
        %lt3A_1612 = vector.broadcast %lt3A_1611 : i32 to vector<16xi32>
        %lt3A_1613 = arith.cmpi slt, %add3A_1610, %lt3A_1612 : vector<16xi32>
        %jit3A_1614 = arith.constant 0 : i32
        %broadcast_in_dim3A_1615 = vector.broadcast %jit3A_1614 : i32 to vector<16xi32>
        %select_n3A_1616 = arith.select %lt3A_1613, %add3A_1610, %broadcast_in_dim3A_1615 : vector<16xi1>, vector<16xi32>
        %convert_element_type3A_1617 = arith.sitofp %select_n3A_1616 : vector<16xi32> to vector<16xf32>
        %mul3A_1618 = arith.mulf %convert_element_type3A_1617, %gather3A_1607 : vector<16xf32>
        %add3A_1619 = arith.addf %add3A_1599, %mul3A_1618 : vector<16xf32>
        %add3A_1620 = arith.constant 560 : i32
        %add3A_1621 = arith.addi %mul3A_28, %add3A_1620 : i32
        %get3A_1622 = arith.index_cast %add3A_1621 : i32 to index
        %get3A_1623 = tpu.vector_load %arg6[%get3A_1622] {strides = array<i32>} : memref<16384xi32, #tpu.memory_space<vmem>>, vector<16xi32>,
        %and3A_1624 = arith.constant 1023 : i32
        %and3A_1625 = vector.broadcast %and3A_1624 : i32 to vector<16xi32>
        %and3A_1626 = arith.andi %get3A_1623, %and3A_1625 : vector<16xi32>
        %gather3A_1627 = tpu.vector_load_idx %arg8[%and3A_1626] : memref<1024xf32, #tpu.memory_space<vmem>>[vector<16xi32>], vector<16xf32>,
        %add3A_1628 = arith.constant 560 : i32
        %add3A_1629 = vector.broadcast %add3A_1628 : i32 to vector<16xi32>
        %add3A_1630 = arith.addi %iota3A, %add3A_1629 : vector<16xi32>
        %lt3A_1631 = arith.constant 1000 : i32
        %lt3A_1632 = vector.broadcast %lt3A_1631 : i32 to vector<16xi32>
        %lt3A_1633 = arith.cmpi slt, %add3A_1630, %lt3A_1632 : vector<16xi32>
        %jit3A_1634 = arith.constant 0 : i32
        %broadcast_in_dim3A_1635 = vector.broadcast %jit3A_1634 : i32 to vector<16xi32>
        %select_n3A_1636 = arith.select %lt3A_1633, %add3A_1630, %broadcast_in_dim3A_1635 : vector<16xi1>, vector<16xi32>
        %convert_element_type3A_1637 = arith.sitofp %select_n3A_1636 : vector<16xi32> to vector<16xf32>
        %mul3A_1638 = arith.mulf %convert_element_type3A_1637, %gather3A_1627 : vector<16xf32>
        %add3A_1639 = arith.addf %add3A_1619, %mul3A_1638 : vector<16xf32>
        %add3A_1640 = arith.constant 576 : i32
        %add3A_1641 = arith.addi %mul3A_28, %add3A_1640 : i32
        %get3A_1642 = arith.index_cast %add3A_1641 : i32 to index
        %get3A_1643 = tpu.vector_load %arg6[%get3A_1642] {strides = array<i32>} : memref<16384xi32, #tpu.memory_space<vmem>>, vector<16xi32>,
        %and3A_1644 = arith.constant 1023 : i32
        %and3A_1645 = vector.broadcast %and3A_1644 : i32 to vector<16xi32>
        %and3A_1646 = arith.andi %get3A_1643, %and3A_1645 : vector<16xi32>
        %gather3A_1647 = tpu.vector_load_idx %arg8[%and3A_1646] : memref<1024xf32, #tpu.memory_space<vmem>>[vector<16xi32>], vector<16xf32>,
        %add3A_1648 = arith.constant 576 : i32
        %add3A_1649 = vector.broadcast %add3A_1648 : i32 to vector<16xi32>
        %add3A_1650 = arith.addi %iota3A, %add3A_1649 : vector<16xi32>
        %lt3A_1651 = arith.constant 1000 : i32
        %lt3A_1652 = vector.broadcast %lt3A_1651 : i32 to vector<16xi32>
        %lt3A_1653 = arith.cmpi slt, %add3A_1650, %lt3A_1652 : vector<16xi32>
        %jit3A_1654 = arith.constant 0 : i32
        %broadcast_in_dim3A_1655 = vector.broadcast %jit3A_1654 : i32 to vector<16xi32>
        %select_n3A_1656 = arith.select %lt3A_1653, %add3A_1650, %broadcast_in_dim3A_1655 : vector<16xi1>, vector<16xi32>
        %convert_element_type3A_1657 = arith.sitofp %select_n3A_1656 : vector<16xi32> to vector<16xf32>
        %mul3A_1658 = arith.mulf %convert_element_type3A_1657, %gather3A_1647 : vector<16xf32>
        %add3A_1659 = arith.addf %add3A_1639, %mul3A_1658 : vector<16xf32>
        %add3A_1660 = arith.constant 592 : i32
        %add3A_1661 = arith.addi %mul3A_28, %add3A_1660 : i32
        %get3A_1662 = arith.index_cast %add3A_1661 : i32 to index
        %get3A_1663 = tpu.vector_load %arg6[%get3A_1662] {strides = array<i32>} : memref<16384xi32, #tpu.memory_space<vmem>>, vector<16xi32>,
        %and3A_1664 = arith.constant 1023 : i32
        %and3A_1665 = vector.broadcast %and3A_1664 : i32 to vector<16xi32>
        %and3A_1666 = arith.andi %get3A_1663, %and3A_1665 : vector<16xi32>
        %gather3A_1667 = tpu.vector_load_idx %arg8[%and3A_1666] : memref<1024xf32, #tpu.memory_space<vmem>>[vector<16xi32>], vector<16xf32>,
        %add3A_1668 = arith.constant 592 : i32
        %add3A_1669 = vector.broadcast %add3A_1668 : i32 to vector<16xi32>
        %add3A_1670 = arith.addi %iota3A, %add3A_1669 : vector<16xi32>
        %lt3A_1671 = arith.constant 1000 : i32
        %lt3A_1672 = vector.broadcast %lt3A_1671 : i32 to vector<16xi32>
        %lt3A_1673 = arith.cmpi slt, %add3A_1670, %lt3A_1672 : vector<16xi32>
        %jit3A_1674 = arith.constant 0 : i32
        %broadcast_in_dim3A_1675 = vector.broadcast %jit3A_1674 : i32 to vector<16xi32>
        %select_n3A_1676 = arith.select %lt3A_1673, %add3A_1670, %broadcast_in_dim3A_1675 : vector<16xi1>, vector<16xi32>
        %convert_element_type3A_1677 = arith.sitofp %select_n3A_1676 : vector<16xi32> to vector<16xf32>
        %mul3A_1678 = arith.mulf %convert_element_type3A_1677, %gather3A_1667 : vector<16xf32>
        %add3A_1679 = arith.addf %add3A_1659, %mul3A_1678 : vector<16xf32>
        %add3A_1680 = arith.constant 608 : i32
        %add3A_1681 = arith.addi %mul3A_28, %add3A_1680 : i32
        %get3A_1682 = arith.index_cast %add3A_1681 : i32 to index
        %get3A_1683 = tpu.vector_load %arg6[%get3A_1682] {strides = array<i32>} : memref<16384xi32, #tpu.memory_space<vmem>>, vector<16xi32>,
        %and3A_1684 = arith.constant 1023 : i32
        %and3A_1685 = vector.broadcast %and3A_1684 : i32 to vector<16xi32>
        %and3A_1686 = arith.andi %get3A_1683, %and3A_1685 : vector<16xi32>
        %gather3A_1687 = tpu.vector_load_idx %arg8[%and3A_1686] : memref<1024xf32, #tpu.memory_space<vmem>>[vector<16xi32>], vector<16xf32>,
        %add3A_1688 = arith.constant 608 : i32
        %add3A_1689 = vector.broadcast %add3A_1688 : i32 to vector<16xi32>
        %add3A_1690 = arith.addi %iota3A, %add3A_1689 : vector<16xi32>
        %lt3A_1691 = arith.constant 1000 : i32
        %lt3A_1692 = vector.broadcast %lt3A_1691 : i32 to vector<16xi32>
        %lt3A_1693 = arith.cmpi slt, %add3A_1690, %lt3A_1692 : vector<16xi32>
        %jit3A_1694 = arith.constant 0 : i32
        %broadcast_in_dim3A_1695 = vector.broadcast %jit3A_1694 : i32 to vector<16xi32>
        %select_n3A_1696 = arith.select %lt3A_1693, %add3A_1690, %broadcast_in_dim3A_1695 : vector<16xi1>, vector<16xi32>
        %convert_element_type3A_1697 = arith.sitofp %select_n3A_1696 : vector<16xi32> to vector<16xf32>
        %mul3A_1698 = arith.mulf %convert_element_type3A_1697, %gather3A_1687 : vector<16xf32>
        %add3A_1699 = arith.addf %add3A_1679, %mul3A_1698 : vector<16xf32>
        %add3A_1700 = arith.constant 624 : i32
        %add3A_1701 = arith.addi %mul3A_28, %add3A_1700 : i32
        %get3A_1702 = arith.index_cast %add3A_1701 : i32 to index
        %get3A_1703 = tpu.vector_load %arg6[%get3A_1702] {strides = array<i32>} : memref<16384xi32, #tpu.memory_space<vmem>>, vector<16xi32>,
        %and3A_1704 = arith.constant 1023 : i32
        %and3A_1705 = vector.broadcast %and3A_1704 : i32 to vector<16xi32>
        %and3A_1706 = arith.andi %get3A_1703, %and3A_1705 : vector<16xi32>
        %gather3A_1707 = tpu.vector_load_idx %arg8[%and3A_1706] : memref<1024xf32, #tpu.memory_space<vmem>>[vector<16xi32>], vector<16xf32>,
        %add3A_1708 = arith.constant 624 : i32
        %add3A_1709 = vector.broadcast %add3A_1708 : i32 to vector<16xi32>
        %add3A_1710 = arith.addi %iota3A, %add3A_1709 : vector<16xi32>
        %lt3A_1711 = arith.constant 1000 : i32
        %lt3A_1712 = vector.broadcast %lt3A_1711 : i32 to vector<16xi32>
        %lt3A_1713 = arith.cmpi slt, %add3A_1710, %lt3A_1712 : vector<16xi32>
        %jit3A_1714 = arith.constant 0 : i32
        %broadcast_in_dim3A_1715 = vector.broadcast %jit3A_1714 : i32 to vector<16xi32>
        %select_n3A_1716 = arith.select %lt3A_1713, %add3A_1710, %broadcast_in_dim3A_1715 : vector<16xi1>, vector<16xi32>
        %convert_element_type3A_1717 = arith.sitofp %select_n3A_1716 : vector<16xi32> to vector<16xf32>
        %mul3A_1718 = arith.mulf %convert_element_type3A_1717, %gather3A_1707 : vector<16xf32>
        %add3A_1719 = arith.addf %add3A_1699, %mul3A_1718 : vector<16xf32>
        %add3A_1720 = arith.constant 640 : i32
        %add3A_1721 = arith.addi %mul3A_28, %add3A_1720 : i32
        %get3A_1722 = arith.index_cast %add3A_1721 : i32 to index
        %get3A_1723 = tpu.vector_load %arg6[%get3A_1722] {strides = array<i32>} : memref<16384xi32, #tpu.memory_space<vmem>>, vector<16xi32>,
        %and3A_1724 = arith.constant 1023 : i32
        %and3A_1725 = vector.broadcast %and3A_1724 : i32 to vector<16xi32>
        %and3A_1726 = arith.andi %get3A_1723, %and3A_1725 : vector<16xi32>
        %gather3A_1727 = tpu.vector_load_idx %arg8[%and3A_1726] : memref<1024xf32, #tpu.memory_space<vmem>>[vector<16xi32>], vector<16xf32>,
        %add3A_1728 = arith.constant 640 : i32
        %add3A_1729 = vector.broadcast %add3A_1728 : i32 to vector<16xi32>
        %add3A_1730 = arith.addi %iota3A, %add3A_1729 : vector<16xi32>
        %lt3A_1731 = arith.constant 1000 : i32
        %lt3A_1732 = vector.broadcast %lt3A_1731 : i32 to vector<16xi32>
        %lt3A_1733 = arith.cmpi slt, %add3A_1730, %lt3A_1732 : vector<16xi32>
        %jit3A_1734 = arith.constant 0 : i32
        %broadcast_in_dim3A_1735 = vector.broadcast %jit3A_1734 : i32 to vector<16xi32>
        %select_n3A_1736 = arith.select %lt3A_1733, %add3A_1730, %broadcast_in_dim3A_1735 : vector<16xi1>, vector<16xi32>
        %convert_element_type3A_1737 = arith.sitofp %select_n3A_1736 : vector<16xi32> to vector<16xf32>
        %mul3A_1738 = arith.mulf %convert_element_type3A_1737, %gather3A_1727 : vector<16xf32>
        %add3A_1739 = arith.addf %add3A_1719, %mul3A_1738 : vector<16xf32>
        %add3A_1740 = arith.constant 656 : i32
        %add3A_1741 = arith.addi %mul3A_28, %add3A_1740 : i32
        %get3A_1742 = arith.index_cast %add3A_1741 : i32 to index
        %get3A_1743 = tpu.vector_load %arg6[%get3A_1742] {strides = array<i32>} : memref<16384xi32, #tpu.memory_space<vmem>>, vector<16xi32>,
        %and3A_1744 = arith.constant 1023 : i32
        %and3A_1745 = vector.broadcast %and3A_1744 : i32 to vector<16xi32>
        %and3A_1746 = arith.andi %get3A_1743, %and3A_1745 : vector<16xi32>
        %gather3A_1747 = tpu.vector_load_idx %arg8[%and3A_1746] : memref<1024xf32, #tpu.memory_space<vmem>>[vector<16xi32>], vector<16xf32>,
        %add3A_1748 = arith.constant 656 : i32
        %add3A_1749 = vector.broadcast %add3A_1748 : i32 to vector<16xi32>
        %add3A_1750 = arith.addi %iota3A, %add3A_1749 : vector<16xi32>
        %lt3A_1751 = arith.constant 1000 : i32
        %lt3A_1752 = vector.broadcast %lt3A_1751 : i32 to vector<16xi32>
        %lt3A_1753 = arith.cmpi slt, %add3A_1750, %lt3A_1752 : vector<16xi32>
        %jit3A_1754 = arith.constant 0 : i32
        %broadcast_in_dim3A_1755 = vector.broadcast %jit3A_1754 : i32 to vector<16xi32>
        %select_n3A_1756 = arith.select %lt3A_1753, %add3A_1750, %broadcast_in_dim3A_1755 : vector<16xi1>, vector<16xi32>
        %convert_element_type3A_1757 = arith.sitofp %select_n3A_1756 : vector<16xi32> to vector<16xf32>
        %mul3A_1758 = arith.mulf %convert_element_type3A_1757, %gather3A_1747 : vector<16xf32>
        %add3A_1759 = arith.addf %add3A_1739, %mul3A_1758 : vector<16xf32>
        %add3A_1760 = arith.constant 672 : i32
        %add3A_1761 = arith.addi %mul3A_28, %add3A_1760 : i32
        %get3A_1762 = arith.index_cast %add3A_1761 : i32 to index
        %get3A_1763 = tpu.vector_load %arg6[%get3A_1762] {strides = array<i32>} : memref<16384xi32, #tpu.memory_space<vmem>>, vector<16xi32>,
        %and3A_1764 = arith.constant 1023 : i32
        %and3A_1765 = vector.broadcast %and3A_1764 : i32 to vector<16xi32>
        %and3A_1766 = arith.andi %get3A_1763, %and3A_1765 : vector<16xi32>
        %gather3A_1767 = tpu.vector_load_idx %arg8[%and3A_1766] : memref<1024xf32, #tpu.memory_space<vmem>>[vector<16xi32>], vector<16xf32>,
        %add3A_1768 = arith.constant 672 : i32
        %add3A_1769 = vector.broadcast %add3A_1768 : i32 to vector<16xi32>
        %add3A_1770 = arith.addi %iota3A, %add3A_1769 : vector<16xi32>
        %lt3A_1771 = arith.constant 1000 : i32
        %lt3A_1772 = vector.broadcast %lt3A_1771 : i32 to vector<16xi32>
        %lt3A_1773 = arith.cmpi slt, %add3A_1770, %lt3A_1772 : vector<16xi32>
        %jit3A_1774 = arith.constant 0 : i32
        %broadcast_in_dim3A_1775 = vector.broadcast %jit3A_1774 : i32 to vector<16xi32>
        %select_n3A_1776 = arith.select %lt3A_1773, %add3A_1770, %broadcast_in_dim3A_1775 : vector<16xi1>, vector<16xi32>
        %convert_element_type3A_1777 = arith.sitofp %select_n3A_1776 : vector<16xi32> to vector<16xf32>
        %mul3A_1778 = arith.mulf %convert_element_type3A_1777, %gather3A_1767 : vector<16xf32>
        %add3A_1779 = arith.addf %add3A_1759, %mul3A_1778 : vector<16xf32>
        %add3A_1780 = arith.constant 688 : i32
        %add3A_1781 = arith.addi %mul3A_28, %add3A_1780 : i32
        %get3A_1782 = arith.index_cast %add3A_1781 : i32 to index
        %get3A_1783 = tpu.vector_load %arg6[%get3A_1782] {strides = array<i32>} : memref<16384xi32, #tpu.memory_space<vmem>>, vector<16xi32>,
        %and3A_1784 = arith.constant 1023 : i32
        %and3A_1785 = vector.broadcast %and3A_1784 : i32 to vector<16xi32>
        %and3A_1786 = arith.andi %get3A_1783, %and3A_1785 : vector<16xi32>
        %gather3A_1787 = tpu.vector_load_idx %arg8[%and3A_1786] : memref<1024xf32, #tpu.memory_space<vmem>>[vector<16xi32>], vector<16xf32>,
        %add3A_1788 = arith.constant 688 : i32
        %add3A_1789 = vector.broadcast %add3A_1788 : i32 to vector<16xi32>
        %add3A_1790 = arith.addi %iota3A, %add3A_1789 : vector<16xi32>
        %lt3A_1791 = arith.constant 1000 : i32
        %lt3A_1792 = vector.broadcast %lt3A_1791 : i32 to vector<16xi32>
        %lt3A_1793 = arith.cmpi slt, %add3A_1790, %lt3A_1792 : vector<16xi32>
        %jit3A_1794 = arith.constant 0 : i32
        %broadcast_in_dim3A_1795 = vector.broadcast %jit3A_1794 : i32 to vector<16xi32>
        %select_n3A_1796 = arith.select %lt3A_1793, %add3A_1790, %broadcast_in_dim3A_1795 : vector<16xi1>, vector<16xi32>
        %convert_element_type3A_1797 = arith.sitofp %select_n3A_1796 : vector<16xi32> to vector<16xf32>
        %mul3A_1798 = arith.mulf %convert_element_type3A_1797, %gather3A_1787 : vector<16xf32>
        %add3A_1799 = arith.addf %add3A_1779, %mul3A_1798 : vector<16xf32>
        %add3A_1800 = arith.constant 704 : i32
        %add3A_1801 = arith.addi %mul3A_28, %add3A_1800 : i32
        %get3A_1802 = arith.index_cast %add3A_1801 : i32 to index
        %get3A_1803 = tpu.vector_load %arg6[%get3A_1802] {strides = array<i32>} : memref<16384xi32, #tpu.memory_space<vmem>>, vector<16xi32>,
        %and3A_1804 = arith.constant 1023 : i32
        %and3A_1805 = vector.broadcast %and3A_1804 : i32 to vector<16xi32>
        %and3A_1806 = arith.andi %get3A_1803, %and3A_1805 : vector<16xi32>
        %gather3A_1807 = tpu.vector_load_idx %arg8[%and3A_1806] : memref<1024xf32, #tpu.memory_space<vmem>>[vector<16xi32>], vector<16xf32>,
        %add3A_1808 = arith.constant 704 : i32
        %add3A_1809 = vector.broadcast %add3A_1808 : i32 to vector<16xi32>
        %add3A_1810 = arith.addi %iota3A, %add3A_1809 : vector<16xi32>
        %lt3A_1811 = arith.constant 1000 : i32
        %lt3A_1812 = vector.broadcast %lt3A_1811 : i32 to vector<16xi32>
        %lt3A_1813 = arith.cmpi slt, %add3A_1810, %lt3A_1812 : vector<16xi32>
        %jit3A_1814 = arith.constant 0 : i32
        %broadcast_in_dim3A_1815 = vector.broadcast %jit3A_1814 : i32 to vector<16xi32>
        %select_n3A_1816 = arith.select %lt3A_1813, %add3A_1810, %broadcast_in_dim3A_1815 : vector<16xi1>, vector<16xi32>
        %convert_element_type3A_1817 = arith.sitofp %select_n3A_1816 : vector<16xi32> to vector<16xf32>
        %mul3A_1818 = arith.mulf %convert_element_type3A_1817, %gather3A_1807 : vector<16xf32>
        %add3A_1819 = arith.addf %add3A_1799, %mul3A_1818 : vector<16xf32>
        %add3A_1820 = arith.constant 720 : i32
        %add3A_1821 = arith.addi %mul3A_28, %add3A_1820 : i32
        %get3A_1822 = arith.index_cast %add3A_1821 : i32 to index
        %get3A_1823 = tpu.vector_load %arg6[%get3A_1822] {strides = array<i32>} : memref<16384xi32, #tpu.memory_space<vmem>>, vector<16xi32>,
        %and3A_1824 = arith.constant 1023 : i32
        %and3A_1825 = vector.broadcast %and3A_1824 : i32 to vector<16xi32>
        %and3A_1826 = arith.andi %get3A_1823, %and3A_1825 : vector<16xi32>
        %gather3A_1827 = tpu.vector_load_idx %arg8[%and3A_1826] : memref<1024xf32, #tpu.memory_space<vmem>>[vector<16xi32>], vector<16xf32>,
        %add3A_1828 = arith.constant 720 : i32
        %add3A_1829 = vector.broadcast %add3A_1828 : i32 to vector<16xi32>
        %add3A_1830 = arith.addi %iota3A, %add3A_1829 : vector<16xi32>
        %lt3A_1831 = arith.constant 1000 : i32
        %lt3A_1832 = vector.broadcast %lt3A_1831 : i32 to vector<16xi32>
        %lt3A_1833 = arith.cmpi slt, %add3A_1830, %lt3A_1832 : vector<16xi32>
        %jit3A_1834 = arith.constant 0 : i32
        %broadcast_in_dim3A_1835 = vector.broadcast %jit3A_1834 : i32 to vector<16xi32>
        %select_n3A_1836 = arith.select %lt3A_1833, %add3A_1830, %broadcast_in_dim3A_1835 : vector<16xi1>, vector<16xi32>
        %convert_element_type3A_1837 = arith.sitofp %select_n3A_1836 : vector<16xi32> to vector<16xf32>
        %mul3A_1838 = arith.mulf %convert_element_type3A_1837, %gather3A_1827 : vector<16xf32>
        %add3A_1839 = arith.addf %add3A_1819, %mul3A_1838 : vector<16xf32>
        %add3A_1840 = arith.constant 736 : i32
        %add3A_1841 = arith.addi %mul3A_28, %add3A_1840 : i32
        %get3A_1842 = arith.index_cast %add3A_1841 : i32 to index
        %get3A_1843 = tpu.vector_load %arg6[%get3A_1842] {strides = array<i32>} : memref<16384xi32, #tpu.memory_space<vmem>>, vector<16xi32>,
        %and3A_1844 = arith.constant 1023 : i32
        %and3A_1845 = vector.broadcast %and3A_1844 : i32 to vector<16xi32>
        %and3A_1846 = arith.andi %get3A_1843, %and3A_1845 : vector<16xi32>
        %gather3A_1847 = tpu.vector_load_idx %arg8[%and3A_1846] : memref<1024xf32, #tpu.memory_space<vmem>>[vector<16xi32>], vector<16xf32>,
        %add3A_1848 = arith.constant 736 : i32
        %add3A_1849 = vector.broadcast %add3A_1848 : i32 to vector<16xi32>
        %add3A_1850 = arith.addi %iota3A, %add3A_1849 : vector<16xi32>
        %lt3A_1851 = arith.constant 1000 : i32
        %lt3A_1852 = vector.broadcast %lt3A_1851 : i32 to vector<16xi32>
        %lt3A_1853 = arith.cmpi slt, %add3A_1850, %lt3A_1852 : vector<16xi32>
        %jit3A_1854 = arith.constant 0 : i32
        %broadcast_in_dim3A_1855 = vector.broadcast %jit3A_1854 : i32 to vector<16xi32>
        %select_n3A_1856 = arith.select %lt3A_1853, %add3A_1850, %broadcast_in_dim3A_1855 : vector<16xi1>, vector<16xi32>
        %convert_element_type3A_1857 = arith.sitofp %select_n3A_1856 : vector<16xi32> to vector<16xf32>
        %mul3A_1858 = arith.mulf %convert_element_type3A_1857, %gather3A_1847 : vector<16xf32>
        %add3A_1859 = arith.addf %add3A_1839, %mul3A_1858 : vector<16xf32>
        %add3A_1860 = arith.constant 752 : i32
        %add3A_1861 = arith.addi %mul3A_28, %add3A_1860 : i32
        %get3A_1862 = arith.index_cast %add3A_1861 : i32 to index
        %get3A_1863 = tpu.vector_load %arg6[%get3A_1862] {strides = array<i32>} : memref<16384xi32, #tpu.memory_space<vmem>>, vector<16xi32>,
        %and3A_1864 = arith.constant 1023 : i32
        %and3A_1865 = vector.broadcast %and3A_1864 : i32 to vector<16xi32>
        %and3A_1866 = arith.andi %get3A_1863, %and3A_1865 : vector<16xi32>
        %gather3A_1867 = tpu.vector_load_idx %arg8[%and3A_1866] : memref<1024xf32, #tpu.memory_space<vmem>>[vector<16xi32>], vector<16xf32>,
        %add3A_1868 = arith.constant 752 : i32
        %add3A_1869 = vector.broadcast %add3A_1868 : i32 to vector<16xi32>
        %add3A_1870 = arith.addi %iota3A, %add3A_1869 : vector<16xi32>
        %lt3A_1871 = arith.constant 1000 : i32
        %lt3A_1872 = vector.broadcast %lt3A_1871 : i32 to vector<16xi32>
        %lt3A_1873 = arith.cmpi slt, %add3A_1870, %lt3A_1872 : vector<16xi32>
        %jit3A_1874 = arith.constant 0 : i32
        %broadcast_in_dim3A_1875 = vector.broadcast %jit3A_1874 : i32 to vector<16xi32>
        %select_n3A_1876 = arith.select %lt3A_1873, %add3A_1870, %broadcast_in_dim3A_1875 : vector<16xi1>, vector<16xi32>
        %convert_element_type3A_1877 = arith.sitofp %select_n3A_1876 : vector<16xi32> to vector<16xf32>
        %mul3A_1878 = arith.mulf %convert_element_type3A_1877, %gather3A_1867 : vector<16xf32>
        %add3A_1879 = arith.addf %add3A_1859, %mul3A_1878 : vector<16xf32>
        %add3A_1880 = arith.constant 768 : i32
        %add3A_1881 = arith.addi %mul3A_28, %add3A_1880 : i32
        %get3A_1882 = arith.index_cast %add3A_1881 : i32 to index
        %get3A_1883 = tpu.vector_load %arg6[%get3A_1882] {strides = array<i32>} : memref<16384xi32, #tpu.memory_space<vmem>>, vector<16xi32>,
        %and3A_1884 = arith.constant 1023 : i32
        %and3A_1885 = vector.broadcast %and3A_1884 : i32 to vector<16xi32>
        %and3A_1886 = arith.andi %get3A_1883, %and3A_1885 : vector<16xi32>
        %gather3A_1887 = tpu.vector_load_idx %arg8[%and3A_1886] : memref<1024xf32, #tpu.memory_space<vmem>>[vector<16xi32>], vector<16xf32>,
        %add3A_1888 = arith.constant 768 : i32
        %add3A_1889 = vector.broadcast %add3A_1888 : i32 to vector<16xi32>
        %add3A_1890 = arith.addi %iota3A, %add3A_1889 : vector<16xi32>
        %lt3A_1891 = arith.constant 1000 : i32
        %lt3A_1892 = vector.broadcast %lt3A_1891 : i32 to vector<16xi32>
        %lt3A_1893 = arith.cmpi slt, %add3A_1890, %lt3A_1892 : vector<16xi32>
        %jit3A_1894 = arith.constant 0 : i32
        %broadcast_in_dim3A_1895 = vector.broadcast %jit3A_1894 : i32 to vector<16xi32>
        %select_n3A_1896 = arith.select %lt3A_1893, %add3A_1890, %broadcast_in_dim3A_1895 : vector<16xi1>, vector<16xi32>
        %convert_element_type3A_1897 = arith.sitofp %select_n3A_1896 : vector<16xi32> to vector<16xf32>
        %mul3A_1898 = arith.mulf %convert_element_type3A_1897, %gather3A_1887 : vector<16xf32>
        %add3A_1899 = arith.addf %add3A_1879, %mul3A_1898 : vector<16xf32>
        %add3A_1900 = arith.constant 784 : i32
        %add3A_1901 = arith.addi %mul3A_28, %add3A_1900 : i32
        %get3A_1902 = arith.index_cast %add3A_1901 : i32 to index
        %get3A_1903 = tpu.vector_load %arg6[%get3A_1902] {strides = array<i32>} : memref<16384xi32, #tpu.memory_space<vmem>>, vector<16xi32>,
        %and3A_1904 = arith.constant 1023 : i32
        %and3A_1905 = vector.broadcast %and3A_1904 : i32 to vector<16xi32>
        %and3A_1906 = arith.andi %get3A_1903, %and3A_1905 : vector<16xi32>
        %gather3A_1907 = tpu.vector_load_idx %arg8[%and3A_1906] : memref<1024xf32, #tpu.memory_space<vmem>>[vector<16xi32>], vector<16xf32>,
        %add3A_1908 = arith.constant 784 : i32
        %add3A_1909 = vector.broadcast %add3A_1908 : i32 to vector<16xi32>
        %add3A_1910 = arith.addi %iota3A, %add3A_1909 : vector<16xi32>
        %lt3A_1911 = arith.constant 1000 : i32
        %lt3A_1912 = vector.broadcast %lt3A_1911 : i32 to vector<16xi32>
        %lt3A_1913 = arith.cmpi slt, %add3A_1910, %lt3A_1912 : vector<16xi32>
        %jit3A_1914 = arith.constant 0 : i32
        %broadcast_in_dim3A_1915 = vector.broadcast %jit3A_1914 : i32 to vector<16xi32>
        %select_n3A_1916 = arith.select %lt3A_1913, %add3A_1910, %broadcast_in_dim3A_1915 : vector<16xi1>, vector<16xi32>
        %convert_element_type3A_1917 = arith.sitofp %select_n3A_1916 : vector<16xi32> to vector<16xf32>
        %mul3A_1918 = arith.mulf %convert_element_type3A_1917, %gather3A_1907 : vector<16xf32>
        %add3A_1919 = arith.addf %add3A_1899, %mul3A_1918 : vector<16xf32>
        %add3A_1920 = arith.constant 800 : i32
        %add3A_1921 = arith.addi %mul3A_28, %add3A_1920 : i32
        %get3A_1922 = arith.index_cast %add3A_1921 : i32 to index
        %get3A_1923 = tpu.vector_load %arg6[%get3A_1922] {strides = array<i32>} : memref<16384xi32, #tpu.memory_space<vmem>>, vector<16xi32>,
        %and3A_1924 = arith.constant 1023 : i32
        %and3A_1925 = vector.broadcast %and3A_1924 : i32 to vector<16xi32>
        %and3A_1926 = arith.andi %get3A_1923, %and3A_1925 : vector<16xi32>
        %gather3A_1927 = tpu.vector_load_idx %arg8[%and3A_1926] : memref<1024xf32, #tpu.memory_space<vmem>>[vector<16xi32>], vector<16xf32>,
        %add3A_1928 = arith.constant 800 : i32
        %add3A_1929 = vector.broadcast %add3A_1928 : i32 to vector<16xi32>
        %add3A_1930 = arith.addi %iota3A, %add3A_1929 : vector<16xi32>
        %lt3A_1931 = arith.constant 1000 : i32
        %lt3A_1932 = vector.broadcast %lt3A_1931 : i32 to vector<16xi32>
        %lt3A_1933 = arith.cmpi slt, %add3A_1930, %lt3A_1932 : vector<16xi32>
        %jit3A_1934 = arith.constant 0 : i32
        %broadcast_in_dim3A_1935 = vector.broadcast %jit3A_1934 : i32 to vector<16xi32>
        %select_n3A_1936 = arith.select %lt3A_1933, %add3A_1930, %broadcast_in_dim3A_1935 : vector<16xi1>, vector<16xi32>
        %convert_element_type3A_1937 = arith.sitofp %select_n3A_1936 : vector<16xi32> to vector<16xf32>
        %mul3A_1938 = arith.mulf %convert_element_type3A_1937, %gather3A_1927 : vector<16xf32>
        %add3A_1939 = arith.addf %add3A_1919, %mul3A_1938 : vector<16xf32>
        %add3A_1940 = arith.constant 816 : i32
        %add3A_1941 = arith.addi %mul3A_28, %add3A_1940 : i32
        %get3A_1942 = arith.index_cast %add3A_1941 : i32 to index
        %get3A_1943 = tpu.vector_load %arg6[%get3A_1942] {strides = array<i32>} : memref<16384xi32, #tpu.memory_space<vmem>>, vector<16xi32>,
        %and3A_1944 = arith.constant 1023 : i32
        %and3A_1945 = vector.broadcast %and3A_1944 : i32 to vector<16xi32>
        %and3A_1946 = arith.andi %get3A_1943, %and3A_1945 : vector<16xi32>
        %gather3A_1947 = tpu.vector_load_idx %arg8[%and3A_1946] : memref<1024xf32, #tpu.memory_space<vmem>>[vector<16xi32>], vector<16xf32>,
        %add3A_1948 = arith.constant 816 : i32
        %add3A_1949 = vector.broadcast %add3A_1948 : i32 to vector<16xi32>
        %add3A_1950 = arith.addi %iota3A, %add3A_1949 : vector<16xi32>
        %lt3A_1951 = arith.constant 1000 : i32
        %lt3A_1952 = vector.broadcast %lt3A_1951 : i32 to vector<16xi32>
        %lt3A_1953 = arith.cmpi slt, %add3A_1950, %lt3A_1952 : vector<16xi32>
        %jit3A_1954 = arith.constant 0 : i32
        %broadcast_in_dim3A_1955 = vector.broadcast %jit3A_1954 : i32 to vector<16xi32>
        %select_n3A_1956 = arith.select %lt3A_1953, %add3A_1950, %broadcast_in_dim3A_1955 : vector<16xi1>, vector<16xi32>
        %convert_element_type3A_1957 = arith.sitofp %select_n3A_1956 : vector<16xi32> to vector<16xf32>
        %mul3A_1958 = arith.mulf %convert_element_type3A_1957, %gather3A_1947 : vector<16xf32>
        %add3A_1959 = arith.addf %add3A_1939, %mul3A_1958 : vector<16xf32>
        %add3A_1960 = arith.constant 832 : i32
        %add3A_1961 = arith.addi %mul3A_28, %add3A_1960 : i32
        %get3A_1962 = arith.index_cast %add3A_1961 : i32 to index
        %get3A_1963 = tpu.vector_load %arg6[%get3A_1962] {strides = array<i32>} : memref<16384xi32, #tpu.memory_space<vmem>>, vector<16xi32>,
        %and3A_1964 = arith.constant 1023 : i32
        %and3A_1965 = vector.broadcast %and3A_1964 : i32 to vector<16xi32>
        %and3A_1966 = arith.andi %get3A_1963, %and3A_1965 : vector<16xi32>
        %gather3A_1967 = tpu.vector_load_idx %arg8[%and3A_1966] : memref<1024xf32, #tpu.memory_space<vmem>>[vector<16xi32>], vector<16xf32>,
        %add3A_1968 = arith.constant 832 : i32
        %add3A_1969 = vector.broadcast %add3A_1968 : i32 to vector<16xi32>
        %add3A_1970 = arith.addi %iota3A, %add3A_1969 : vector<16xi32>
        %lt3A_1971 = arith.constant 1000 : i32
        %lt3A_1972 = vector.broadcast %lt3A_1971 : i32 to vector<16xi32>
        %lt3A_1973 = arith.cmpi slt, %add3A_1970, %lt3A_1972 : vector<16xi32>
        %jit3A_1974 = arith.constant 0 : i32
        %broadcast_in_dim3A_1975 = vector.broadcast %jit3A_1974 : i32 to vector<16xi32>
        %select_n3A_1976 = arith.select %lt3A_1973, %add3A_1970, %broadcast_in_dim3A_1975 : vector<16xi1>, vector<16xi32>
        %convert_element_type3A_1977 = arith.sitofp %select_n3A_1976 : vector<16xi32> to vector<16xf32>
        %mul3A_1978 = arith.mulf %convert_element_type3A_1977, %gather3A_1967 : vector<16xf32>
        %add3A_1979 = arith.addf %add3A_1959, %mul3A_1978 : vector<16xf32>
        %add3A_1980 = arith.constant 848 : i32
        %add3A_1981 = arith.addi %mul3A_28, %add3A_1980 : i32
        %get3A_1982 = arith.index_cast %add3A_1981 : i32 to index
        %get3A_1983 = tpu.vector_load %arg6[%get3A_1982] {strides = array<i32>} : memref<16384xi32, #tpu.memory_space<vmem>>, vector<16xi32>,
        %and3A_1984 = arith.constant 1023 : i32
        %and3A_1985 = vector.broadcast %and3A_1984 : i32 to vector<16xi32>
        %and3A_1986 = arith.andi %get3A_1983, %and3A_1985 : vector<16xi32>
        %gather3A_1987 = tpu.vector_load_idx %arg8[%and3A_1986] : memref<1024xf32, #tpu.memory_space<vmem>>[vector<16xi32>], vector<16xf32>,
        %add3A_1988 = arith.constant 848 : i32
        %add3A_1989 = vector.broadcast %add3A_1988 : i32 to vector<16xi32>
        %add3A_1990 = arith.addi %iota3A, %add3A_1989 : vector<16xi32>
        %lt3A_1991 = arith.constant 1000 : i32
        %lt3A_1992 = vector.broadcast %lt3A_1991 : i32 to vector<16xi32>
        %lt3A_1993 = arith.cmpi slt, %add3A_1990, %lt3A_1992 : vector<16xi32>
        %jit3A_1994 = arith.constant 0 : i32
        %broadcast_in_dim3A_1995 = vector.broadcast %jit3A_1994 : i32 to vector<16xi32>
        %select_n3A_1996 = arith.select %lt3A_1993, %add3A_1990, %broadcast_in_dim3A_1995 : vector<16xi1>, vector<16xi32>
        %convert_element_type3A_1997 = arith.sitofp %select_n3A_1996 : vector<16xi32> to vector<16xf32>
        %mul3A_1998 = arith.mulf %convert_element_type3A_1997, %gather3A_1987 : vector<16xf32>
        %add3A_1999 = arith.addf %add3A_1979, %mul3A_1998 : vector<16xf32>
        %add3A_2000 = arith.constant 864 : i32
        %add3A_2001 = arith.addi %mul3A_28, %add3A_2000 : i32
        %get3A_2002 = arith.index_cast %add3A_2001 : i32 to index
        %get3A_2003 = tpu.vector_load %arg6[%get3A_2002] {strides = array<i32>} : memref<16384xi32, #tpu.memory_space<vmem>>, vector<16xi32>,
        %and3A_2004 = arith.constant 1023 : i32
        %and3A_2005 = vector.broadcast %and3A_2004 : i32 to vector<16xi32>
        %and3A_2006 = arith.andi %get3A_2003, %and3A_2005 : vector<16xi32>
        %gather3A_2007 = tpu.vector_load_idx %arg8[%and3A_2006] : memref<1024xf32, #tpu.memory_space<vmem>>[vector<16xi32>], vector<16xf32>,
        %add3A_2008 = arith.constant 864 : i32
        %add3A_2009 = vector.broadcast %add3A_2008 : i32 to vector<16xi32>
        %add3A_2010 = arith.addi %iota3A, %add3A_2009 : vector<16xi32>
        %lt3A_2011 = arith.constant 1000 : i32
        %lt3A_2012 = vector.broadcast %lt3A_2011 : i32 to vector<16xi32>
        %lt3A_2013 = arith.cmpi slt, %add3A_2010, %lt3A_2012 : vector<16xi32>
        %jit3A_2014 = arith.constant 0 : i32
        %broadcast_in_dim3A_2015 = vector.broadcast %jit3A_2014 : i32 to vector<16xi32>
        %select_n3A_2016 = arith.select %lt3A_2013, %add3A_2010, %broadcast_in_dim3A_2015 : vector<16xi1>, vector<16xi32>
        %convert_element_type3A_2017 = arith.sitofp %select_n3A_2016 : vector<16xi32> to vector<16xf32>
        %mul3A_2018 = arith.mulf %convert_element_type3A_2017, %gather3A_2007 : vector<16xf32>
        %add3A_2019 = arith.addf %add3A_1999, %mul3A_2018 : vector<16xf32>
        %add3A_2020 = arith.constant 880 : i32
        %add3A_2021 = arith.addi %mul3A_28, %add3A_2020 : i32
        %get3A_2022 = arith.index_cast %add3A_2021 : i32 to index
        %get3A_2023 = tpu.vector_load %arg6[%get3A_2022] {strides = array<i32>} : memref<16384xi32, #tpu.memory_space<vmem>>, vector<16xi32>,
        %and3A_2024 = arith.constant 1023 : i32
        %and3A_2025 = vector.broadcast %and3A_2024 : i32 to vector<16xi32>
        %and3A_2026 = arith.andi %get3A_2023, %and3A_2025 : vector<16xi32>
        %gather3A_2027 = tpu.vector_load_idx %arg8[%and3A_2026] : memref<1024xf32, #tpu.memory_space<vmem>>[vector<16xi32>], vector<16xf32>,
        %add3A_2028 = arith.constant 880 : i32
        %add3A_2029 = vector.broadcast %add3A_2028 : i32 to vector<16xi32>
        %add3A_2030 = arith.addi %iota3A, %add3A_2029 : vector<16xi32>
        %lt3A_2031 = arith.constant 1000 : i32
        %lt3A_2032 = vector.broadcast %lt3A_2031 : i32 to vector<16xi32>
        %lt3A_2033 = arith.cmpi slt, %add3A_2030, %lt3A_2032 : vector<16xi32>
        %jit3A_2034 = arith.constant 0 : i32
        %broadcast_in_dim3A_2035 = vector.broadcast %jit3A_2034 : i32 to vector<16xi32>
        %select_n3A_2036 = arith.select %lt3A_2033, %add3A_2030, %broadcast_in_dim3A_2035 : vector<16xi1>, vector<16xi32>
        %convert_element_type3A_2037 = arith.sitofp %select_n3A_2036 : vector<16xi32> to vector<16xf32>
        %mul3A_2038 = arith.mulf %convert_element_type3A_2037, %gather3A_2027 : vector<16xf32>
        %add3A_2039 = arith.addf %add3A_2019, %mul3A_2038 : vector<16xf32>
        %add3A_2040 = arith.constant 896 : i32
        %add3A_2041 = arith.addi %mul3A_28, %add3A_2040 : i32
        %get3A_2042 = arith.index_cast %add3A_2041 : i32 to index
        %get3A_2043 = tpu.vector_load %arg6[%get3A_2042] {strides = array<i32>} : memref<16384xi32, #tpu.memory_space<vmem>>, vector<16xi32>,
        %and3A_2044 = arith.constant 1023 : i32
        %and3A_2045 = vector.broadcast %and3A_2044 : i32 to vector<16xi32>
        %and3A_2046 = arith.andi %get3A_2043, %and3A_2045 : vector<16xi32>
        %gather3A_2047 = tpu.vector_load_idx %arg8[%and3A_2046] : memref<1024xf32, #tpu.memory_space<vmem>>[vector<16xi32>], vector<16xf32>,
        %add3A_2048 = arith.constant 896 : i32
        %add3A_2049 = vector.broadcast %add3A_2048 : i32 to vector<16xi32>
        %add3A_2050 = arith.addi %iota3A, %add3A_2049 : vector<16xi32>
        %lt3A_2051 = arith.constant 1000 : i32
        %lt3A_2052 = vector.broadcast %lt3A_2051 : i32 to vector<16xi32>
        %lt3A_2053 = arith.cmpi slt, %add3A_2050, %lt3A_2052 : vector<16xi32>
        %jit3A_2054 = arith.constant 0 : i32
        %broadcast_in_dim3A_2055 = vector.broadcast %jit3A_2054 : i32 to vector<16xi32>
        %select_n3A_2056 = arith.select %lt3A_2053, %add3A_2050, %broadcast_in_dim3A_2055 : vector<16xi1>, vector<16xi32>
        %convert_element_type3A_2057 = arith.sitofp %select_n3A_2056 : vector<16xi32> to vector<16xf32>
        %mul3A_2058 = arith.mulf %convert_element_type3A_2057, %gather3A_2047 : vector<16xf32>
        %add3A_2059 = arith.addf %add3A_2039, %mul3A_2058 : vector<16xf32>
        %add3A_2060 = arith.constant 912 : i32
        %add3A_2061 = arith.addi %mul3A_28, %add3A_2060 : i32
        %get3A_2062 = arith.index_cast %add3A_2061 : i32 to index
        %get3A_2063 = tpu.vector_load %arg6[%get3A_2062] {strides = array<i32>} : memref<16384xi32, #tpu.memory_space<vmem>>, vector<16xi32>,
        %and3A_2064 = arith.constant 1023 : i32
        %and3A_2065 = vector.broadcast %and3A_2064 : i32 to vector<16xi32>
        %and3A_2066 = arith.andi %get3A_2063, %and3A_2065 : vector<16xi32>
        %gather3A_2067 = tpu.vector_load_idx %arg8[%and3A_2066] : memref<1024xf32, #tpu.memory_space<vmem>>[vector<16xi32>], vector<16xf32>,
        %add3A_2068 = arith.constant 912 : i32
        %add3A_2069 = vector.broadcast %add3A_2068 : i32 to vector<16xi32>
        %add3A_2070 = arith.addi %iota3A, %add3A_2069 : vector<16xi32>
        %lt3A_2071 = arith.constant 1000 : i32
        %lt3A_2072 = vector.broadcast %lt3A_2071 : i32 to vector<16xi32>
        %lt3A_2073 = arith.cmpi slt, %add3A_2070, %lt3A_2072 : vector<16xi32>
        %jit3A_2074 = arith.constant 0 : i32
        %broadcast_in_dim3A_2075 = vector.broadcast %jit3A_2074 : i32 to vector<16xi32>
        %select_n3A_2076 = arith.select %lt3A_2073, %add3A_2070, %broadcast_in_dim3A_2075 : vector<16xi1>, vector<16xi32>
        %convert_element_type3A_2077 = arith.sitofp %select_n3A_2076 : vector<16xi32> to vector<16xf32>
        %mul3A_2078 = arith.mulf %convert_element_type3A_2077, %gather3A_2067 : vector<16xf32>
        %add3A_2079 = arith.addf %add3A_2059, %mul3A_2078 : vector<16xf32>
        %add3A_2080 = arith.constant 928 : i32
        %add3A_2081 = arith.addi %mul3A_28, %add3A_2080 : i32
        %get3A_2082 = arith.index_cast %add3A_2081 : i32 to index
        %get3A_2083 = tpu.vector_load %arg6[%get3A_2082] {strides = array<i32>} : memref<16384xi32, #tpu.memory_space<vmem>>, vector<16xi32>,
        %and3A_2084 = arith.constant 1023 : i32
        %and3A_2085 = vector.broadcast %and3A_2084 : i32 to vector<16xi32>
        %and3A_2086 = arith.andi %get3A_2083, %and3A_2085 : vector<16xi32>
        %gather3A_2087 = tpu.vector_load_idx %arg8[%and3A_2086] : memref<1024xf32, #tpu.memory_space<vmem>>[vector<16xi32>], vector<16xf32>,
        %add3A_2088 = arith.constant 928 : i32
        %add3A_2089 = vector.broadcast %add3A_2088 : i32 to vector<16xi32>
        %add3A_2090 = arith.addi %iota3A, %add3A_2089 : vector<16xi32>
        %lt3A_2091 = arith.constant 1000 : i32
        %lt3A_2092 = vector.broadcast %lt3A_2091 : i32 to vector<16xi32>
        %lt3A_2093 = arith.cmpi slt, %add3A_2090, %lt3A_2092 : vector<16xi32>
        %jit3A_2094 = arith.constant 0 : i32
        %broadcast_in_dim3A_2095 = vector.broadcast %jit3A_2094 : i32 to vector<16xi32>
        %select_n3A_2096 = arith.select %lt3A_2093, %add3A_2090, %broadcast_in_dim3A_2095 : vector<16xi1>, vector<16xi32>
        %convert_element_type3A_2097 = arith.sitofp %select_n3A_2096 : vector<16xi32> to vector<16xf32>
        %mul3A_2098 = arith.mulf %convert_element_type3A_2097, %gather3A_2087 : vector<16xf32>
        %add3A_2099 = arith.addf %add3A_2079, %mul3A_2098 : vector<16xf32>
        %add3A_2100 = arith.constant 944 : i32
        %add3A_2101 = arith.addi %mul3A_28, %add3A_2100 : i32
        %get3A_2102 = arith.index_cast %add3A_2101 : i32 to index
        %get3A_2103 = tpu.vector_load %arg6[%get3A_2102] {strides = array<i32>} : memref<16384xi32, #tpu.memory_space<vmem>>, vector<16xi32>,
        %and3A_2104 = arith.constant 1023 : i32
        %and3A_2105 = vector.broadcast %and3A_2104 : i32 to vector<16xi32>
        %and3A_2106 = arith.andi %get3A_2103, %and3A_2105 : vector<16xi32>
        %gather3A_2107 = tpu.vector_load_idx %arg8[%and3A_2106] : memref<1024xf32, #tpu.memory_space<vmem>>[vector<16xi32>], vector<16xf32>,
        %add3A_2108 = arith.constant 944 : i32
        %add3A_2109 = vector.broadcast %add3A_2108 : i32 to vector<16xi32>
        %add3A_2110 = arith.addi %iota3A, %add3A_2109 : vector<16xi32>
        %lt3A_2111 = arith.constant 1000 : i32
        %lt3A_2112 = vector.broadcast %lt3A_2111 : i32 to vector<16xi32>
        %lt3A_2113 = arith.cmpi slt, %add3A_2110, %lt3A_2112 : vector<16xi32>
        %jit3A_2114 = arith.constant 0 : i32
        %broadcast_in_dim3A_2115 = vector.broadcast %jit3A_2114 : i32 to vector<16xi32>
        %select_n3A_2116 = arith.select %lt3A_2113, %add3A_2110, %broadcast_in_dim3A_2115 : vector<16xi1>, vector<16xi32>
        %convert_element_type3A_2117 = arith.sitofp %select_n3A_2116 : vector<16xi32> to vector<16xf32>
        %mul3A_2118 = arith.mulf %convert_element_type3A_2117, %gather3A_2107 : vector<16xf32>
        %add3A_2119 = arith.addf %add3A_2099, %mul3A_2118 : vector<16xf32>
        %add3A_2120 = arith.constant 960 : i32
        %add3A_2121 = arith.addi %mul3A_28, %add3A_2120 : i32
        %get3A_2122 = arith.index_cast %add3A_2121 : i32 to index
        %get3A_2123 = tpu.vector_load %arg6[%get3A_2122] {strides = array<i32>} : memref<16384xi32, #tpu.memory_space<vmem>>, vector<16xi32>,
        %and3A_2124 = arith.constant 1023 : i32
        %and3A_2125 = vector.broadcast %and3A_2124 : i32 to vector<16xi32>
        %and3A_2126 = arith.andi %get3A_2123, %and3A_2125 : vector<16xi32>
        %gather3A_2127 = tpu.vector_load_idx %arg8[%and3A_2126] : memref<1024xf32, #tpu.memory_space<vmem>>[vector<16xi32>], vector<16xf32>,
        %add3A_2128 = arith.constant 960 : i32
        %add3A_2129 = vector.broadcast %add3A_2128 : i32 to vector<16xi32>
        %add3A_2130 = arith.addi %iota3A, %add3A_2129 : vector<16xi32>
        %lt3A_2131 = arith.constant 1000 : i32
        %lt3A_2132 = vector.broadcast %lt3A_2131 : i32 to vector<16xi32>
        %lt3A_2133 = arith.cmpi slt, %add3A_2130, %lt3A_2132 : vector<16xi32>
        %jit3A_2134 = arith.constant 0 : i32
        %broadcast_in_dim3A_2135 = vector.broadcast %jit3A_2134 : i32 to vector<16xi32>
        %select_n3A_2136 = arith.select %lt3A_2133, %add3A_2130, %broadcast_in_dim3A_2135 : vector<16xi1>, vector<16xi32>
        %convert_element_type3A_2137 = arith.sitofp %select_n3A_2136 : vector<16xi32> to vector<16xf32>
        %mul3A_2138 = arith.mulf %convert_element_type3A_2137, %gather3A_2127 : vector<16xf32>
        %add3A_2139 = arith.addf %add3A_2119, %mul3A_2138 : vector<16xf32>
        %add3A_2140 = arith.constant 976 : i32
        %add3A_2141 = arith.addi %mul3A_28, %add3A_2140 : i32
        %get3A_2142 = arith.index_cast %add3A_2141 : i32 to index
        %get3A_2143 = tpu.vector_load %arg6[%get3A_2142] {strides = array<i32>} : memref<16384xi32, #tpu.memory_space<vmem>>, vector<16xi32>,
        %and3A_2144 = arith.constant 1023 : i32
        %and3A_2145 = vector.broadcast %and3A_2144 : i32 to vector<16xi32>
        %and3A_2146 = arith.andi %get3A_2143, %and3A_2145 : vector<16xi32>
        %gather3A_2147 = tpu.vector_load_idx %arg8[%and3A_2146] : memref<1024xf32, #tpu.memory_space<vmem>>[vector<16xi32>], vector<16xf32>,
        %add3A_2148 = arith.constant 976 : i32
        %add3A_2149 = vector.broadcast %add3A_2148 : i32 to vector<16xi32>
        %add3A_2150 = arith.addi %iota3A, %add3A_2149 : vector<16xi32>
        %lt3A_2151 = arith.constant 1000 : i32
        %lt3A_2152 = vector.broadcast %lt3A_2151 : i32 to vector<16xi32>
        %lt3A_2153 = arith.cmpi slt, %add3A_2150, %lt3A_2152 : vector<16xi32>
        %jit3A_2154 = arith.constant 0 : i32
        %broadcast_in_dim3A_2155 = vector.broadcast %jit3A_2154 : i32 to vector<16xi32>
        %select_n3A_2156 = arith.select %lt3A_2153, %add3A_2150, %broadcast_in_dim3A_2155 : vector<16xi1>, vector<16xi32>
        %convert_element_type3A_2157 = arith.sitofp %select_n3A_2156 : vector<16xi32> to vector<16xf32>
        %mul3A_2158 = arith.mulf %convert_element_type3A_2157, %gather3A_2147 : vector<16xf32>
        %add3A_2159 = arith.addf %add3A_2139, %mul3A_2158 : vector<16xf32>
        %add3A_2160 = arith.constant 992 : i32
        %add3A_2161 = arith.addi %mul3A_28, %add3A_2160 : i32
        %get3A_2162 = arith.index_cast %add3A_2161 : i32 to index
        %get3A_2163 = tpu.vector_load %arg6[%get3A_2162] {strides = array<i32>} : memref<16384xi32, #tpu.memory_space<vmem>>, vector<16xi32>,
        %and3A_2164 = arith.constant 1023 : i32
        %and3A_2165 = vector.broadcast %and3A_2164 : i32 to vector<16xi32>
        %and3A_2166 = arith.andi %get3A_2163, %and3A_2165 : vector<16xi32>
        %gather3A_2167 = tpu.vector_load_idx %arg8[%and3A_2166] : memref<1024xf32, #tpu.memory_space<vmem>>[vector<16xi32>], vector<16xf32>,
        %add3A_2168 = arith.constant 992 : i32
        %add3A_2169 = vector.broadcast %add3A_2168 : i32 to vector<16xi32>
        %add3A_2170 = arith.addi %iota3A, %add3A_2169 : vector<16xi32>
        %lt3A_2171 = arith.constant 1000 : i32
        %lt3A_2172 = vector.broadcast %lt3A_2171 : i32 to vector<16xi32>
        %lt3A_2173 = arith.cmpi slt, %add3A_2170, %lt3A_2172 : vector<16xi32>
        %jit3A_2174 = arith.constant 0 : i32
        %broadcast_in_dim3A_2175 = vector.broadcast %jit3A_2174 : i32 to vector<16xi32>
        %select_n3A_2176 = arith.select %lt3A_2173, %add3A_2170, %broadcast_in_dim3A_2175 : vector<16xi1>, vector<16xi32>
        %convert_element_type3A_2177 = arith.sitofp %select_n3A_2176 : vector<16xi32> to vector<16xf32>
        %mul3A_2178 = arith.mulf %convert_element_type3A_2177, %gather3A_2167 : vector<16xf32>
        %add3A_2179 = arith.addf %add3A_2159, %mul3A_2178 : vector<16xf32>
        %reduce_sum3A = arith.constant true
        %reduce_sum3A_2180 = vector.broadcast %reduce_sum3A : i1 to vector<16xi1>
        %reduce_sum3A_2181 = tpu.scan <sum>, %add3A_2179 masked %reduce_sum3A_2180 : vector<16xf32>, vector<16xi1> -> vector<16xf32>
        %reduce_sum3A_2182 = vector.extract %reduce_sum3A_2181[15] : f32 from vector<16xf32>
        %get3A_2183 = arith.index_cast %mul3A_28 : i32 to index
        %get3A_2184 = tpu.vector_load %arg6[%get3A_2183] {strides = array<i32>} : memref<16384xi32, #tpu.memory_space<vmem>>, vector<16xi32>,
        %and3A_2185 = arith.constant 1023 : i32
        %and3A_2186 = vector.broadcast %and3A_2185 : i32 to vector<16xi32>
        %and3A_2187 = arith.andi %get3A_2184, %and3A_2186 : vector<16xi32>
        %min3A = arith.constant 999 : i32
        %min3A_2188 = vector.broadcast %min3A : i32 to vector<16xi32>
        %min3A_2189 = arith.minsi %and3A_2187, %min3A_2188 : vector<16xi32>
        %add3A_2190 = vector.broadcast %mul3A_30 : i32 to vector<16xi32>
        %add3A_2191 = arith.addi %min3A_2189, %add3A_2190 : vector<16xi32>
        %gather3A_2192 = tpu.vector_load_idx %arg7[%add3A_2191] : memref<16000xf32, #tpu.memory_space<vmem>>[vector<16xi32>], vector<16xf32>,
        %lt3A_2193 = arith.constant 5 : i32
        %lt3A_2194 = vector.broadcast %lt3A_2193 : i32 to vector<16xi32>
        %lt3A_2195 = arith.cmpi slt, %iota3A, %lt3A_2194 : vector<16xi32>
        %jit3A_2196 = arith.constant 0.000000e+00 : f32
        %broadcast_in_dim3A_2197 = vector.broadcast %jit3A_2196 : f32 to vector<16xf32>
        %select_n3A_2198 = arith.select %lt3A_2195, %gather3A_2192, %broadcast_in_dim3A_2197 : vector<16xi1>, vector<16xf32>
        %reduce_sum3A_2199 = arith.constant true
        %reduce_sum3A_2200 = vector.broadcast %reduce_sum3A_2199 : i1 to vector<16xi1>
        %reduce_sum3A_2201 = tpu.scan <sum>, %select_n3A_2198 masked %reduce_sum3A_2200 : vector<16xf32>, vector<16xi1> -> vector<16xf32>
        %reduce_sum3A_2202 = vector.extract %reduce_sum3A_2201[15] : f32 from vector<16xf32>
        %add3A_2203 = arith.constant 992 : i32
        %add3A_2204 = arith.addi %mul3A_28, %add3A_2203 : i32
        %get3A_2205 = arith.index_cast %add3A_2204 : i32 to index
        %get3A_2206 = tpu.vector_load %arg6[%get3A_2205] {strides = array<i32>} : memref<16384xi32, #tpu.memory_space<vmem>>, vector<16xi32>,
        %and3A_2207 = arith.constant 1023 : i32
        %and3A_2208 = vector.broadcast %and3A_2207 : i32 to vector<16xi32>
        %and3A_2209 = arith.andi %get3A_2206, %and3A_2208 : vector<16xi32>
        %min3A_2210 = arith.constant 999 : i32
        %min3A_2211 = vector.broadcast %min3A_2210 : i32 to vector<16xi32>
        %min3A_2212 = arith.minsi %and3A_2209, %min3A_2211 : vector<16xi32>
        %add3A_2213 = vector.broadcast %mul3A_30 : i32 to vector<16xi32>
        %add3A_2214 = arith.addi %min3A_2212, %add3A_2213 : vector<16xi32>
        %gather3A_2215 = tpu.vector_load_idx %arg7[%add3A_2214] : memref<16000xf32, #tpu.memory_space<vmem>>[vector<16xi32>], vector<16xf32>,
        %ge3A = arith.constant 3 : i32
        %ge3A_2216 = vector.broadcast %ge3A : i32 to vector<16xi32>
        %ge3A_2217 = arith.cmpi sge, %iota3A, %ge3A_2216 : vector<16xi32>
        %lt3A_2218 = arith.constant 8 : i32
        %lt3A_2219 = vector.broadcast %lt3A_2218 : i32 to vector<16xi32>
        %lt3A_2220 = arith.cmpi slt, %iota3A, %lt3A_2219 : vector<16xi32>
        %and3A_2221 = arith.andi %ge3A_2217, %lt3A_2220 : vector<16xi1>
        %jit3A_2222 = arith.constant 0.000000e+00 : f32
        %broadcast_in_dim3A_2223 = vector.broadcast %jit3A_2222 : f32 to vector<16xf32>
        %select_n3A_2224 = arith.select %and3A_2221, %gather3A_2215, %broadcast_in_dim3A_2223 : vector<16xi1>, vector<16xf32>
        %reduce_sum3A_2225 = arith.constant true
        %reduce_sum3A_2226 = vector.broadcast %reduce_sum3A_2225 : i1 to vector<16xi1>
        %reduce_sum3A_2227 = tpu.scan <sum>, %select_n3A_2224 masked %reduce_sum3A_2226 : vector<16xf32>, vector<16xi1> -> vector<16xf32>
        %reduce_sum3A_2228 = vector.extract %reduce_sum3A_2227[15] : f32 from vector<16xf32>
        %sub3A = arith.subf %reduce_sum3A_2228, %reduce_sum3A_2202 : f32
        %mul3A_2229 = arith.constant 2.000000e-01 : f32
        %mul3A_2230 = arith.mulf %mul3A_2229, %sub3A : f32
        %sub3A_2231 = arith.constant 2.000000e-03 : f32
        %sub3A_2232 = arith.subf %mul3A_2230, %sub3A_2231 : f32
        %eq3A = arith.constant 0 : i32
        %eq3A_2233 = vector.broadcast %eq3A : i32 to vector<16xi32>
        %eq3A_2234 = arith.cmpi eq, %iota3A, %eq3A_2233 : vector<16xi32>
        %broadcast_in_dim3A_2235 = vector.broadcast %scan3A_22 : i32 to vector<16xi32>
        %broadcast_in_dim3A_2236 = vector.broadcast %reduce_sum3A_2182 : f32 to vector<16xf32>
        %scatter3A = tpu.memref_slice %arg9[%mul3A_24] : memref<128xf32, #tpu.memory_space<vmem>> -> memref<16xf32, #tpu.memory_space<vmem>>
        tpu.vector_store_idx %scatter3A[%broadcast_in_dim3A_2235], %broadcast_in_dim3A_2236 masked %eq3A_2234 : memref<16xf32, #tpu.memory_space<vmem>>[vector<16xi32>], vector<16xf32>, vector<16xi1>
        %broadcast_in_dim3A_2237 = vector.broadcast %sub3A_2232 : f32 to vector<16xf32>
        %scatter3A_2238 = tpu.memref_slice %arg10[%mul3A_26] : memref<128xf32, #tpu.memory_space<vmem>> -> memref<16xf32, #tpu.memory_space<vmem>>
        tpu.vector_store_idx %scatter3A_2238[%broadcast_in_dim3A_2235], %broadcast_in_dim3A_2237 masked %eq3A_2234 : memref<16xf32, #tpu.memory_space<vmem>>[vector<16xi32>], vector<16xf32>, vector<16xi1>
      }
      %scan3A_21 = arith.constant 16 : i32
    }
    %scan3A_7 = arith.constant 8 : i32
    "tpu.region"() ({
      %run_scoped3A = tpu.sem_alloc : memref<!tpu.dma_semaphore, #tpu.memory_space<semaphore_mem>>
      %dma_start3A = tpu.memref_slice %arg4[%mul3A_2] : memref<4096xf32, #tpu.memory_space<hbm>> -> memref<128xf32, #tpu.memory_space<hbm>>
      %dma_start3A_8 = tpu.memref_slice %arg4[%mul3A_2] : memref<4096xf32, #tpu.memory_space<hbm>> -> memref<128xf32, #tpu.memory_space<hbm>>
      tpu.enqueue_dma source(%arg9 : memref<128xf32, #tpu.memory_space<vmem>>) target(%dma_start3A_8 : memref<128xf32, #tpu.memory_space<hbm>>) target_semaphore(%run_scoped3A : memref<!tpu.dma_semaphore, #tpu.memory_space<semaphore_mem>>)
      %dma_wait3A = tpu.memref_slice %arg4[%mul3A_2] : memref<4096xf32, #tpu.memory_space<hbm>> -> memref<128xf32, #tpu.memory_space<hbm>>
      %dma_wait3A_9 = tpu.memref_slice %arg4[%mul3A_2] : memref<4096xf32, #tpu.memory_space<hbm>> -> memref<128xf32, #tpu.memory_space<hbm>>
      tpu.wait_dma2 semaphore(%run_scoped3A : memref<!tpu.dma_semaphore, #tpu.memory_space<semaphore_mem>>) src(%arg9 : memref<128xf32, #tpu.memory_space<vmem>>) dst(%dma_wait3A_9 : memref<128xf32, #tpu.memory_space<hbm>>)
      tpu.yield
    }) : () -> ()
    "tpu.region"() ({
      %run_scoped3A = tpu.sem_alloc : memref<!tpu.dma_semaphore, #tpu.memory_space<semaphore_mem>>
      %dma_start3A = tpu.memref_slice %arg5[%mul3A_2] : memref<4096xf32, #tpu.memory_space<hbm>> -> memref<128xf32, #tpu.memory_space<hbm>>
      %dma_start3A_8 = tpu.memref_slice %arg5[%mul3A_2] : memref<4096xf32, #tpu.memory_space<hbm>> -> memref<128xf32, #tpu.memory_space<hbm>>
      tpu.enqueue_dma source(%arg10 : memref<128xf32, #tpu.memory_space<vmem>>) target(%dma_start3A_8 : memref<128xf32, #tpu.memory_space<hbm>>) target_semaphore(%run_scoped3A : memref<!tpu.dma_semaphore, #tpu.memory_space<semaphore_mem>>)
      %dma_wait3A = tpu.memref_slice %arg5[%mul3A_2] : memref<4096xf32, #tpu.memory_space<hbm>> -> memref<128xf32, #tpu.memory_space<hbm>>
      %dma_wait3A_9 = tpu.memref_slice %arg5[%mul3A_2] : memref<4096xf32, #tpu.memory_space<hbm>> -> memref<128xf32, #tpu.memory_space<hbm>>
      tpu.wait_dma2 semaphore(%run_scoped3A : memref<!tpu.dma_semaphore, #tpu.memory_space<semaphore_mem>>) src(%arg10 : memref<128xf32, #tpu.memory_space<vmem>>) dst(%dma_wait3A_9 : memref<128xf32, #tpu.memory_space<hbm>>)
      tpu.yield
    }) : () -> ()
    return
  }
}

module attributes {stable_mosaic.version = 14 : i64} {
  func.func @_sort_body(%arg0: i32, %arg1: memref<32x1024xf32, #tpu.memory_space<vmem>>, %arg2: memref<32x1024xf32, #tpu.memory_space<vmem>>, %arg3: memref<32x1024xi32, #tpu.memory_space<vmem>>, %arg4: memref<1x1xf32, #tpu.memory_space<vmem>>) attributes {dimension_semantics = [#tpu.dimension_semantics<arbitrary>], iteration_bounds = array<i64: 128>, scalar_prefetch = 0 : i64, scratch_operands = 0 : i64, tpu.core_type = #tpu.core_type<tc>, window_params = [{transform_indices = @transform_0, window_bounds = array<i64: 32, 1024>}, {transform_indices = @transform_1, window_bounds = array<i64: 32, 1024>}, {transform_indices = @transform_2, window_bounds = array<i64: 32, 1024>}, {pipeline_mode = #tpu.pipeline_mode<synchronous>, transform_indices = @transform_3, window_bounds = array<i64: 1, 1>}]} {
    %get3A = arith.constant 0 : index
    %get3A_0 = arith.constant 0 : index
    %get3A_1 = vector.load %arg1[%get3A, %get3A_0] : memref<32x1024xf32, #tpu.memory_space<vmem>>, vector<32x1024xf32>
    %get3A_2 = arith.constant 0 : index
    %get3A_3 = arith.constant 0 : index
    %get3A_4 = vector.load %arg2[%get3A_2, %get3A_3] : memref<32x1024xf32, #tpu.memory_space<vmem>>, vector<32x1024xf32>
    %iota3A = tpu.iota {dimensions = array<i32: 1>} : vector<32x1024xi32>
    %lt3A = arith.constant 1000 : i32
    %lt3A_5 = vector.broadcast %lt3A : i32 to vector<32x1024xi32>
    %lt3A_6 = arith.cmpi slt, %iota3A, %lt3A_5 : vector<32x1024xi32>
    %sub3A = arith.subf %get3A_1, %get3A_4 : vector<32x1024xf32>
    %jit3A = arith.constant 0.000000e+00 : f32
    %broadcast_in_dim3A = vector.broadcast %jit3A : f32 to vector<32x1024xf32>
    %select_n3A = arith.select %lt3A_6, %sub3A, %broadcast_in_dim3A : vector<32x1024xi1>, vector<32x1024xf32>
    %mul3A = arith.mulf %select_n3A, %select_n3A : vector<32x1024xf32>
    %reduce_sum3A = vector.shape_cast %mul3A : vector<32x1024xf32> to vector<1x32x1024xf32>
    %reduce_sum3A_7 = arith.constant dense<0.000000e+00> : vector<1xf32>
    %reduce_sum3A_8 = vector.multi_reduction <add>, %reduce_sum3A, %reduce_sum3A_7 [1, 2] : vector<1x32x1024xf32> to vector<1xf32>
    %reduce_sum3A_9 = vector.shape_cast %reduce_sum3A_8 : vector<1xf32> to vector<1x1x1xf32>
    %reduce_sum3A_10 = vector.extract %reduce_sum3A_9[0, 0, 0] : f32 from vector<1x1x1xf32>
    %eq3A = arith.constant 0 : i32
    %eq3A_11 = arith.cmpi eq, %arg0, %eq3A : i32
    %convert_element_type3A = arith.extui %eq3A_11 : i1 to i32
    %cond3A = arith.constant 0 : i32
    %cond3A_12 = arith.cmpi ne, %convert_element_type3A, %cond3A : i32
    scf.if %cond3A_12 {
      %broadcast_in_dim3A_1752 = arith.constant 0.000000e+00 : f32
      %broadcast_in_dim3A_1753 = vector.broadcast %broadcast_in_dim3A_1752 : f32 to vector<1x1xf32>
      %swap3A_1754 = arith.constant 0 : index
      %swap3A_1755 = arith.constant 0 : index
      %swap3A_1756 = vector.load %arg4[%swap3A_1754, %swap3A_1755] : memref<1x1xf32, #tpu.memory_space<vmem>>, vector<1x1xf32>
      tpu.vector_store %arg4[%swap3A_1754, %swap3A_1755], %broadcast_in_dim3A_1753 {strides = array<i32>} : memref<1x1xf32, #tpu.memory_space<vmem>>, vector<1x1xf32>,
    } else {
    }
    %get3A_13 = arith.constant 0 : index
    %get3A_14 = arith.constant 0 : index
    %get3A_15 = vector.load %arg4[%get3A_13, %get3A_14] : memref<1x1xf32, #tpu.memory_space<vmem>>, vector<1x1xf32>
    %reshape3A = vector.broadcast %reduce_sum3A_10 : f32 to vector<1x1xf32>
    %add3A = arith.addf %get3A_15, %reshape3A : vector<1x1xf32>
    %swap3A = arith.constant 0 : index
    %swap3A_16 = arith.constant 0 : index
    %swap3A_17 = vector.load %arg4[%swap3A, %swap3A_16] : memref<1x1xf32, #tpu.memory_space<vmem>>, vector<1x1xf32>
    tpu.vector_store %arg4[%swap3A, %swap3A_16], %add3A {strides = array<i32>} : memref<1x1xf32, #tpu.memory_space<vmem>>, vector<1x1xf32>,
    %bitcast_convert_type3A = tpu.bitcast %get3A_1 : vector<32x1024xf32> -> vector<32x1024xi32>
    %lt3A_18 = arith.constant 0 : i32
    %lt3A_19 = vector.broadcast %lt3A_18 : i32 to vector<32x1024xi32>
    %lt3A_20 = arith.cmpi slt, %bitcast_convert_type3A, %lt3A_19 : vector<32x1024xi32>
    %xor3A = arith.constant 2147483647 : i32
    %xor3A_21 = vector.broadcast %xor3A : i32 to vector<32x1024xi32>
    %xor3A_22 = arith.xori %bitcast_convert_type3A, %xor3A_21 : vector<32x1024xi32>
    %select_n3A_23 = arith.select %lt3A_20, %xor3A_22, %bitcast_convert_type3A : vector<32x1024xi1>, vector<32x1024xi32>
    %and3A = arith.constant -1024 : i32
    %and3A_24 = vector.broadcast %and3A : i32 to vector<32x1024xi32>
    %and3A_25 = arith.andi %select_n3A_23, %and3A_24 : vector<32x1024xi32>
    %or3A = arith.ori %and3A_25, %iota3A : vector<32x1024xi32>
    %bitcast_convert_type3A_26 = tpu.bitcast %get3A_4 : vector<32x1024xf32> -> vector<32x1024xi32>
    %lt3A_27 = arith.constant 0 : i32
    %lt3A_28 = vector.broadcast %lt3A_27 : i32 to vector<32x1024xi32>
    %lt3A_29 = arith.cmpi slt, %bitcast_convert_type3A_26, %lt3A_28 : vector<32x1024xi32>
    %xor3A_30 = arith.constant 2147483647 : i32
    %xor3A_31 = vector.broadcast %xor3A_30 : i32 to vector<32x1024xi32>
    %xor3A_32 = arith.xori %bitcast_convert_type3A_26, %xor3A_31 : vector<32x1024xi32>
    %select_n3A_33 = arith.select %lt3A_29, %xor3A_32, %bitcast_convert_type3A_26 : vector<32x1024xi1>, vector<32x1024xi32>
    %and3A_34 = arith.constant -1024 : i32
    %and3A_35 = vector.broadcast %and3A_34 : i32 to vector<32x1024xi32>
    %and3A_36 = arith.andi %select_n3A_33, %and3A_35 : vector<32x1024xi32>
    %or3A_37 = arith.ori %and3A_36, %iota3A : vector<32x1024xi32>
    %and3A_38 = arith.constant 1 : i32
    %and3A_39 = vector.broadcast %and3A_38 : i32 to vector<32x1024xi32>
    %and3A_40 = arith.andi %iota3A, %and3A_39 : vector<32x1024xi32>
    %eq3A_41 = arith.constant 0 : i32
    %eq3A_42 = vector.broadcast %eq3A_41 : i32 to vector<32x1024xi32>
    %eq3A_43 = arith.cmpi eq, %and3A_40, %eq3A_42 : vector<32x1024xi32>
    %and3A_44 = arith.constant 2 : i32
    %and3A_45 = vector.broadcast %and3A_44 : i32 to vector<32x1024xi32>
    %and3A_46 = arith.andi %iota3A, %and3A_45 : vector<32x1024xi32>
    %eq3A_47 = arith.constant 0 : i32
    %eq3A_48 = vector.broadcast %eq3A_47 : i32 to vector<32x1024xi32>
    %eq3A_49 = arith.cmpi eq, %and3A_46, %eq3A_48 : vector<32x1024xi32>
    %eq3A_50 = arith.xori %eq3A_49, %eq3A_43 : vector<32x1024xi1>
    %eq3A_51 = arith.constant dense<true> : vector<32x1024xi1>
    %eq3A_52 = arith.xori %eq3A_50, %eq3A_51 : vector<32x1024xi1>
    %roll3A = arith.constant 1023 : i32
    %roll3A_53 = tpu.dynamic_rotate %or3A by %roll3A dim 1 : vector<32x1024xi32>, i32 -> vector<32x1024xi32>
    %roll3A_54 = arith.constant 1 : i32
    %roll3A_55 = tpu.dynamic_rotate %or3A by %roll3A_54 dim 1 : vector<32x1024xi32>, i32 -> vector<32x1024xi32>
    %select_n3A_56 = arith.select %eq3A_43, %roll3A_53, %roll3A_55 : vector<32x1024xi1>, vector<32x1024xi32>
    %min3A = arith.minsi %or3A, %select_n3A_56 : vector<32x1024xi32>
    %max3A = arith.maxsi %or3A, %select_n3A_56 : vector<32x1024xi32>
    %select_n3A_57 = arith.select %eq3A_52, %min3A, %max3A : vector<32x1024xi1>, vector<32x1024xi32>
    %roll3A_58 = arith.constant 1023 : i32
    %roll3A_59 = tpu.dynamic_rotate %or3A_37 by %roll3A_58 dim 1 : vector<32x1024xi32>, i32 -> vector<32x1024xi32>
    %roll3A_60 = arith.constant 1 : i32
    %roll3A_61 = tpu.dynamic_rotate %or3A_37 by %roll3A_60 dim 1 : vector<32x1024xi32>, i32 -> vector<32x1024xi32>
    %select_n3A_62 = arith.select %eq3A_43, %roll3A_59, %roll3A_61 : vector<32x1024xi1>, vector<32x1024xi32>
    %min3A_63 = arith.minsi %or3A_37, %select_n3A_62 : vector<32x1024xi32>
    %max3A_64 = arith.maxsi %or3A_37, %select_n3A_62 : vector<32x1024xi32>
    %select_n3A_65 = arith.select %eq3A_52, %min3A_63, %max3A_64 : vector<32x1024xi1>, vector<32x1024xi32>
    %and3A_66 = arith.constant 2 : i32
    %and3A_67 = vector.broadcast %and3A_66 : i32 to vector<32x1024xi32>
    %and3A_68 = arith.andi %iota3A, %and3A_67 : vector<32x1024xi32>
    %eq3A_69 = arith.constant 0 : i32
    %eq3A_70 = vector.broadcast %eq3A_69 : i32 to vector<32x1024xi32>
    %eq3A_71 = arith.cmpi eq, %and3A_68, %eq3A_70 : vector<32x1024xi32>
    %and3A_72 = arith.constant 4 : i32
    %and3A_73 = vector.broadcast %and3A_72 : i32 to vector<32x1024xi32>
    %and3A_74 = arith.andi %iota3A, %and3A_73 : vector<32x1024xi32>
    %eq3A_75 = arith.constant 0 : i32
    %eq3A_76 = vector.broadcast %eq3A_75 : i32 to vector<32x1024xi32>
    %eq3A_77 = arith.cmpi eq, %and3A_74, %eq3A_76 : vector<32x1024xi32>
    %eq3A_78 = arith.xori %eq3A_77, %eq3A_71 : vector<32x1024xi1>
    %eq3A_79 = arith.constant dense<true> : vector<32x1024xi1>
    %eq3A_80 = arith.xori %eq3A_78, %eq3A_79 : vector<32x1024xi1>
    %roll3A_81 = arith.constant 1022 : i32
    %roll3A_82 = tpu.dynamic_rotate %select_n3A_57 by %roll3A_81 dim 1 : vector<32x1024xi32>, i32 -> vector<32x1024xi32>
    %roll3A_83 = arith.constant 2 : i32
    %roll3A_84 = tpu.dynamic_rotate %select_n3A_57 by %roll3A_83 dim 1 : vector<32x1024xi32>, i32 -> vector<32x1024xi32>
    %select_n3A_85 = arith.select %eq3A_71, %roll3A_82, %roll3A_84 : vector<32x1024xi1>, vector<32x1024xi32>
    %min3A_86 = arith.minsi %select_n3A_57, %select_n3A_85 : vector<32x1024xi32>
    %max3A_87 = arith.maxsi %select_n3A_57, %select_n3A_85 : vector<32x1024xi32>
    %select_n3A_88 = arith.select %eq3A_80, %min3A_86, %max3A_87 : vector<32x1024xi1>, vector<32x1024xi32>
    %roll3A_89 = arith.constant 1022 : i32
    %roll3A_90 = tpu.dynamic_rotate %select_n3A_65 by %roll3A_89 dim 1 : vector<32x1024xi32>, i32 -> vector<32x1024xi32>
    %roll3A_91 = arith.constant 2 : i32
    %roll3A_92 = tpu.dynamic_rotate %select_n3A_65 by %roll3A_91 dim 1 : vector<32x1024xi32>, i32 -> vector<32x1024xi32>
    %select_n3A_93 = arith.select %eq3A_71, %roll3A_90, %roll3A_92 : vector<32x1024xi1>, vector<32x1024xi32>
    %min3A_94 = arith.minsi %select_n3A_65, %select_n3A_93 : vector<32x1024xi32>
    %max3A_95 = arith.maxsi %select_n3A_65, %select_n3A_93 : vector<32x1024xi32>
    %select_n3A_96 = arith.select %eq3A_80, %min3A_94, %max3A_95 : vector<32x1024xi1>, vector<32x1024xi32>
    %and3A_97 = arith.constant 1 : i32
    %and3A_98 = vector.broadcast %and3A_97 : i32 to vector<32x1024xi32>
    %and3A_99 = arith.andi %iota3A, %and3A_98 : vector<32x1024xi32>
    %eq3A_100 = arith.constant 0 : i32
    %eq3A_101 = vector.broadcast %eq3A_100 : i32 to vector<32x1024xi32>
    %eq3A_102 = arith.cmpi eq, %and3A_99, %eq3A_101 : vector<32x1024xi32>
    %and3A_103 = arith.constant 4 : i32
    %and3A_104 = vector.broadcast %and3A_103 : i32 to vector<32x1024xi32>
    %and3A_105 = arith.andi %iota3A, %and3A_104 : vector<32x1024xi32>
    %eq3A_106 = arith.constant 0 : i32
    %eq3A_107 = vector.broadcast %eq3A_106 : i32 to vector<32x1024xi32>
    %eq3A_108 = arith.cmpi eq, %and3A_105, %eq3A_107 : vector<32x1024xi32>
    %eq3A_109 = arith.xori %eq3A_108, %eq3A_102 : vector<32x1024xi1>
    %eq3A_110 = arith.constant dense<true> : vector<32x1024xi1>
    %eq3A_111 = arith.xori %eq3A_109, %eq3A_110 : vector<32x1024xi1>
    %roll3A_112 = arith.constant 1023 : i32
    %roll3A_113 = tpu.dynamic_rotate %select_n3A_88 by %roll3A_112 dim 1 : vector<32x1024xi32>, i32 -> vector<32x1024xi32>
    %roll3A_114 = arith.constant 1 : i32
    %roll3A_115 = tpu.dynamic_rotate %select_n3A_88 by %roll3A_114 dim 1 : vector<32x1024xi32>, i32 -> vector<32x1024xi32>
    %select_n3A_116 = arith.select %eq3A_102, %roll3A_113, %roll3A_115 : vector<32x1024xi1>, vector<32x1024xi32>
    %min3A_117 = arith.minsi %select_n3A_88, %select_n3A_116 : vector<32x1024xi32>
    %max3A_118 = arith.maxsi %select_n3A_88, %select_n3A_116 : vector<32x1024xi32>
    %select_n3A_119 = arith.select %eq3A_111, %min3A_117, %max3A_118 : vector<32x1024xi1>, vector<32x1024xi32>
    %roll3A_120 = arith.constant 1023 : i32
    %roll3A_121 = tpu.dynamic_rotate %select_n3A_96 by %roll3A_120 dim 1 : vector<32x1024xi32>, i32 -> vector<32x1024xi32>
    %roll3A_122 = arith.constant 1 : i32
    %roll3A_123 = tpu.dynamic_rotate %select_n3A_96 by %roll3A_122 dim 1 : vector<32x1024xi32>, i32 -> vector<32x1024xi32>
    %select_n3A_124 = arith.select %eq3A_102, %roll3A_121, %roll3A_123 : vector<32x1024xi1>, vector<32x1024xi32>
    %min3A_125 = arith.minsi %select_n3A_96, %select_n3A_124 : vector<32x1024xi32>
    %max3A_126 = arith.maxsi %select_n3A_96, %select_n3A_124 : vector<32x1024xi32>
    %select_n3A_127 = arith.select %eq3A_111, %min3A_125, %max3A_126 : vector<32x1024xi1>, vector<32x1024xi32>
    %and3A_128 = arith.constant 4 : i32
    %and3A_129 = vector.broadcast %and3A_128 : i32 to vector<32x1024xi32>
    %and3A_130 = arith.andi %iota3A, %and3A_129 : vector<32x1024xi32>
    %eq3A_131 = arith.constant 0 : i32
    %eq3A_132 = vector.broadcast %eq3A_131 : i32 to vector<32x1024xi32>
    %eq3A_133 = arith.cmpi eq, %and3A_130, %eq3A_132 : vector<32x1024xi32>
    %and3A_134 = arith.constant 8 : i32
    %and3A_135 = vector.broadcast %and3A_134 : i32 to vector<32x1024xi32>
    %and3A_136 = arith.andi %iota3A, %and3A_135 : vector<32x1024xi32>
    %eq3A_137 = arith.constant 0 : i32
    %eq3A_138 = vector.broadcast %eq3A_137 : i32 to vector<32x1024xi32>
    %eq3A_139 = arith.cmpi eq, %and3A_136, %eq3A_138 : vector<32x1024xi32>
    %eq3A_140 = arith.xori %eq3A_139, %eq3A_133 : vector<32x1024xi1>
    %eq3A_141 = arith.constant dense<true> : vector<32x1024xi1>
    %eq3A_142 = arith.xori %eq3A_140, %eq3A_141 : vector<32x1024xi1>
    %roll3A_143 = arith.constant 1020 : i32
    %roll3A_144 = tpu.dynamic_rotate %select_n3A_119 by %roll3A_143 dim 1 : vector<32x1024xi32>, i32 -> vector<32x1024xi32>
    %roll3A_145 = arith.constant 4 : i32
    %roll3A_146 = tpu.dynamic_rotate %select_n3A_119 by %roll3A_145 dim 1 : vector<32x1024xi32>, i32 -> vector<32x1024xi32>
    %select_n3A_147 = arith.select %eq3A_133, %roll3A_144, %roll3A_146 : vector<32x1024xi1>, vector<32x1024xi32>
    %min3A_148 = arith.minsi %select_n3A_119, %select_n3A_147 : vector<32x1024xi32>
    %max3A_149 = arith.maxsi %select_n3A_119, %select_n3A_147 : vector<32x1024xi32>
    %select_n3A_150 = arith.select %eq3A_142, %min3A_148, %max3A_149 : vector<32x1024xi1>, vector<32x1024xi32>
    %roll3A_151 = arith.constant 1020 : i32
    %roll3A_152 = tpu.dynamic_rotate %select_n3A_127 by %roll3A_151 dim 1 : vector<32x1024xi32>, i32 -> vector<32x1024xi32>
    %roll3A_153 = arith.constant 4 : i32
    %roll3A_154 = tpu.dynamic_rotate %select_n3A_127 by %roll3A_153 dim 1 : vector<32x1024xi32>, i32 -> vector<32x1024xi32>
    %select_n3A_155 = arith.select %eq3A_133, %roll3A_152, %roll3A_154 : vector<32x1024xi1>, vector<32x1024xi32>
    %min3A_156 = arith.minsi %select_n3A_127, %select_n3A_155 : vector<32x1024xi32>
    %max3A_157 = arith.maxsi %select_n3A_127, %select_n3A_155 : vector<32x1024xi32>
    %select_n3A_158 = arith.select %eq3A_142, %min3A_156, %max3A_157 : vector<32x1024xi1>, vector<32x1024xi32>
    %and3A_159 = arith.constant 2 : i32
    %and3A_160 = vector.broadcast %and3A_159 : i32 to vector<32x1024xi32>
    %and3A_161 = arith.andi %iota3A, %and3A_160 : vector<32x1024xi32>
    %eq3A_162 = arith.constant 0 : i32
    %eq3A_163 = vector.broadcast %eq3A_162 : i32 to vector<32x1024xi32>
    %eq3A_164 = arith.cmpi eq, %and3A_161, %eq3A_163 : vector<32x1024xi32>
    %and3A_165 = arith.constant 8 : i32
    %and3A_166 = vector.broadcast %and3A_165 : i32 to vector<32x1024xi32>
    %and3A_167 = arith.andi %iota3A, %and3A_166 : vector<32x1024xi32>
    %eq3A_168 = arith.constant 0 : i32
    %eq3A_169 = vector.broadcast %eq3A_168 : i32 to vector<32x1024xi32>
    %eq3A_170 = arith.cmpi eq, %and3A_167, %eq3A_169 : vector<32x1024xi32>
    %eq3A_171 = arith.xori %eq3A_170, %eq3A_164 : vector<32x1024xi1>
    %eq3A_172 = arith.constant dense<true> : vector<32x1024xi1>
    %eq3A_173 = arith.xori %eq3A_171, %eq3A_172 : vector<32x1024xi1>
    %roll3A_174 = arith.constant 1022 : i32
    %roll3A_175 = tpu.dynamic_rotate %select_n3A_150 by %roll3A_174 dim 1 : vector<32x1024xi32>, i32 -> vector<32x1024xi32>
    %roll3A_176 = arith.constant 2 : i32
    %roll3A_177 = tpu.dynamic_rotate %select_n3A_150 by %roll3A_176 dim 1 : vector<32x1024xi32>, i32 -> vector<32x1024xi32>
    %select_n3A_178 = arith.select %eq3A_164, %roll3A_175, %roll3A_177 : vector<32x1024xi1>, vector<32x1024xi32>
    %min3A_179 = arith.minsi %select_n3A_150, %select_n3A_178 : vector<32x1024xi32>
    %max3A_180 = arith.maxsi %select_n3A_150, %select_n3A_178 : vector<32x1024xi32>
    %select_n3A_181 = arith.select %eq3A_173, %min3A_179, %max3A_180 : vector<32x1024xi1>, vector<32x1024xi32>
    %roll3A_182 = arith.constant 1022 : i32
    %roll3A_183 = tpu.dynamic_rotate %select_n3A_158 by %roll3A_182 dim 1 : vector<32x1024xi32>, i32 -> vector<32x1024xi32>
    %roll3A_184 = arith.constant 2 : i32
    %roll3A_185 = tpu.dynamic_rotate %select_n3A_158 by %roll3A_184 dim 1 : vector<32x1024xi32>, i32 -> vector<32x1024xi32>
    %select_n3A_186 = arith.select %eq3A_164, %roll3A_183, %roll3A_185 : vector<32x1024xi1>, vector<32x1024xi32>
    %min3A_187 = arith.minsi %select_n3A_158, %select_n3A_186 : vector<32x1024xi32>
    %max3A_188 = arith.maxsi %select_n3A_158, %select_n3A_186 : vector<32x1024xi32>
    %select_n3A_189 = arith.select %eq3A_173, %min3A_187, %max3A_188 : vector<32x1024xi1>, vector<32x1024xi32>
    %and3A_190 = arith.constant 1 : i32
    %and3A_191 = vector.broadcast %and3A_190 : i32 to vector<32x1024xi32>
    %and3A_192 = arith.andi %iota3A, %and3A_191 : vector<32x1024xi32>
    %eq3A_193 = arith.constant 0 : i32
    %eq3A_194 = vector.broadcast %eq3A_193 : i32 to vector<32x1024xi32>
    %eq3A_195 = arith.cmpi eq, %and3A_192, %eq3A_194 : vector<32x1024xi32>
    %and3A_196 = arith.constant 8 : i32
    %and3A_197 = vector.broadcast %and3A_196 : i32 to vector<32x1024xi32>
    %and3A_198 = arith.andi %iota3A, %and3A_197 : vector<32x1024xi32>
    %eq3A_199 = arith.constant 0 : i32
    %eq3A_200 = vector.broadcast %eq3A_199 : i32 to vector<32x1024xi32>
    %eq3A_201 = arith.cmpi eq, %and3A_198, %eq3A_200 : vector<32x1024xi32>
    %eq3A_202 = arith.xori %eq3A_201, %eq3A_195 : vector<32x1024xi1>
    %eq3A_203 = arith.constant dense<true> : vector<32x1024xi1>
    %eq3A_204 = arith.xori %eq3A_202, %eq3A_203 : vector<32x1024xi1>
    %roll3A_205 = arith.constant 1023 : i32
    %roll3A_206 = tpu.dynamic_rotate %select_n3A_181 by %roll3A_205 dim 1 : vector<32x1024xi32>, i32 -> vector<32x1024xi32>
    %roll3A_207 = arith.constant 1 : i32
    %roll3A_208 = tpu.dynamic_rotate %select_n3A_181 by %roll3A_207 dim 1 : vector<32x1024xi32>, i32 -> vector<32x1024xi32>
    %select_n3A_209 = arith.select %eq3A_195, %roll3A_206, %roll3A_208 : vector<32x1024xi1>, vector<32x1024xi32>
    %min3A_210 = arith.minsi %select_n3A_181, %select_n3A_209 : vector<32x1024xi32>
    %max3A_211 = arith.maxsi %select_n3A_181, %select_n3A_209 : vector<32x1024xi32>
    %select_n3A_212 = arith.select %eq3A_204, %min3A_210, %max3A_211 : vector<32x1024xi1>, vector<32x1024xi32>
    %roll3A_213 = arith.constant 1023 : i32
    %roll3A_214 = tpu.dynamic_rotate %select_n3A_189 by %roll3A_213 dim 1 : vector<32x1024xi32>, i32 -> vector<32x1024xi32>
    %roll3A_215 = arith.constant 1 : i32
    %roll3A_216 = tpu.dynamic_rotate %select_n3A_189 by %roll3A_215 dim 1 : vector<32x1024xi32>, i32 -> vector<32x1024xi32>
    %select_n3A_217 = arith.select %eq3A_195, %roll3A_214, %roll3A_216 : vector<32x1024xi1>, vector<32x1024xi32>
    %min3A_218 = arith.minsi %select_n3A_189, %select_n3A_217 : vector<32x1024xi32>
    %max3A_219 = arith.maxsi %select_n3A_189, %select_n3A_217 : vector<32x1024xi32>
    %select_n3A_220 = arith.select %eq3A_204, %min3A_218, %max3A_219 : vector<32x1024xi1>, vector<32x1024xi32>
    %and3A_221 = arith.constant 8 : i32
    %and3A_222 = vector.broadcast %and3A_221 : i32 to vector<32x1024xi32>
    %and3A_223 = arith.andi %iota3A, %and3A_222 : vector<32x1024xi32>
    %eq3A_224 = arith.constant 0 : i32
    %eq3A_225 = vector.broadcast %eq3A_224 : i32 to vector<32x1024xi32>
    %eq3A_226 = arith.cmpi eq, %and3A_223, %eq3A_225 : vector<32x1024xi32>
    %and3A_227 = arith.constant 16 : i32
    %and3A_228 = vector.broadcast %and3A_227 : i32 to vector<32x1024xi32>
    %and3A_229 = arith.andi %iota3A, %and3A_228 : vector<32x1024xi32>
    %eq3A_230 = arith.constant 0 : i32
    %eq3A_231 = vector.broadcast %eq3A_230 : i32 to vector<32x1024xi32>
    %eq3A_232 = arith.cmpi eq, %and3A_229, %eq3A_231 : vector<32x1024xi32>
    %eq3A_233 = arith.xori %eq3A_232, %eq3A_226 : vector<32x1024xi1>
    %eq3A_234 = arith.constant dense<true> : vector<32x1024xi1>
    %eq3A_235 = arith.xori %eq3A_233, %eq3A_234 : vector<32x1024xi1>
    %roll3A_236 = arith.constant 1016 : i32
    %roll3A_237 = tpu.dynamic_rotate %select_n3A_212 by %roll3A_236 dim 1 : vector<32x1024xi32>, i32 -> vector<32x1024xi32>
    %roll3A_238 = arith.constant 8 : i32
    %roll3A_239 = tpu.dynamic_rotate %select_n3A_212 by %roll3A_238 dim 1 : vector<32x1024xi32>, i32 -> vector<32x1024xi32>
    %select_n3A_240 = arith.select %eq3A_226, %roll3A_237, %roll3A_239 : vector<32x1024xi1>, vector<32x1024xi32>
    %min3A_241 = arith.minsi %select_n3A_212, %select_n3A_240 : vector<32x1024xi32>
    %max3A_242 = arith.maxsi %select_n3A_212, %select_n3A_240 : vector<32x1024xi32>
    %select_n3A_243 = arith.select %eq3A_235, %min3A_241, %max3A_242 : vector<32x1024xi1>, vector<32x1024xi32>
    %roll3A_244 = arith.constant 1016 : i32
    %roll3A_245 = tpu.dynamic_rotate %select_n3A_220 by %roll3A_244 dim 1 : vector<32x1024xi32>, i32 -> vector<32x1024xi32>
    %roll3A_246 = arith.constant 8 : i32
    %roll3A_247 = tpu.dynamic_rotate %select_n3A_220 by %roll3A_246 dim 1 : vector<32x1024xi32>, i32 -> vector<32x1024xi32>
    %select_n3A_248 = arith.select %eq3A_226, %roll3A_245, %roll3A_247 : vector<32x1024xi1>, vector<32x1024xi32>
    %min3A_249 = arith.minsi %select_n3A_220, %select_n3A_248 : vector<32x1024xi32>
    %max3A_250 = arith.maxsi %select_n3A_220, %select_n3A_248 : vector<32x1024xi32>
    %select_n3A_251 = arith.select %eq3A_235, %min3A_249, %max3A_250 : vector<32x1024xi1>, vector<32x1024xi32>
    %and3A_252 = arith.constant 4 : i32
    %and3A_253 = vector.broadcast %and3A_252 : i32 to vector<32x1024xi32>
    %and3A_254 = arith.andi %iota3A, %and3A_253 : vector<32x1024xi32>
    %eq3A_255 = arith.constant 0 : i32
    %eq3A_256 = vector.broadcast %eq3A_255 : i32 to vector<32x1024xi32>
    %eq3A_257 = arith.cmpi eq, %and3A_254, %eq3A_256 : vector<32x1024xi32>
    %and3A_258 = arith.constant 16 : i32
    %and3A_259 = vector.broadcast %and3A_258 : i32 to vector<32x1024xi32>
    %and3A_260 = arith.andi %iota3A, %and3A_259 : vector<32x1024xi32>
    %eq3A_261 = arith.constant 0 : i32
    %eq3A_262 = vector.broadcast %eq3A_261 : i32 to vector<32x1024xi32>
    %eq3A_263 = arith.cmpi eq, %and3A_260, %eq3A_262 : vector<32x1024xi32>
    %eq3A_264 = arith.xori %eq3A_263, %eq3A_257 : vector<32x1024xi1>
    %eq3A_265 = arith.constant dense<true> : vector<32x1024xi1>
    %eq3A_266 = arith.xori %eq3A_264, %eq3A_265 : vector<32x1024xi1>
    %roll3A_267 = arith.constant 1020 : i32
    %roll3A_268 = tpu.dynamic_rotate %select_n3A_243 by %roll3A_267 dim 1 : vector<32x1024xi32>, i32 -> vector<32x1024xi32>
    %roll3A_269 = arith.constant 4 : i32
    %roll3A_270 = tpu.dynamic_rotate %select_n3A_243 by %roll3A_269 dim 1 : vector<32x1024xi32>, i32 -> vector<32x1024xi32>
    %select_n3A_271 = arith.select %eq3A_257, %roll3A_268, %roll3A_270 : vector<32x1024xi1>, vector<32x1024xi32>
    %min3A_272 = arith.minsi %select_n3A_243, %select_n3A_271 : vector<32x1024xi32>
    %max3A_273 = arith.maxsi %select_n3A_243, %select_n3A_271 : vector<32x1024xi32>
    %select_n3A_274 = arith.select %eq3A_266, %min3A_272, %max3A_273 : vector<32x1024xi1>, vector<32x1024xi32>
    %roll3A_275 = arith.constant 1020 : i32
    %roll3A_276 = tpu.dynamic_rotate %select_n3A_251 by %roll3A_275 dim 1 : vector<32x1024xi32>, i32 -> vector<32x1024xi32>
    %roll3A_277 = arith.constant 4 : i32
    %roll3A_278 = tpu.dynamic_rotate %select_n3A_251 by %roll3A_277 dim 1 : vector<32x1024xi32>, i32 -> vector<32x1024xi32>
    %select_n3A_279 = arith.select %eq3A_257, %roll3A_276, %roll3A_278 : vector<32x1024xi1>, vector<32x1024xi32>
    %min3A_280 = arith.minsi %select_n3A_251, %select_n3A_279 : vector<32x1024xi32>
    %max3A_281 = arith.maxsi %select_n3A_251, %select_n3A_279 : vector<32x1024xi32>
    %select_n3A_282 = arith.select %eq3A_266, %min3A_280, %max3A_281 : vector<32x1024xi1>, vector<32x1024xi32>
    %and3A_283 = arith.constant 2 : i32
    %and3A_284 = vector.broadcast %and3A_283 : i32 to vector<32x1024xi32>
    %and3A_285 = arith.andi %iota3A, %and3A_284 : vector<32x1024xi32>
    %eq3A_286 = arith.constant 0 : i32
    %eq3A_287 = vector.broadcast %eq3A_286 : i32 to vector<32x1024xi32>
    %eq3A_288 = arith.cmpi eq, %and3A_285, %eq3A_287 : vector<32x1024xi32>
    %and3A_289 = arith.constant 16 : i32
    %and3A_290 = vector.broadcast %and3A_289 : i32 to vector<32x1024xi32>
    %and3A_291 = arith.andi %iota3A, %and3A_290 : vector<32x1024xi32>
    %eq3A_292 = arith.constant 0 : i32
    %eq3A_293 = vector.broadcast %eq3A_292 : i32 to vector<32x1024xi32>
    %eq3A_294 = arith.cmpi eq, %and3A_291, %eq3A_293 : vector<32x1024xi32>
    %eq3A_295 = arith.xori %eq3A_294, %eq3A_288 : vector<32x1024xi1>
    %eq3A_296 = arith.constant dense<true> : vector<32x1024xi1>
    %eq3A_297 = arith.xori %eq3A_295, %eq3A_296 : vector<32x1024xi1>
    %roll3A_298 = arith.constant 1022 : i32
    %roll3A_299 = tpu.dynamic_rotate %select_n3A_274 by %roll3A_298 dim 1 : vector<32x1024xi32>, i32 -> vector<32x1024xi32>
    %roll3A_300 = arith.constant 2 : i32
    %roll3A_301 = tpu.dynamic_rotate %select_n3A_274 by %roll3A_300 dim 1 : vector<32x1024xi32>, i32 -> vector<32x1024xi32>
    %select_n3A_302 = arith.select %eq3A_288, %roll3A_299, %roll3A_301 : vector<32x1024xi1>, vector<32x1024xi32>
    %min3A_303 = arith.minsi %select_n3A_274, %select_n3A_302 : vector<32x1024xi32>
    %max3A_304 = arith.maxsi %select_n3A_274, %select_n3A_302 : vector<32x1024xi32>
    %select_n3A_305 = arith.select %eq3A_297, %min3A_303, %max3A_304 : vector<32x1024xi1>, vector<32x1024xi32>
    %roll3A_306 = arith.constant 1022 : i32
    %roll3A_307 = tpu.dynamic_rotate %select_n3A_282 by %roll3A_306 dim 1 : vector<32x1024xi32>, i32 -> vector<32x1024xi32>
    %roll3A_308 = arith.constant 2 : i32
    %roll3A_309 = tpu.dynamic_rotate %select_n3A_282 by %roll3A_308 dim 1 : vector<32x1024xi32>, i32 -> vector<32x1024xi32>
    %select_n3A_310 = arith.select %eq3A_288, %roll3A_307, %roll3A_309 : vector<32x1024xi1>, vector<32x1024xi32>
    %min3A_311 = arith.minsi %select_n3A_282, %select_n3A_310 : vector<32x1024xi32>
    %max3A_312 = arith.maxsi %select_n3A_282, %select_n3A_310 : vector<32x1024xi32>
    %select_n3A_313 = arith.select %eq3A_297, %min3A_311, %max3A_312 : vector<32x1024xi1>, vector<32x1024xi32>
    %and3A_314 = arith.constant 1 : i32
    %and3A_315 = vector.broadcast %and3A_314 : i32 to vector<32x1024xi32>
    %and3A_316 = arith.andi %iota3A, %and3A_315 : vector<32x1024xi32>
    %eq3A_317 = arith.constant 0 : i32
    %eq3A_318 = vector.broadcast %eq3A_317 : i32 to vector<32x1024xi32>
    %eq3A_319 = arith.cmpi eq, %and3A_316, %eq3A_318 : vector<32x1024xi32>
    %and3A_320 = arith.constant 16 : i32
    %and3A_321 = vector.broadcast %and3A_320 : i32 to vector<32x1024xi32>
    %and3A_322 = arith.andi %iota3A, %and3A_321 : vector<32x1024xi32>
    %eq3A_323 = arith.constant 0 : i32
    %eq3A_324 = vector.broadcast %eq3A_323 : i32 to vector<32x1024xi32>
    %eq3A_325 = arith.cmpi eq, %and3A_322, %eq3A_324 : vector<32x1024xi32>
    %eq3A_326 = arith.xori %eq3A_325, %eq3A_319 : vector<32x1024xi1>
    %eq3A_327 = arith.constant dense<true> : vector<32x1024xi1>
    %eq3A_328 = arith.xori %eq3A_326, %eq3A_327 : vector<32x1024xi1>
    %roll3A_329 = arith.constant 1023 : i32
    %roll3A_330 = tpu.dynamic_rotate %select_n3A_305 by %roll3A_329 dim 1 : vector<32x1024xi32>, i32 -> vector<32x1024xi32>
    %roll3A_331 = arith.constant 1 : i32
    %roll3A_332 = tpu.dynamic_rotate %select_n3A_305 by %roll3A_331 dim 1 : vector<32x1024xi32>, i32 -> vector<32x1024xi32>
    %select_n3A_333 = arith.select %eq3A_319, %roll3A_330, %roll3A_332 : vector<32x1024xi1>, vector<32x1024xi32>
    %min3A_334 = arith.minsi %select_n3A_305, %select_n3A_333 : vector<32x1024xi32>
    %max3A_335 = arith.maxsi %select_n3A_305, %select_n3A_333 : vector<32x1024xi32>
    %select_n3A_336 = arith.select %eq3A_328, %min3A_334, %max3A_335 : vector<32x1024xi1>, vector<32x1024xi32>
    %roll3A_337 = arith.constant 1023 : i32
    %roll3A_338 = tpu.dynamic_rotate %select_n3A_313 by %roll3A_337 dim 1 : vector<32x1024xi32>, i32 -> vector<32x1024xi32>
    %roll3A_339 = arith.constant 1 : i32
    %roll3A_340 = tpu.dynamic_rotate %select_n3A_313 by %roll3A_339 dim 1 : vector<32x1024xi32>, i32 -> vector<32x1024xi32>
    %select_n3A_341 = arith.select %eq3A_319, %roll3A_338, %roll3A_340 : vector<32x1024xi1>, vector<32x1024xi32>
    %min3A_342 = arith.minsi %select_n3A_313, %select_n3A_341 : vector<32x1024xi32>
    %max3A_343 = arith.maxsi %select_n3A_313, %select_n3A_341 : vector<32x1024xi32>
    %select_n3A_344 = arith.select %eq3A_328, %min3A_342, %max3A_343 : vector<32x1024xi1>, vector<32x1024xi32>
    %and3A_345 = arith.constant 16 : i32
    %and3A_346 = vector.broadcast %and3A_345 : i32 to vector<32x1024xi32>
    %and3A_347 = arith.andi %iota3A, %and3A_346 : vector<32x1024xi32>
    %eq3A_348 = arith.constant 0 : i32
    %eq3A_349 = vector.broadcast %eq3A_348 : i32 to vector<32x1024xi32>
    %eq3A_350 = arith.cmpi eq, %and3A_347, %eq3A_349 : vector<32x1024xi32>
    %and3A_351 = arith.constant 32 : i32
    %and3A_352 = vector.broadcast %and3A_351 : i32 to vector<32x1024xi32>
    %and3A_353 = arith.andi %iota3A, %and3A_352 : vector<32x1024xi32>
    %eq3A_354 = arith.constant 0 : i32
    %eq3A_355 = vector.broadcast %eq3A_354 : i32 to vector<32x1024xi32>
    %eq3A_356 = arith.cmpi eq, %and3A_353, %eq3A_355 : vector<32x1024xi32>
    %eq3A_357 = arith.xori %eq3A_356, %eq3A_350 : vector<32x1024xi1>
    %eq3A_358 = arith.constant dense<true> : vector<32x1024xi1>
    %eq3A_359 = arith.xori %eq3A_357, %eq3A_358 : vector<32x1024xi1>
    %roll3A_360 = arith.constant 1008 : i32
    %roll3A_361 = tpu.dynamic_rotate %select_n3A_336 by %roll3A_360 dim 1 : vector<32x1024xi32>, i32 -> vector<32x1024xi32>
    %roll3A_362 = arith.constant 16 : i32
    %roll3A_363 = tpu.dynamic_rotate %select_n3A_336 by %roll3A_362 dim 1 : vector<32x1024xi32>, i32 -> vector<32x1024xi32>
    %select_n3A_364 = arith.select %eq3A_350, %roll3A_361, %roll3A_363 : vector<32x1024xi1>, vector<32x1024xi32>
    %min3A_365 = arith.minsi %select_n3A_336, %select_n3A_364 : vector<32x1024xi32>
    %max3A_366 = arith.maxsi %select_n3A_336, %select_n3A_364 : vector<32x1024xi32>
    %select_n3A_367 = arith.select %eq3A_359, %min3A_365, %max3A_366 : vector<32x1024xi1>, vector<32x1024xi32>
    %roll3A_368 = arith.constant 1008 : i32
    %roll3A_369 = tpu.dynamic_rotate %select_n3A_344 by %roll3A_368 dim 1 : vector<32x1024xi32>, i32 -> vector<32x1024xi32>
    %roll3A_370 = arith.constant 16 : i32
    %roll3A_371 = tpu.dynamic_rotate %select_n3A_344 by %roll3A_370 dim 1 : vector<32x1024xi32>, i32 -> vector<32x1024xi32>
    %select_n3A_372 = arith.select %eq3A_350, %roll3A_369, %roll3A_371 : vector<32x1024xi1>, vector<32x1024xi32>
    %min3A_373 = arith.minsi %select_n3A_344, %select_n3A_372 : vector<32x1024xi32>
    %max3A_374 = arith.maxsi %select_n3A_344, %select_n3A_372 : vector<32x1024xi32>
    %select_n3A_375 = arith.select %eq3A_359, %min3A_373, %max3A_374 : vector<32x1024xi1>, vector<32x1024xi32>
    %and3A_376 = arith.constant 8 : i32
    %and3A_377 = vector.broadcast %and3A_376 : i32 to vector<32x1024xi32>
    %and3A_378 = arith.andi %iota3A, %and3A_377 : vector<32x1024xi32>
    %eq3A_379 = arith.constant 0 : i32
    %eq3A_380 = vector.broadcast %eq3A_379 : i32 to vector<32x1024xi32>
    %eq3A_381 = arith.cmpi eq, %and3A_378, %eq3A_380 : vector<32x1024xi32>
    %and3A_382 = arith.constant 32 : i32
    %and3A_383 = vector.broadcast %and3A_382 : i32 to vector<32x1024xi32>
    %and3A_384 = arith.andi %iota3A, %and3A_383 : vector<32x1024xi32>
    %eq3A_385 = arith.constant 0 : i32
    %eq3A_386 = vector.broadcast %eq3A_385 : i32 to vector<32x1024xi32>
    %eq3A_387 = arith.cmpi eq, %and3A_384, %eq3A_386 : vector<32x1024xi32>
    %eq3A_388 = arith.xori %eq3A_387, %eq3A_381 : vector<32x1024xi1>
    %eq3A_389 = arith.constant dense<true> : vector<32x1024xi1>
    %eq3A_390 = arith.xori %eq3A_388, %eq3A_389 : vector<32x1024xi1>
    %roll3A_391 = arith.constant 1016 : i32
    %roll3A_392 = tpu.dynamic_rotate %select_n3A_367 by %roll3A_391 dim 1 : vector<32x1024xi32>, i32 -> vector<32x1024xi32>
    %roll3A_393 = arith.constant 8 : i32
    %roll3A_394 = tpu.dynamic_rotate %select_n3A_367 by %roll3A_393 dim 1 : vector<32x1024xi32>, i32 -> vector<32x1024xi32>
    %select_n3A_395 = arith.select %eq3A_381, %roll3A_392, %roll3A_394 : vector<32x1024xi1>, vector<32x1024xi32>
    %min3A_396 = arith.minsi %select_n3A_367, %select_n3A_395 : vector<32x1024xi32>
    %max3A_397 = arith.maxsi %select_n3A_367, %select_n3A_395 : vector<32x1024xi32>
    %select_n3A_398 = arith.select %eq3A_390, %min3A_396, %max3A_397 : vector<32x1024xi1>, vector<32x1024xi32>
    %roll3A_399 = arith.constant 1016 : i32
    %roll3A_400 = tpu.dynamic_rotate %select_n3A_375 by %roll3A_399 dim 1 : vector<32x1024xi32>, i32 -> vector<32x1024xi32>
    %roll3A_401 = arith.constant 8 : i32
    %roll3A_402 = tpu.dynamic_rotate %select_n3A_375 by %roll3A_401 dim 1 : vector<32x1024xi32>, i32 -> vector<32x1024xi32>
    %select_n3A_403 = arith.select %eq3A_381, %roll3A_400, %roll3A_402 : vector<32x1024xi1>, vector<32x1024xi32>
    %min3A_404 = arith.minsi %select_n3A_375, %select_n3A_403 : vector<32x1024xi32>
    %max3A_405 = arith.maxsi %select_n3A_375, %select_n3A_403 : vector<32x1024xi32>
    %select_n3A_406 = arith.select %eq3A_390, %min3A_404, %max3A_405 : vector<32x1024xi1>, vector<32x1024xi32>
    %and3A_407 = arith.constant 4 : i32
    %and3A_408 = vector.broadcast %and3A_407 : i32 to vector<32x1024xi32>
    %and3A_409 = arith.andi %iota3A, %and3A_408 : vector<32x1024xi32>
    %eq3A_410 = arith.constant 0 : i32
    %eq3A_411 = vector.broadcast %eq3A_410 : i32 to vector<32x1024xi32>
    %eq3A_412 = arith.cmpi eq, %and3A_409, %eq3A_411 : vector<32x1024xi32>
    %and3A_413 = arith.constant 32 : i32
    %and3A_414 = vector.broadcast %and3A_413 : i32 to vector<32x1024xi32>
    %and3A_415 = arith.andi %iota3A, %and3A_414 : vector<32x1024xi32>
    %eq3A_416 = arith.constant 0 : i32
    %eq3A_417 = vector.broadcast %eq3A_416 : i32 to vector<32x1024xi32>
    %eq3A_418 = arith.cmpi eq, %and3A_415, %eq3A_417 : vector<32x1024xi32>
    %eq3A_419 = arith.xori %eq3A_418, %eq3A_412 : vector<32x1024xi1>
    %eq3A_420 = arith.constant dense<true> : vector<32x1024xi1>
    %eq3A_421 = arith.xori %eq3A_419, %eq3A_420 : vector<32x1024xi1>
    %roll3A_422 = arith.constant 1020 : i32
    %roll3A_423 = tpu.dynamic_rotate %select_n3A_398 by %roll3A_422 dim 1 : vector<32x1024xi32>, i32 -> vector<32x1024xi32>
    %roll3A_424 = arith.constant 4 : i32
    %roll3A_425 = tpu.dynamic_rotate %select_n3A_398 by %roll3A_424 dim 1 : vector<32x1024xi32>, i32 -> vector<32x1024xi32>
    %select_n3A_426 = arith.select %eq3A_412, %roll3A_423, %roll3A_425 : vector<32x1024xi1>, vector<32x1024xi32>
    %min3A_427 = arith.minsi %select_n3A_398, %select_n3A_426 : vector<32x1024xi32>
    %max3A_428 = arith.maxsi %select_n3A_398, %select_n3A_426 : vector<32x1024xi32>
    %select_n3A_429 = arith.select %eq3A_421, %min3A_427, %max3A_428 : vector<32x1024xi1>, vector<32x1024xi32>
    %roll3A_430 = arith.constant 1020 : i32
    %roll3A_431 = tpu.dynamic_rotate %select_n3A_406 by %roll3A_430 dim 1 : vector<32x1024xi32>, i32 -> vector<32x1024xi32>
    %roll3A_432 = arith.constant 4 : i32
    %roll3A_433 = tpu.dynamic_rotate %select_n3A_406 by %roll3A_432 dim 1 : vector<32x1024xi32>, i32 -> vector<32x1024xi32>
    %select_n3A_434 = arith.select %eq3A_412, %roll3A_431, %roll3A_433 : vector<32x1024xi1>, vector<32x1024xi32>
    %min3A_435 = arith.minsi %select_n3A_406, %select_n3A_434 : vector<32x1024xi32>
    %max3A_436 = arith.maxsi %select_n3A_406, %select_n3A_434 : vector<32x1024xi32>
    %select_n3A_437 = arith.select %eq3A_421, %min3A_435, %max3A_436 : vector<32x1024xi1>, vector<32x1024xi32>
    %and3A_438 = arith.constant 2 : i32
    %and3A_439 = vector.broadcast %and3A_438 : i32 to vector<32x1024xi32>
    %and3A_440 = arith.andi %iota3A, %and3A_439 : vector<32x1024xi32>
    %eq3A_441 = arith.constant 0 : i32
    %eq3A_442 = vector.broadcast %eq3A_441 : i32 to vector<32x1024xi32>
    %eq3A_443 = arith.cmpi eq, %and3A_440, %eq3A_442 : vector<32x1024xi32>
    %and3A_444 = arith.constant 32 : i32
    %and3A_445 = vector.broadcast %and3A_444 : i32 to vector<32x1024xi32>
    %and3A_446 = arith.andi %iota3A, %and3A_445 : vector<32x1024xi32>
    %eq3A_447 = arith.constant 0 : i32
    %eq3A_448 = vector.broadcast %eq3A_447 : i32 to vector<32x1024xi32>
    %eq3A_449 = arith.cmpi eq, %and3A_446, %eq3A_448 : vector<32x1024xi32>
    %eq3A_450 = arith.xori %eq3A_449, %eq3A_443 : vector<32x1024xi1>
    %eq3A_451 = arith.constant dense<true> : vector<32x1024xi1>
    %eq3A_452 = arith.xori %eq3A_450, %eq3A_451 : vector<32x1024xi1>
    %roll3A_453 = arith.constant 1022 : i32
    %roll3A_454 = tpu.dynamic_rotate %select_n3A_429 by %roll3A_453 dim 1 : vector<32x1024xi32>, i32 -> vector<32x1024xi32>
    %roll3A_455 = arith.constant 2 : i32
    %roll3A_456 = tpu.dynamic_rotate %select_n3A_429 by %roll3A_455 dim 1 : vector<32x1024xi32>, i32 -> vector<32x1024xi32>
    %select_n3A_457 = arith.select %eq3A_443, %roll3A_454, %roll3A_456 : vector<32x1024xi1>, vector<32x1024xi32>
    %min3A_458 = arith.minsi %select_n3A_429, %select_n3A_457 : vector<32x1024xi32>
    %max3A_459 = arith.maxsi %select_n3A_429, %select_n3A_457 : vector<32x1024xi32>
    %select_n3A_460 = arith.select %eq3A_452, %min3A_458, %max3A_459 : vector<32x1024xi1>, vector<32x1024xi32>
    %roll3A_461 = arith.constant 1022 : i32
    %roll3A_462 = tpu.dynamic_rotate %select_n3A_437 by %roll3A_461 dim 1 : vector<32x1024xi32>, i32 -> vector<32x1024xi32>
    %roll3A_463 = arith.constant 2 : i32
    %roll3A_464 = tpu.dynamic_rotate %select_n3A_437 by %roll3A_463 dim 1 : vector<32x1024xi32>, i32 -> vector<32x1024xi32>
    %select_n3A_465 = arith.select %eq3A_443, %roll3A_462, %roll3A_464 : vector<32x1024xi1>, vector<32x1024xi32>
    %min3A_466 = arith.minsi %select_n3A_437, %select_n3A_465 : vector<32x1024xi32>
    %max3A_467 = arith.maxsi %select_n3A_437, %select_n3A_465 : vector<32x1024xi32>
    %select_n3A_468 = arith.select %eq3A_452, %min3A_466, %max3A_467 : vector<32x1024xi1>, vector<32x1024xi32>
    %and3A_469 = arith.constant 1 : i32
    %and3A_470 = vector.broadcast %and3A_469 : i32 to vector<32x1024xi32>
    %and3A_471 = arith.andi %iota3A, %and3A_470 : vector<32x1024xi32>
    %eq3A_472 = arith.constant 0 : i32
    %eq3A_473 = vector.broadcast %eq3A_472 : i32 to vector<32x1024xi32>
    %eq3A_474 = arith.cmpi eq, %and3A_471, %eq3A_473 : vector<32x1024xi32>
    %and3A_475 = arith.constant 32 : i32
    %and3A_476 = vector.broadcast %and3A_475 : i32 to vector<32x1024xi32>
    %and3A_477 = arith.andi %iota3A, %and3A_476 : vector<32x1024xi32>
    %eq3A_478 = arith.constant 0 : i32
    %eq3A_479 = vector.broadcast %eq3A_478 : i32 to vector<32x1024xi32>
    %eq3A_480 = arith.cmpi eq, %and3A_477, %eq3A_479 : vector<32x1024xi32>
    %eq3A_481 = arith.xori %eq3A_480, %eq3A_474 : vector<32x1024xi1>
    %eq3A_482 = arith.constant dense<true> : vector<32x1024xi1>
    %eq3A_483 = arith.xori %eq3A_481, %eq3A_482 : vector<32x1024xi1>
    %roll3A_484 = arith.constant 1023 : i32
    %roll3A_485 = tpu.dynamic_rotate %select_n3A_460 by %roll3A_484 dim 1 : vector<32x1024xi32>, i32 -> vector<32x1024xi32>
    %roll3A_486 = arith.constant 1 : i32
    %roll3A_487 = tpu.dynamic_rotate %select_n3A_460 by %roll3A_486 dim 1 : vector<32x1024xi32>, i32 -> vector<32x1024xi32>
    %select_n3A_488 = arith.select %eq3A_474, %roll3A_485, %roll3A_487 : vector<32x1024xi1>, vector<32x1024xi32>
    %min3A_489 = arith.minsi %select_n3A_460, %select_n3A_488 : vector<32x1024xi32>
    %max3A_490 = arith.maxsi %select_n3A_460, %select_n3A_488 : vector<32x1024xi32>
    %select_n3A_491 = arith.select %eq3A_483, %min3A_489, %max3A_490 : vector<32x1024xi1>, vector<32x1024xi32>
    %roll3A_492 = arith.constant 1023 : i32
    %roll3A_493 = tpu.dynamic_rotate %select_n3A_468 by %roll3A_492 dim 1 : vector<32x1024xi32>, i32 -> vector<32x1024xi32>
    %roll3A_494 = arith.constant 1 : i32
    %roll3A_495 = tpu.dynamic_rotate %select_n3A_468 by %roll3A_494 dim 1 : vector<32x1024xi32>, i32 -> vector<32x1024xi32>
    %select_n3A_496 = arith.select %eq3A_474, %roll3A_493, %roll3A_495 : vector<32x1024xi1>, vector<32x1024xi32>
    %min3A_497 = arith.minsi %select_n3A_468, %select_n3A_496 : vector<32x1024xi32>
    %max3A_498 = arith.maxsi %select_n3A_468, %select_n3A_496 : vector<32x1024xi32>
    %select_n3A_499 = arith.select %eq3A_483, %min3A_497, %max3A_498 : vector<32x1024xi1>, vector<32x1024xi32>
    %and3A_500 = arith.constant 32 : i32
    %and3A_501 = vector.broadcast %and3A_500 : i32 to vector<32x1024xi32>
    %and3A_502 = arith.andi %iota3A, %and3A_501 : vector<32x1024xi32>
    %eq3A_503 = arith.constant 0 : i32
    %eq3A_504 = vector.broadcast %eq3A_503 : i32 to vector<32x1024xi32>
    %eq3A_505 = arith.cmpi eq, %and3A_502, %eq3A_504 : vector<32x1024xi32>
    %and3A_506 = arith.constant 64 : i32
    %and3A_507 = vector.broadcast %and3A_506 : i32 to vector<32x1024xi32>
    %and3A_508 = arith.andi %iota3A, %and3A_507 : vector<32x1024xi32>
    %eq3A_509 = arith.constant 0 : i32
    %eq3A_510 = vector.broadcast %eq3A_509 : i32 to vector<32x1024xi32>
    %eq3A_511 = arith.cmpi eq, %and3A_508, %eq3A_510 : vector<32x1024xi32>
    %eq3A_512 = arith.xori %eq3A_511, %eq3A_505 : vector<32x1024xi1>
    %eq3A_513 = arith.constant dense<true> : vector<32x1024xi1>
    %eq3A_514 = arith.xori %eq3A_512, %eq3A_513 : vector<32x1024xi1>
    %roll3A_515 = arith.constant 992 : i32
    %roll3A_516 = tpu.dynamic_rotate %select_n3A_491 by %roll3A_515 dim 1 : vector<32x1024xi32>, i32 -> vector<32x1024xi32>
    %roll3A_517 = arith.constant 32 : i32
    %roll3A_518 = tpu.dynamic_rotate %select_n3A_491 by %roll3A_517 dim 1 : vector<32x1024xi32>, i32 -> vector<32x1024xi32>
    %select_n3A_519 = arith.select %eq3A_505, %roll3A_516, %roll3A_518 : vector<32x1024xi1>, vector<32x1024xi32>
    %min3A_520 = arith.minsi %select_n3A_491, %select_n3A_519 : vector<32x1024xi32>
    %max3A_521 = arith.maxsi %select_n3A_491, %select_n3A_519 : vector<32x1024xi32>
    %select_n3A_522 = arith.select %eq3A_514, %min3A_520, %max3A_521 : vector<32x1024xi1>, vector<32x1024xi32>
    %roll3A_523 = arith.constant 992 : i32
    %roll3A_524 = tpu.dynamic_rotate %select_n3A_499 by %roll3A_523 dim 1 : vector<32x1024xi32>, i32 -> vector<32x1024xi32>
    %roll3A_525 = arith.constant 32 : i32
    %roll3A_526 = tpu.dynamic_rotate %select_n3A_499 by %roll3A_525 dim 1 : vector<32x1024xi32>, i32 -> vector<32x1024xi32>
    %select_n3A_527 = arith.select %eq3A_505, %roll3A_524, %roll3A_526 : vector<32x1024xi1>, vector<32x1024xi32>
    %min3A_528 = arith.minsi %select_n3A_499, %select_n3A_527 : vector<32x1024xi32>
    %max3A_529 = arith.maxsi %select_n3A_499, %select_n3A_527 : vector<32x1024xi32>
    %select_n3A_530 = arith.select %eq3A_514, %min3A_528, %max3A_529 : vector<32x1024xi1>, vector<32x1024xi32>
    %and3A_531 = arith.constant 16 : i32
    %and3A_532 = vector.broadcast %and3A_531 : i32 to vector<32x1024xi32>
    %and3A_533 = arith.andi %iota3A, %and3A_532 : vector<32x1024xi32>
    %eq3A_534 = arith.constant 0 : i32
    %eq3A_535 = vector.broadcast %eq3A_534 : i32 to vector<32x1024xi32>
    %eq3A_536 = arith.cmpi eq, %and3A_533, %eq3A_535 : vector<32x1024xi32>
    %and3A_537 = arith.constant 64 : i32
    %and3A_538 = vector.broadcast %and3A_537 : i32 to vector<32x1024xi32>
    %and3A_539 = arith.andi %iota3A, %and3A_538 : vector<32x1024xi32>
    %eq3A_540 = arith.constant 0 : i32
    %eq3A_541 = vector.broadcast %eq3A_540 : i32 to vector<32x1024xi32>
    %eq3A_542 = arith.cmpi eq, %and3A_539, %eq3A_541 : vector<32x1024xi32>
    %eq3A_543 = arith.xori %eq3A_542, %eq3A_536 : vector<32x1024xi1>
    %eq3A_544 = arith.constant dense<true> : vector<32x1024xi1>
    %eq3A_545 = arith.xori %eq3A_543, %eq3A_544 : vector<32x1024xi1>
    %roll3A_546 = arith.constant 1008 : i32
    %roll3A_547 = tpu.dynamic_rotate %select_n3A_522 by %roll3A_546 dim 1 : vector<32x1024xi32>, i32 -> vector<32x1024xi32>
    %roll3A_548 = arith.constant 16 : i32
    %roll3A_549 = tpu.dynamic_rotate %select_n3A_522 by %roll3A_548 dim 1 : vector<32x1024xi32>, i32 -> vector<32x1024xi32>
    %select_n3A_550 = arith.select %eq3A_536, %roll3A_547, %roll3A_549 : vector<32x1024xi1>, vector<32x1024xi32>
    %min3A_551 = arith.minsi %select_n3A_522, %select_n3A_550 : vector<32x1024xi32>
    %max3A_552 = arith.maxsi %select_n3A_522, %select_n3A_550 : vector<32x1024xi32>
    %select_n3A_553 = arith.select %eq3A_545, %min3A_551, %max3A_552 : vector<32x1024xi1>, vector<32x1024xi32>
    %roll3A_554 = arith.constant 1008 : i32
    %roll3A_555 = tpu.dynamic_rotate %select_n3A_530 by %roll3A_554 dim 1 : vector<32x1024xi32>, i32 -> vector<32x1024xi32>
    %roll3A_556 = arith.constant 16 : i32
    %roll3A_557 = tpu.dynamic_rotate %select_n3A_530 by %roll3A_556 dim 1 : vector<32x1024xi32>, i32 -> vector<32x1024xi32>
    %select_n3A_558 = arith.select %eq3A_536, %roll3A_555, %roll3A_557 : vector<32x1024xi1>, vector<32x1024xi32>
    %min3A_559 = arith.minsi %select_n3A_530, %select_n3A_558 : vector<32x1024xi32>
    %max3A_560 = arith.maxsi %select_n3A_530, %select_n3A_558 : vector<32x1024xi32>
    %select_n3A_561 = arith.select %eq3A_545, %min3A_559, %max3A_560 : vector<32x1024xi1>, vector<32x1024xi32>
    %and3A_562 = arith.constant 8 : i32
    %and3A_563 = vector.broadcast %and3A_562 : i32 to vector<32x1024xi32>
    %and3A_564 = arith.andi %iota3A, %and3A_563 : vector<32x1024xi32>
    %eq3A_565 = arith.constant 0 : i32
    %eq3A_566 = vector.broadcast %eq3A_565 : i32 to vector<32x1024xi32>
    %eq3A_567 = arith.cmpi eq, %and3A_564, %eq3A_566 : vector<32x1024xi32>
    %and3A_568 = arith.constant 64 : i32
    %and3A_569 = vector.broadcast %and3A_568 : i32 to vector<32x1024xi32>
    %and3A_570 = arith.andi %iota3A, %and3A_569 : vector<32x1024xi32>
    %eq3A_571 = arith.constant 0 : i32
    %eq3A_572 = vector.broadcast %eq3A_571 : i32 to vector<32x1024xi32>
    %eq3A_573 = arith.cmpi eq, %and3A_570, %eq3A_572 : vector<32x1024xi32>
    %eq3A_574 = arith.xori %eq3A_573, %eq3A_567 : vector<32x1024xi1>
    %eq3A_575 = arith.constant dense<true> : vector<32x1024xi1>
    %eq3A_576 = arith.xori %eq3A_574, %eq3A_575 : vector<32x1024xi1>
    %roll3A_577 = arith.constant 1016 : i32
    %roll3A_578 = tpu.dynamic_rotate %select_n3A_553 by %roll3A_577 dim 1 : vector<32x1024xi32>, i32 -> vector<32x1024xi32>
    %roll3A_579 = arith.constant 8 : i32
    %roll3A_580 = tpu.dynamic_rotate %select_n3A_553 by %roll3A_579 dim 1 : vector<32x1024xi32>, i32 -> vector<32x1024xi32>
    %select_n3A_581 = arith.select %eq3A_567, %roll3A_578, %roll3A_580 : vector<32x1024xi1>, vector<32x1024xi32>
    %min3A_582 = arith.minsi %select_n3A_553, %select_n3A_581 : vector<32x1024xi32>
    %max3A_583 = arith.maxsi %select_n3A_553, %select_n3A_581 : vector<32x1024xi32>
    %select_n3A_584 = arith.select %eq3A_576, %min3A_582, %max3A_583 : vector<32x1024xi1>, vector<32x1024xi32>
    %roll3A_585 = arith.constant 1016 : i32
    %roll3A_586 = tpu.dynamic_rotate %select_n3A_561 by %roll3A_585 dim 1 : vector<32x1024xi32>, i32 -> vector<32x1024xi32>
    %roll3A_587 = arith.constant 8 : i32
    %roll3A_588 = tpu.dynamic_rotate %select_n3A_561 by %roll3A_587 dim 1 : vector<32x1024xi32>, i32 -> vector<32x1024xi32>
    %select_n3A_589 = arith.select %eq3A_567, %roll3A_586, %roll3A_588 : vector<32x1024xi1>, vector<32x1024xi32>
    %min3A_590 = arith.minsi %select_n3A_561, %select_n3A_589 : vector<32x1024xi32>
    %max3A_591 = arith.maxsi %select_n3A_561, %select_n3A_589 : vector<32x1024xi32>
    %select_n3A_592 = arith.select %eq3A_576, %min3A_590, %max3A_591 : vector<32x1024xi1>, vector<32x1024xi32>
    %and3A_593 = arith.constant 4 : i32
    %and3A_594 = vector.broadcast %and3A_593 : i32 to vector<32x1024xi32>
    %and3A_595 = arith.andi %iota3A, %and3A_594 : vector<32x1024xi32>
    %eq3A_596 = arith.constant 0 : i32
    %eq3A_597 = vector.broadcast %eq3A_596 : i32 to vector<32x1024xi32>
    %eq3A_598 = arith.cmpi eq, %and3A_595, %eq3A_597 : vector<32x1024xi32>
    %and3A_599 = arith.constant 64 : i32
    %and3A_600 = vector.broadcast %and3A_599 : i32 to vector<32x1024xi32>
    %and3A_601 = arith.andi %iota3A, %and3A_600 : vector<32x1024xi32>
    %eq3A_602 = arith.constant 0 : i32
    %eq3A_603 = vector.broadcast %eq3A_602 : i32 to vector<32x1024xi32>
    %eq3A_604 = arith.cmpi eq, %and3A_601, %eq3A_603 : vector<32x1024xi32>
    %eq3A_605 = arith.xori %eq3A_604, %eq3A_598 : vector<32x1024xi1>
    %eq3A_606 = arith.constant dense<true> : vector<32x1024xi1>
    %eq3A_607 = arith.xori %eq3A_605, %eq3A_606 : vector<32x1024xi1>
    %roll3A_608 = arith.constant 1020 : i32
    %roll3A_609 = tpu.dynamic_rotate %select_n3A_584 by %roll3A_608 dim 1 : vector<32x1024xi32>, i32 -> vector<32x1024xi32>
    %roll3A_610 = arith.constant 4 : i32
    %roll3A_611 = tpu.dynamic_rotate %select_n3A_584 by %roll3A_610 dim 1 : vector<32x1024xi32>, i32 -> vector<32x1024xi32>
    %select_n3A_612 = arith.select %eq3A_598, %roll3A_609, %roll3A_611 : vector<32x1024xi1>, vector<32x1024xi32>
    %min3A_613 = arith.minsi %select_n3A_584, %select_n3A_612 : vector<32x1024xi32>
    %max3A_614 = arith.maxsi %select_n3A_584, %select_n3A_612 : vector<32x1024xi32>
    %select_n3A_615 = arith.select %eq3A_607, %min3A_613, %max3A_614 : vector<32x1024xi1>, vector<32x1024xi32>
    %roll3A_616 = arith.constant 1020 : i32
    %roll3A_617 = tpu.dynamic_rotate %select_n3A_592 by %roll3A_616 dim 1 : vector<32x1024xi32>, i32 -> vector<32x1024xi32>
    %roll3A_618 = arith.constant 4 : i32
    %roll3A_619 = tpu.dynamic_rotate %select_n3A_592 by %roll3A_618 dim 1 : vector<32x1024xi32>, i32 -> vector<32x1024xi32>
    %select_n3A_620 = arith.select %eq3A_598, %roll3A_617, %roll3A_619 : vector<32x1024xi1>, vector<32x1024xi32>
    %min3A_621 = arith.minsi %select_n3A_592, %select_n3A_620 : vector<32x1024xi32>
    %max3A_622 = arith.maxsi %select_n3A_592, %select_n3A_620 : vector<32x1024xi32>
    %select_n3A_623 = arith.select %eq3A_607, %min3A_621, %max3A_622 : vector<32x1024xi1>, vector<32x1024xi32>
    %and3A_624 = arith.constant 2 : i32
    %and3A_625 = vector.broadcast %and3A_624 : i32 to vector<32x1024xi32>
    %and3A_626 = arith.andi %iota3A, %and3A_625 : vector<32x1024xi32>
    %eq3A_627 = arith.constant 0 : i32
    %eq3A_628 = vector.broadcast %eq3A_627 : i32 to vector<32x1024xi32>
    %eq3A_629 = arith.cmpi eq, %and3A_626, %eq3A_628 : vector<32x1024xi32>
    %and3A_630 = arith.constant 64 : i32
    %and3A_631 = vector.broadcast %and3A_630 : i32 to vector<32x1024xi32>
    %and3A_632 = arith.andi %iota3A, %and3A_631 : vector<32x1024xi32>
    %eq3A_633 = arith.constant 0 : i32
    %eq3A_634 = vector.broadcast %eq3A_633 : i32 to vector<32x1024xi32>
    %eq3A_635 = arith.cmpi eq, %and3A_632, %eq3A_634 : vector<32x1024xi32>
    %eq3A_636 = arith.xori %eq3A_635, %eq3A_629 : vector<32x1024xi1>
    %eq3A_637 = arith.constant dense<true> : vector<32x1024xi1>
    %eq3A_638 = arith.xori %eq3A_636, %eq3A_637 : vector<32x1024xi1>
    %roll3A_639 = arith.constant 1022 : i32
    %roll3A_640 = tpu.dynamic_rotate %select_n3A_615 by %roll3A_639 dim 1 : vector<32x1024xi32>, i32 -> vector<32x1024xi32>
    %roll3A_641 = arith.constant 2 : i32
    %roll3A_642 = tpu.dynamic_rotate %select_n3A_615 by %roll3A_641 dim 1 : vector<32x1024xi32>, i32 -> vector<32x1024xi32>
    %select_n3A_643 = arith.select %eq3A_629, %roll3A_640, %roll3A_642 : vector<32x1024xi1>, vector<32x1024xi32>
    %min3A_644 = arith.minsi %select_n3A_615, %select_n3A_643 : vector<32x1024xi32>
    %max3A_645 = arith.maxsi %select_n3A_615, %select_n3A_643 : vector<32x1024xi32>
    %select_n3A_646 = arith.select %eq3A_638, %min3A_644, %max3A_645 : vector<32x1024xi1>, vector<32x1024xi32>
    %roll3A_647 = arith.constant 1022 : i32
    %roll3A_648 = tpu.dynamic_rotate %select_n3A_623 by %roll3A_647 dim 1 : vector<32x1024xi32>, i32 -> vector<32x1024xi32>
    %roll3A_649 = arith.constant 2 : i32
    %roll3A_650 = tpu.dynamic_rotate %select_n3A_623 by %roll3A_649 dim 1 : vector<32x1024xi32>, i32 -> vector<32x1024xi32>
    %select_n3A_651 = arith.select %eq3A_629, %roll3A_648, %roll3A_650 : vector<32x1024xi1>, vector<32x1024xi32>
    %min3A_652 = arith.minsi %select_n3A_623, %select_n3A_651 : vector<32x1024xi32>
    %max3A_653 = arith.maxsi %select_n3A_623, %select_n3A_651 : vector<32x1024xi32>
    %select_n3A_654 = arith.select %eq3A_638, %min3A_652, %max3A_653 : vector<32x1024xi1>, vector<32x1024xi32>
    %and3A_655 = arith.constant 1 : i32
    %and3A_656 = vector.broadcast %and3A_655 : i32 to vector<32x1024xi32>
    %and3A_657 = arith.andi %iota3A, %and3A_656 : vector<32x1024xi32>
    %eq3A_658 = arith.constant 0 : i32
    %eq3A_659 = vector.broadcast %eq3A_658 : i32 to vector<32x1024xi32>
    %eq3A_660 = arith.cmpi eq, %and3A_657, %eq3A_659 : vector<32x1024xi32>
    %and3A_661 = arith.constant 64 : i32
    %and3A_662 = vector.broadcast %and3A_661 : i32 to vector<32x1024xi32>
    %and3A_663 = arith.andi %iota3A, %and3A_662 : vector<32x1024xi32>
    %eq3A_664 = arith.constant 0 : i32
    %eq3A_665 = vector.broadcast %eq3A_664 : i32 to vector<32x1024xi32>
    %eq3A_666 = arith.cmpi eq, %and3A_663, %eq3A_665 : vector<32x1024xi32>
    %eq3A_667 = arith.xori %eq3A_666, %eq3A_660 : vector<32x1024xi1>
    %eq3A_668 = arith.constant dense<true> : vector<32x1024xi1>
    %eq3A_669 = arith.xori %eq3A_667, %eq3A_668 : vector<32x1024xi1>
    %roll3A_670 = arith.constant 1023 : i32
    %roll3A_671 = tpu.dynamic_rotate %select_n3A_646 by %roll3A_670 dim 1 : vector<32x1024xi32>, i32 -> vector<32x1024xi32>
    %roll3A_672 = arith.constant 1 : i32
    %roll3A_673 = tpu.dynamic_rotate %select_n3A_646 by %roll3A_672 dim 1 : vector<32x1024xi32>, i32 -> vector<32x1024xi32>
    %select_n3A_674 = arith.select %eq3A_660, %roll3A_671, %roll3A_673 : vector<32x1024xi1>, vector<32x1024xi32>
    %min3A_675 = arith.minsi %select_n3A_646, %select_n3A_674 : vector<32x1024xi32>
    %max3A_676 = arith.maxsi %select_n3A_646, %select_n3A_674 : vector<32x1024xi32>
    %select_n3A_677 = arith.select %eq3A_669, %min3A_675, %max3A_676 : vector<32x1024xi1>, vector<32x1024xi32>
    %roll3A_678 = arith.constant 1023 : i32
    %roll3A_679 = tpu.dynamic_rotate %select_n3A_654 by %roll3A_678 dim 1 : vector<32x1024xi32>, i32 -> vector<32x1024xi32>
    %roll3A_680 = arith.constant 1 : i32
    %roll3A_681 = tpu.dynamic_rotate %select_n3A_654 by %roll3A_680 dim 1 : vector<32x1024xi32>, i32 -> vector<32x1024xi32>
    %select_n3A_682 = arith.select %eq3A_660, %roll3A_679, %roll3A_681 : vector<32x1024xi1>, vector<32x1024xi32>
    %min3A_683 = arith.minsi %select_n3A_654, %select_n3A_682 : vector<32x1024xi32>
    %max3A_684 = arith.maxsi %select_n3A_654, %select_n3A_682 : vector<32x1024xi32>
    %select_n3A_685 = arith.select %eq3A_669, %min3A_683, %max3A_684 : vector<32x1024xi1>, vector<32x1024xi32>
    %and3A_686 = arith.constant 64 : i32
    %and3A_687 = vector.broadcast %and3A_686 : i32 to vector<32x1024xi32>
    %and3A_688 = arith.andi %iota3A, %and3A_687 : vector<32x1024xi32>
    %eq3A_689 = arith.constant 0 : i32
    %eq3A_690 = vector.broadcast %eq3A_689 : i32 to vector<32x1024xi32>
    %eq3A_691 = arith.cmpi eq, %and3A_688, %eq3A_690 : vector<32x1024xi32>
    %and3A_692 = arith.constant 128 : i32
    %and3A_693 = vector.broadcast %and3A_692 : i32 to vector<32x1024xi32>
    %and3A_694 = arith.andi %iota3A, %and3A_693 : vector<32x1024xi32>
    %eq3A_695 = arith.constant 0 : i32
    %eq3A_696 = vector.broadcast %eq3A_695 : i32 to vector<32x1024xi32>
    %eq3A_697 = arith.cmpi eq, %and3A_694, %eq3A_696 : vector<32x1024xi32>
    %eq3A_698 = arith.xori %eq3A_697, %eq3A_691 : vector<32x1024xi1>
    %eq3A_699 = arith.constant dense<true> : vector<32x1024xi1>
    %eq3A_700 = arith.xori %eq3A_698, %eq3A_699 : vector<32x1024xi1>
    %roll3A_701 = arith.constant 960 : i32
    %roll3A_702 = tpu.dynamic_rotate %select_n3A_677 by %roll3A_701 dim 1 : vector<32x1024xi32>, i32 -> vector<32x1024xi32>
    %roll3A_703 = arith.constant 64 : i32
    %roll3A_704 = tpu.dynamic_rotate %select_n3A_677 by %roll3A_703 dim 1 : vector<32x1024xi32>, i32 -> vector<32x1024xi32>
    %select_n3A_705 = arith.select %eq3A_691, %roll3A_702, %roll3A_704 : vector<32x1024xi1>, vector<32x1024xi32>
    %min3A_706 = arith.minsi %select_n3A_677, %select_n3A_705 : vector<32x1024xi32>
    %max3A_707 = arith.maxsi %select_n3A_677, %select_n3A_705 : vector<32x1024xi32>
    %select_n3A_708 = arith.select %eq3A_700, %min3A_706, %max3A_707 : vector<32x1024xi1>, vector<32x1024xi32>
    %roll3A_709 = arith.constant 960 : i32
    %roll3A_710 = tpu.dynamic_rotate %select_n3A_685 by %roll3A_709 dim 1 : vector<32x1024xi32>, i32 -> vector<32x1024xi32>
    %roll3A_711 = arith.constant 64 : i32
    %roll3A_712 = tpu.dynamic_rotate %select_n3A_685 by %roll3A_711 dim 1 : vector<32x1024xi32>, i32 -> vector<32x1024xi32>
    %select_n3A_713 = arith.select %eq3A_691, %roll3A_710, %roll3A_712 : vector<32x1024xi1>, vector<32x1024xi32>
    %min3A_714 = arith.minsi %select_n3A_685, %select_n3A_713 : vector<32x1024xi32>
    %max3A_715 = arith.maxsi %select_n3A_685, %select_n3A_713 : vector<32x1024xi32>
    %select_n3A_716 = arith.select %eq3A_700, %min3A_714, %max3A_715 : vector<32x1024xi1>, vector<32x1024xi32>
    %and3A_717 = arith.constant 32 : i32
    %and3A_718 = vector.broadcast %and3A_717 : i32 to vector<32x1024xi32>
    %and3A_719 = arith.andi %iota3A, %and3A_718 : vector<32x1024xi32>
    %eq3A_720 = arith.constant 0 : i32
    %eq3A_721 = vector.broadcast %eq3A_720 : i32 to vector<32x1024xi32>
    %eq3A_722 = arith.cmpi eq, %and3A_719, %eq3A_721 : vector<32x1024xi32>
    %and3A_723 = arith.constant 128 : i32
    %and3A_724 = vector.broadcast %and3A_723 : i32 to vector<32x1024xi32>
    %and3A_725 = arith.andi %iota3A, %and3A_724 : vector<32x1024xi32>
    %eq3A_726 = arith.constant 0 : i32
    %eq3A_727 = vector.broadcast %eq3A_726 : i32 to vector<32x1024xi32>
    %eq3A_728 = arith.cmpi eq, %and3A_725, %eq3A_727 : vector<32x1024xi32>
    %eq3A_729 = arith.xori %eq3A_728, %eq3A_722 : vector<32x1024xi1>
    %eq3A_730 = arith.constant dense<true> : vector<32x1024xi1>
    %eq3A_731 = arith.xori %eq3A_729, %eq3A_730 : vector<32x1024xi1>
    %roll3A_732 = arith.constant 992 : i32
    %roll3A_733 = tpu.dynamic_rotate %select_n3A_708 by %roll3A_732 dim 1 : vector<32x1024xi32>, i32 -> vector<32x1024xi32>
    %roll3A_734 = arith.constant 32 : i32
    %roll3A_735 = tpu.dynamic_rotate %select_n3A_708 by %roll3A_734 dim 1 : vector<32x1024xi32>, i32 -> vector<32x1024xi32>
    %select_n3A_736 = arith.select %eq3A_722, %roll3A_733, %roll3A_735 : vector<32x1024xi1>, vector<32x1024xi32>
    %min3A_737 = arith.minsi %select_n3A_708, %select_n3A_736 : vector<32x1024xi32>
    %max3A_738 = arith.maxsi %select_n3A_708, %select_n3A_736 : vector<32x1024xi32>
    %select_n3A_739 = arith.select %eq3A_731, %min3A_737, %max3A_738 : vector<32x1024xi1>, vector<32x1024xi32>
    %roll3A_740 = arith.constant 992 : i32
    %roll3A_741 = tpu.dynamic_rotate %select_n3A_716 by %roll3A_740 dim 1 : vector<32x1024xi32>, i32 -> vector<32x1024xi32>
    %roll3A_742 = arith.constant 32 : i32
    %roll3A_743 = tpu.dynamic_rotate %select_n3A_716 by %roll3A_742 dim 1 : vector<32x1024xi32>, i32 -> vector<32x1024xi32>
    %select_n3A_744 = arith.select %eq3A_722, %roll3A_741, %roll3A_743 : vector<32x1024xi1>, vector<32x1024xi32>
    %min3A_745 = arith.minsi %select_n3A_716, %select_n3A_744 : vector<32x1024xi32>
    %max3A_746 = arith.maxsi %select_n3A_716, %select_n3A_744 : vector<32x1024xi32>
    %select_n3A_747 = arith.select %eq3A_731, %min3A_745, %max3A_746 : vector<32x1024xi1>, vector<32x1024xi32>
    %and3A_748 = arith.constant 16 : i32
    %and3A_749 = vector.broadcast %and3A_748 : i32 to vector<32x1024xi32>
    %and3A_750 = arith.andi %iota3A, %and3A_749 : vector<32x1024xi32>
    %eq3A_751 = arith.constant 0 : i32
    %eq3A_752 = vector.broadcast %eq3A_751 : i32 to vector<32x1024xi32>
    %eq3A_753 = arith.cmpi eq, %and3A_750, %eq3A_752 : vector<32x1024xi32>
    %and3A_754 = arith.constant 128 : i32
    %and3A_755 = vector.broadcast %and3A_754 : i32 to vector<32x1024xi32>
    %and3A_756 = arith.andi %iota3A, %and3A_755 : vector<32x1024xi32>
    %eq3A_757 = arith.constant 0 : i32
    %eq3A_758 = vector.broadcast %eq3A_757 : i32 to vector<32x1024xi32>
    %eq3A_759 = arith.cmpi eq, %and3A_756, %eq3A_758 : vector<32x1024xi32>
    %eq3A_760 = arith.xori %eq3A_759, %eq3A_753 : vector<32x1024xi1>
    %eq3A_761 = arith.constant dense<true> : vector<32x1024xi1>
    %eq3A_762 = arith.xori %eq3A_760, %eq3A_761 : vector<32x1024xi1>
    %roll3A_763 = arith.constant 1008 : i32
    %roll3A_764 = tpu.dynamic_rotate %select_n3A_739 by %roll3A_763 dim 1 : vector<32x1024xi32>, i32 -> vector<32x1024xi32>
    %roll3A_765 = arith.constant 16 : i32
    %roll3A_766 = tpu.dynamic_rotate %select_n3A_739 by %roll3A_765 dim 1 : vector<32x1024xi32>, i32 -> vector<32x1024xi32>
    %select_n3A_767 = arith.select %eq3A_753, %roll3A_764, %roll3A_766 : vector<32x1024xi1>, vector<32x1024xi32>
    %min3A_768 = arith.minsi %select_n3A_739, %select_n3A_767 : vector<32x1024xi32>
    %max3A_769 = arith.maxsi %select_n3A_739, %select_n3A_767 : vector<32x1024xi32>
    %select_n3A_770 = arith.select %eq3A_762, %min3A_768, %max3A_769 : vector<32x1024xi1>, vector<32x1024xi32>
    %roll3A_771 = arith.constant 1008 : i32
    %roll3A_772 = tpu.dynamic_rotate %select_n3A_747 by %roll3A_771 dim 1 : vector<32x1024xi32>, i32 -> vector<32x1024xi32>
    %roll3A_773 = arith.constant 16 : i32
    %roll3A_774 = tpu.dynamic_rotate %select_n3A_747 by %roll3A_773 dim 1 : vector<32x1024xi32>, i32 -> vector<32x1024xi32>
    %select_n3A_775 = arith.select %eq3A_753, %roll3A_772, %roll3A_774 : vector<32x1024xi1>, vector<32x1024xi32>
    %min3A_776 = arith.minsi %select_n3A_747, %select_n3A_775 : vector<32x1024xi32>
    %max3A_777 = arith.maxsi %select_n3A_747, %select_n3A_775 : vector<32x1024xi32>
    %select_n3A_778 = arith.select %eq3A_762, %min3A_776, %max3A_777 : vector<32x1024xi1>, vector<32x1024xi32>
    %and3A_779 = arith.constant 8 : i32
    %and3A_780 = vector.broadcast %and3A_779 : i32 to vector<32x1024xi32>
    %and3A_781 = arith.andi %iota3A, %and3A_780 : vector<32x1024xi32>
    %eq3A_782 = arith.constant 0 : i32
    %eq3A_783 = vector.broadcast %eq3A_782 : i32 to vector<32x1024xi32>
    %eq3A_784 = arith.cmpi eq, %and3A_781, %eq3A_783 : vector<32x1024xi32>
    %and3A_785 = arith.constant 128 : i32
    %and3A_786 = vector.broadcast %and3A_785 : i32 to vector<32x1024xi32>
    %and3A_787 = arith.andi %iota3A, %and3A_786 : vector<32x1024xi32>
    %eq3A_788 = arith.constant 0 : i32
    %eq3A_789 = vector.broadcast %eq3A_788 : i32 to vector<32x1024xi32>
    %eq3A_790 = arith.cmpi eq, %and3A_787, %eq3A_789 : vector<32x1024xi32>
    %eq3A_791 = arith.xori %eq3A_790, %eq3A_784 : vector<32x1024xi1>
    %eq3A_792 = arith.constant dense<true> : vector<32x1024xi1>
    %eq3A_793 = arith.xori %eq3A_791, %eq3A_792 : vector<32x1024xi1>
    %roll3A_794 = arith.constant 1016 : i32
    %roll3A_795 = tpu.dynamic_rotate %select_n3A_770 by %roll3A_794 dim 1 : vector<32x1024xi32>, i32 -> vector<32x1024xi32>
    %roll3A_796 = arith.constant 8 : i32
    %roll3A_797 = tpu.dynamic_rotate %select_n3A_770 by %roll3A_796 dim 1 : vector<32x1024xi32>, i32 -> vector<32x1024xi32>
    %select_n3A_798 = arith.select %eq3A_784, %roll3A_795, %roll3A_797 : vector<32x1024xi1>, vector<32x1024xi32>
    %min3A_799 = arith.minsi %select_n3A_770, %select_n3A_798 : vector<32x1024xi32>
    %max3A_800 = arith.maxsi %select_n3A_770, %select_n3A_798 : vector<32x1024xi32>
    %select_n3A_801 = arith.select %eq3A_793, %min3A_799, %max3A_800 : vector<32x1024xi1>, vector<32x1024xi32>
    %roll3A_802 = arith.constant 1016 : i32
    %roll3A_803 = tpu.dynamic_rotate %select_n3A_778 by %roll3A_802 dim 1 : vector<32x1024xi32>, i32 -> vector<32x1024xi32>
    %roll3A_804 = arith.constant 8 : i32
    %roll3A_805 = tpu.dynamic_rotate %select_n3A_778 by %roll3A_804 dim 1 : vector<32x1024xi32>, i32 -> vector<32x1024xi32>
    %select_n3A_806 = arith.select %eq3A_784, %roll3A_803, %roll3A_805 : vector<32x1024xi1>, vector<32x1024xi32>
    %min3A_807 = arith.minsi %select_n3A_778, %select_n3A_806 : vector<32x1024xi32>
    %max3A_808 = arith.maxsi %select_n3A_778, %select_n3A_806 : vector<32x1024xi32>
    %select_n3A_809 = arith.select %eq3A_793, %min3A_807, %max3A_808 : vector<32x1024xi1>, vector<32x1024xi32>
    %and3A_810 = arith.constant 4 : i32
    %and3A_811 = vector.broadcast %and3A_810 : i32 to vector<32x1024xi32>
    %and3A_812 = arith.andi %iota3A, %and3A_811 : vector<32x1024xi32>
    %eq3A_813 = arith.constant 0 : i32
    %eq3A_814 = vector.broadcast %eq3A_813 : i32 to vector<32x1024xi32>
    %eq3A_815 = arith.cmpi eq, %and3A_812, %eq3A_814 : vector<32x1024xi32>
    %and3A_816 = arith.constant 128 : i32
    %and3A_817 = vector.broadcast %and3A_816 : i32 to vector<32x1024xi32>
    %and3A_818 = arith.andi %iota3A, %and3A_817 : vector<32x1024xi32>
    %eq3A_819 = arith.constant 0 : i32
    %eq3A_820 = vector.broadcast %eq3A_819 : i32 to vector<32x1024xi32>
    %eq3A_821 = arith.cmpi eq, %and3A_818, %eq3A_820 : vector<32x1024xi32>
    %eq3A_822 = arith.xori %eq3A_821, %eq3A_815 : vector<32x1024xi1>
    %eq3A_823 = arith.constant dense<true> : vector<32x1024xi1>
    %eq3A_824 = arith.xori %eq3A_822, %eq3A_823 : vector<32x1024xi1>
    %roll3A_825 = arith.constant 1020 : i32
    %roll3A_826 = tpu.dynamic_rotate %select_n3A_801 by %roll3A_825 dim 1 : vector<32x1024xi32>, i32 -> vector<32x1024xi32>
    %roll3A_827 = arith.constant 4 : i32
    %roll3A_828 = tpu.dynamic_rotate %select_n3A_801 by %roll3A_827 dim 1 : vector<32x1024xi32>, i32 -> vector<32x1024xi32>
    %select_n3A_829 = arith.select %eq3A_815, %roll3A_826, %roll3A_828 : vector<32x1024xi1>, vector<32x1024xi32>
    %min3A_830 = arith.minsi %select_n3A_801, %select_n3A_829 : vector<32x1024xi32>
    %max3A_831 = arith.maxsi %select_n3A_801, %select_n3A_829 : vector<32x1024xi32>
    %select_n3A_832 = arith.select %eq3A_824, %min3A_830, %max3A_831 : vector<32x1024xi1>, vector<32x1024xi32>
    %roll3A_833 = arith.constant 1020 : i32
    %roll3A_834 = tpu.dynamic_rotate %select_n3A_809 by %roll3A_833 dim 1 : vector<32x1024xi32>, i32 -> vector<32x1024xi32>
    %roll3A_835 = arith.constant 4 : i32
    %roll3A_836 = tpu.dynamic_rotate %select_n3A_809 by %roll3A_835 dim 1 : vector<32x1024xi32>, i32 -> vector<32x1024xi32>
    %select_n3A_837 = arith.select %eq3A_815, %roll3A_834, %roll3A_836 : vector<32x1024xi1>, vector<32x1024xi32>
    %min3A_838 = arith.minsi %select_n3A_809, %select_n3A_837 : vector<32x1024xi32>
    %max3A_839 = arith.maxsi %select_n3A_809, %select_n3A_837 : vector<32x1024xi32>
    %select_n3A_840 = arith.select %eq3A_824, %min3A_838, %max3A_839 : vector<32x1024xi1>, vector<32x1024xi32>
    %and3A_841 = arith.constant 2 : i32
    %and3A_842 = vector.broadcast %and3A_841 : i32 to vector<32x1024xi32>
    %and3A_843 = arith.andi %iota3A, %and3A_842 : vector<32x1024xi32>
    %eq3A_844 = arith.constant 0 : i32
    %eq3A_845 = vector.broadcast %eq3A_844 : i32 to vector<32x1024xi32>
    %eq3A_846 = arith.cmpi eq, %and3A_843, %eq3A_845 : vector<32x1024xi32>
    %and3A_847 = arith.constant 128 : i32
    %and3A_848 = vector.broadcast %and3A_847 : i32 to vector<32x1024xi32>
    %and3A_849 = arith.andi %iota3A, %and3A_848 : vector<32x1024xi32>
    %eq3A_850 = arith.constant 0 : i32
    %eq3A_851 = vector.broadcast %eq3A_850 : i32 to vector<32x1024xi32>
    %eq3A_852 = arith.cmpi eq, %and3A_849, %eq3A_851 : vector<32x1024xi32>
    %eq3A_853 = arith.xori %eq3A_852, %eq3A_846 : vector<32x1024xi1>
    %eq3A_854 = arith.constant dense<true> : vector<32x1024xi1>
    %eq3A_855 = arith.xori %eq3A_853, %eq3A_854 : vector<32x1024xi1>
    %roll3A_856 = arith.constant 1022 : i32
    %roll3A_857 = tpu.dynamic_rotate %select_n3A_832 by %roll3A_856 dim 1 : vector<32x1024xi32>, i32 -> vector<32x1024xi32>
    %roll3A_858 = arith.constant 2 : i32
    %roll3A_859 = tpu.dynamic_rotate %select_n3A_832 by %roll3A_858 dim 1 : vector<32x1024xi32>, i32 -> vector<32x1024xi32>
    %select_n3A_860 = arith.select %eq3A_846, %roll3A_857, %roll3A_859 : vector<32x1024xi1>, vector<32x1024xi32>
    %min3A_861 = arith.minsi %select_n3A_832, %select_n3A_860 : vector<32x1024xi32>
    %max3A_862 = arith.maxsi %select_n3A_832, %select_n3A_860 : vector<32x1024xi32>
    %select_n3A_863 = arith.select %eq3A_855, %min3A_861, %max3A_862 : vector<32x1024xi1>, vector<32x1024xi32>
    %roll3A_864 = arith.constant 1022 : i32
    %roll3A_865 = tpu.dynamic_rotate %select_n3A_840 by %roll3A_864 dim 1 : vector<32x1024xi32>, i32 -> vector<32x1024xi32>
    %roll3A_866 = arith.constant 2 : i32
    %roll3A_867 = tpu.dynamic_rotate %select_n3A_840 by %roll3A_866 dim 1 : vector<32x1024xi32>, i32 -> vector<32x1024xi32>
    %select_n3A_868 = arith.select %eq3A_846, %roll3A_865, %roll3A_867 : vector<32x1024xi1>, vector<32x1024xi32>
    %min3A_869 = arith.minsi %select_n3A_840, %select_n3A_868 : vector<32x1024xi32>
    %max3A_870 = arith.maxsi %select_n3A_840, %select_n3A_868 : vector<32x1024xi32>
    %select_n3A_871 = arith.select %eq3A_855, %min3A_869, %max3A_870 : vector<32x1024xi1>, vector<32x1024xi32>
    %and3A_872 = arith.constant 1 : i32
    %and3A_873 = vector.broadcast %and3A_872 : i32 to vector<32x1024xi32>
    %and3A_874 = arith.andi %iota3A, %and3A_873 : vector<32x1024xi32>
    %eq3A_875 = arith.constant 0 : i32
    %eq3A_876 = vector.broadcast %eq3A_875 : i32 to vector<32x1024xi32>
    %eq3A_877 = arith.cmpi eq, %and3A_874, %eq3A_876 : vector<32x1024xi32>
    %and3A_878 = arith.constant 128 : i32
    %and3A_879 = vector.broadcast %and3A_878 : i32 to vector<32x1024xi32>
    %and3A_880 = arith.andi %iota3A, %and3A_879 : vector<32x1024xi32>
    %eq3A_881 = arith.constant 0 : i32
    %eq3A_882 = vector.broadcast %eq3A_881 : i32 to vector<32x1024xi32>
    %eq3A_883 = arith.cmpi eq, %and3A_880, %eq3A_882 : vector<32x1024xi32>
    %eq3A_884 = arith.xori %eq3A_883, %eq3A_877 : vector<32x1024xi1>
    %eq3A_885 = arith.constant dense<true> : vector<32x1024xi1>
    %eq3A_886 = arith.xori %eq3A_884, %eq3A_885 : vector<32x1024xi1>
    %roll3A_887 = arith.constant 1023 : i32
    %roll3A_888 = tpu.dynamic_rotate %select_n3A_863 by %roll3A_887 dim 1 : vector<32x1024xi32>, i32 -> vector<32x1024xi32>
    %roll3A_889 = arith.constant 1 : i32
    %roll3A_890 = tpu.dynamic_rotate %select_n3A_863 by %roll3A_889 dim 1 : vector<32x1024xi32>, i32 -> vector<32x1024xi32>
    %select_n3A_891 = arith.select %eq3A_877, %roll3A_888, %roll3A_890 : vector<32x1024xi1>, vector<32x1024xi32>
    %min3A_892 = arith.minsi %select_n3A_863, %select_n3A_891 : vector<32x1024xi32>
    %max3A_893 = arith.maxsi %select_n3A_863, %select_n3A_891 : vector<32x1024xi32>
    %select_n3A_894 = arith.select %eq3A_886, %min3A_892, %max3A_893 : vector<32x1024xi1>, vector<32x1024xi32>
    %roll3A_895 = arith.constant 1023 : i32
    %roll3A_896 = tpu.dynamic_rotate %select_n3A_871 by %roll3A_895 dim 1 : vector<32x1024xi32>, i32 -> vector<32x1024xi32>
    %roll3A_897 = arith.constant 1 : i32
    %roll3A_898 = tpu.dynamic_rotate %select_n3A_871 by %roll3A_897 dim 1 : vector<32x1024xi32>, i32 -> vector<32x1024xi32>
    %select_n3A_899 = arith.select %eq3A_877, %roll3A_896, %roll3A_898 : vector<32x1024xi1>, vector<32x1024xi32>
    %min3A_900 = arith.minsi %select_n3A_871, %select_n3A_899 : vector<32x1024xi32>
    %max3A_901 = arith.maxsi %select_n3A_871, %select_n3A_899 : vector<32x1024xi32>
    %select_n3A_902 = arith.select %eq3A_886, %min3A_900, %max3A_901 : vector<32x1024xi1>, vector<32x1024xi32>
    %and3A_903 = arith.constant 128 : i32
    %and3A_904 = vector.broadcast %and3A_903 : i32 to vector<32x1024xi32>
    %and3A_905 = arith.andi %iota3A, %and3A_904 : vector<32x1024xi32>
    %eq3A_906 = arith.constant 0 : i32
    %eq3A_907 = vector.broadcast %eq3A_906 : i32 to vector<32x1024xi32>
    %eq3A_908 = arith.cmpi eq, %and3A_905, %eq3A_907 : vector<32x1024xi32>
    %and3A_909 = arith.constant 256 : i32
    %and3A_910 = vector.broadcast %and3A_909 : i32 to vector<32x1024xi32>
    %and3A_911 = arith.andi %iota3A, %and3A_910 : vector<32x1024xi32>
    %eq3A_912 = arith.constant 0 : i32
    %eq3A_913 = vector.broadcast %eq3A_912 : i32 to vector<32x1024xi32>
    %eq3A_914 = arith.cmpi eq, %and3A_911, %eq3A_913 : vector<32x1024xi32>
    %eq3A_915 = arith.xori %eq3A_914, %eq3A_908 : vector<32x1024xi1>
    %eq3A_916 = arith.constant dense<true> : vector<32x1024xi1>
    %eq3A_917 = arith.xori %eq3A_915, %eq3A_916 : vector<32x1024xi1>
    %roll3A_918 = arith.constant 896 : i32
    %roll3A_919 = tpu.dynamic_rotate %select_n3A_894 by %roll3A_918 dim 1 : vector<32x1024xi32>, i32 -> vector<32x1024xi32>
    %roll3A_920 = arith.constant 128 : i32
    %roll3A_921 = tpu.dynamic_rotate %select_n3A_894 by %roll3A_920 dim 1 : vector<32x1024xi32>, i32 -> vector<32x1024xi32>
    %select_n3A_922 = arith.select %eq3A_908, %roll3A_919, %roll3A_921 : vector<32x1024xi1>, vector<32x1024xi32>
    %min3A_923 = arith.minsi %select_n3A_894, %select_n3A_922 : vector<32x1024xi32>
    %max3A_924 = arith.maxsi %select_n3A_894, %select_n3A_922 : vector<32x1024xi32>
    %select_n3A_925 = arith.select %eq3A_917, %min3A_923, %max3A_924 : vector<32x1024xi1>, vector<32x1024xi32>
    %roll3A_926 = arith.constant 896 : i32
    %roll3A_927 = tpu.dynamic_rotate %select_n3A_902 by %roll3A_926 dim 1 : vector<32x1024xi32>, i32 -> vector<32x1024xi32>
    %roll3A_928 = arith.constant 128 : i32
    %roll3A_929 = tpu.dynamic_rotate %select_n3A_902 by %roll3A_928 dim 1 : vector<32x1024xi32>, i32 -> vector<32x1024xi32>
    %select_n3A_930 = arith.select %eq3A_908, %roll3A_927, %roll3A_929 : vector<32x1024xi1>, vector<32x1024xi32>
    %min3A_931 = arith.minsi %select_n3A_902, %select_n3A_930 : vector<32x1024xi32>
    %max3A_932 = arith.maxsi %select_n3A_902, %select_n3A_930 : vector<32x1024xi32>
    %select_n3A_933 = arith.select %eq3A_917, %min3A_931, %max3A_932 : vector<32x1024xi1>, vector<32x1024xi32>
    %and3A_934 = arith.constant 64 : i32
    %and3A_935 = vector.broadcast %and3A_934 : i32 to vector<32x1024xi32>
    %and3A_936 = arith.andi %iota3A, %and3A_935 : vector<32x1024xi32>
    %eq3A_937 = arith.constant 0 : i32
    %eq3A_938 = vector.broadcast %eq3A_937 : i32 to vector<32x1024xi32>
    %eq3A_939 = arith.cmpi eq, %and3A_936, %eq3A_938 : vector<32x1024xi32>
    %and3A_940 = arith.constant 256 : i32
    %and3A_941 = vector.broadcast %and3A_940 : i32 to vector<32x1024xi32>
    %and3A_942 = arith.andi %iota3A, %and3A_941 : vector<32x1024xi32>
    %eq3A_943 = arith.constant 0 : i32
    %eq3A_944 = vector.broadcast %eq3A_943 : i32 to vector<32x1024xi32>
    %eq3A_945 = arith.cmpi eq, %and3A_942, %eq3A_944 : vector<32x1024xi32>
    %eq3A_946 = arith.xori %eq3A_945, %eq3A_939 : vector<32x1024xi1>
    %eq3A_947 = arith.constant dense<true> : vector<32x1024xi1>
    %eq3A_948 = arith.xori %eq3A_946, %eq3A_947 : vector<32x1024xi1>
    %roll3A_949 = arith.constant 960 : i32
    %roll3A_950 = tpu.dynamic_rotate %select_n3A_925 by %roll3A_949 dim 1 : vector<32x1024xi32>, i32 -> vector<32x1024xi32>
    %roll3A_951 = arith.constant 64 : i32
    %roll3A_952 = tpu.dynamic_rotate %select_n3A_925 by %roll3A_951 dim 1 : vector<32x1024xi32>, i32 -> vector<32x1024xi32>
    %select_n3A_953 = arith.select %eq3A_939, %roll3A_950, %roll3A_952 : vector<32x1024xi1>, vector<32x1024xi32>
    %min3A_954 = arith.minsi %select_n3A_925, %select_n3A_953 : vector<32x1024xi32>
    %max3A_955 = arith.maxsi %select_n3A_925, %select_n3A_953 : vector<32x1024xi32>
    %select_n3A_956 = arith.select %eq3A_948, %min3A_954, %max3A_955 : vector<32x1024xi1>, vector<32x1024xi32>
    %roll3A_957 = arith.constant 960 : i32
    %roll3A_958 = tpu.dynamic_rotate %select_n3A_933 by %roll3A_957 dim 1 : vector<32x1024xi32>, i32 -> vector<32x1024xi32>
    %roll3A_959 = arith.constant 64 : i32
    %roll3A_960 = tpu.dynamic_rotate %select_n3A_933 by %roll3A_959 dim 1 : vector<32x1024xi32>, i32 -> vector<32x1024xi32>
    %select_n3A_961 = arith.select %eq3A_939, %roll3A_958, %roll3A_960 : vector<32x1024xi1>, vector<32x1024xi32>
    %min3A_962 = arith.minsi %select_n3A_933, %select_n3A_961 : vector<32x1024xi32>
    %max3A_963 = arith.maxsi %select_n3A_933, %select_n3A_961 : vector<32x1024xi32>
    %select_n3A_964 = arith.select %eq3A_948, %min3A_962, %max3A_963 : vector<32x1024xi1>, vector<32x1024xi32>
    %and3A_965 = arith.constant 32 : i32
    %and3A_966 = vector.broadcast %and3A_965 : i32 to vector<32x1024xi32>
    %and3A_967 = arith.andi %iota3A, %and3A_966 : vector<32x1024xi32>
    %eq3A_968 = arith.constant 0 : i32
    %eq3A_969 = vector.broadcast %eq3A_968 : i32 to vector<32x1024xi32>
    %eq3A_970 = arith.cmpi eq, %and3A_967, %eq3A_969 : vector<32x1024xi32>
    %and3A_971 = arith.constant 256 : i32
    %and3A_972 = vector.broadcast %and3A_971 : i32 to vector<32x1024xi32>
    %and3A_973 = arith.andi %iota3A, %and3A_972 : vector<32x1024xi32>
    %eq3A_974 = arith.constant 0 : i32
    %eq3A_975 = vector.broadcast %eq3A_974 : i32 to vector<32x1024xi32>
    %eq3A_976 = arith.cmpi eq, %and3A_973, %eq3A_975 : vector<32x1024xi32>
    %eq3A_977 = arith.xori %eq3A_976, %eq3A_970 : vector<32x1024xi1>
    %eq3A_978 = arith.constant dense<true> : vector<32x1024xi1>
    %eq3A_979 = arith.xori %eq3A_977, %eq3A_978 : vector<32x1024xi1>
    %roll3A_980 = arith.constant 992 : i32
    %roll3A_981 = tpu.dynamic_rotate %select_n3A_956 by %roll3A_980 dim 1 : vector<32x1024xi32>, i32 -> vector<32x1024xi32>
    %roll3A_982 = arith.constant 32 : i32
    %roll3A_983 = tpu.dynamic_rotate %select_n3A_956 by %roll3A_982 dim 1 : vector<32x1024xi32>, i32 -> vector<32x1024xi32>
    %select_n3A_984 = arith.select %eq3A_970, %roll3A_981, %roll3A_983 : vector<32x1024xi1>, vector<32x1024xi32>
    %min3A_985 = arith.minsi %select_n3A_956, %select_n3A_984 : vector<32x1024xi32>
    %max3A_986 = arith.maxsi %select_n3A_956, %select_n3A_984 : vector<32x1024xi32>
    %select_n3A_987 = arith.select %eq3A_979, %min3A_985, %max3A_986 : vector<32x1024xi1>, vector<32x1024xi32>
    %roll3A_988 = arith.constant 992 : i32
    %roll3A_989 = tpu.dynamic_rotate %select_n3A_964 by %roll3A_988 dim 1 : vector<32x1024xi32>, i32 -> vector<32x1024xi32>
    %roll3A_990 = arith.constant 32 : i32
    %roll3A_991 = tpu.dynamic_rotate %select_n3A_964 by %roll3A_990 dim 1 : vector<32x1024xi32>, i32 -> vector<32x1024xi32>
    %select_n3A_992 = arith.select %eq3A_970, %roll3A_989, %roll3A_991 : vector<32x1024xi1>, vector<32x1024xi32>
    %min3A_993 = arith.minsi %select_n3A_964, %select_n3A_992 : vector<32x1024xi32>
    %max3A_994 = arith.maxsi %select_n3A_964, %select_n3A_992 : vector<32x1024xi32>
    %select_n3A_995 = arith.select %eq3A_979, %min3A_993, %max3A_994 : vector<32x1024xi1>, vector<32x1024xi32>
    %and3A_996 = arith.constant 16 : i32
    %and3A_997 = vector.broadcast %and3A_996 : i32 to vector<32x1024xi32>
    %and3A_998 = arith.andi %iota3A, %and3A_997 : vector<32x1024xi32>
    %eq3A_999 = arith.constant 0 : i32
    %eq3A_1000 = vector.broadcast %eq3A_999 : i32 to vector<32x1024xi32>
    %eq3A_1001 = arith.cmpi eq, %and3A_998, %eq3A_1000 : vector<32x1024xi32>
    %and3A_1002 = arith.constant 256 : i32
    %and3A_1003 = vector.broadcast %and3A_1002 : i32 to vector<32x1024xi32>
    %and3A_1004 = arith.andi %iota3A, %and3A_1003 : vector<32x1024xi32>
    %eq3A_1005 = arith.constant 0 : i32
    %eq3A_1006 = vector.broadcast %eq3A_1005 : i32 to vector<32x1024xi32>
    %eq3A_1007 = arith.cmpi eq, %and3A_1004, %eq3A_1006 : vector<32x1024xi32>
    %eq3A_1008 = arith.xori %eq3A_1007, %eq3A_1001 : vector<32x1024xi1>
    %eq3A_1009 = arith.constant dense<true> : vector<32x1024xi1>
    %eq3A_1010 = arith.xori %eq3A_1008, %eq3A_1009 : vector<32x1024xi1>
    %roll3A_1011 = arith.constant 1008 : i32
    %roll3A_1012 = tpu.dynamic_rotate %select_n3A_987 by %roll3A_1011 dim 1 : vector<32x1024xi32>, i32 -> vector<32x1024xi32>
    %roll3A_1013 = arith.constant 16 : i32
    %roll3A_1014 = tpu.dynamic_rotate %select_n3A_987 by %roll3A_1013 dim 1 : vector<32x1024xi32>, i32 -> vector<32x1024xi32>
    %select_n3A_1015 = arith.select %eq3A_1001, %roll3A_1012, %roll3A_1014 : vector<32x1024xi1>, vector<32x1024xi32>
    %min3A_1016 = arith.minsi %select_n3A_987, %select_n3A_1015 : vector<32x1024xi32>
    %max3A_1017 = arith.maxsi %select_n3A_987, %select_n3A_1015 : vector<32x1024xi32>
    %select_n3A_1018 = arith.select %eq3A_1010, %min3A_1016, %max3A_1017 : vector<32x1024xi1>, vector<32x1024xi32>
    %roll3A_1019 = arith.constant 1008 : i32
    %roll3A_1020 = tpu.dynamic_rotate %select_n3A_995 by %roll3A_1019 dim 1 : vector<32x1024xi32>, i32 -> vector<32x1024xi32>
    %roll3A_1021 = arith.constant 16 : i32
    %roll3A_1022 = tpu.dynamic_rotate %select_n3A_995 by %roll3A_1021 dim 1 : vector<32x1024xi32>, i32 -> vector<32x1024xi32>
    %select_n3A_1023 = arith.select %eq3A_1001, %roll3A_1020, %roll3A_1022 : vector<32x1024xi1>, vector<32x1024xi32>
    %min3A_1024 = arith.minsi %select_n3A_995, %select_n3A_1023 : vector<32x1024xi32>
    %max3A_1025 = arith.maxsi %select_n3A_995, %select_n3A_1023 : vector<32x1024xi32>
    %select_n3A_1026 = arith.select %eq3A_1010, %min3A_1024, %max3A_1025 : vector<32x1024xi1>, vector<32x1024xi32>
    %and3A_1027 = arith.constant 8 : i32
    %and3A_1028 = vector.broadcast %and3A_1027 : i32 to vector<32x1024xi32>
    %and3A_1029 = arith.andi %iota3A, %and3A_1028 : vector<32x1024xi32>
    %eq3A_1030 = arith.constant 0 : i32
    %eq3A_1031 = vector.broadcast %eq3A_1030 : i32 to vector<32x1024xi32>
    %eq3A_1032 = arith.cmpi eq, %and3A_1029, %eq3A_1031 : vector<32x1024xi32>
    %and3A_1033 = arith.constant 256 : i32
    %and3A_1034 = vector.broadcast %and3A_1033 : i32 to vector<32x1024xi32>
    %and3A_1035 = arith.andi %iota3A, %and3A_1034 : vector<32x1024xi32>
    %eq3A_1036 = arith.constant 0 : i32
    %eq3A_1037 = vector.broadcast %eq3A_1036 : i32 to vector<32x1024xi32>
    %eq3A_1038 = arith.cmpi eq, %and3A_1035, %eq3A_1037 : vector<32x1024xi32>
    %eq3A_1039 = arith.xori %eq3A_1038, %eq3A_1032 : vector<32x1024xi1>
    %eq3A_1040 = arith.constant dense<true> : vector<32x1024xi1>
    %eq3A_1041 = arith.xori %eq3A_1039, %eq3A_1040 : vector<32x1024xi1>
    %roll3A_1042 = arith.constant 1016 : i32
    %roll3A_1043 = tpu.dynamic_rotate %select_n3A_1018 by %roll3A_1042 dim 1 : vector<32x1024xi32>, i32 -> vector<32x1024xi32>
    %roll3A_1044 = arith.constant 8 : i32
    %roll3A_1045 = tpu.dynamic_rotate %select_n3A_1018 by %roll3A_1044 dim 1 : vector<32x1024xi32>, i32 -> vector<32x1024xi32>
    %select_n3A_1046 = arith.select %eq3A_1032, %roll3A_1043, %roll3A_1045 : vector<32x1024xi1>, vector<32x1024xi32>
    %min3A_1047 = arith.minsi %select_n3A_1018, %select_n3A_1046 : vector<32x1024xi32>
    %max3A_1048 = arith.maxsi %select_n3A_1018, %select_n3A_1046 : vector<32x1024xi32>
    %select_n3A_1049 = arith.select %eq3A_1041, %min3A_1047, %max3A_1048 : vector<32x1024xi1>, vector<32x1024xi32>
    %roll3A_1050 = arith.constant 1016 : i32
    %roll3A_1051 = tpu.dynamic_rotate %select_n3A_1026 by %roll3A_1050 dim 1 : vector<32x1024xi32>, i32 -> vector<32x1024xi32>
    %roll3A_1052 = arith.constant 8 : i32
    %roll3A_1053 = tpu.dynamic_rotate %select_n3A_1026 by %roll3A_1052 dim 1 : vector<32x1024xi32>, i32 -> vector<32x1024xi32>
    %select_n3A_1054 = arith.select %eq3A_1032, %roll3A_1051, %roll3A_1053 : vector<32x1024xi1>, vector<32x1024xi32>
    %min3A_1055 = arith.minsi %select_n3A_1026, %select_n3A_1054 : vector<32x1024xi32>
    %max3A_1056 = arith.maxsi %select_n3A_1026, %select_n3A_1054 : vector<32x1024xi32>
    %select_n3A_1057 = arith.select %eq3A_1041, %min3A_1055, %max3A_1056 : vector<32x1024xi1>, vector<32x1024xi32>
    %and3A_1058 = arith.constant 4 : i32
    %and3A_1059 = vector.broadcast %and3A_1058 : i32 to vector<32x1024xi32>
    %and3A_1060 = arith.andi %iota3A, %and3A_1059 : vector<32x1024xi32>
    %eq3A_1061 = arith.constant 0 : i32
    %eq3A_1062 = vector.broadcast %eq3A_1061 : i32 to vector<32x1024xi32>
    %eq3A_1063 = arith.cmpi eq, %and3A_1060, %eq3A_1062 : vector<32x1024xi32>
    %and3A_1064 = arith.constant 256 : i32
    %and3A_1065 = vector.broadcast %and3A_1064 : i32 to vector<32x1024xi32>
    %and3A_1066 = arith.andi %iota3A, %and3A_1065 : vector<32x1024xi32>
    %eq3A_1067 = arith.constant 0 : i32
    %eq3A_1068 = vector.broadcast %eq3A_1067 : i32 to vector<32x1024xi32>
    %eq3A_1069 = arith.cmpi eq, %and3A_1066, %eq3A_1068 : vector<32x1024xi32>
    %eq3A_1070 = arith.xori %eq3A_1069, %eq3A_1063 : vector<32x1024xi1>
    %eq3A_1071 = arith.constant dense<true> : vector<32x1024xi1>
    %eq3A_1072 = arith.xori %eq3A_1070, %eq3A_1071 : vector<32x1024xi1>
    %roll3A_1073 = arith.constant 1020 : i32
    %roll3A_1074 = tpu.dynamic_rotate %select_n3A_1049 by %roll3A_1073 dim 1 : vector<32x1024xi32>, i32 -> vector<32x1024xi32>
    %roll3A_1075 = arith.constant 4 : i32
    %roll3A_1076 = tpu.dynamic_rotate %select_n3A_1049 by %roll3A_1075 dim 1 : vector<32x1024xi32>, i32 -> vector<32x1024xi32>
    %select_n3A_1077 = arith.select %eq3A_1063, %roll3A_1074, %roll3A_1076 : vector<32x1024xi1>, vector<32x1024xi32>
    %min3A_1078 = arith.minsi %select_n3A_1049, %select_n3A_1077 : vector<32x1024xi32>
    %max3A_1079 = arith.maxsi %select_n3A_1049, %select_n3A_1077 : vector<32x1024xi32>
    %select_n3A_1080 = arith.select %eq3A_1072, %min3A_1078, %max3A_1079 : vector<32x1024xi1>, vector<32x1024xi32>
    %roll3A_1081 = arith.constant 1020 : i32
    %roll3A_1082 = tpu.dynamic_rotate %select_n3A_1057 by %roll3A_1081 dim 1 : vector<32x1024xi32>, i32 -> vector<32x1024xi32>
    %roll3A_1083 = arith.constant 4 : i32
    %roll3A_1084 = tpu.dynamic_rotate %select_n3A_1057 by %roll3A_1083 dim 1 : vector<32x1024xi32>, i32 -> vector<32x1024xi32>
    %select_n3A_1085 = arith.select %eq3A_1063, %roll3A_1082, %roll3A_1084 : vector<32x1024xi1>, vector<32x1024xi32>
    %min3A_1086 = arith.minsi %select_n3A_1057, %select_n3A_1085 : vector<32x1024xi32>
    %max3A_1087 = arith.maxsi %select_n3A_1057, %select_n3A_1085 : vector<32x1024xi32>
    %select_n3A_1088 = arith.select %eq3A_1072, %min3A_1086, %max3A_1087 : vector<32x1024xi1>, vector<32x1024xi32>
    %and3A_1089 = arith.constant 2 : i32
    %and3A_1090 = vector.broadcast %and3A_1089 : i32 to vector<32x1024xi32>
    %and3A_1091 = arith.andi %iota3A, %and3A_1090 : vector<32x1024xi32>
    %eq3A_1092 = arith.constant 0 : i32
    %eq3A_1093 = vector.broadcast %eq3A_1092 : i32 to vector<32x1024xi32>
    %eq3A_1094 = arith.cmpi eq, %and3A_1091, %eq3A_1093 : vector<32x1024xi32>
    %and3A_1095 = arith.constant 256 : i32
    %and3A_1096 = vector.broadcast %and3A_1095 : i32 to vector<32x1024xi32>
    %and3A_1097 = arith.andi %iota3A, %and3A_1096 : vector<32x1024xi32>
    %eq3A_1098 = arith.constant 0 : i32
    %eq3A_1099 = vector.broadcast %eq3A_1098 : i32 to vector<32x1024xi32>
    %eq3A_1100 = arith.cmpi eq, %and3A_1097, %eq3A_1099 : vector<32x1024xi32>
    %eq3A_1101 = arith.xori %eq3A_1100, %eq3A_1094 : vector<32x1024xi1>
    %eq3A_1102 = arith.constant dense<true> : vector<32x1024xi1>
    %eq3A_1103 = arith.xori %eq3A_1101, %eq3A_1102 : vector<32x1024xi1>
    %roll3A_1104 = arith.constant 1022 : i32
    %roll3A_1105 = tpu.dynamic_rotate %select_n3A_1080 by %roll3A_1104 dim 1 : vector<32x1024xi32>, i32 -> vector<32x1024xi32>
    %roll3A_1106 = arith.constant 2 : i32
    %roll3A_1107 = tpu.dynamic_rotate %select_n3A_1080 by %roll3A_1106 dim 1 : vector<32x1024xi32>, i32 -> vector<32x1024xi32>
    %select_n3A_1108 = arith.select %eq3A_1094, %roll3A_1105, %roll3A_1107 : vector<32x1024xi1>, vector<32x1024xi32>
    %min3A_1109 = arith.minsi %select_n3A_1080, %select_n3A_1108 : vector<32x1024xi32>
    %max3A_1110 = arith.maxsi %select_n3A_1080, %select_n3A_1108 : vector<32x1024xi32>
    %select_n3A_1111 = arith.select %eq3A_1103, %min3A_1109, %max3A_1110 : vector<32x1024xi1>, vector<32x1024xi32>
    %roll3A_1112 = arith.constant 1022 : i32
    %roll3A_1113 = tpu.dynamic_rotate %select_n3A_1088 by %roll3A_1112 dim 1 : vector<32x1024xi32>, i32 -> vector<32x1024xi32>
    %roll3A_1114 = arith.constant 2 : i32
    %roll3A_1115 = tpu.dynamic_rotate %select_n3A_1088 by %roll3A_1114 dim 1 : vector<32x1024xi32>, i32 -> vector<32x1024xi32>
    %select_n3A_1116 = arith.select %eq3A_1094, %roll3A_1113, %roll3A_1115 : vector<32x1024xi1>, vector<32x1024xi32>
    %min3A_1117 = arith.minsi %select_n3A_1088, %select_n3A_1116 : vector<32x1024xi32>
    %max3A_1118 = arith.maxsi %select_n3A_1088, %select_n3A_1116 : vector<32x1024xi32>
    %select_n3A_1119 = arith.select %eq3A_1103, %min3A_1117, %max3A_1118 : vector<32x1024xi1>, vector<32x1024xi32>
    %and3A_1120 = arith.constant 1 : i32
    %and3A_1121 = vector.broadcast %and3A_1120 : i32 to vector<32x1024xi32>
    %and3A_1122 = arith.andi %iota3A, %and3A_1121 : vector<32x1024xi32>
    %eq3A_1123 = arith.constant 0 : i32
    %eq3A_1124 = vector.broadcast %eq3A_1123 : i32 to vector<32x1024xi32>
    %eq3A_1125 = arith.cmpi eq, %and3A_1122, %eq3A_1124 : vector<32x1024xi32>
    %and3A_1126 = arith.constant 256 : i32
    %and3A_1127 = vector.broadcast %and3A_1126 : i32 to vector<32x1024xi32>
    %and3A_1128 = arith.andi %iota3A, %and3A_1127 : vector<32x1024xi32>
    %eq3A_1129 = arith.constant 0 : i32
    %eq3A_1130 = vector.broadcast %eq3A_1129 : i32 to vector<32x1024xi32>
    %eq3A_1131 = arith.cmpi eq, %and3A_1128, %eq3A_1130 : vector<32x1024xi32>
    %eq3A_1132 = arith.xori %eq3A_1131, %eq3A_1125 : vector<32x1024xi1>
    %eq3A_1133 = arith.constant dense<true> : vector<32x1024xi1>
    %eq3A_1134 = arith.xori %eq3A_1132, %eq3A_1133 : vector<32x1024xi1>
    %roll3A_1135 = arith.constant 1023 : i32
    %roll3A_1136 = tpu.dynamic_rotate %select_n3A_1111 by %roll3A_1135 dim 1 : vector<32x1024xi32>, i32 -> vector<32x1024xi32>
    %roll3A_1137 = arith.constant 1 : i32
    %roll3A_1138 = tpu.dynamic_rotate %select_n3A_1111 by %roll3A_1137 dim 1 : vector<32x1024xi32>, i32 -> vector<32x1024xi32>
    %select_n3A_1139 = arith.select %eq3A_1125, %roll3A_1136, %roll3A_1138 : vector<32x1024xi1>, vector<32x1024xi32>
    %min3A_1140 = arith.minsi %select_n3A_1111, %select_n3A_1139 : vector<32x1024xi32>
    %max3A_1141 = arith.maxsi %select_n3A_1111, %select_n3A_1139 : vector<32x1024xi32>
    %select_n3A_1142 = arith.select %eq3A_1134, %min3A_1140, %max3A_1141 : vector<32x1024xi1>, vector<32x1024xi32>
    %roll3A_1143 = arith.constant 1023 : i32
    %roll3A_1144 = tpu.dynamic_rotate %select_n3A_1119 by %roll3A_1143 dim 1 : vector<32x1024xi32>, i32 -> vector<32x1024xi32>
    %roll3A_1145 = arith.constant 1 : i32
    %roll3A_1146 = tpu.dynamic_rotate %select_n3A_1119 by %roll3A_1145 dim 1 : vector<32x1024xi32>, i32 -> vector<32x1024xi32>
    %select_n3A_1147 = arith.select %eq3A_1125, %roll3A_1144, %roll3A_1146 : vector<32x1024xi1>, vector<32x1024xi32>
    %min3A_1148 = arith.minsi %select_n3A_1119, %select_n3A_1147 : vector<32x1024xi32>
    %max3A_1149 = arith.maxsi %select_n3A_1119, %select_n3A_1147 : vector<32x1024xi32>
    %select_n3A_1150 = arith.select %eq3A_1134, %min3A_1148, %max3A_1149 : vector<32x1024xi1>, vector<32x1024xi32>
    %and3A_1151 = arith.constant 256 : i32
    %and3A_1152 = vector.broadcast %and3A_1151 : i32 to vector<32x1024xi32>
    %and3A_1153 = arith.andi %iota3A, %and3A_1152 : vector<32x1024xi32>
    %eq3A_1154 = arith.constant 0 : i32
    %eq3A_1155 = vector.broadcast %eq3A_1154 : i32 to vector<32x1024xi32>
    %eq3A_1156 = arith.cmpi eq, %and3A_1153, %eq3A_1155 : vector<32x1024xi32>
    %and3A_1157 = arith.constant 512 : i32
    %and3A_1158 = vector.broadcast %and3A_1157 : i32 to vector<32x1024xi32>
    %and3A_1159 = arith.andi %iota3A, %and3A_1158 : vector<32x1024xi32>
    %eq3A_1160 = arith.constant 0 : i32
    %eq3A_1161 = vector.broadcast %eq3A_1160 : i32 to vector<32x1024xi32>
    %eq3A_1162 = arith.cmpi eq, %and3A_1159, %eq3A_1161 : vector<32x1024xi32>
    %eq3A_1163 = arith.xori %eq3A_1162, %eq3A_1156 : vector<32x1024xi1>
    %eq3A_1164 = arith.constant dense<true> : vector<32x1024xi1>
    %eq3A_1165 = arith.xori %eq3A_1163, %eq3A_1164 : vector<32x1024xi1>
    %roll3A_1166 = arith.constant 768 : i32
    %roll3A_1167 = tpu.dynamic_rotate %select_n3A_1142 by %roll3A_1166 dim 1 : vector<32x1024xi32>, i32 -> vector<32x1024xi32>
    %roll3A_1168 = arith.constant 256 : i32
    %roll3A_1169 = tpu.dynamic_rotate %select_n3A_1142 by %roll3A_1168 dim 1 : vector<32x1024xi32>, i32 -> vector<32x1024xi32>
    %select_n3A_1170 = arith.select %eq3A_1156, %roll3A_1167, %roll3A_1169 : vector<32x1024xi1>, vector<32x1024xi32>
    %min3A_1171 = arith.minsi %select_n3A_1142, %select_n3A_1170 : vector<32x1024xi32>
    %max3A_1172 = arith.maxsi %select_n3A_1142, %select_n3A_1170 : vector<32x1024xi32>
    %select_n3A_1173 = arith.select %eq3A_1165, %min3A_1171, %max3A_1172 : vector<32x1024xi1>, vector<32x1024xi32>
    %roll3A_1174 = arith.constant 768 : i32
    %roll3A_1175 = tpu.dynamic_rotate %select_n3A_1150 by %roll3A_1174 dim 1 : vector<32x1024xi32>, i32 -> vector<32x1024xi32>
    %roll3A_1176 = arith.constant 256 : i32
    %roll3A_1177 = tpu.dynamic_rotate %select_n3A_1150 by %roll3A_1176 dim 1 : vector<32x1024xi32>, i32 -> vector<32x1024xi32>
    %select_n3A_1178 = arith.select %eq3A_1156, %roll3A_1175, %roll3A_1177 : vector<32x1024xi1>, vector<32x1024xi32>
    %min3A_1179 = arith.minsi %select_n3A_1150, %select_n3A_1178 : vector<32x1024xi32>
    %max3A_1180 = arith.maxsi %select_n3A_1150, %select_n3A_1178 : vector<32x1024xi32>
    %select_n3A_1181 = arith.select %eq3A_1165, %min3A_1179, %max3A_1180 : vector<32x1024xi1>, vector<32x1024xi32>
    %and3A_1182 = arith.constant 128 : i32
    %and3A_1183 = vector.broadcast %and3A_1182 : i32 to vector<32x1024xi32>
    %and3A_1184 = arith.andi %iota3A, %and3A_1183 : vector<32x1024xi32>
    %eq3A_1185 = arith.constant 0 : i32
    %eq3A_1186 = vector.broadcast %eq3A_1185 : i32 to vector<32x1024xi32>
    %eq3A_1187 = arith.cmpi eq, %and3A_1184, %eq3A_1186 : vector<32x1024xi32>
    %and3A_1188 = arith.constant 512 : i32
    %and3A_1189 = vector.broadcast %and3A_1188 : i32 to vector<32x1024xi32>
    %and3A_1190 = arith.andi %iota3A, %and3A_1189 : vector<32x1024xi32>
    %eq3A_1191 = arith.constant 0 : i32
    %eq3A_1192 = vector.broadcast %eq3A_1191 : i32 to vector<32x1024xi32>
    %eq3A_1193 = arith.cmpi eq, %and3A_1190, %eq3A_1192 : vector<32x1024xi32>
    %eq3A_1194 = arith.xori %eq3A_1193, %eq3A_1187 : vector<32x1024xi1>
    %eq3A_1195 = arith.constant dense<true> : vector<32x1024xi1>
    %eq3A_1196 = arith.xori %eq3A_1194, %eq3A_1195 : vector<32x1024xi1>
    %roll3A_1197 = arith.constant 896 : i32
    %roll3A_1198 = tpu.dynamic_rotate %select_n3A_1173 by %roll3A_1197 dim 1 : vector<32x1024xi32>, i32 -> vector<32x1024xi32>
    %roll3A_1199 = arith.constant 128 : i32
    %roll3A_1200 = tpu.dynamic_rotate %select_n3A_1173 by %roll3A_1199 dim 1 : vector<32x1024xi32>, i32 -> vector<32x1024xi32>
    %select_n3A_1201 = arith.select %eq3A_1187, %roll3A_1198, %roll3A_1200 : vector<32x1024xi1>, vector<32x1024xi32>
    %min3A_1202 = arith.minsi %select_n3A_1173, %select_n3A_1201 : vector<32x1024xi32>
    %max3A_1203 = arith.maxsi %select_n3A_1173, %select_n3A_1201 : vector<32x1024xi32>
    %select_n3A_1204 = arith.select %eq3A_1196, %min3A_1202, %max3A_1203 : vector<32x1024xi1>, vector<32x1024xi32>
    %roll3A_1205 = arith.constant 896 : i32
    %roll3A_1206 = tpu.dynamic_rotate %select_n3A_1181 by %roll3A_1205 dim 1 : vector<32x1024xi32>, i32 -> vector<32x1024xi32>
    %roll3A_1207 = arith.constant 128 : i32
    %roll3A_1208 = tpu.dynamic_rotate %select_n3A_1181 by %roll3A_1207 dim 1 : vector<32x1024xi32>, i32 -> vector<32x1024xi32>
    %select_n3A_1209 = arith.select %eq3A_1187, %roll3A_1206, %roll3A_1208 : vector<32x1024xi1>, vector<32x1024xi32>
    %min3A_1210 = arith.minsi %select_n3A_1181, %select_n3A_1209 : vector<32x1024xi32>
    %max3A_1211 = arith.maxsi %select_n3A_1181, %select_n3A_1209 : vector<32x1024xi32>
    %select_n3A_1212 = arith.select %eq3A_1196, %min3A_1210, %max3A_1211 : vector<32x1024xi1>, vector<32x1024xi32>
    %and3A_1213 = arith.constant 64 : i32
    %and3A_1214 = vector.broadcast %and3A_1213 : i32 to vector<32x1024xi32>
    %and3A_1215 = arith.andi %iota3A, %and3A_1214 : vector<32x1024xi32>
    %eq3A_1216 = arith.constant 0 : i32
    %eq3A_1217 = vector.broadcast %eq3A_1216 : i32 to vector<32x1024xi32>
    %eq3A_1218 = arith.cmpi eq, %and3A_1215, %eq3A_1217 : vector<32x1024xi32>
    %and3A_1219 = arith.constant 512 : i32
    %and3A_1220 = vector.broadcast %and3A_1219 : i32 to vector<32x1024xi32>
    %and3A_1221 = arith.andi %iota3A, %and3A_1220 : vector<32x1024xi32>
    %eq3A_1222 = arith.constant 0 : i32
    %eq3A_1223 = vector.broadcast %eq3A_1222 : i32 to vector<32x1024xi32>
    %eq3A_1224 = arith.cmpi eq, %and3A_1221, %eq3A_1223 : vector<32x1024xi32>
    %eq3A_1225 = arith.xori %eq3A_1224, %eq3A_1218 : vector<32x1024xi1>
    %eq3A_1226 = arith.constant dense<true> : vector<32x1024xi1>
    %eq3A_1227 = arith.xori %eq3A_1225, %eq3A_1226 : vector<32x1024xi1>
    %roll3A_1228 = arith.constant 960 : i32
    %roll3A_1229 = tpu.dynamic_rotate %select_n3A_1204 by %roll3A_1228 dim 1 : vector<32x1024xi32>, i32 -> vector<32x1024xi32>
    %roll3A_1230 = arith.constant 64 : i32
    %roll3A_1231 = tpu.dynamic_rotate %select_n3A_1204 by %roll3A_1230 dim 1 : vector<32x1024xi32>, i32 -> vector<32x1024xi32>
    %select_n3A_1232 = arith.select %eq3A_1218, %roll3A_1229, %roll3A_1231 : vector<32x1024xi1>, vector<32x1024xi32>
    %min3A_1233 = arith.minsi %select_n3A_1204, %select_n3A_1232 : vector<32x1024xi32>
    %max3A_1234 = arith.maxsi %select_n3A_1204, %select_n3A_1232 : vector<32x1024xi32>
    %select_n3A_1235 = arith.select %eq3A_1227, %min3A_1233, %max3A_1234 : vector<32x1024xi1>, vector<32x1024xi32>
    %roll3A_1236 = arith.constant 960 : i32
    %roll3A_1237 = tpu.dynamic_rotate %select_n3A_1212 by %roll3A_1236 dim 1 : vector<32x1024xi32>, i32 -> vector<32x1024xi32>
    %roll3A_1238 = arith.constant 64 : i32
    %roll3A_1239 = tpu.dynamic_rotate %select_n3A_1212 by %roll3A_1238 dim 1 : vector<32x1024xi32>, i32 -> vector<32x1024xi32>
    %select_n3A_1240 = arith.select %eq3A_1218, %roll3A_1237, %roll3A_1239 : vector<32x1024xi1>, vector<32x1024xi32>
    %min3A_1241 = arith.minsi %select_n3A_1212, %select_n3A_1240 : vector<32x1024xi32>
    %max3A_1242 = arith.maxsi %select_n3A_1212, %select_n3A_1240 : vector<32x1024xi32>
    %select_n3A_1243 = arith.select %eq3A_1227, %min3A_1241, %max3A_1242 : vector<32x1024xi1>, vector<32x1024xi32>
    %and3A_1244 = arith.constant 32 : i32
    %and3A_1245 = vector.broadcast %and3A_1244 : i32 to vector<32x1024xi32>
    %and3A_1246 = arith.andi %iota3A, %and3A_1245 : vector<32x1024xi32>
    %eq3A_1247 = arith.constant 0 : i32
    %eq3A_1248 = vector.broadcast %eq3A_1247 : i32 to vector<32x1024xi32>
    %eq3A_1249 = arith.cmpi eq, %and3A_1246, %eq3A_1248 : vector<32x1024xi32>
    %and3A_1250 = arith.constant 512 : i32
    %and3A_1251 = vector.broadcast %and3A_1250 : i32 to vector<32x1024xi32>
    %and3A_1252 = arith.andi %iota3A, %and3A_1251 : vector<32x1024xi32>
    %eq3A_1253 = arith.constant 0 : i32
    %eq3A_1254 = vector.broadcast %eq3A_1253 : i32 to vector<32x1024xi32>
    %eq3A_1255 = arith.cmpi eq, %and3A_1252, %eq3A_1254 : vector<32x1024xi32>
    %eq3A_1256 = arith.xori %eq3A_1255, %eq3A_1249 : vector<32x1024xi1>
    %eq3A_1257 = arith.constant dense<true> : vector<32x1024xi1>
    %eq3A_1258 = arith.xori %eq3A_1256, %eq3A_1257 : vector<32x1024xi1>
    %roll3A_1259 = arith.constant 992 : i32
    %roll3A_1260 = tpu.dynamic_rotate %select_n3A_1235 by %roll3A_1259 dim 1 : vector<32x1024xi32>, i32 -> vector<32x1024xi32>
    %roll3A_1261 = arith.constant 32 : i32
    %roll3A_1262 = tpu.dynamic_rotate %select_n3A_1235 by %roll3A_1261 dim 1 : vector<32x1024xi32>, i32 -> vector<32x1024xi32>
    %select_n3A_1263 = arith.select %eq3A_1249, %roll3A_1260, %roll3A_1262 : vector<32x1024xi1>, vector<32x1024xi32>
    %min3A_1264 = arith.minsi %select_n3A_1235, %select_n3A_1263 : vector<32x1024xi32>
    %max3A_1265 = arith.maxsi %select_n3A_1235, %select_n3A_1263 : vector<32x1024xi32>
    %select_n3A_1266 = arith.select %eq3A_1258, %min3A_1264, %max3A_1265 : vector<32x1024xi1>, vector<32x1024xi32>
    %roll3A_1267 = arith.constant 992 : i32
    %roll3A_1268 = tpu.dynamic_rotate %select_n3A_1243 by %roll3A_1267 dim 1 : vector<32x1024xi32>, i32 -> vector<32x1024xi32>
    %roll3A_1269 = arith.constant 32 : i32
    %roll3A_1270 = tpu.dynamic_rotate %select_n3A_1243 by %roll3A_1269 dim 1 : vector<32x1024xi32>, i32 -> vector<32x1024xi32>
    %select_n3A_1271 = arith.select %eq3A_1249, %roll3A_1268, %roll3A_1270 : vector<32x1024xi1>, vector<32x1024xi32>
    %min3A_1272 = arith.minsi %select_n3A_1243, %select_n3A_1271 : vector<32x1024xi32>
    %max3A_1273 = arith.maxsi %select_n3A_1243, %select_n3A_1271 : vector<32x1024xi32>
    %select_n3A_1274 = arith.select %eq3A_1258, %min3A_1272, %max3A_1273 : vector<32x1024xi1>, vector<32x1024xi32>
    %and3A_1275 = arith.constant 16 : i32
    %and3A_1276 = vector.broadcast %and3A_1275 : i32 to vector<32x1024xi32>
    %and3A_1277 = arith.andi %iota3A, %and3A_1276 : vector<32x1024xi32>
    %eq3A_1278 = arith.constant 0 : i32
    %eq3A_1279 = vector.broadcast %eq3A_1278 : i32 to vector<32x1024xi32>
    %eq3A_1280 = arith.cmpi eq, %and3A_1277, %eq3A_1279 : vector<32x1024xi32>
    %and3A_1281 = arith.constant 512 : i32
    %and3A_1282 = vector.broadcast %and3A_1281 : i32 to vector<32x1024xi32>
    %and3A_1283 = arith.andi %iota3A, %and3A_1282 : vector<32x1024xi32>
    %eq3A_1284 = arith.constant 0 : i32
    %eq3A_1285 = vector.broadcast %eq3A_1284 : i32 to vector<32x1024xi32>
    %eq3A_1286 = arith.cmpi eq, %and3A_1283, %eq3A_1285 : vector<32x1024xi32>
    %eq3A_1287 = arith.xori %eq3A_1286, %eq3A_1280 : vector<32x1024xi1>
    %eq3A_1288 = arith.constant dense<true> : vector<32x1024xi1>
    %eq3A_1289 = arith.xori %eq3A_1287, %eq3A_1288 : vector<32x1024xi1>
    %roll3A_1290 = arith.constant 1008 : i32
    %roll3A_1291 = tpu.dynamic_rotate %select_n3A_1266 by %roll3A_1290 dim 1 : vector<32x1024xi32>, i32 -> vector<32x1024xi32>
    %roll3A_1292 = arith.constant 16 : i32
    %roll3A_1293 = tpu.dynamic_rotate %select_n3A_1266 by %roll3A_1292 dim 1 : vector<32x1024xi32>, i32 -> vector<32x1024xi32>
    %select_n3A_1294 = arith.select %eq3A_1280, %roll3A_1291, %roll3A_1293 : vector<32x1024xi1>, vector<32x1024xi32>
    %min3A_1295 = arith.minsi %select_n3A_1266, %select_n3A_1294 : vector<32x1024xi32>
    %max3A_1296 = arith.maxsi %select_n3A_1266, %select_n3A_1294 : vector<32x1024xi32>
    %select_n3A_1297 = arith.select %eq3A_1289, %min3A_1295, %max3A_1296 : vector<32x1024xi1>, vector<32x1024xi32>
    %roll3A_1298 = arith.constant 1008 : i32
    %roll3A_1299 = tpu.dynamic_rotate %select_n3A_1274 by %roll3A_1298 dim 1 : vector<32x1024xi32>, i32 -> vector<32x1024xi32>
    %roll3A_1300 = arith.constant 16 : i32
    %roll3A_1301 = tpu.dynamic_rotate %select_n3A_1274 by %roll3A_1300 dim 1 : vector<32x1024xi32>, i32 -> vector<32x1024xi32>
    %select_n3A_1302 = arith.select %eq3A_1280, %roll3A_1299, %roll3A_1301 : vector<32x1024xi1>, vector<32x1024xi32>
    %min3A_1303 = arith.minsi %select_n3A_1274, %select_n3A_1302 : vector<32x1024xi32>
    %max3A_1304 = arith.maxsi %select_n3A_1274, %select_n3A_1302 : vector<32x1024xi32>
    %select_n3A_1305 = arith.select %eq3A_1289, %min3A_1303, %max3A_1304 : vector<32x1024xi1>, vector<32x1024xi32>
    %and3A_1306 = arith.constant 8 : i32
    %and3A_1307 = vector.broadcast %and3A_1306 : i32 to vector<32x1024xi32>
    %and3A_1308 = arith.andi %iota3A, %and3A_1307 : vector<32x1024xi32>
    %eq3A_1309 = arith.constant 0 : i32
    %eq3A_1310 = vector.broadcast %eq3A_1309 : i32 to vector<32x1024xi32>
    %eq3A_1311 = arith.cmpi eq, %and3A_1308, %eq3A_1310 : vector<32x1024xi32>
    %and3A_1312 = arith.constant 512 : i32
    %and3A_1313 = vector.broadcast %and3A_1312 : i32 to vector<32x1024xi32>
    %and3A_1314 = arith.andi %iota3A, %and3A_1313 : vector<32x1024xi32>
    %eq3A_1315 = arith.constant 0 : i32
    %eq3A_1316 = vector.broadcast %eq3A_1315 : i32 to vector<32x1024xi32>
    %eq3A_1317 = arith.cmpi eq, %and3A_1314, %eq3A_1316 : vector<32x1024xi32>
    %eq3A_1318 = arith.xori %eq3A_1317, %eq3A_1311 : vector<32x1024xi1>
    %eq3A_1319 = arith.constant dense<true> : vector<32x1024xi1>
    %eq3A_1320 = arith.xori %eq3A_1318, %eq3A_1319 : vector<32x1024xi1>
    %roll3A_1321 = arith.constant 1016 : i32
    %roll3A_1322 = tpu.dynamic_rotate %select_n3A_1297 by %roll3A_1321 dim 1 : vector<32x1024xi32>, i32 -> vector<32x1024xi32>
    %roll3A_1323 = arith.constant 8 : i32
    %roll3A_1324 = tpu.dynamic_rotate %select_n3A_1297 by %roll3A_1323 dim 1 : vector<32x1024xi32>, i32 -> vector<32x1024xi32>
    %select_n3A_1325 = arith.select %eq3A_1311, %roll3A_1322, %roll3A_1324 : vector<32x1024xi1>, vector<32x1024xi32>
    %min3A_1326 = arith.minsi %select_n3A_1297, %select_n3A_1325 : vector<32x1024xi32>
    %max3A_1327 = arith.maxsi %select_n3A_1297, %select_n3A_1325 : vector<32x1024xi32>
    %select_n3A_1328 = arith.select %eq3A_1320, %min3A_1326, %max3A_1327 : vector<32x1024xi1>, vector<32x1024xi32>
    %roll3A_1329 = arith.constant 1016 : i32
    %roll3A_1330 = tpu.dynamic_rotate %select_n3A_1305 by %roll3A_1329 dim 1 : vector<32x1024xi32>, i32 -> vector<32x1024xi32>
    %roll3A_1331 = arith.constant 8 : i32
    %roll3A_1332 = tpu.dynamic_rotate %select_n3A_1305 by %roll3A_1331 dim 1 : vector<32x1024xi32>, i32 -> vector<32x1024xi32>
    %select_n3A_1333 = arith.select %eq3A_1311, %roll3A_1330, %roll3A_1332 : vector<32x1024xi1>, vector<32x1024xi32>
    %min3A_1334 = arith.minsi %select_n3A_1305, %select_n3A_1333 : vector<32x1024xi32>
    %max3A_1335 = arith.maxsi %select_n3A_1305, %select_n3A_1333 : vector<32x1024xi32>
    %select_n3A_1336 = arith.select %eq3A_1320, %min3A_1334, %max3A_1335 : vector<32x1024xi1>, vector<32x1024xi32>
    %and3A_1337 = arith.constant 4 : i32
    %and3A_1338 = vector.broadcast %and3A_1337 : i32 to vector<32x1024xi32>
    %and3A_1339 = arith.andi %iota3A, %and3A_1338 : vector<32x1024xi32>
    %eq3A_1340 = arith.constant 0 : i32
    %eq3A_1341 = vector.broadcast %eq3A_1340 : i32 to vector<32x1024xi32>
    %eq3A_1342 = arith.cmpi eq, %and3A_1339, %eq3A_1341 : vector<32x1024xi32>
    %and3A_1343 = arith.constant 512 : i32
    %and3A_1344 = vector.broadcast %and3A_1343 : i32 to vector<32x1024xi32>
    %and3A_1345 = arith.andi %iota3A, %and3A_1344 : vector<32x1024xi32>
    %eq3A_1346 = arith.constant 0 : i32
    %eq3A_1347 = vector.broadcast %eq3A_1346 : i32 to vector<32x1024xi32>
    %eq3A_1348 = arith.cmpi eq, %and3A_1345, %eq3A_1347 : vector<32x1024xi32>
    %eq3A_1349 = arith.xori %eq3A_1348, %eq3A_1342 : vector<32x1024xi1>
    %eq3A_1350 = arith.constant dense<true> : vector<32x1024xi1>
    %eq3A_1351 = arith.xori %eq3A_1349, %eq3A_1350 : vector<32x1024xi1>
    %roll3A_1352 = arith.constant 1020 : i32
    %roll3A_1353 = tpu.dynamic_rotate %select_n3A_1328 by %roll3A_1352 dim 1 : vector<32x1024xi32>, i32 -> vector<32x1024xi32>
    %roll3A_1354 = arith.constant 4 : i32
    %roll3A_1355 = tpu.dynamic_rotate %select_n3A_1328 by %roll3A_1354 dim 1 : vector<32x1024xi32>, i32 -> vector<32x1024xi32>
    %select_n3A_1356 = arith.select %eq3A_1342, %roll3A_1353, %roll3A_1355 : vector<32x1024xi1>, vector<32x1024xi32>
    %min3A_1357 = arith.minsi %select_n3A_1328, %select_n3A_1356 : vector<32x1024xi32>
    %max3A_1358 = arith.maxsi %select_n3A_1328, %select_n3A_1356 : vector<32x1024xi32>
    %select_n3A_1359 = arith.select %eq3A_1351, %min3A_1357, %max3A_1358 : vector<32x1024xi1>, vector<32x1024xi32>
    %roll3A_1360 = arith.constant 1020 : i32
    %roll3A_1361 = tpu.dynamic_rotate %select_n3A_1336 by %roll3A_1360 dim 1 : vector<32x1024xi32>, i32 -> vector<32x1024xi32>
    %roll3A_1362 = arith.constant 4 : i32
    %roll3A_1363 = tpu.dynamic_rotate %select_n3A_1336 by %roll3A_1362 dim 1 : vector<32x1024xi32>, i32 -> vector<32x1024xi32>
    %select_n3A_1364 = arith.select %eq3A_1342, %roll3A_1361, %roll3A_1363 : vector<32x1024xi1>, vector<32x1024xi32>
    %min3A_1365 = arith.minsi %select_n3A_1336, %select_n3A_1364 : vector<32x1024xi32>
    %max3A_1366 = arith.maxsi %select_n3A_1336, %select_n3A_1364 : vector<32x1024xi32>
    %select_n3A_1367 = arith.select %eq3A_1351, %min3A_1365, %max3A_1366 : vector<32x1024xi1>, vector<32x1024xi32>
    %and3A_1368 = arith.constant 2 : i32
    %and3A_1369 = vector.broadcast %and3A_1368 : i32 to vector<32x1024xi32>
    %and3A_1370 = arith.andi %iota3A, %and3A_1369 : vector<32x1024xi32>
    %eq3A_1371 = arith.constant 0 : i32
    %eq3A_1372 = vector.broadcast %eq3A_1371 : i32 to vector<32x1024xi32>
    %eq3A_1373 = arith.cmpi eq, %and3A_1370, %eq3A_1372 : vector<32x1024xi32>
    %and3A_1374 = arith.constant 512 : i32
    %and3A_1375 = vector.broadcast %and3A_1374 : i32 to vector<32x1024xi32>
    %and3A_1376 = arith.andi %iota3A, %and3A_1375 : vector<32x1024xi32>
    %eq3A_1377 = arith.constant 0 : i32
    %eq3A_1378 = vector.broadcast %eq3A_1377 : i32 to vector<32x1024xi32>
    %eq3A_1379 = arith.cmpi eq, %and3A_1376, %eq3A_1378 : vector<32x1024xi32>
    %eq3A_1380 = arith.xori %eq3A_1379, %eq3A_1373 : vector<32x1024xi1>
    %eq3A_1381 = arith.constant dense<true> : vector<32x1024xi1>
    %eq3A_1382 = arith.xori %eq3A_1380, %eq3A_1381 : vector<32x1024xi1>
    %roll3A_1383 = arith.constant 1022 : i32
    %roll3A_1384 = tpu.dynamic_rotate %select_n3A_1359 by %roll3A_1383 dim 1 : vector<32x1024xi32>, i32 -> vector<32x1024xi32>
    %roll3A_1385 = arith.constant 2 : i32
    %roll3A_1386 = tpu.dynamic_rotate %select_n3A_1359 by %roll3A_1385 dim 1 : vector<32x1024xi32>, i32 -> vector<32x1024xi32>
    %select_n3A_1387 = arith.select %eq3A_1373, %roll3A_1384, %roll3A_1386 : vector<32x1024xi1>, vector<32x1024xi32>
    %min3A_1388 = arith.minsi %select_n3A_1359, %select_n3A_1387 : vector<32x1024xi32>
    %max3A_1389 = arith.maxsi %select_n3A_1359, %select_n3A_1387 : vector<32x1024xi32>
    %select_n3A_1390 = arith.select %eq3A_1382, %min3A_1388, %max3A_1389 : vector<32x1024xi1>, vector<32x1024xi32>
    %roll3A_1391 = arith.constant 1022 : i32
    %roll3A_1392 = tpu.dynamic_rotate %select_n3A_1367 by %roll3A_1391 dim 1 : vector<32x1024xi32>, i32 -> vector<32x1024xi32>
    %roll3A_1393 = arith.constant 2 : i32
    %roll3A_1394 = tpu.dynamic_rotate %select_n3A_1367 by %roll3A_1393 dim 1 : vector<32x1024xi32>, i32 -> vector<32x1024xi32>
    %select_n3A_1395 = arith.select %eq3A_1373, %roll3A_1392, %roll3A_1394 : vector<32x1024xi1>, vector<32x1024xi32>
    %min3A_1396 = arith.minsi %select_n3A_1367, %select_n3A_1395 : vector<32x1024xi32>
    %max3A_1397 = arith.maxsi %select_n3A_1367, %select_n3A_1395 : vector<32x1024xi32>
    %select_n3A_1398 = arith.select %eq3A_1382, %min3A_1396, %max3A_1397 : vector<32x1024xi1>, vector<32x1024xi32>
    %and3A_1399 = arith.constant 1 : i32
    %and3A_1400 = vector.broadcast %and3A_1399 : i32 to vector<32x1024xi32>
    %and3A_1401 = arith.andi %iota3A, %and3A_1400 : vector<32x1024xi32>
    %eq3A_1402 = arith.constant 0 : i32
    %eq3A_1403 = vector.broadcast %eq3A_1402 : i32 to vector<32x1024xi32>
    %eq3A_1404 = arith.cmpi eq, %and3A_1401, %eq3A_1403 : vector<32x1024xi32>
    %and3A_1405 = arith.constant 512 : i32
    %and3A_1406 = vector.broadcast %and3A_1405 : i32 to vector<32x1024xi32>
    %and3A_1407 = arith.andi %iota3A, %and3A_1406 : vector<32x1024xi32>
    %eq3A_1408 = arith.constant 0 : i32
    %eq3A_1409 = vector.broadcast %eq3A_1408 : i32 to vector<32x1024xi32>
    %eq3A_1410 = arith.cmpi eq, %and3A_1407, %eq3A_1409 : vector<32x1024xi32>
    %eq3A_1411 = arith.xori %eq3A_1410, %eq3A_1404 : vector<32x1024xi1>
    %eq3A_1412 = arith.constant dense<true> : vector<32x1024xi1>
    %eq3A_1413 = arith.xori %eq3A_1411, %eq3A_1412 : vector<32x1024xi1>
    %roll3A_1414 = arith.constant 1023 : i32
    %roll3A_1415 = tpu.dynamic_rotate %select_n3A_1390 by %roll3A_1414 dim 1 : vector<32x1024xi32>, i32 -> vector<32x1024xi32>
    %roll3A_1416 = arith.constant 1 : i32
    %roll3A_1417 = tpu.dynamic_rotate %select_n3A_1390 by %roll3A_1416 dim 1 : vector<32x1024xi32>, i32 -> vector<32x1024xi32>
    %select_n3A_1418 = arith.select %eq3A_1404, %roll3A_1415, %roll3A_1417 : vector<32x1024xi1>, vector<32x1024xi32>
    %min3A_1419 = arith.minsi %select_n3A_1390, %select_n3A_1418 : vector<32x1024xi32>
    %max3A_1420 = arith.maxsi %select_n3A_1390, %select_n3A_1418 : vector<32x1024xi32>
    %select_n3A_1421 = arith.select %eq3A_1413, %min3A_1419, %max3A_1420 : vector<32x1024xi1>, vector<32x1024xi32>
    %roll3A_1422 = arith.constant 1023 : i32
    %roll3A_1423 = tpu.dynamic_rotate %select_n3A_1398 by %roll3A_1422 dim 1 : vector<32x1024xi32>, i32 -> vector<32x1024xi32>
    %roll3A_1424 = arith.constant 1 : i32
    %roll3A_1425 = tpu.dynamic_rotate %select_n3A_1398 by %roll3A_1424 dim 1 : vector<32x1024xi32>, i32 -> vector<32x1024xi32>
    %select_n3A_1426 = arith.select %eq3A_1404, %roll3A_1423, %roll3A_1425 : vector<32x1024xi1>, vector<32x1024xi32>
    %min3A_1427 = arith.minsi %select_n3A_1398, %select_n3A_1426 : vector<32x1024xi32>
    %max3A_1428 = arith.maxsi %select_n3A_1398, %select_n3A_1426 : vector<32x1024xi32>
    %select_n3A_1429 = arith.select %eq3A_1413, %min3A_1427, %max3A_1428 : vector<32x1024xi1>, vector<32x1024xi32>
    %and3A_1430 = arith.constant 512 : i32
    %and3A_1431 = vector.broadcast %and3A_1430 : i32 to vector<32x1024xi32>
    %and3A_1432 = arith.andi %iota3A, %and3A_1431 : vector<32x1024xi32>
    %eq3A_1433 = arith.constant 0 : i32
    %eq3A_1434 = vector.broadcast %eq3A_1433 : i32 to vector<32x1024xi32>
    %eq3A_1435 = arith.cmpi eq, %and3A_1432, %eq3A_1434 : vector<32x1024xi32>
    %and3A_1436 = arith.constant 1024 : i32
    %and3A_1437 = vector.broadcast %and3A_1436 : i32 to vector<32x1024xi32>
    %and3A_1438 = arith.andi %iota3A, %and3A_1437 : vector<32x1024xi32>
    %eq3A_1439 = arith.constant 0 : i32
    %eq3A_1440 = vector.broadcast %eq3A_1439 : i32 to vector<32x1024xi32>
    %eq3A_1441 = arith.cmpi eq, %and3A_1438, %eq3A_1440 : vector<32x1024xi32>
    %eq3A_1442 = arith.xori %eq3A_1441, %eq3A_1435 : vector<32x1024xi1>
    %eq3A_1443 = arith.constant dense<true> : vector<32x1024xi1>
    %eq3A_1444 = arith.xori %eq3A_1442, %eq3A_1443 : vector<32x1024xi1>
    %roll3A_1445 = arith.constant 512 : i32
    %roll3A_1446 = tpu.dynamic_rotate %select_n3A_1421 by %roll3A_1445 dim 1 : vector<32x1024xi32>, i32 -> vector<32x1024xi32>
    %roll3A_1447 = arith.constant 512 : i32
    %roll3A_1448 = tpu.dynamic_rotate %select_n3A_1421 by %roll3A_1447 dim 1 : vector<32x1024xi32>, i32 -> vector<32x1024xi32>
    %select_n3A_1449 = arith.select %eq3A_1435, %roll3A_1446, %roll3A_1448 : vector<32x1024xi1>, vector<32x1024xi32>
    %min3A_1450 = arith.minsi %select_n3A_1421, %select_n3A_1449 : vector<32x1024xi32>
    %max3A_1451 = arith.maxsi %select_n3A_1421, %select_n3A_1449 : vector<32x1024xi32>
    %select_n3A_1452 = arith.select %eq3A_1444, %min3A_1450, %max3A_1451 : vector<32x1024xi1>, vector<32x1024xi32>
    %roll3A_1453 = arith.constant 512 : i32
    %roll3A_1454 = tpu.dynamic_rotate %select_n3A_1429 by %roll3A_1453 dim 1 : vector<32x1024xi32>, i32 -> vector<32x1024xi32>
    %roll3A_1455 = arith.constant 512 : i32
    %roll3A_1456 = tpu.dynamic_rotate %select_n3A_1429 by %roll3A_1455 dim 1 : vector<32x1024xi32>, i32 -> vector<32x1024xi32>
    %select_n3A_1457 = arith.select %eq3A_1435, %roll3A_1454, %roll3A_1456 : vector<32x1024xi1>, vector<32x1024xi32>
    %min3A_1458 = arith.minsi %select_n3A_1429, %select_n3A_1457 : vector<32x1024xi32>
    %max3A_1459 = arith.maxsi %select_n3A_1429, %select_n3A_1457 : vector<32x1024xi32>
    %select_n3A_1460 = arith.select %eq3A_1444, %min3A_1458, %max3A_1459 : vector<32x1024xi1>, vector<32x1024xi32>
    %and3A_1461 = arith.constant 256 : i32
    %and3A_1462 = vector.broadcast %and3A_1461 : i32 to vector<32x1024xi32>
    %and3A_1463 = arith.andi %iota3A, %and3A_1462 : vector<32x1024xi32>
    %eq3A_1464 = arith.constant 0 : i32
    %eq3A_1465 = vector.broadcast %eq3A_1464 : i32 to vector<32x1024xi32>
    %eq3A_1466 = arith.cmpi eq, %and3A_1463, %eq3A_1465 : vector<32x1024xi32>
    %and3A_1467 = arith.constant 1024 : i32
    %and3A_1468 = vector.broadcast %and3A_1467 : i32 to vector<32x1024xi32>
    %and3A_1469 = arith.andi %iota3A, %and3A_1468 : vector<32x1024xi32>
    %eq3A_1470 = arith.constant 0 : i32
    %eq3A_1471 = vector.broadcast %eq3A_1470 : i32 to vector<32x1024xi32>
    %eq3A_1472 = arith.cmpi eq, %and3A_1469, %eq3A_1471 : vector<32x1024xi32>
    %eq3A_1473 = arith.xori %eq3A_1472, %eq3A_1466 : vector<32x1024xi1>
    %eq3A_1474 = arith.constant dense<true> : vector<32x1024xi1>
    %eq3A_1475 = arith.xori %eq3A_1473, %eq3A_1474 : vector<32x1024xi1>
    %roll3A_1476 = arith.constant 768 : i32
    %roll3A_1477 = tpu.dynamic_rotate %select_n3A_1452 by %roll3A_1476 dim 1 : vector<32x1024xi32>, i32 -> vector<32x1024xi32>
    %roll3A_1478 = arith.constant 256 : i32
    %roll3A_1479 = tpu.dynamic_rotate %select_n3A_1452 by %roll3A_1478 dim 1 : vector<32x1024xi32>, i32 -> vector<32x1024xi32>
    %select_n3A_1480 = arith.select %eq3A_1466, %roll3A_1477, %roll3A_1479 : vector<32x1024xi1>, vector<32x1024xi32>
    %min3A_1481 = arith.minsi %select_n3A_1452, %select_n3A_1480 : vector<32x1024xi32>
    %max3A_1482 = arith.maxsi %select_n3A_1452, %select_n3A_1480 : vector<32x1024xi32>
    %select_n3A_1483 = arith.select %eq3A_1475, %min3A_1481, %max3A_1482 : vector<32x1024xi1>, vector<32x1024xi32>
    %roll3A_1484 = arith.constant 768 : i32
    %roll3A_1485 = tpu.dynamic_rotate %select_n3A_1460 by %roll3A_1484 dim 1 : vector<32x1024xi32>, i32 -> vector<32x1024xi32>
    %roll3A_1486 = arith.constant 256 : i32
    %roll3A_1487 = tpu.dynamic_rotate %select_n3A_1460 by %roll3A_1486 dim 1 : vector<32x1024xi32>, i32 -> vector<32x1024xi32>
    %select_n3A_1488 = arith.select %eq3A_1466, %roll3A_1485, %roll3A_1487 : vector<32x1024xi1>, vector<32x1024xi32>
    %min3A_1489 = arith.minsi %select_n3A_1460, %select_n3A_1488 : vector<32x1024xi32>
    %max3A_1490 = arith.maxsi %select_n3A_1460, %select_n3A_1488 : vector<32x1024xi32>
    %select_n3A_1491 = arith.select %eq3A_1475, %min3A_1489, %max3A_1490 : vector<32x1024xi1>, vector<32x1024xi32>
    %and3A_1492 = arith.constant 128 : i32
    %and3A_1493 = vector.broadcast %and3A_1492 : i32 to vector<32x1024xi32>
    %and3A_1494 = arith.andi %iota3A, %and3A_1493 : vector<32x1024xi32>
    %eq3A_1495 = arith.constant 0 : i32
    %eq3A_1496 = vector.broadcast %eq3A_1495 : i32 to vector<32x1024xi32>
    %eq3A_1497 = arith.cmpi eq, %and3A_1494, %eq3A_1496 : vector<32x1024xi32>
    %and3A_1498 = arith.constant 1024 : i32
    %and3A_1499 = vector.broadcast %and3A_1498 : i32 to vector<32x1024xi32>
    %and3A_1500 = arith.andi %iota3A, %and3A_1499 : vector<32x1024xi32>
    %eq3A_1501 = arith.constant 0 : i32
    %eq3A_1502 = vector.broadcast %eq3A_1501 : i32 to vector<32x1024xi32>
    %eq3A_1503 = arith.cmpi eq, %and3A_1500, %eq3A_1502 : vector<32x1024xi32>
    %eq3A_1504 = arith.xori %eq3A_1503, %eq3A_1497 : vector<32x1024xi1>
    %eq3A_1505 = arith.constant dense<true> : vector<32x1024xi1>
    %eq3A_1506 = arith.xori %eq3A_1504, %eq3A_1505 : vector<32x1024xi1>
    %roll3A_1507 = arith.constant 896 : i32
    %roll3A_1508 = tpu.dynamic_rotate %select_n3A_1483 by %roll3A_1507 dim 1 : vector<32x1024xi32>, i32 -> vector<32x1024xi32>
    %roll3A_1509 = arith.constant 128 : i32
    %roll3A_1510 = tpu.dynamic_rotate %select_n3A_1483 by %roll3A_1509 dim 1 : vector<32x1024xi32>, i32 -> vector<32x1024xi32>
    %select_n3A_1511 = arith.select %eq3A_1497, %roll3A_1508, %roll3A_1510 : vector<32x1024xi1>, vector<32x1024xi32>
    %min3A_1512 = arith.minsi %select_n3A_1483, %select_n3A_1511 : vector<32x1024xi32>
    %max3A_1513 = arith.maxsi %select_n3A_1483, %select_n3A_1511 : vector<32x1024xi32>
    %select_n3A_1514 = arith.select %eq3A_1506, %min3A_1512, %max3A_1513 : vector<32x1024xi1>, vector<32x1024xi32>
    %roll3A_1515 = arith.constant 896 : i32
    %roll3A_1516 = tpu.dynamic_rotate %select_n3A_1491 by %roll3A_1515 dim 1 : vector<32x1024xi32>, i32 -> vector<32x1024xi32>
    %roll3A_1517 = arith.constant 128 : i32
    %roll3A_1518 = tpu.dynamic_rotate %select_n3A_1491 by %roll3A_1517 dim 1 : vector<32x1024xi32>, i32 -> vector<32x1024xi32>
    %select_n3A_1519 = arith.select %eq3A_1497, %roll3A_1516, %roll3A_1518 : vector<32x1024xi1>, vector<32x1024xi32>
    %min3A_1520 = arith.minsi %select_n3A_1491, %select_n3A_1519 : vector<32x1024xi32>
    %max3A_1521 = arith.maxsi %select_n3A_1491, %select_n3A_1519 : vector<32x1024xi32>
    %select_n3A_1522 = arith.select %eq3A_1506, %min3A_1520, %max3A_1521 : vector<32x1024xi1>, vector<32x1024xi32>
    %and3A_1523 = arith.constant 64 : i32
    %and3A_1524 = vector.broadcast %and3A_1523 : i32 to vector<32x1024xi32>
    %and3A_1525 = arith.andi %iota3A, %and3A_1524 : vector<32x1024xi32>
    %eq3A_1526 = arith.constant 0 : i32
    %eq3A_1527 = vector.broadcast %eq3A_1526 : i32 to vector<32x1024xi32>
    %eq3A_1528 = arith.cmpi eq, %and3A_1525, %eq3A_1527 : vector<32x1024xi32>
    %and3A_1529 = arith.constant 1024 : i32
    %and3A_1530 = vector.broadcast %and3A_1529 : i32 to vector<32x1024xi32>
    %and3A_1531 = arith.andi %iota3A, %and3A_1530 : vector<32x1024xi32>
    %eq3A_1532 = arith.constant 0 : i32
    %eq3A_1533 = vector.broadcast %eq3A_1532 : i32 to vector<32x1024xi32>
    %eq3A_1534 = arith.cmpi eq, %and3A_1531, %eq3A_1533 : vector<32x1024xi32>
    %eq3A_1535 = arith.xori %eq3A_1534, %eq3A_1528 : vector<32x1024xi1>
    %eq3A_1536 = arith.constant dense<true> : vector<32x1024xi1>
    %eq3A_1537 = arith.xori %eq3A_1535, %eq3A_1536 : vector<32x1024xi1>
    %roll3A_1538 = arith.constant 960 : i32
    %roll3A_1539 = tpu.dynamic_rotate %select_n3A_1514 by %roll3A_1538 dim 1 : vector<32x1024xi32>, i32 -> vector<32x1024xi32>
    %roll3A_1540 = arith.constant 64 : i32
    %roll3A_1541 = tpu.dynamic_rotate %select_n3A_1514 by %roll3A_1540 dim 1 : vector<32x1024xi32>, i32 -> vector<32x1024xi32>
    %select_n3A_1542 = arith.select %eq3A_1528, %roll3A_1539, %roll3A_1541 : vector<32x1024xi1>, vector<32x1024xi32>
    %min3A_1543 = arith.minsi %select_n3A_1514, %select_n3A_1542 : vector<32x1024xi32>
    %max3A_1544 = arith.maxsi %select_n3A_1514, %select_n3A_1542 : vector<32x1024xi32>
    %select_n3A_1545 = arith.select %eq3A_1537, %min3A_1543, %max3A_1544 : vector<32x1024xi1>, vector<32x1024xi32>
    %roll3A_1546 = arith.constant 960 : i32
    %roll3A_1547 = tpu.dynamic_rotate %select_n3A_1522 by %roll3A_1546 dim 1 : vector<32x1024xi32>, i32 -> vector<32x1024xi32>
    %roll3A_1548 = arith.constant 64 : i32
    %roll3A_1549 = tpu.dynamic_rotate %select_n3A_1522 by %roll3A_1548 dim 1 : vector<32x1024xi32>, i32 -> vector<32x1024xi32>
    %select_n3A_1550 = arith.select %eq3A_1528, %roll3A_1547, %roll3A_1549 : vector<32x1024xi1>, vector<32x1024xi32>
    %min3A_1551 = arith.minsi %select_n3A_1522, %select_n3A_1550 : vector<32x1024xi32>
    %max3A_1552 = arith.maxsi %select_n3A_1522, %select_n3A_1550 : vector<32x1024xi32>
    %select_n3A_1553 = arith.select %eq3A_1537, %min3A_1551, %max3A_1552 : vector<32x1024xi1>, vector<32x1024xi32>
    %and3A_1554 = arith.constant 32 : i32
    %and3A_1555 = vector.broadcast %and3A_1554 : i32 to vector<32x1024xi32>
    %and3A_1556 = arith.andi %iota3A, %and3A_1555 : vector<32x1024xi32>
    %eq3A_1557 = arith.constant 0 : i32
    %eq3A_1558 = vector.broadcast %eq3A_1557 : i32 to vector<32x1024xi32>
    %eq3A_1559 = arith.cmpi eq, %and3A_1556, %eq3A_1558 : vector<32x1024xi32>
    %and3A_1560 = arith.constant 1024 : i32
    %and3A_1561 = vector.broadcast %and3A_1560 : i32 to vector<32x1024xi32>
    %and3A_1562 = arith.andi %iota3A, %and3A_1561 : vector<32x1024xi32>
    %eq3A_1563 = arith.constant 0 : i32
    %eq3A_1564 = vector.broadcast %eq3A_1563 : i32 to vector<32x1024xi32>
    %eq3A_1565 = arith.cmpi eq, %and3A_1562, %eq3A_1564 : vector<32x1024xi32>
    %eq3A_1566 = arith.xori %eq3A_1565, %eq3A_1559 : vector<32x1024xi1>
    %eq3A_1567 = arith.constant dense<true> : vector<32x1024xi1>
    %eq3A_1568 = arith.xori %eq3A_1566, %eq3A_1567 : vector<32x1024xi1>
    %roll3A_1569 = arith.constant 992 : i32
    %roll3A_1570 = tpu.dynamic_rotate %select_n3A_1545 by %roll3A_1569 dim 1 : vector<32x1024xi32>, i32 -> vector<32x1024xi32>
    %roll3A_1571 = arith.constant 32 : i32
    %roll3A_1572 = tpu.dynamic_rotate %select_n3A_1545 by %roll3A_1571 dim 1 : vector<32x1024xi32>, i32 -> vector<32x1024xi32>
    %select_n3A_1573 = arith.select %eq3A_1559, %roll3A_1570, %roll3A_1572 : vector<32x1024xi1>, vector<32x1024xi32>
    %min3A_1574 = arith.minsi %select_n3A_1545, %select_n3A_1573 : vector<32x1024xi32>
    %max3A_1575 = arith.maxsi %select_n3A_1545, %select_n3A_1573 : vector<32x1024xi32>
    %select_n3A_1576 = arith.select %eq3A_1568, %min3A_1574, %max3A_1575 : vector<32x1024xi1>, vector<32x1024xi32>
    %roll3A_1577 = arith.constant 992 : i32
    %roll3A_1578 = tpu.dynamic_rotate %select_n3A_1553 by %roll3A_1577 dim 1 : vector<32x1024xi32>, i32 -> vector<32x1024xi32>
    %roll3A_1579 = arith.constant 32 : i32
    %roll3A_1580 = tpu.dynamic_rotate %select_n3A_1553 by %roll3A_1579 dim 1 : vector<32x1024xi32>, i32 -> vector<32x1024xi32>
    %select_n3A_1581 = arith.select %eq3A_1559, %roll3A_1578, %roll3A_1580 : vector<32x1024xi1>, vector<32x1024xi32>
    %min3A_1582 = arith.minsi %select_n3A_1553, %select_n3A_1581 : vector<32x1024xi32>
    %max3A_1583 = arith.maxsi %select_n3A_1553, %select_n3A_1581 : vector<32x1024xi32>
    %select_n3A_1584 = arith.select %eq3A_1568, %min3A_1582, %max3A_1583 : vector<32x1024xi1>, vector<32x1024xi32>
    %and3A_1585 = arith.constant 16 : i32
    %and3A_1586 = vector.broadcast %and3A_1585 : i32 to vector<32x1024xi32>
    %and3A_1587 = arith.andi %iota3A, %and3A_1586 : vector<32x1024xi32>
    %eq3A_1588 = arith.constant 0 : i32
    %eq3A_1589 = vector.broadcast %eq3A_1588 : i32 to vector<32x1024xi32>
    %eq3A_1590 = arith.cmpi eq, %and3A_1587, %eq3A_1589 : vector<32x1024xi32>
    %and3A_1591 = arith.constant 1024 : i32
    %and3A_1592 = vector.broadcast %and3A_1591 : i32 to vector<32x1024xi32>
    %and3A_1593 = arith.andi %iota3A, %and3A_1592 : vector<32x1024xi32>
    %eq3A_1594 = arith.constant 0 : i32
    %eq3A_1595 = vector.broadcast %eq3A_1594 : i32 to vector<32x1024xi32>
    %eq3A_1596 = arith.cmpi eq, %and3A_1593, %eq3A_1595 : vector<32x1024xi32>
    %eq3A_1597 = arith.xori %eq3A_1596, %eq3A_1590 : vector<32x1024xi1>
    %eq3A_1598 = arith.constant dense<true> : vector<32x1024xi1>
    %eq3A_1599 = arith.xori %eq3A_1597, %eq3A_1598 : vector<32x1024xi1>
    %roll3A_1600 = arith.constant 1008 : i32
    %roll3A_1601 = tpu.dynamic_rotate %select_n3A_1576 by %roll3A_1600 dim 1 : vector<32x1024xi32>, i32 -> vector<32x1024xi32>
    %roll3A_1602 = arith.constant 16 : i32
    %roll3A_1603 = tpu.dynamic_rotate %select_n3A_1576 by %roll3A_1602 dim 1 : vector<32x1024xi32>, i32 -> vector<32x1024xi32>
    %select_n3A_1604 = arith.select %eq3A_1590, %roll3A_1601, %roll3A_1603 : vector<32x1024xi1>, vector<32x1024xi32>
    %min3A_1605 = arith.minsi %select_n3A_1576, %select_n3A_1604 : vector<32x1024xi32>
    %max3A_1606 = arith.maxsi %select_n3A_1576, %select_n3A_1604 : vector<32x1024xi32>
    %select_n3A_1607 = arith.select %eq3A_1599, %min3A_1605, %max3A_1606 : vector<32x1024xi1>, vector<32x1024xi32>
    %roll3A_1608 = arith.constant 1008 : i32
    %roll3A_1609 = tpu.dynamic_rotate %select_n3A_1584 by %roll3A_1608 dim 1 : vector<32x1024xi32>, i32 -> vector<32x1024xi32>
    %roll3A_1610 = arith.constant 16 : i32
    %roll3A_1611 = tpu.dynamic_rotate %select_n3A_1584 by %roll3A_1610 dim 1 : vector<32x1024xi32>, i32 -> vector<32x1024xi32>
    %select_n3A_1612 = arith.select %eq3A_1590, %roll3A_1609, %roll3A_1611 : vector<32x1024xi1>, vector<32x1024xi32>
    %min3A_1613 = arith.minsi %select_n3A_1584, %select_n3A_1612 : vector<32x1024xi32>
    %max3A_1614 = arith.maxsi %select_n3A_1584, %select_n3A_1612 : vector<32x1024xi32>
    %select_n3A_1615 = arith.select %eq3A_1599, %min3A_1613, %max3A_1614 : vector<32x1024xi1>, vector<32x1024xi32>
    %and3A_1616 = arith.constant 8 : i32
    %and3A_1617 = vector.broadcast %and3A_1616 : i32 to vector<32x1024xi32>
    %and3A_1618 = arith.andi %iota3A, %and3A_1617 : vector<32x1024xi32>
    %eq3A_1619 = arith.constant 0 : i32
    %eq3A_1620 = vector.broadcast %eq3A_1619 : i32 to vector<32x1024xi32>
    %eq3A_1621 = arith.cmpi eq, %and3A_1618, %eq3A_1620 : vector<32x1024xi32>
    %and3A_1622 = arith.constant 1024 : i32
    %and3A_1623 = vector.broadcast %and3A_1622 : i32 to vector<32x1024xi32>
    %and3A_1624 = arith.andi %iota3A, %and3A_1623 : vector<32x1024xi32>
    %eq3A_1625 = arith.constant 0 : i32
    %eq3A_1626 = vector.broadcast %eq3A_1625 : i32 to vector<32x1024xi32>
    %eq3A_1627 = arith.cmpi eq, %and3A_1624, %eq3A_1626 : vector<32x1024xi32>
    %eq3A_1628 = arith.xori %eq3A_1627, %eq3A_1621 : vector<32x1024xi1>
    %eq3A_1629 = arith.constant dense<true> : vector<32x1024xi1>
    %eq3A_1630 = arith.xori %eq3A_1628, %eq3A_1629 : vector<32x1024xi1>
    %roll3A_1631 = arith.constant 1016 : i32
    %roll3A_1632 = tpu.dynamic_rotate %select_n3A_1607 by %roll3A_1631 dim 1 : vector<32x1024xi32>, i32 -> vector<32x1024xi32>
    %roll3A_1633 = arith.constant 8 : i32
    %roll3A_1634 = tpu.dynamic_rotate %select_n3A_1607 by %roll3A_1633 dim 1 : vector<32x1024xi32>, i32 -> vector<32x1024xi32>
    %select_n3A_1635 = arith.select %eq3A_1621, %roll3A_1632, %roll3A_1634 : vector<32x1024xi1>, vector<32x1024xi32>
    %min3A_1636 = arith.minsi %select_n3A_1607, %select_n3A_1635 : vector<32x1024xi32>
    %max3A_1637 = arith.maxsi %select_n3A_1607, %select_n3A_1635 : vector<32x1024xi32>
    %select_n3A_1638 = arith.select %eq3A_1630, %min3A_1636, %max3A_1637 : vector<32x1024xi1>, vector<32x1024xi32>
    %roll3A_1639 = arith.constant 1016 : i32
    %roll3A_1640 = tpu.dynamic_rotate %select_n3A_1615 by %roll3A_1639 dim 1 : vector<32x1024xi32>, i32 -> vector<32x1024xi32>
    %roll3A_1641 = arith.constant 8 : i32
    %roll3A_1642 = tpu.dynamic_rotate %select_n3A_1615 by %roll3A_1641 dim 1 : vector<32x1024xi32>, i32 -> vector<32x1024xi32>
    %select_n3A_1643 = arith.select %eq3A_1621, %roll3A_1640, %roll3A_1642 : vector<32x1024xi1>, vector<32x1024xi32>
    %min3A_1644 = arith.minsi %select_n3A_1615, %select_n3A_1643 : vector<32x1024xi32>
    %max3A_1645 = arith.maxsi %select_n3A_1615, %select_n3A_1643 : vector<32x1024xi32>
    %select_n3A_1646 = arith.select %eq3A_1630, %min3A_1644, %max3A_1645 : vector<32x1024xi1>, vector<32x1024xi32>
    %and3A_1647 = arith.constant 4 : i32
    %and3A_1648 = vector.broadcast %and3A_1647 : i32 to vector<32x1024xi32>
    %and3A_1649 = arith.andi %iota3A, %and3A_1648 : vector<32x1024xi32>
    %eq3A_1650 = arith.constant 0 : i32
    %eq3A_1651 = vector.broadcast %eq3A_1650 : i32 to vector<32x1024xi32>
    %eq3A_1652 = arith.cmpi eq, %and3A_1649, %eq3A_1651 : vector<32x1024xi32>
    %and3A_1653 = arith.constant 1024 : i32
    %and3A_1654 = vector.broadcast %and3A_1653 : i32 to vector<32x1024xi32>
    %and3A_1655 = arith.andi %iota3A, %and3A_1654 : vector<32x1024xi32>
    %eq3A_1656 = arith.constant 0 : i32
    %eq3A_1657 = vector.broadcast %eq3A_1656 : i32 to vector<32x1024xi32>
    %eq3A_1658 = arith.cmpi eq, %and3A_1655, %eq3A_1657 : vector<32x1024xi32>
    %eq3A_1659 = arith.xori %eq3A_1658, %eq3A_1652 : vector<32x1024xi1>
    %eq3A_1660 = arith.constant dense<true> : vector<32x1024xi1>
    %eq3A_1661 = arith.xori %eq3A_1659, %eq3A_1660 : vector<32x1024xi1>
    %roll3A_1662 = arith.constant 1020 : i32
    %roll3A_1663 = tpu.dynamic_rotate %select_n3A_1638 by %roll3A_1662 dim 1 : vector<32x1024xi32>, i32 -> vector<32x1024xi32>
    %roll3A_1664 = arith.constant 4 : i32
    %roll3A_1665 = tpu.dynamic_rotate %select_n3A_1638 by %roll3A_1664 dim 1 : vector<32x1024xi32>, i32 -> vector<32x1024xi32>
    %select_n3A_1666 = arith.select %eq3A_1652, %roll3A_1663, %roll3A_1665 : vector<32x1024xi1>, vector<32x1024xi32>
    %min3A_1667 = arith.minsi %select_n3A_1638, %select_n3A_1666 : vector<32x1024xi32>
    %max3A_1668 = arith.maxsi %select_n3A_1638, %select_n3A_1666 : vector<32x1024xi32>
    %select_n3A_1669 = arith.select %eq3A_1661, %min3A_1667, %max3A_1668 : vector<32x1024xi1>, vector<32x1024xi32>
    %roll3A_1670 = arith.constant 1020 : i32
    %roll3A_1671 = tpu.dynamic_rotate %select_n3A_1646 by %roll3A_1670 dim 1 : vector<32x1024xi32>, i32 -> vector<32x1024xi32>
    %roll3A_1672 = arith.constant 4 : i32
    %roll3A_1673 = tpu.dynamic_rotate %select_n3A_1646 by %roll3A_1672 dim 1 : vector<32x1024xi32>, i32 -> vector<32x1024xi32>
    %select_n3A_1674 = arith.select %eq3A_1652, %roll3A_1671, %roll3A_1673 : vector<32x1024xi1>, vector<32x1024xi32>
    %min3A_1675 = arith.minsi %select_n3A_1646, %select_n3A_1674 : vector<32x1024xi32>
    %max3A_1676 = arith.maxsi %select_n3A_1646, %select_n3A_1674 : vector<32x1024xi32>
    %select_n3A_1677 = arith.select %eq3A_1661, %min3A_1675, %max3A_1676 : vector<32x1024xi1>, vector<32x1024xi32>
    %and3A_1678 = arith.constant 2 : i32
    %and3A_1679 = vector.broadcast %and3A_1678 : i32 to vector<32x1024xi32>
    %and3A_1680 = arith.andi %iota3A, %and3A_1679 : vector<32x1024xi32>
    %eq3A_1681 = arith.constant 0 : i32
    %eq3A_1682 = vector.broadcast %eq3A_1681 : i32 to vector<32x1024xi32>
    %eq3A_1683 = arith.cmpi eq, %and3A_1680, %eq3A_1682 : vector<32x1024xi32>
    %and3A_1684 = arith.constant 1024 : i32
    %and3A_1685 = vector.broadcast %and3A_1684 : i32 to vector<32x1024xi32>
    %and3A_1686 = arith.andi %iota3A, %and3A_1685 : vector<32x1024xi32>
    %eq3A_1687 = arith.constant 0 : i32
    %eq3A_1688 = vector.broadcast %eq3A_1687 : i32 to vector<32x1024xi32>
    %eq3A_1689 = arith.cmpi eq, %and3A_1686, %eq3A_1688 : vector<32x1024xi32>
    %eq3A_1690 = arith.xori %eq3A_1689, %eq3A_1683 : vector<32x1024xi1>
    %eq3A_1691 = arith.constant dense<true> : vector<32x1024xi1>
    %eq3A_1692 = arith.xori %eq3A_1690, %eq3A_1691 : vector<32x1024xi1>
    %roll3A_1693 = arith.constant 1022 : i32
    %roll3A_1694 = tpu.dynamic_rotate %select_n3A_1669 by %roll3A_1693 dim 1 : vector<32x1024xi32>, i32 -> vector<32x1024xi32>
    %roll3A_1695 = arith.constant 2 : i32
    %roll3A_1696 = tpu.dynamic_rotate %select_n3A_1669 by %roll3A_1695 dim 1 : vector<32x1024xi32>, i32 -> vector<32x1024xi32>
    %select_n3A_1697 = arith.select %eq3A_1683, %roll3A_1694, %roll3A_1696 : vector<32x1024xi1>, vector<32x1024xi32>
    %min3A_1698 = arith.minsi %select_n3A_1669, %select_n3A_1697 : vector<32x1024xi32>
    %max3A_1699 = arith.maxsi %select_n3A_1669, %select_n3A_1697 : vector<32x1024xi32>
    %select_n3A_1700 = arith.select %eq3A_1692, %min3A_1698, %max3A_1699 : vector<32x1024xi1>, vector<32x1024xi32>
    %roll3A_1701 = arith.constant 1022 : i32
    %roll3A_1702 = tpu.dynamic_rotate %select_n3A_1677 by %roll3A_1701 dim 1 : vector<32x1024xi32>, i32 -> vector<32x1024xi32>
    %roll3A_1703 = arith.constant 2 : i32
    %roll3A_1704 = tpu.dynamic_rotate %select_n3A_1677 by %roll3A_1703 dim 1 : vector<32x1024xi32>, i32 -> vector<32x1024xi32>
    %select_n3A_1705 = arith.select %eq3A_1683, %roll3A_1702, %roll3A_1704 : vector<32x1024xi1>, vector<32x1024xi32>
    %min3A_1706 = arith.minsi %select_n3A_1677, %select_n3A_1705 : vector<32x1024xi32>
    %max3A_1707 = arith.maxsi %select_n3A_1677, %select_n3A_1705 : vector<32x1024xi32>
    %select_n3A_1708 = arith.select %eq3A_1692, %min3A_1706, %max3A_1707 : vector<32x1024xi1>, vector<32x1024xi32>
    %and3A_1709 = arith.constant 1 : i32
    %and3A_1710 = vector.broadcast %and3A_1709 : i32 to vector<32x1024xi32>
    %and3A_1711 = arith.andi %iota3A, %and3A_1710 : vector<32x1024xi32>
    %eq3A_1712 = arith.constant 0 : i32
    %eq3A_1713 = vector.broadcast %eq3A_1712 : i32 to vector<32x1024xi32>
    %eq3A_1714 = arith.cmpi eq, %and3A_1711, %eq3A_1713 : vector<32x1024xi32>
    %and3A_1715 = arith.constant 1024 : i32
    %and3A_1716 = vector.broadcast %and3A_1715 : i32 to vector<32x1024xi32>
    %and3A_1717 = arith.andi %iota3A, %and3A_1716 : vector<32x1024xi32>
    %eq3A_1718 = arith.constant 0 : i32
    %eq3A_1719 = vector.broadcast %eq3A_1718 : i32 to vector<32x1024xi32>
    %eq3A_1720 = arith.cmpi eq, %and3A_1717, %eq3A_1719 : vector<32x1024xi32>
    %eq3A_1721 = arith.xori %eq3A_1720, %eq3A_1714 : vector<32x1024xi1>
    %eq3A_1722 = arith.constant dense<true> : vector<32x1024xi1>
    %eq3A_1723 = arith.xori %eq3A_1721, %eq3A_1722 : vector<32x1024xi1>
    %roll3A_1724 = arith.constant 1023 : i32
    %roll3A_1725 = tpu.dynamic_rotate %select_n3A_1700 by %roll3A_1724 dim 1 : vector<32x1024xi32>, i32 -> vector<32x1024xi32>
    %roll3A_1726 = arith.constant 1 : i32
    %roll3A_1727 = tpu.dynamic_rotate %select_n3A_1700 by %roll3A_1726 dim 1 : vector<32x1024xi32>, i32 -> vector<32x1024xi32>
    %select_n3A_1728 = arith.select %eq3A_1714, %roll3A_1725, %roll3A_1727 : vector<32x1024xi1>, vector<32x1024xi32>
    %min3A_1729 = arith.minsi %select_n3A_1700, %select_n3A_1728 : vector<32x1024xi32>
    %max3A_1730 = arith.maxsi %select_n3A_1700, %select_n3A_1728 : vector<32x1024xi32>
    %select_n3A_1731 = arith.select %eq3A_1723, %min3A_1729, %max3A_1730 : vector<32x1024xi1>, vector<32x1024xi32>
    %roll3A_1732 = arith.constant 1023 : i32
    %roll3A_1733 = tpu.dynamic_rotate %select_n3A_1708 by %roll3A_1732 dim 1 : vector<32x1024xi32>, i32 -> vector<32x1024xi32>
    %roll3A_1734 = arith.constant 1 : i32
    %roll3A_1735 = tpu.dynamic_rotate %select_n3A_1708 by %roll3A_1734 dim 1 : vector<32x1024xi32>, i32 -> vector<32x1024xi32>
    %select_n3A_1736 = arith.select %eq3A_1714, %roll3A_1733, %roll3A_1735 : vector<32x1024xi1>, vector<32x1024xi32>
    %min3A_1737 = arith.minsi %select_n3A_1708, %select_n3A_1736 : vector<32x1024xi32>
    %max3A_1738 = arith.maxsi %select_n3A_1708, %select_n3A_1736 : vector<32x1024xi32>
    %select_n3A_1739 = arith.select %eq3A_1723, %min3A_1737, %max3A_1738 : vector<32x1024xi1>, vector<32x1024xi32>
    %and3A_1740 = arith.constant 1023 : i32
    %and3A_1741 = vector.broadcast %and3A_1740 : i32 to vector<32x1024xi32>
    %and3A_1742 = arith.andi %select_n3A_1731, %and3A_1741 : vector<32x1024xi32>
    %and3A_1743 = arith.constant 1023 : i32
    %and3A_1744 = vector.broadcast %and3A_1743 : i32 to vector<32x1024xi32>
    %and3A_1745 = arith.andi %select_n3A_1739, %and3A_1744 : vector<32x1024xi32>
    %shift_left3A = arith.constant 10 : i32
    %shift_left3A_1746 = vector.broadcast %shift_left3A : i32 to vector<32x1024xi32>
    %shift_left3A_1747 = arith.shli %and3A_1745, %shift_left3A_1746 : vector<32x1024xi32>
    %or3A_1748 = arith.ori %and3A_1742, %shift_left3A_1747 : vector<32x1024xi32>
    %swap3A_1749 = arith.constant 0 : index
    %swap3A_1750 = arith.constant 0 : index
    %swap3A_1751 = vector.load %arg3[%swap3A_1749, %swap3A_1750] : memref<32x1024xi32, #tpu.memory_space<vmem>>, vector<32x1024xi32>
    tpu.vector_store %arg3[%swap3A_1749, %swap3A_1750], %or3A_1748 {strides = array<i32>} : memref<32x1024xi32, #tpu.memory_space<vmem>>, vector<32x1024xi32>,
    return
  }
  func.func @transform_0(%arg0: i32) -> (i32, i32) {
    %add3A = arith.constant 0 : i32
    %add3A_0 = arith.addi %arg0, %add3A : i32
    %c0_i32 = arith.constant 0 : i32
    %c0_i32_1 = arith.constant 0 : i32
    return %add3A_0, %c0_i32 : i32, i32
  }
  func.func @transform_1(%arg0: i32) -> (i32, i32) {
    %add3A = arith.constant 0 : i32
    %add3A_0 = arith.addi %arg0, %add3A : i32
    %c0_i32 = arith.constant 0 : i32
    %c0_i32_1 = arith.constant 0 : i32
    return %add3A_0, %c0_i32 : i32, i32
  }
  func.func @transform_2(%arg0: i32) -> (i32, i32) {
    %c0_i32 = arith.constant 0 : i32
    %c0_i32_0 = arith.constant 0 : i32
    return %arg0, %c0_i32 : i32, i32
  }
  func.func @transform_3(%arg0: i32) -> (i32, i32) {
    %c0_i32 = arith.constant 0 : i32
    %c0_i32_0 = arith.constant 0 : i32
    %c0_i32_1 = arith.constant 0 : i32
    return %c0_i32, %c0_i32_0 : i32, i32
  }
}

module attributes {stable_mosaic.version = 14 : i64} {
  func.func @_combine_body(%arg0: memref<1x4096xf32, #tpu.memory_space<vmem>>, %arg1: memref<1x4096xf32, #tpu.memory_space<vmem>>, %arg2: memref<1x1xf32, #tpu.memory_space<vmem>>, %arg3: memref<512x1000xf32, #tpu.memory_space<vmem>>, %arg4: memref<1x1xf32, #tpu.memory_space<vmem>>) attributes {dimension_semantics = [], scalar_prefetch = 0 : i64, scratch_operands = 0 : i64, tpu.core_type = #tpu.core_type<tc>} {
    %get3A = arith.constant 0 : index
    %get3A_0 = arith.constant 0 : index
    %get3A_1 = vector.load %arg0[%get3A, %get3A_0] : memref<1x4096xf32, #tpu.memory_space<vmem>>, vector<1x4096xf32>
    %reduce_sum3A = vector.shape_cast %get3A_1 : vector<1x4096xf32> to vector<1x1x4096xf32>
    %reduce_sum3A_2 = arith.constant dense<0.000000e+00> : vector<1xf32>
    %reduce_sum3A_3 = vector.multi_reduction <add>, %reduce_sum3A, %reduce_sum3A_2 [1, 2] : vector<1x1x4096xf32> to vector<1xf32>
    %reduce_sum3A_4 = vector.shape_cast %reduce_sum3A_3 : vector<1xf32> to vector<1x1x1xf32>
    %reduce_sum3A_5 = vector.extract %reduce_sum3A_4[0, 0, 0] : f32 from vector<1x1x1xf32>
    %add3A = arith.constant 0.000000e+00 : f32
    %add3A_6 = arith.addf %add3A, %reduce_sum3A_5 : f32
    %get3A_7 = arith.constant 0 : index
    %get3A_8 = arith.constant 0 : index
    %get3A_9 = vector.load %arg1[%get3A_7, %get3A_8] : memref<1x4096xf32, #tpu.memory_space<vmem>>, vector<1x4096xf32>
    %reduce_sum3A_10 = vector.shape_cast %get3A_9 : vector<1x4096xf32> to vector<1x1x4096xf32>
    %reduce_sum3A_11 = arith.constant dense<0.000000e+00> : vector<1xf32>
    %reduce_sum3A_12 = vector.multi_reduction <add>, %reduce_sum3A_10, %reduce_sum3A_11 [1, 2] : vector<1x1x4096xf32> to vector<1xf32>
    %reduce_sum3A_13 = vector.shape_cast %reduce_sum3A_12 : vector<1xf32> to vector<1x1x1xf32>
    %reduce_sum3A_14 = vector.extract %reduce_sum3A_13[0, 0, 0] : f32 from vector<1x1x1xf32>
    %add3A_15 = arith.constant 0.000000e+00 : f32
    %add3A_16 = arith.addf %add3A_15, %reduce_sum3A_14 : f32
    %sub3A = arith.constant 1.02195305E+12 : f32
    %sub3A_17 = arith.subf %add3A_6, %sub3A : f32
    %neg3A = arith.constant 0.000000e+00 : f32
    %neg3A_18 = arith.subf %neg3A, %sub3A_17 : f32
    %div3A = arith.constant 3.413330e+11 : f32
    %div3A_19 = arith.divf %neg3A_18, %div3A : f32
    %div3A_20 = arith.constant 4.096000e+03 : f32
    %div3A_21 = arith.divf %add3A_16, %div3A_20 : f32
    %get3A_22 = arith.constant 0 : index
    %get3A_23 = arith.constant 0 : index
    %get3A_24 = vector.load %arg1[%get3A_22, %get3A_23] : memref<1x4096xf32, #tpu.memory_space<vmem>>, vector<1x4096xf32>
    %sub3A_25 = vector.broadcast %div3A_21 : f32 to vector<1x4096xf32>
    %sub3A_26 = arith.subf %get3A_24, %sub3A_25 : vector<1x4096xf32>
    %integer_pow3A = arith.mulf %sub3A_26, %sub3A_26 : vector<1x4096xf32>
    %reduce_sum3A_27 = vector.shape_cast %integer_pow3A : vector<1x4096xf32> to vector<1x1x4096xf32>
    %reduce_sum3A_28 = arith.constant dense<0.000000e+00> : vector<1xf32>
    %reduce_sum3A_29 = vector.multi_reduction <add>, %reduce_sum3A_27, %reduce_sum3A_28 [1, 2] : vector<1x1x4096xf32> to vector<1xf32>
    %reduce_sum3A_30 = vector.shape_cast %reduce_sum3A_29 : vector<1xf32> to vector<1x1x1xf32>
    %reduce_sum3A_31 = vector.extract %reduce_sum3A_30[0, 0, 0] : f32 from vector<1x1x1xf32>
    %add3A_32 = arith.constant 0.000000e+00 : f32
    %add3A_33 = arith.addf %add3A_32, %reduce_sum3A_31 : f32
    %div3A_34 = arith.constant 4.095000e+03 : f32
    %div3A_35 = arith.divf %add3A_33, %div3A_34 : f32
    %sqrt3A = math.sqrt %div3A_35 : f32
    %add3A_36 = arith.constant 9.99999993E-9 : f32
    %add3A_37 = arith.addf %sqrt3A, %add3A_36 : f32
    %div3A_38 = arith.divf %div3A_21, %add3A_37 : f32
    %neg3A_39 = arith.constant 0.000000e+00 : f32
    %neg3A_40 = arith.subf %neg3A_39, %div3A_38 : f32
    %get3A_41 = arith.constant 0 : index
    %get3A_42 = arith.constant 0 : index
    %get3A_43 = vector.load %arg3[%get3A_41, %get3A_42] : memref<512x1000xf32, #tpu.memory_space<vmem>>, vector<512x1000xf32>
    %abs3A = math.absf %get3A_43 : vector<512x1000xf32>
    %reduce_sum3A_44 = vector.shape_cast %abs3A : vector<512x1000xf32> to vector<1x512x1000xf32>
    %reduce_sum3A_45 = arith.constant dense<0.000000e+00> : vector<1xf32>
    %reduce_sum3A_46 = vector.multi_reduction <add>, %reduce_sum3A_44, %reduce_sum3A_45 [1, 2] : vector<1x512x1000xf32> to vector<1xf32>
    %reduce_sum3A_47 = vector.shape_cast %reduce_sum3A_46 : vector<1xf32> to vector<1x1x1xf32>
    %reduce_sum3A_48 = vector.extract %reduce_sum3A_47[0, 0, 0] : f32 from vector<1x1x1xf32>
    %get3A_49 = arith.constant 0 : index
    %get3A_50 = arith.constant 0 : index
    %get3A_51 = vector.load %arg2[%get3A_49, %get3A_50] : memref<1x1xf32, #tpu.memory_space<vmem>>, vector<1x1xf32>
    %get3A_52 = vector.extract %get3A_51[0, 0] : f32 from vector<1x1xf32>
    %add3A_53 = arith.constant 0.000000e+00 : f32
    %add3A_54 = arith.addf %add3A_53, %get3A_52 : f32
    %div3A_55 = arith.constant 4.096000e+06 : f32
    %div3A_56 = arith.divf %add3A_54, %div3A_55 : f32
    %mul3A = arith.constant 5.000000e-01 : f32
    %mul3A_57 = arith.mulf %mul3A, %div3A_19 : f32
    %add3A_58 = arith.addf %div3A_56, %mul3A_57 : f32
    %mul3A_59 = arith.constant 5.000000e-01 : f32
    %mul3A_60 = arith.mulf %mul3A_59, %neg3A_40 : f32
    %add3A_61 = arith.addf %add3A_58, %mul3A_60 : f32
    %mul3A_62 = arith.constant 9.99999974E-5 : f32
    %mul3A_63 = arith.mulf %mul3A_62, %reduce_sum3A_48 : f32
    %add3A_64 = arith.addf %add3A_61, %mul3A_63 : f32
    %reshape3A = vector.broadcast %add3A_64 : f32 to vector<1x1xf32>
    %swap3A = arith.constant 0 : index
    %swap3A_65 = arith.constant 0 : index
    %swap3A_66 = vector.load %arg4[%swap3A, %swap3A_65] : memref<1x1xf32, #tpu.memory_space<vmem>>, vector<1x1xf32>
    tpu.vector_store %arg4[%swap3A, %swap3A_65], %reshape3A {strides = array<i32>} : memref<1x1xf32, #tpu.memory_space<vmem>>, vector<1x1xf32>,
    return
  }
}

</mosaic_0001>

<sc_bundles>
// kernel: kernel.5.cloned.1.call-start
scs
__scs_entry_jumppad:
0x0: {  	(pc) =	sbr.rel $0x88, $3  }
0x1: {  	(tag) =	ssettag $0x0;
	lr =	simm.s32 $0x1  }
0x2: {  	[smem:$0x3F9E] =	sst lr;
	_ =	strace $0xD0000000  }
0x3: {  	_ = 	snop  }
0x4: {  	_ = 	snop  }
0x5: {  	_ = 	snop  }
0x6: {  	_ = 	snop  }
0x7: {  	_ = 	snop  }
__scs_overlays_trampoline_lowered:
0x8: {  	[smem:$0x3FAD] =	sst s0  }
0x9: {  	[smem:$0x3FAE] =	sst s1  }
0xa: {  	[smem:$0x3FAF] =	sst s2  }
0xb: {  	[smem:$0x3FB0] =	sst s3  }
0xc: {  	[smem:$0x3FB1] =	sst s4  }
0xd: {  	[smem:$0x3FB2] =	sst s5  }
0xe: {  	[smem:$0x3FB3] =	sst s6  }
0xf: {  	[smem:$0x3FB4] =	sst s7  }
0x10: {  	[smem:$0x3FB5] =	sst s8  }
0x11: {  	[smem:$0x3FB6] =	sst s9;
	s0 =	simm.s32 @!p0 $0x0  }
0x12: {  	s1 =	sld [smem:$0x3F9C];
	s0 =	simm.s32 @p0 $0x1  }
0x13: {  	[smem:$0x3FB7] =	sst s0;
	s0 =	simm.s32 @!p1 $0x0  }
0x14: {  	s2 =	sld [smem:$0x3F9B];
	s0 =	simm.s32 @p1 $0x1  }
0x15: {  	[smem:$0x3FB8] =	sst s0;
	s0 =	simm.s32 @!p2 $0x0  }
0x16: {  	s3 =	sld [smem:$0x3FDB];
	s0 =	simm.s32 @p2 $0x1  }
0x17: {  	s4 =	simm.s32 $0x1BF5;
	[smem:$0x3FBA] =	sst s0  }
0x18: {  	s0 =	sld [smem:$0x3F9D];
	_ =	swait.ge [sflag:s4], $0x0  }
0x19: {  	s7 =	sld [smem:$0x3F9E]  }
0x1a: {  	s8 =	sadd.s32 $0xFFFFE003, lr  }
0x1b: {  	s9 =	sadd.s32 $0xFFFFFEF7, lr;
	s5 =	simm.s32 $0xFFFFFFFF;
	p2 =	slt.u32 s8, $0xFFFFF086  }
0x1c: {  	p1 =	slt.u32 s9, $0xF7A;
	s5 =	simm.s32 @!p2 $0x0  }
0x1d: {  	s5 =	simm.s32 @p1 $0x1;
	p0 =	seq.s32 s7, s2  }
0x1e: {  	s7 =	smul.u32 @!p0 $0xF7A, s2;
	p2 =	seq.s32 @!p0 s5, $0x0  }
0x1f: {  	s9 =	smul.u32 $0xF7A, s1;
	s8 =	simm.s32 @!p0 $0x1BF5;
	p2 =	por !p2, p0  }
0x20: {  	[sflag:s8] =	ssyncset.s32 @!p0 $0xFFFFF086;
	s6 =	sadd.s32 @!p0 s3, s7;
	s7 =	simm.s32 @!p0 $0x108  }
0x21: {  	s3 =	sadd.s32 s3, s9;
	s6 =	sadd.s32 @!p0 $0x88, s6;
	s7 =	simm.s32 @p2 $0x1082  }
0x22: {  	[simem:s7], [sflag:s8] =	dma.local @!p0 [hbm:s6], $0xF7A  }
0x23: {  	s9 =	sor.u32 $0xD0000000, s2;
	s6 =	simm.s32 $0x108;
	_ =	swait.ge @!p0 [sflag:s8], $0x0  }
0x24: {  	s3 =	sadd.s32 $0x88, s3;
	s6 =	simm.s32 @!p1 $0x1082;
	[sflag:s4] =	ssyncset.s32 $0xFFFFF086  }
0x25: {  	[simem:s6], [sflag:s4] =	dma.local [hbm:s3], $0xF7A  }
0x26: {  	[smem:$0x3F9E] =	sst s1;
	(tag) =	ssettag s2;
	_ =	strace s9  }
0x27: {  	s1 =	sld [smem:$0x3FAE]  }
0x28: {  	s2 =	sld [smem:$0x3FAF]  }
0x29: {  	s4 =	sld [smem:$0x3FB1]  }
0x2a: {  	p0 =	seq.s32 s5, $0x0;
	s5 =	sld [smem:$0x3FB2]  }
0x2b: {  	s6 =	sld [smem:$0x3FB3]  }
0x2c: {  	s7 =	sld [smem:$0x3FB4]  }
0x2d: {  	s3 =	simm.s32 $0x108;
	s8 =	sld [smem:$0x3FB5]  }
0x2e: {  	s3 =	simm.s32 @!p0 $0x1082;
	s9 =	sld [smem:$0x3FB6]  }
0x2f: {  	lr =	sadd.s32 s0, s3;
	s0 =	sld [smem:$0x3FAD]  }
0x30: {  	s3 =	sld [smem:$0x3FB0]  }
0x31: {  	[smem:$0x3FB9] =	sst s10  }
0x32: {  	s10 =	sld [smem:$0x3FB7];
	_ =	sdelay $0x3  }
0x33: {  	p0 =	seq.s32 s10, $0x1;
	s10 =	sld [smem:$0x3FB9];
	_ =	sdelay $0x3  }
0x34: {  	[smem:$0x3FB9] =	sst s10  }
0x35: {  	s10 =	sld [smem:$0x3FB8];
	_ =	sdelay $0x3  }
0x36: {  	p1 =	seq.s32 s10, $0x1;
	s10 =	sld [smem:$0x3FB9];
	_ =	sdelay $0x3  }
0x37: {  	[smem:$0x3FB9] =	sst s10  }
0x38: {  	s10 =	sld [smem:$0x3FBA]  }
0x39: {  	_ = 	snop;
	(pc) =	sbr.ind lr, $3  }
0x3a: {  	_ = 	snop  }
0x3b: {  	_ = 	snop  }
0x3c: {  	p2 =	seq.s32 s10, $0x1;
	s10 =	sld [smem:$0x3FB9]  }
0x3d: {  	_ =	shalt  }
0x3e: {  	_ =	shalt  }
0x3f: {  	_ =	shalt  }
0x40: {  	_ =	shalt  }
0x41: {  	_ =	shalt  }
0x42: {  	_ =	shalt  }
0x43: {  	_ =	shalt  }
0x44: {  	_ =	shalt  }
0x45: {  	_ =	shalt  }
0x46: {  	_ =	shalt  }
0x47: {  	_ =	shalt  }
0x48: {  	_ =	shalt  }
0x49: {  	_ =	shalt  }
0x4a: {  	_ =	shalt  }
0x4b: {  	_ =	shalt  }
0x4c: {  	_ =	shalt  }
0x4d: {  	_ =	shalt  }
0x4e: {  	_ =	shalt  }
0x4f: {  	_ =	shalt  }
0x50: {  	_ =	shalt  }
0x51: {  	_ =	shalt  }
0x52: {  	_ =	shalt  }
0x53: {  	_ =	shalt  }
0x54: {  	_ =	shalt  }
0x55: {  	_ =	shalt  }
0x56: {  	_ =	shalt  }
0x57: {  	_ =	shalt  }
0x58: {  	_ =	shalt  }
0x59: {  	_ =	shalt  }
0x5a: {  	_ =	shalt  }
0x5b: {  	_ =	shalt  }
0x5c: {  	_ =	shalt  }
0x5d: {  	_ =	shalt  }
0x5e: {  	_ =	shalt  }
0x5f: {  	_ =	shalt  }
0x60: {  	_ =	shalt  }
0x61: {  	_ =	shalt  }
0x62: {  	_ =	shalt  }
0x63: {  	_ =	shalt  }
0x64: {  	_ =	shalt  }
0x65: {  	_ =	shalt  }
0x66: {  	_ =	shalt  }
0x67: {  	_ =	shalt  }
0x68: {  	_ =	shalt  }
0x69: {  	_ =	shalt  }
0x6a: {  	_ =	shalt  }
0x6b: {  	_ =	shalt  }
0x6c: {  	_ =	shalt  }
0x6d: {  	_ =	shalt  }
0x6e: {  	_ =	shalt  }
0x6f: {  	_ =	shalt  }
0x70: {  	_ =	shalt  }
0x71: {  	_ =	shalt  }
0x72: {  	_ =	shalt  }
0x73: {  	_ =	shalt  }
0x74: {  	_ =	shalt  }
0x75: {  	_ =	shalt  }
0x76: {  	_ =	shalt  }
0x77: {  	_ =	shalt  }
0x78: {  	_ =	shalt  }
0x79: {  	_ =	shalt  }
0x7a: {  	_ =	shalt  }
0x7b: {  	_ =	shalt  }
0x7c: {  	_ =	shalt  }
0x7d: {  	_ =	shalt  }
0x7e: {  	_ =	shalt  }
0x7f: {  	_ =	shalt  }
0x80: {  	_ =	shalt  }
0x81: {  	_ =	shalt  }
0x82: {  	_ =	shalt  }
0x83: {  	_ =	shalt  }
0x84: {  	_ =	shalt  }
0x85: {  	_ =	shalt  }
0x86: {  	_ =	shalt  }
0x87: {  	_ =	shalt  }
.Lfunc_end0:
.L_simem_size_0:
called_computation_lowered:
.L_overlay_start_0:
0x88: {  	s2 =	sld [smem:$0x3FD9]  }
0x89: {  	s3 =	sld [smem:$0x3FFE];
	_ =	sdelay $0x1  }
0x8a: {  	s1 =	srdreg.scid  }
0x8b: {  	s0 =	sand.u32 $0x1, s1  }
0x8c: {  	s16 =	sshll.u32 s0, $0xA;
	s2 =	sadd.s32 s3, s2  }
0x8d: {  	s2 =	sadd.s32 s2, s16  }
0x8e: {  	[smem:$0x3FC5] =	sst s2  }
0x8f: {  	_ = 	snop  }
0x90: {  	(tm) =	ssettm $0x1  }
0x91: {  	s17 =	sld [smem:$0x3FFB];
	_ =	sdelay $0x3  }
0x92: {  	_ =	strace s17  }
0x93: {  	s2 =	sld [smem:$0x3FFC];
	_ =	sdelay $0x3  }
0x94: {  	_ =	strace s2  }
0x95: {  	s2 =	sld [smem:$0x3FFD];
	_ =	sdelay $0x3  }
0x96: {  	_ =	strace s2  }
0x97: {  	_ =	strace $0x8FFFFFFF  }
0x98: {  	s18 =	sld [smem:$0x3FDB];
	_ =	sdelay $0x1  }
0x99: {  	s19 =	simm.s32 $_scs_section_size  }
0x9a: {  	s4 =	simm.s32 $_size__tile_overlayer_lowered;
	s5 =	simm.s32 $_tile_overlayer_lowered  }
0x9b: {  	s22 =	simm.s32 $0x1BFF;
	s21 =	sshll.u32 s5, $0x1;
	s2 =	sadd.s32 s19, s18  }
0x9c: {  	s6 =	simm.s32 $0x0;
	s20 =	sshll.u32 s4, $0x1;
	s4 =	sadd.s32 s21, s2  }
0x9d: {  	[timem:s6], [sflag:s22] =	dma.local [hbm:s4], s20  }
0x9e: {  	_ =	swait.ge [sflag:s22], s20  }
0x9f: {  	s3 =	ssub.s32 $0x0, s20;
	[sflag:s22] =	ssyncset.done $0x0  }
0xa0: {  	[sflag:s22] =	ssyncadd.s32 s3;
	_ =	sdelay $0x1  }
0xa1: {  	s23 =	simm.s32 $0x1B8B  }
0xa2: {  	_ =	swait.ge [sflag:s23], $0x1  }
0xa3: {  	[sflag:s23] =	ssyncset.done $0x0  }
0xa4: {  	s25 =	simm.s32 $0x1B8E;
	s24 =	sld [smem:$0x3FFE];
	[sflag:s23] =	ssyncadd.s32 $0xFFFFFFFF  }
0xa5: {  	s26 =	simm.s32 $execute0_lowered;
	[smem:$0x3FD2] =	sst s25  }
0xa6: {  	s4 =	sshll.u32 s26, $0x1;
	_ =	strace $0x80000046;
	[dreg:$0x1] =	wrdreg $0xFFFFFFFF  }
0xa7: {  	s28 =	simm.s32 $_size_execute0_lowered;
	s2 =	sadd.s32 s2, s4;
	[dreg:$0x0] =	wrdreg $0x0  }
0xa8: {  	s4 =	sshll.u32 s28, $0x1;
	[dreg:$0x2] =	wrdreg s2  }
0xa9: {  	[dreg:$0x3] =	wrdreg s4  }
0xaa: {  	[dreg:$0x4] =	wrdreg $0xC0  }
0xab: {  	_ =	task [dreg:s6], $0x5FFFF  }
0xac: {  	[dreg:$0x1] =	wrdreg $0xFFFFFFFF  }
0xad: {  	[dreg:$0x0] =	wrdreg $0x60  }
0xae: {  	[dreg:$0x2] =	wrdreg s24  }
0xaf: {  	[dreg:$0x3] =	wrdreg $0x9  }
0xb0: {  	_ =	task.clear_ibuf [dreg:s6], $0x4FFFF;
	_ =	strace $0x90000046  }
0xb1: {  	s29 =	simm.s32 $0x9;
	_ =	strace $0x80000048  }
0xb2: {  	_ =	swait.ge [sflag:s29], $0x1  }
0xb3: {  	[sflag:s29] =	ssyncadd.s32 $0xFFFFFFFF  }
0xb4: {  	_ =	strace $0x90000048  }
0xb5: {  	_ =	sfence  }
0xb6: {  	s30 =	sld [smem:$0x0];
	_ =	sdelay $0x2  }
0xb7: {  	s31 =	sshll.u32 s1, $0xD;
	s1 =	sshrl.u32 s1, $0x2  }
0xb8: {  	s3 =	sand.u32 $0x4000, s31;
	s1 =	sadd.s32 s1, s30  }
0xb9: {  	s0 =	sor.u32 s3, s0;
	s1 =	sshll.u32 s1, $0x11  }
0xba: {  	s0 =	sor.u32 s1, s0  }
0xbb: {  	s0 =	sadd.s32 $0x8F2B, s0  }
0xbc: {  	[sflag:s0] =	ssyncadd.remote.s32 $0x1  }
0xbd: {  	_ =	sfence.sel $0xFFFF  }
0xbe: {  	[dreg:$0x0] =	wrdreg $0xFFFFFFFF;
	(pc) =	sbr.abs _section_cstart, $3  }
0xbf: {  	[dreg:$0x1] =	wrdreg $0xFFFFFFFF  }
0xc0: {  	_ =	task.clear_ibuf [dreg:s6], $0x2FFFF;
	_ =	strace $0x9FFFFFFF  }
0xc1: {  	(tm) =	ssettm $0x7FFFFFFF  }
tec
execute0_lowered:
.L_overlay_start_1:
0x0: {  	(tag) =	ssettag $0x1  }
0x1: {  	v0 =	vimm.f32 $1.500000000e+01;
	vm8 =	vcmask $0x300  }
0x2: {  	vm6 =	vcmask $0x704;
	v0 =	vsel vm8, $0x0, v0  }
0x3: {  	vm5 =	vcmask $0xB08;
	v0 =	vsel vm6, $0x3F800000, v0  }
0x4: {  	vm4 =	vcmask $0xF0C;
	v0 =	vsel vm5, $0x40000000, v0  }
0x5: {  	vm3 =	vcmask $0x1310;
	v0 =	vsel vm4, $0x40400000, v0  }
0x6: {  	vm2 =	vcmask $0x1714;
	v0 =	vsel vm3, $0x40800000, v0  }
0x7: {  	vm0 =	vcmask $0x1B18;
	v0 =	vsel vm2, $0x40A00000, v0  }
0x8: {  	vm1 =	vcmask $0x1F1C;
	v0 =	vsel vm0, $0x40C00000, v0  }
0x9: {  	vm14 =	vcmask $0x2320;
	v0 =	vsel vm1, $0x40E00000, v0  }
0xa: {  	vm13 =	vcmask $0x2724;
	v0 =	vsel vm14, $0x41000000, v0  }
0xb: {  	v1 =	vimm.f32 $3.100000000e+01;
	vm12 =	vcmask $0x2B28;
	v0 =	vsel vm13, $0x41100000, v0  }
0xc: {  	vm11 =	vcmask $0x2F2C;
	v1 =	vsel vm8, $0x41800000, v1;
	v0 =	vsel vm12, $0x41200000, v0  }
0xd: {  	vm10 =	vcmask $0x3330;
	v1 =	vsel vm6, $0x41880000, v1;
	v0 =	vsel vm11, $0x41300000, v0  }
0xe: {  	vm9 =	vcmask $0x3734;
	v1 =	vsel vm5, $0x41900000, v1;
	v0 =	vsel vm10, $0x41400000, v0  }
0xf: {  	vm7 =	vcmask $0x3B38;
	v1 =	vsel vm4, $0x41980000, v1;
	v0 =	vsel vm9, $0x41500000, v0  }
0x10: {  	v1 =	vsel vm3, $0x41A00000, v1;
	v0 =	vsel vm7, $0x41600000, v0  }
0x11: {  	[tilespmem:$0x1FEA0] =	vst v0;
	v0 =	vsel vm2, $0x41A80000, v1  }
0x12: {  	v1 =	vimm.f32 $4.700000000e+01;
	v0 =	vsel vm0, $0x41B00000, v0  }
0x13: {  	v2 =	vimm.f32 $6.300000000e+01;
	v1 =	vsel vm8, $0x42000000, v1;
	v0 =	vsel vm1, $0x41B80000, v0  }
0x14: {  	v2 =	vsel vm8, $0x42400000, v2;
	v1 =	vsel vm6, $0x42040000, v1;
	v0 =	vsel vm14, $0x41C00000, v0  }
0x15: {  	v2 =	vsel vm6, $0x42440000, v2;
	v1 =	vsel vm5, $0x42080000, v1;
	v0 =	vsel vm13, $0x41C80000, v0  }
0x16: {  	v2 =	vsel vm5, $0x42480000, v2;
	v1 =	vsel vm4, $0x420C0000, v1;
	v0 =	vsel vm12, $0x41D00000, v0  }
0x17: {  	v2 =	vsel vm4, $0x424C0000, v2;
	v1 =	vsel vm3, $0x42100000, v1;
	v0 =	vsel vm11, $0x41D80000, v0  }
0x18: {  	v2 =	vsel vm3, $0x42500000, v2;
	v1 =	vsel vm2, $0x42140000, v1;
	v0 =	vsel vm10, $0x41E00000, v0  }
0x19: {  	v2 =	vsel vm2, $0x42540000, v2;
	v1 =	vsel vm0, $0x42180000, v1;
	v0 =	vsel vm9, $0x41E80000, v0  }
0x1a: {  	v2 =	vsel vm0, $0x42580000, v2;
	v1 =	vsel vm1, $0x421C0000, v1;
	v0 =	vsel vm7, $0x41F00000, v0  }
0x1b: {  	[tilespmem:$0x1FEB0] =	vst v0;
	v0 =	vsel vm14, $0x42200000, v1;
	v1 =	vsel vm1, $0x425C0000, v2  }
0x1c: {  	v2 =	vimm.f32 $7.900000000e+01;
	v0 =	vsel vm13, $0x42240000, v0;
	v1 =	vsel vm14, $0x42600000, v1  }
0x1d: {  	v2 =	vsel vm8, $0x42800000, v2;
	v0 =	vsel vm12, $0x42280000, v0;
	v1 =	vsel vm13, $0x42640000, v1  }
0x1e: {  	v2 =	vsel vm6, $0x42820000, v2;
	v0 =	vsel vm11, $0x422C0000, v0;
	v1 =	vsel vm12, $0x42680000, v1  }
0x1f: {  	v2 =	vsel vm5, $0x42840000, v2;
	v0 =	vsel vm10, $0x42300000, v0;
	v1 =	vsel vm11, $0x426C0000, v1  }
0x20: {  	v3 =	vsel vm4, $0x42860000, v2;
	v0 =	vsel vm9, $0x42340000, v0;
	v1 =	vsel vm10, $0x42700000, v1  }
0x21: {  	v2 =	vsel vm7, $0x42380000, v0;
	v0 =	vsel vm9, $0x42740000, v1;
	v1 =	vsel vm3, $0x42880000, v3  }
0x22: {  	v14 =	vsel vm7, $0x42780000, v0;
	v0 =	vsel vm2, $0x428A0000, v1;
	v1 =	vimm.f32 $9.500000000e+01  }
0x23: {  	v4 =	vimm.f32 $1.110000000e+02;
	v0 =	vsel vm0, $0x428C0000, v0;
	v1 =	vsel vm8, $0x42A00000, v1  }
0x24: {  	v4 =	vsel vm8, $0x42C00000, v4;
	v0 =	vsel vm1, $0x428E0000, v0;
	v1 =	vsel vm6, $0x42A20000, v1  }
0x25: {  	v4 =	vsel vm6, $0x42C20000, v4;
	v0 =	vsel vm14, $0x42900000, v0;
	v1 =	vsel vm5, $0x42A40000, v1  }
0x26: {  	v4 =	vsel vm5, $0x42C40000, v4;
	v0 =	vsel vm13, $0x42920000, v0;
	v1 =	vsel vm4, $0x42A60000, v1  }
0x27: {  	v4 =	vsel vm4, $0x42C60000, v4;
	v0 =	vsel vm12, $0x42940000, v0;
	v1 =	vsel vm3, $0x42A80000, v1  }
0x28: {  	v4 =	vsel vm3, $0x42C80000, v4;
	v0 =	vsel vm11, $0x42960000, v0;
	v1 =	vsel vm2, $0x42AA0000, v1  }
0x29: {  	v4 =	vsel vm2, $0x42CA0000, v4;
	v0 =	vsel vm10, $0x42980000, v0;
	v1 =	vsel vm0, $0x42AC0000, v1  }
0x2a: {  	v5 =	vsel vm0, $0x42CC0000, v4;
	v0 =	vsel vm9, $0x429A0000, v0;
	v1 =	vsel vm1, $0x42AE0000, v1  }
0x2b: {  	v32 =	vsel vm7, $0x429C0000, v0;
	v0 =	vsel vm14, $0x42B00000, v1;
	v1 =	vsel vm1, $0x42CE0000, v5  }
0x2c: {  	v5 =	vimm.f32 $1.270000000e+02;
	v0 =	vsel vm13, $0x42B20000, v0;
	v1 =	vsel vm14, $0x42D00000, v1  }
0x2d: {  	v5 =	vsel vm8, $0x42E00000, v5;
	v0 =	vsel vm12, $0x42B40000, v0;
	v1 =	vsel vm13, $0x42D20000, v1  }
0x2e: {  	v5 =	vsel vm6, $0x42E20000, v5;
	v0 =	vsel vm11, $0x42B60000, v0;
	v1 =	vsel vm12, $0x42D40000, v1  }
0x2f: {  	v5 =	vsel vm5, $0x42E40000, v5;
	v0 =	vsel vm10, $0x42B80000, v0;
	v1 =	vsel vm11, $0x42D60000, v1  }
0x30: {  	v6 =	vsel vm4, $0x42E60000, v5;
	v0 =	vsel vm9, $0x42BA0000, v0;
	v1 =	vsel vm10, $0x42D80000, v1  }
0x31: {  	v17 =	vsel vm7, $0x42BC0000, v0;
	v0 =	vsel vm9, $0x42DA0000, v1;
	v1 =	vsel vm3, $0x42E80000, v6  }
0x32: {  	v23 =	vsel vm7, $0x42DC0000, v0;
	v0 =	vsel vm2, $0x42EA0000, v1;
	v1 =	vimm.f32 $1.430000000e+02  }
0x33: {  	v7 =	vimm.f32 $1.590000000e+02;
	v0 =	vsel vm0, $0x42EC0000, v0;
	v1 =	vsel vm8, $0x43000000, v1  }
0x34: {  	v7 =	vsel vm8, $0x43100000, v7;
	v0 =	vsel vm1, $0x42EE0000, v0;
	v1 =	vsel vm6, $0x43010000, v1  }
0x35: {  	v7 =	vsel vm6, $0x43110000, v7;
	v0 =	vsel vm14, $0x42F00000, v0;
	v1 =	vsel vm5, $0x43020000, v1  }
0x36: {  	v7 =	vsel vm5, $0x43120000, v7;
	v0 =	vsel vm13, $0x42F20000, v0;
	v1 =	vsel vm4, $0x43030000, v1  }
0x37: {  	v7 =	vsel vm4, $0x43130000, v7;
	v0 =	vsel vm12, $0x42F40000, v0;
	v1 =	vsel vm3, $0x43040000, v1  }
0x38: {  	v7 =	vsel vm3, $0x43140000, v7;
	v0 =	vsel vm11, $0x42F60000, v0;
	v1 =	vsel vm2, $0x43050000, v1  }
0x39: {  	v7 =	vsel vm2, $0x43150000, v7;
	v0 =	vsel vm10, $0x42F80000, v0;
	v1 =	vsel vm0, $0x43060000, v1  }
0x3a: {  	v8 =	vsel vm0, $0x43160000, v7;
	v0 =	vsel vm9, $0x42FA0000, v0;
	v1 =	vsel vm1, $0x43070000, v1  }
0x3b: {  	v62 =	vsel vm7, $0x42FC0000, v0;
	v0 =	vsel vm14, $0x43080000, v1;
	v1 =	vsel vm1, $0x43170000, v8  }
0x3c: {  	v8 =	vimm.f32 $1.750000000e+02;
	v0 =	vsel vm13, $0x43090000, v0;
	v1 =	vsel vm14, $0x43180000, v1  }
0x3d: {  	v8 =	vsel vm8, $0x43200000, v8;
	v0 =	vsel vm12, $0x430A0000, v0;
	v1 =	vsel vm13, $0x43190000, v1  }
0x3e: {  	v8 =	vsel vm6, $0x43210000, v8;
	v0 =	vsel vm11, $0x430B0000, v0;
	v1 =	vsel vm12, $0x431A0000, v1  }
0x3f: {  	v8 =	vsel vm5, $0x43220000, v8;
	v0 =	vsel vm10, $0x430C0000, v0;
	v1 =	vsel vm11, $0x431B0000, v1  }
0x40: {  	v9 =	vsel vm4, $0x43230000, v8;
	v0 =	vsel vm9, $0x430D0000, v0;
	v1 =	vsel vm10, $0x431C0000, v1  }
0x41: {  	v20 =	vsel vm7, $0x430E0000, v0;
	v0 =	vsel vm9, $0x431D0000, v1;
	v1 =	vsel vm3, $0x43240000, v9  }
0x42: {  	v30 =	vsel vm7, $0x431E0000, v0;
	v0 =	vsel vm2, $0x43250000, v1;
	v1 =	vimm.f32 $1.910000000e+02  }
0x43: {  	v0 =	vsel vm0, $0x43260000, v0;
	v1 =	vsel vm8, $0x43300000, v1  }
0x44: {  	v10 =	vimm.f32 $2.070000000e+02;
	v0 =	vsel vm1, $0x43270000, v0;
	v1 =	vsel vm6, $0x43310000, v1  }
0x45: {  	v10 =	vsel vm8, $0x43400000, v10;
	v0 =	vsel vm14, $0x43280000, v0;
	v1 =	vsel vm5, $0x43320000, v1  }
0x46: {  	v10 =	vsel vm6, $0x43410000, v10;
	v0 =	vsel vm13, $0x43290000, v0;
	v1 =	vsel vm4, $0x43330000, v1  }
0x47: {  	v10 =	vsel vm5, $0x43420000, v10;
	v0 =	vsel vm12, $0x432A0000, v0;
	v1 =	vsel vm3, $0x43340000, v1  }
0x48: {  	v10 =	vsel vm4, $0x43430000, v10;
	v0 =	vsel vm11, $0x432B0000, v0;
	v1 =	vsel vm2, $0x43350000, v1  }
0x49: {  	v10 =	vsel vm3, $0x43440000, v10;
	v0 =	vsel vm10, $0x432C0000, v0;
	v1 =	vsel vm0, $0x43360000, v1  }
0x4a: {  	v10 =	vsel vm2, $0x43450000, v10;
	v0 =	vsel vm9, $0x432D0000, v0;
	v1 =	vsel vm1, $0x43370000, v1  }
0x4b: {  	v11 =	vsel vm0, $0x43460000, v10;
	v10 =	vsel vm7, $0x432E0000, v0;
	v0 =	vsel vm14, $0x43380000, v1  }
0x4c: {  	v1 =	vsel vm1, $0x43470000, v11;
	v0 =	vsel vm13, $0x43390000, v0  }
0x4d: {  	v1 =	vsel vm14, $0x43480000, v1;
	v0 =	vsel vm12, $0x433A0000, v0  }
0x4e: {  	v11 =	vimm.f32 $2.230000000e+02;
	v1 =	vsel vm13, $0x43490000, v1;
	v0 =	vsel vm11, $0x433B0000, v0  }
0x4f: {  	v11 =	vsel vm8, $0x43500000, v11;
	v1 =	vsel vm12, $0x434A0000, v1;
	v0 =	vsel vm10, $0x433C0000, v0  }
0x50: {  	v11 =	vsel vm6, $0x43510000, v11;
	v1 =	vsel vm11, $0x434B0000, v1;
	v0 =	vsel vm9, $0x433D0000, v0  }
0x51: {  	v11 =	vsel vm5, $0x43520000, v11;
	v1 =	vsel vm10, $0x434C0000, v1;
	v0 =	vsel vm7, $0x433E0000, v0  }
0x52: {  	v12 =	vsel vm4, $0x43530000, v11;
	[tilespmem:$0x1FEC0] =	vst v0;
	v0 =	vsel vm9, $0x434D0000, v1  }
0x53: {  	v1 =	vsel vm3, $0x43540000, v12;
	v0 =	vsel vm7, $0x434E0000, v0  }
0x54: {  	[tilespmem:$0x1FED0] =	vst v0;
	v0 =	vsel vm2, $0x43550000, v1  }
0x55: {  	v1 =	vimm.f32 $2.390000000e+02;
	v0 =	vsel vm0, $0x43560000, v0  }
0x56: {  	v13 =	vimm.f32 $2.550000000e+02;
	v1 =	vsel vm8, $0x43600000, v1;
	v0 =	vsel vm1, $0x43570000, v0  }
0x57: {  	v13 =	vsel vm8, $0x43700000, v13;
	v1 =	vsel vm6, $0x43610000, v1;
	v0 =	vsel vm14, $0x43580000, v0  }
0x58: {  	v13 =	vsel vm6, $0x43710000, v13;
	v1 =	vsel vm5, $0x43620000, v1;
	v0 =	vsel vm13, $0x43590000, v0  }
0x59: {  	v13 =	vsel vm5, $0x43720000, v13;
	v1 =	vsel vm4, $0x43630000, v1;
	v0 =	vsel vm12, $0x435A0000, v0  }
0x5a: {  	v13 =	vsel vm4, $0x43730000, v13;
	v1 =	vsel vm3, $0x43640000, v1;
	v0 =	vsel vm11, $0x435B0000, v0  }
0x5b: {  	v13 =	vsel vm3, $0x43740000, v13;
	v1 =	vsel vm2, $0x43650000, v1;
	v0 =	vsel vm10, $0x435C0000, v0  }
0x5c: {  	v13 =	vsel vm2, $0x43750000, v13;
	v1 =	vsel vm0, $0x43660000, v1;
	v0 =	vsel vm9, $0x435D0000, v0  }
0x5d: {  	v3 =	vsel vm0, $0x43760000, v13;
	v1 =	vsel vm1, $0x43670000, v1;
	v0 =	vsel vm7, $0x435E0000, v0  }
0x5e: {  	[tilespmem:$0x1FEE0] =	vst v0;
	v0 =	vsel vm14, $0x43680000, v1;
	v1 =	vsel vm1, $0x43770000, v3  }
0x5f: {  	v3 =	vimm.f32 $2.710000000e+02;
	v0 =	vsel vm13, $0x43690000, v0;
	v1 =	vsel vm14, $0x43780000, v1  }
0x60: {  	v3 =	vsel vm8, $0x43800000, v3;
	v0 =	vsel vm12, $0x436A0000, v0;
	v1 =	vsel vm13, $0x43790000, v1  }
0x61: {  	v3 =	vsel vm6, $0x43808000, v3;
	v0 =	vsel vm11, $0x436B0000, v0;
	v1 =	vsel vm12, $0x437A0000, v1  }
0x62: {  	v3 =	vsel vm5, $0x43810000, v3;
	v0 =	vsel vm10, $0x436C0000, v0;
	v1 =	vsel vm11, $0x437B0000, v1  }
0x63: {  	v3 =	vsel vm4, $0x43818000, v3;
	v0 =	vsel vm9, $0x436D0000, v0;
	v1 =	vsel vm10, $0x437C0000, v1  }
0x64: {  	v58 =	vsel vm7, $0x436E0000, v0;
	v0 =	vsel vm9, $0x437D0000, v1;
	v1 =	vsel vm3, $0x43820000, v3  }
0x65: {  	v33 =	vsel vm7, $0x437E0000, v0;
	v0 =	vsel vm2, $0x43828000, v1;
	v1 =	vimm.f32 $2.870000000e+02  }
0x66: {  	v4 =	vimm.f32 $3.030000000e+02;
	v0 =	vsel vm0, $0x43830000, v0;
	v1 =	vsel vm8, $0x43880000, v1  }
0x67: {  	v4 =	vsel vm8, $0x43900000, v4;
	v0 =	vsel vm1, $0x43838000, v0;
	v1 =	vsel vm6, $0x43888000, v1  }
0x68: {  	v4 =	vsel vm6, $0x43908000, v4;
	v0 =	vsel vm14, $0x43840000, v0;
	v1 =	vsel vm5, $0x43890000, v1  }
0x69: {  	v4 =	vsel vm5, $0x43910000, v4;
	v0 =	vsel vm13, $0x43848000, v0;
	v1 =	vsel vm4, $0x43898000, v1  }
0x6a: {  	v4 =	vsel vm4, $0x43918000, v4;
	v0 =	vsel vm12, $0x43850000, v0;
	v1 =	vsel vm3, $0x438A0000, v1  }
0x6b: {  	v4 =	vsel vm3, $0x43920000, v4;
	v0 =	vsel vm11, $0x43858000, v0;
	v1 =	vsel vm2, $0x438A8000, v1  }
0x6c: {  	v4 =	vsel vm2, $0x43928000, v4;
	v0 =	vsel vm10, $0x43860000, v0;
	v1 =	vsel vm0, $0x438B0000, v1  }
0x6d: {  	v4 =	vsel vm0, $0x43930000, v4;
	v0 =	vsel vm9, $0x43868000, v0;
	v1 =	vsel vm1, $0x438B8000, v1  }
0x6e: {  	v61 =	vsel vm7, $0x43870000, v0;
	v0 =	vsel vm14, $0x438C0000, v1;
	v1 =	vsel vm1, $0x43938000, v4  }
0x6f: {  	v4 =	vimm.f32 $3.190000000e+02;
	v0 =	vsel vm13, $0x438C8000, v0;
	v1 =	vsel vm14, $0x43940000, v1  }
0x70: {  	v4 =	vsel vm8, $0x43980000, v4;
	v0 =	vsel vm12, $0x438D0000, v0;
	v1 =	vsel vm13, $0x43948000, v1  }
0x71: {  	v4 =	vsel vm6, $0x43988000, v4;
	v0 =	vsel vm11, $0x438D8000, v0;
	v1 =	vsel vm12, $0x43950000, v1  }
0x72: {  	v4 =	vsel vm5, $0x43990000, v4;
	v0 =	vsel vm10, $0x438E0000, v0;
	v1 =	vsel vm11, $0x43958000, v1  }
0x73: {  	v4 =	vsel vm4, $0x43998000, v4;
	v0 =	vsel vm9, $0x438E8000, v0;
	v1 =	vsel vm10, $0x43960000, v1  }
0x74: {  	v26 =	vsel vm7, $0x438F0000, v0;
	v0 =	vsel vm9, $0x43968000, v1;
	v1 =	vsel vm3, $0x439A0000, v4  }
0x75: {  	v6 =	vsel vm7, $0x43970000, v0;
	v0 =	vsel vm2, $0x439A8000, v1;
	v1 =	vimm.f32 $3.350000000e+02  }
0x76: {  	v0 =	vsel vm0, $0x439B0000, v0;
	v1 =	vsel vm8, $0x43A00000, v1  }
0x77: {  	v19 =	vimm.f32 $3.510000000e+02;
	v0 =	vsel vm1, $0x439B8000, v0;
	v1 =	vsel vm6, $0x43A08000, v1  }
0x78: {  	v19 =	vsel vm8, $0x43A80000, v19;
	v0 =	vsel vm14, $0x439C0000, v0;
	v1 =	vsel vm5, $0x43A10000, v1  }
0x79: {  	v19 =	vsel vm6, $0x43A88000, v19;
	v0 =	vsel vm13, $0x439C8000, v0;
	v1 =	vsel vm4, $0x43A18000, v1  }
0x7a: {  	v19 =	vsel vm5, $0x43A90000, v19;
	v0 =	vsel vm12, $0x439D0000, v0;
	v1 =	vsel vm3, $0x43A20000, v1  }
0x7b: {  	v19 =	vsel vm4, $0x43A98000, v19;
	v0 =	vsel vm11, $0x439D8000, v0;
	v1 =	vsel vm2, $0x43A28000, v1  }
0x7c: {  	v19 =	vsel vm3, $0x43AA0000, v19;
	v0 =	vsel vm10, $0x439E0000, v0;
	v1 =	vsel vm0, $0x43A30000, v1  }
0x7d: {  	v19 =	vsel vm2, $0x43AA8000, v19;
	v0 =	vsel vm9, $0x439E8000, v0;
	v1 =	vsel vm1, $0x43A38000, v1  }
0x7e: {  	v4 =	vsel vm0, $0x43AB0000, v19;
	v7 =	vsel vm7, $0x439F0000, v0;
	v0 =	vsel vm14, $0x43A40000, v1  }
0x7f: {  	v1 =	vsel vm1, $0x43AB8000, v4;
	v0 =	vsel vm13, $0x43A48000, v0  }
0x80: {  	v4 =	vimm.f32 $3.670000000e+02;
	v1 =	vsel vm14, $0x43AC0000, v1;
	v0 =	vsel vm12, $0x43A50000, v0  }
0x81: {  	v4 =	vsel vm8, $0x43B00000, v4;
	v1 =	vsel vm13, $0x43AC8000, v1;
	v0 =	vsel vm11, $0x43A58000, v0  }
0x82: {  	v4 =	vsel vm6, $0x43B08000, v4;
	v1 =	vsel vm12, $0x43AD0000, v1;
	v0 =	vsel vm10, $0x43A60000, v0  }
0x83: {  	v4 =	vsel vm5, $0x43B10000, v4;
	v1 =	vsel vm11, $0x43AD8000, v1;
	v0 =	vsel vm9, $0x43A68000, v0  }
0x84: {  	v21 =	vsel vm4, $0x43B18000, v4;
	v1 =	vsel vm10, $0x43AE0000, v1;
	v0 =	vsel vm7, $0x43A70000, v0  }
0x85: {  	[tilespmem:$0x1FEF0] =	vst v0;
	v0 =	vsel vm9, $0x43AE8000, v1;
	v1 =	vsel vm3, $0x43B20000, v21  }
0x86: {  	v15 =	vsel vm7, $0x43AF0000, v0;
	v0 =	vsel vm2, $0x43B28000, v1  }
0x87: {  	v1 =	vimm.f32 $3.830000000e+02;
	v0 =	vsel vm0, $0x43B30000, v0  }
0x88: {  	v22 =	vimm.f32 $3.990000000e+02;
	v1 =	vsel vm8, $0x43B80000, v1;
	v0 =	vsel vm1, $0x43B38000, v0  }
0x89: {  	v22 =	vsel vm8, $0x43C00000, v22;
	v1 =	vsel vm6, $0x43B88000, v1;
	v0 =	vsel vm14, $0x43B40000, v0  }
0x8a: {  	v22 =	vsel vm6, $0x43C08000, v22;
	v1 =	vsel vm5, $0x43B90000, v1;
	v0 =	vsel vm13, $0x43B48000, v0  }
0x8b: {  	v22 =	vsel vm5, $0x43C10000, v22;
	v1 =	vsel vm4, $0x43B98000, v1;
	v0 =	vsel vm12, $0x43B50000, v0  }
0x8c: {  	v22 =	vsel vm4, $0x43C18000, v22;
	v1 =	vsel vm3, $0x43BA0000, v1;
	v0 =	vsel vm11, $0x43B58000, v0  }
0x8d: {  	v22 =	vsel vm3, $0x43C20000, v22;
	v1 =	vsel vm2, $0x43BA8000, v1;
	v0 =	vsel vm10, $0x43B60000, v0  }
0x8e: {  	v22 =	vsel vm2, $0x43C28000, v22;
	v1 =	vsel vm0, $0x43BB0000, v1;
	v0 =	vsel vm9, $0x43B68000, v0  }
0x8f: {  	v4 =	vsel vm0, $0x43C30000, v22;
	v1 =	vsel vm1, $0x43BB8000, v1;
	v0 =	vsel vm7, $0x43B70000, v0  }
0x90: {  	[tilespmem:$0x1FF00] =	vst v0;
	v0 =	vsel vm14, $0x43BC0000, v1;
	v1 =	vsel vm1, $0x43C38000, v4  }
0x91: {  	v4 =	vimm.f32 $4.150000000e+02;
	v0 =	vsel vm13, $0x43BC8000, v0;
	v1 =	vsel vm14, $0x43C40000, v1  }
0x92: {  	v4 =	vsel vm8, $0x43C80000, v4;
	v0 =	vsel vm12, $0x43BD0000, v0;
	v1 =	vsel vm13, $0x43C48000, v1  }
0x93: {  	v4 =	vsel vm6, $0x43C88000, v4;
	v0 =	vsel vm11, $0x43BD8000, v0;
	v1 =	vsel vm12, $0x43C50000, v1  }
0x94: {  	v4 =	vsel vm5, $0x43C90000, v4;
	v0 =	vsel vm10, $0x43BE0000, v0;
	v1 =	vsel vm11, $0x43C58000, v1  }
0x95: {  	v24 =	vsel vm4, $0x43C98000, v4;
	v0 =	vsel vm9, $0x43BE8000, v0;
	v1 =	vsel vm10, $0x43C60000, v1  }
0x96: {  	v19 =	vsel vm7, $0x43BF0000, v0;
	v0 =	vsel vm9, $0x43C68000, v1;
	v1 =	vsel vm3, $0x43CA0000, v24  }
0x97: {  	v3 =	vsel vm7, $0x43C70000, v0;
	v0 =	vsel vm2, $0x43CA8000, v1;
	v1 =	vimm.f32 $4.310000000e+02  }
0x98: {  	v25 =	vimm.f32 $4.470000000e+02;
	v0 =	vsel vm0, $0x43CB0000, v0;
	v1 =	vsel vm8, $0x43D00000, v1  }
0x99: {  	v25 =	vsel vm8, $0x43D80000, v25;
	v0 =	vsel vm1, $0x43CB8000, v0;
	v1 =	vsel vm6, $0x43D08000, v1  }
0x9a: {  	v25 =	vsel vm6, $0x43D88000, v25;
	v0 =	vsel vm14, $0x43CC0000, v0;
	v1 =	vsel vm5, $0x43D10000, v1  }
0x9b: {  	v25 =	vsel vm5, $0x43D90000, v25;
	v0 =	vsel vm13, $0x43CC8000, v0;
	v1 =	vsel vm4, $0x43D18000, v1  }
0x9c: {  	v25 =	vsel vm4, $0x43D98000, v25;
	v0 =	vsel vm12, $0x43CD0000, v0;
	v1 =	vsel vm3, $0x43D20000, v1  }
0x9d: {  	v25 =	vsel vm3, $0x43DA0000, v25;
	v0 =	vsel vm11, $0x43CD8000, v0;
	v1 =	vsel vm2, $0x43D28000, v1  }
0x9e: {  	v25 =	vsel vm2, $0x43DA8000, v25;
	v0 =	vsel vm10, $0x43CE0000, v0;
	v1 =	vsel vm0, $0x43D30000, v1  }
0x9f: {  	v5 =	vsel vm0, $0x43DB0000, v25;
	v0 =	vsel vm9, $0x43CE8000, v0;
	v1 =	vsel vm1, $0x43D38000, v1  }
0xa0: {  	v4 =	vsel vm7, $0x43CF0000, v0;
	v0 =	vsel vm14, $0x43D40000, v1;
	v1 =	vsel vm1, $0x43DB8000, v5  }
0xa1: {  	v5 =	vimm.f32 $4.630000000e+02;
	v0 =	vsel vm13, $0x43D48000, v0;
	v1 =	vsel vm14, $0x43DC0000, v1  }
0xa2: {  	v5 =	vsel vm8, $0x43E00000, v5;
	v0 =	vsel vm12, $0x43D50000, v0;
	v1 =	vsel vm13, $0x43DC8000, v1  }
0xa3: {  	v5 =	vsel vm6, $0x43E08000, v5;
	v0 =	vsel vm11, $0x43D58000, v0;
	v1 =	vsel vm12, $0x43DD0000, v1  }
0xa4: {  	v5 =	vsel vm5, $0x43E10000, v5;
	v0 =	vsel vm10, $0x43D60000, v0;
	v1 =	vsel vm11, $0x43DD8000, v1  }
0xa5: {  	v27 =	vsel vm4, $0x43E18000, v5;
	v0 =	vsel vm9, $0x43D68000, v0;
	v1 =	vsel vm10, $0x43DE0000, v1  }
0xa6: {  	v18 =	vsel vm7, $0x43D70000, v0;
	v0 =	vsel vm9, $0x43DE8000, v1;
	v1 =	vsel vm3, $0x43E20000, v27  }
0xa7: {  	v27 =	vsel vm7, $0x43DF0000, v0;
	v0 =	vsel vm2, $0x43E28000, v1;
	v1 =	vimm.f32 $4.790000000e+02  }
0xa8: {  	v28 =	vimm.f32 $4.950000000e+02;
	v0 =	vsel vm0, $0x43E30000, v0;
	v1 =	vsel vm8, $0x43E80000, v1  }
0xa9: {  	v28 =	vsel vm8, $0x43F00000, v28;
	v0 =	vsel vm1, $0x43E38000, v0;
	v1 =	vsel vm6, $0x43E88000, v1  }
0xaa: {  	v28 =	vsel vm6, $0x43F08000, v28;
	v0 =	vsel vm14, $0x43E40000, v0;
	v1 =	vsel vm5, $0x43E90000, v1  }
0xab: {  	v28 =	vsel vm5, $0x43F10000, v28;
	v0 =	vsel vm13, $0x43E48000, v0;
	v1 =	vsel vm4, $0x43E98000, v1  }
0xac: {  	v28 =	vsel vm4, $0x43F18000, v28;
	v0 =	vsel vm12, $0x43E50000, v0;
	v1 =	vsel vm3, $0x43EA0000, v1  }
0xad: {  	v28 =	vsel vm3, $0x43F20000, v28;
	v0 =	vsel vm11, $0x43E58000, v0;
	v1 =	vsel vm2, $0x43EA8000, v1  }
0xae: {  	v28 =	vsel vm2, $0x43F28000, v28;
	v0 =	vsel vm10, $0x43E60000, v0;
	v1 =	vsel vm0, $0x43EB0000, v1  }
0xaf: {  	v29 =	vsel vm0, $0x43F30000, v28;
	v0 =	vsel vm9, $0x43E68000, v0;
	v1 =	vsel vm1, $0x43EB8000, v1  }
0xb0: {  	v28 =	vsel vm7, $0x43E70000, v0;
	v0 =	vsel vm14, $0x43EC0000, v1;
	v1 =	vsel vm1, $0x43F38000, v29  }
0xb1: {  	v29 =	vimm.f32 $5.110000000e+02;
	v0 =	vsel vm13, $0x43EC8000, v0;
	v1 =	vsel vm14, $0x43F40000, v1  }
0xb2: {  	v29 =	vsel vm8, $0x43F80000, v29;
	v0 =	vsel vm12, $0x43ED0000, v0;
	v1 =	vsel vm13, $0x43F48000, v1  }
0xb3: {  	v29 =	vsel vm6, $0x43F88000, v29;
	v0 =	vsel vm11, $0x43ED8000, v0;
	v1 =	vsel vm12, $0x43F50000, v1  }
0xb4: {  	v29 =	vsel vm5, $0x43F90000, v29;
	v0 =	vsel vm10, $0x43EE0000, v0;
	v1 =	vsel vm11, $0x43F58000, v1  }
0xb5: {  	v8 =	vsel vm4, $0x43F98000, v29;
	v0 =	vsel vm9, $0x43EE8000, v0;
	v1 =	vsel vm10, $0x43F60000, v1  }
0xb6: {  	v29 =	vsel vm7, $0x43EF0000, v0;
	v0 =	vsel vm9, $0x43F68000, v1;
	v1 =	vsel vm3, $0x43FA0000, v8  }
0xb7: {  	v9 =	vsel vm7, $0x43F70000, v0;
	v0 =	vsel vm2, $0x43FA8000, v1  }
0xb8: {  	v1 =	vimm.f32 $5.270000000e+02;
	v0 =	vsel vm0, $0x43FB0000, v0  }
0xb9: {  	v31 =	vimm.f32 $5.430000000e+02;
	v1 =	vsel vm8, $0x44000000, v1;
	v0 =	vsel vm1, $0x43FB8000, v0  }
0xba: {  	v31 =	vsel vm8, $0x44040000, v31;
	v1 =	vsel vm6, $0x44004000, v1;
	v0 =	vsel vm14, $0x43FC0000, v0  }
0xbb: {  	v31 =	vsel vm6, $0x44044000, v31;
	v1 =	vsel vm5, $0x44008000, v1;
	v0 =	vsel vm13, $0x43FC8000, v0  }
0xbc: {  	v31 =	vsel vm5, $0x44048000, v31;
	v1 =	vsel vm4, $0x4400C000, v1;
	v0 =	vsel vm12, $0x43FD0000, v0  }
0xbd: {  	v31 =	vsel vm4, $0x4404C000, v31;
	v1 =	vsel vm3, $0x44010000, v1;
	v0 =	vsel vm11, $0x43FD8000, v0  }
0xbe: {  	v31 =	vsel vm3, $0x44050000, v31;
	v1 =	vsel vm2, $0x44014000, v1;
	v0 =	vsel vm10, $0x43FE0000, v0  }
0xbf: {  	v31 =	vsel vm2, $0x44054000, v31;
	v1 =	vsel vm0, $0x44018000, v1;
	v0 =	vsel vm9, $0x43FE8000, v0  }
0xc0: {  	v8 =	vsel vm0, $0x44058000, v31;
	v1 =	vsel vm1, $0x4401C000, v1;
	v0 =	vsel vm7, $0x43FF0000, v0  }
0xc1: {  	[tilespmem:$0x1FF10] =	vst v0;
	v0 =	vsel vm14, $0x44020000, v1;
	v1 =	vsel vm1, $0x4405C000, v8  }
0xc2: {  	v8 =	vimm.f32 $5.590000000e+02;
	v0 =	vsel vm13, $0x44024000, v0;
	v1 =	vsel vm14, $0x44060000, v1  }
0xc3: {  	v8 =	vsel vm8, $0x44080000, v8;
	v0 =	vsel vm12, $0x44028000, v0;
	v1 =	vsel vm13, $0x44064000, v1  }
0xc4: {  	v8 =	vsel vm6, $0x44084000, v8;
	v0 =	vsel vm11, $0x4402C000, v0;
	v1 =	vsel vm12, $0x44068000, v1  }
0xc5: {  	v8 =	vsel vm5, $0x44088000, v8;
	v0 =	vsel vm10, $0x44030000, v0;
	v1 =	vsel vm11, $0x4406C000, v1  }
0xc6: {  	v5 =	vsel vm4, $0x4408C000, v8;
	v0 =	vsel vm9, $0x44034000, v0;
	v1 =	vsel vm10, $0x44070000, v1  }
0xc7: {  	v25 =	vsel vm7, $0x44038000, v0;
	v0 =	vsel vm9, $0x44074000, v1;
	v1 =	vsel vm3, $0x44090000, v5  }
0xc8: {  	v34 =	vsel vm7, $0x44078000, v0;
	v0 =	vsel vm2, $0x44094000, v1;
	v1 =	vimm.f32 $5.750000000e+02  }
0xc9: {  	v5 =	vimm.f32 $5.910000000e+02;
	v0 =	vsel vm0, $0x44098000, v0;
	v1 =	vsel vm8, $0x440C0000, v1  }
0xca: {  	v5 =	vsel vm8, $0x44100000, v5;
	v0 =	vsel vm1, $0x4409C000, v0;
	v1 =	vsel vm6, $0x440C4000, v1  }
0xcb: {  	v5 =	vsel vm6, $0x44104000, v5;
	v0 =	vsel vm14, $0x440A0000, v0;
	v1 =	vsel vm5, $0x440C8000, v1  }
0xcc: {  	v5 =	vsel vm5, $0x44108000, v5;
	v0 =	vsel vm13, $0x440A4000, v0;
	v1 =	vsel vm4, $0x440CC000, v1  }
0xcd: {  	v5 =	vsel vm4, $0x4410C000, v5;
	v0 =	vsel vm12, $0x440A8000, v0;
	v1 =	vsel vm3, $0x440D0000, v1  }
0xce: {  	v5 =	vsel vm3, $0x44110000, v5;
	v0 =	vsel vm11, $0x440AC000, v0;
	v1 =	vsel vm2, $0x440D4000, v1  }
0xcf: {  	v5 =	vsel vm2, $0x44114000, v5;
	v0 =	vsel vm10, $0x440B0000, v0;
	v1 =	vsel vm0, $0x440D8000, v1  }
0xd0: {  	v35 =	vsel vm0, $0x44118000, v5;
	v0 =	vsel vm9, $0x440B4000, v0;
	v1 =	vsel vm1, $0x440DC000, v1  }
0xd1: {  	v5 =	vsel vm7, $0x440B8000, v0;
	v0 =	vsel vm14, $0x440E0000, v1;
	v1 =	vsel vm1, $0x4411C000, v35  }
0xd2: {  	v56 =	vimm.f32 $6.070000000e+02;
	v0 =	vsel vm13, $0x440E4000, v0;
	v1 =	vsel vm14, $0x44120000, v1  }
0xd3: {  	v35 =	vsel vm8, $0x44140000, v56;
	v0 =	vsel vm12, $0x440E8000, v0;
	v1 =	vsel vm13, $0x44124000, v1  }
0xd4: {  	v35 =	vsel vm6, $0x44144000, v35;
	v0 =	vsel vm11, $0x440EC000, v0;
	v1 =	vsel vm12, $0x44128000, v1  }
0xd5: {  	v35 =	vsel vm5, $0x44148000, v35;
	v0 =	vsel vm10, $0x440F0000, v0;
	v1 =	vsel vm11, $0x4412C000, v1  }
0xd6: {  	v36 =	vsel vm4, $0x4414C000, v35;
	v0 =	vsel vm9, $0x440F4000, v0;
	v1 =	vsel vm10, $0x44130000, v1  }
0xd7: {  	v35 =	vsel vm7, $0x440F8000, v0;
	v0 =	vsel vm9, $0x44134000, v1;
	v1 =	vsel vm3, $0x44150000, v36  }
0xd8: {  	v36 =	vsel vm7, $0x44138000, v0;
	v0 =	vsel vm2, $0x44154000, v1;
	v1 =	vimm.f32 $6.230000000e+02  }
0xd9: {  	v37 =	vimm.f32 $6.390000000e+02;
	v0 =	vsel vm0, $0x44158000, v0;
	v1 =	vsel vm8, $0x44180000, v1  }
0xda: {  	v37 =	vsel vm8, $0x441C0000, v37;
	v0 =	vsel vm1, $0x4415C000, v0;
	v1 =	vsel vm6, $0x44184000, v1  }
0xdb: {  	v37 =	vsel vm6, $0x441C4000, v37;
	v0 =	vsel vm14, $0x44160000, v0;
	v1 =	vsel vm5, $0x44188000, v1  }
0xdc: {  	v37 =	vsel vm5, $0x441C8000, v37;
	v0 =	vsel vm13, $0x44164000, v0;
	v1 =	vsel vm4, $0x4418C000, v1  }
0xdd: {  	v37 =	vsel vm4, $0x441CC000, v37;
	v0 =	vsel vm12, $0x44168000, v0;
	v1 =	vsel vm3, $0x44190000, v1  }
0xde: {  	v37 =	vsel vm3, $0x441D0000, v37;
	v0 =	vsel vm11, $0x4416C000, v0;
	v1 =	vsel vm2, $0x44194000, v1  }
0xdf: {  	v37 =	vsel vm2, $0x441D4000, v37;
	v0 =	vsel vm10, $0x44170000, v0;
	v1 =	vsel vm0, $0x44198000, v1  }
0xe0: {  	v38 =	vsel vm0, $0x441D8000, v37;
	v0 =	vsel vm9, $0x44174000, v0;
	v1 =	vsel vm1, $0x4419C000, v1  }
0xe1: {  	v37 =	vsel vm7, $0x44178000, v0;
	v0 =	vsel vm14, $0x441A0000, v1;
	v1 =	vsel vm1, $0x441DC000, v38  }
0xe2: {  	v57 =	vimm.f32 $6.550000000e+02;
	v0 =	vsel vm13, $0x441A4000, v0;
	v1 =	vsel vm14, $0x441E0000, v1  }
0xe3: {  	v38 =	vsel vm8, $0x44200000, v57;
	v0 =	vsel vm12, $0x441A8000, v0;
	v1 =	vsel vm13, $0x441E4000, v1  }
0xe4: {  	v38 =	vsel vm6, $0x44204000, v38;
	v0 =	vsel vm11, $0x441AC000, v0;
	v1 =	vsel vm12, $0x441E8000, v1  }
0xe5: {  	v38 =	vsel vm5, $0x44208000, v38;
	v0 =	vsel vm10, $0x441B0000, v0;
	v1 =	vsel vm11, $0x441EC000, v1  }
0xe6: {  	v39 =	vsel vm4, $0x4420C000, v38;
	v0 =	vsel vm9, $0x441B4000, v0;
	v1 =	vsel vm10, $0x441F0000, v1  }
0xe7: {  	v38 =	vsel vm7, $0x441B8000, v0;
	v0 =	vsel vm9, $0x441F4000, v1;
	v1 =	vsel vm3, $0x44210000, v39  }
0xe8: {  	v39 =	vsel vm7, $0x441F8000, v0;
	v0 =	vsel vm2, $0x44214000, v1  }
0xe9: {  	v1 =	vimm.f32 $6.710000000e+02;
	v0 =	vsel vm0, $0x44218000, v0  }
0xea: {  	v40 =	vimm.f32 $6.870000000e+02;
	v1 =	vsel vm8, $0x44240000, v1;
	v0 =	vsel vm1, $0x4421C000, v0  }
0xeb: {  	v40 =	vsel vm8, $0x44280000, v40;
	v1 =	vsel vm6, $0x44244000, v1;
	v0 =	vsel vm14, $0x44220000, v0  }
0xec: {  	v40 =	vsel vm6, $0x44284000, v40;
	v1 =	vsel vm5, $0x44248000, v1;
	v0 =	vsel vm13, $0x44224000, v0  }
0xed: {  	v40 =	vsel vm5, $0x44288000, v40;
	v1 =	vsel vm4, $0x4424C000, v1;
	v0 =	vsel vm12, $0x44228000, v0  }
0xee: {  	v40 =	vsel vm4, $0x4428C000, v40;
	v1 =	vsel vm3, $0x44250000, v1;
	v0 =	vsel vm11, $0x4422C000, v0  }
0xef: {  	v40 =	vsel vm3, $0x44290000, v40;
	v1 =	vsel vm2, $0x44254000, v1;
	v0 =	vsel vm10, $0x44230000, v0  }
0xf0: {  	v40 =	vsel vm2, $0x44294000, v40;
	v1 =	vsel vm0, $0x44258000, v1;
	v0 =	vsel vm9, $0x44234000, v0  }
0xf1: {  	v41 =	vsel vm0, $0x44298000, v40;
	v1 =	vsel vm1, $0x4425C000, v1;
	v0 =	vsel vm7, $0x44238000, v0  }
0xf2: {  	[tilespmem:$0x1FF20] =	vst v0;
	v0 =	vsel vm14, $0x44260000, v1;
	v1 =	vsel vm1, $0x4429C000, v41  }
0xf3: {  	v59 =	vimm.f32 $7.030000000e+02;
	v0 =	vsel vm13, $0x44264000, v0;
	v1 =	vsel vm14, $0x442A0000, v1  }
0xf4: {  	v41 =	vsel vm8, $0x442C0000, v59;
	v0 =	vsel vm12, $0x44268000, v0;
	v1 =	vsel vm13, $0x442A4000, v1  }
0xf5: {  	v41 =	vsel vm6, $0x442C4000, v41;
	v0 =	vsel vm11, $0x4426C000, v0;
	v1 =	vsel vm12, $0x442A8000, v1  }
0xf6: {  	v41 =	vsel vm5, $0x442C8000, v41;
	v0 =	vsel vm10, $0x44270000, v0;
	v1 =	vsel vm11, $0x442AC000, v1  }
0xf7: {  	v42 =	vsel vm4, $0x442CC000, v41;
	v0 =	vsel vm9, $0x44274000, v0;
	v1 =	vsel vm10, $0x442B0000, v1  }
0xf8: {  	v41 =	vsel vm7, $0x44278000, v0;
	v0 =	vsel vm9, $0x442B4000, v1;
	v1 =	vsel vm3, $0x442D0000, v42  }
0xf9: {  	v42 =	vsel vm7, $0x442B8000, v0;
	v0 =	vsel vm2, $0x442D4000, v1;
	v1 =	vimm.f32 $7.190000000e+02  }
0xfa: {  	v43 =	vimm.f32 $7.350000000e+02;
	v0 =	vsel vm0, $0x442D8000, v0;
	v1 =	vsel vm8, $0x44300000, v1  }
0xfb: {  	v43 =	vsel vm8, $0x44340000, v43;
	v0 =	vsel vm1, $0x442DC000, v0;
	v1 =	vsel vm6, $0x44304000, v1  }
0xfc: {  	v43 =	vsel vm6, $0x44344000, v43;
	v0 =	vsel vm14, $0x442E0000, v0;
	v1 =	vsel vm5, $0x44308000, v1  }
0xfd: {  	v43 =	vsel vm5, $0x44348000, v43;
	v0 =	vsel vm13, $0x442E4000, v0;
	v1 =	vsel vm4, $0x4430C000, v1  }
0xfe: {  	v43 =	vsel vm4, $0x4434C000, v43;
	v0 =	vsel vm12, $0x442E8000, v0;
	v1 =	vsel vm3, $0x44310000, v1  }
0xff: {  	v43 =	vsel vm3, $0x44350000, v43;
	v0 =	vsel vm11, $0x442EC000, v0;
	v1 =	vsel vm2, $0x44314000, v1  }
0x100: {  	v43 =	vsel vm2, $0x44354000, v43;
	v0 =	vsel vm10, $0x442F0000, v0;
	v1 =	vsel vm0, $0x44318000, v1  }
0x101: {  	v44 =	vsel vm0, $0x44358000, v43;
	v0 =	vsel vm9, $0x442F4000, v0;
	v1 =	vsel vm1, $0x4431C000, v1  }
0x102: {  	v59 =	vsel vm7, $0x442F8000, v0;
	v0 =	vsel vm14, $0x44320000, v1;
	v1 =	vsel vm1, $0x4435C000, v44  }
0x103: {  	v60 =	vimm.f32 $7.510000000e+02;
	v0 =	vsel vm13, $0x44324000, v0;
	v1 =	vsel vm14, $0x44360000, v1  }
0x104: {  	v44 =	vsel vm8, $0x44380000, v60;
	v0 =	vsel vm12, $0x44328000, v0;
	v1 =	vsel vm13, $0x44364000, v1  }
0x105: {  	v44 =	vsel vm6, $0x44384000, v44;
	v0 =	vsel vm11, $0x4432C000, v0;
	v1 =	vsel vm12, $0x44368000, v1  }
0x106: {  	v44 =	vsel vm5, $0x44388000, v44;
	v0 =	vsel vm10, $0x44330000, v0;
	v1 =	vsel vm11, $0x4436C000, v1  }
0x107: {  	v45 =	vsel vm4, $0x4438C000, v44;
	v0 =	vsel vm9, $0x44334000, v0;
	v1 =	vsel vm10, $0x44370000, v1  }
0x108: {  	v44 =	vsel vm7, $0x44338000, v0;
	v0 =	vsel vm9, $0x44374000, v1;
	v1 =	vsel vm3, $0x44390000, v45  }
0x109: {  	v45 =	vsel vm7, $0x44378000, v0;
	v0 =	vsel vm2, $0x44394000, v1;
	v1 =	vimm.f32 $7.670000000e+02  }
0x10a: {  	v46 =	vimm.f32 $7.830000000e+02;
	v0 =	vsel vm0, $0x44398000, v0;
	v1 =	vsel vm8, $0x443C0000, v1  }
0x10b: {  	v46 =	vsel vm8, $0x44400000, v46;
	v0 =	vsel vm1, $0x4439C000, v0;
	v1 =	vsel vm6, $0x443C4000, v1  }
0x10c: {  	v46 =	vsel vm6, $0x44404000, v46;
	v0 =	vsel vm14, $0x443A0000, v0;
	v1 =	vsel vm5, $0x443C8000, v1  }
0x10d: {  	v46 =	vsel vm5, $0x44408000, v46;
	v0 =	vsel vm13, $0x443A4000, v0;
	v1 =	vsel vm4, $0x443CC000, v1  }
0x10e: {  	v46 =	vsel vm4, $0x4440C000, v46;
	v0 =	vsel vm12, $0x443A8000, v0;
	v1 =	vsel vm3, $0x443D0000, v1  }
0x10f: {  	v46 =	vsel vm3, $0x44410000, v46;
	v0 =	vsel vm11, $0x443AC000, v0;
	v1 =	vsel vm2, $0x443D4000, v1  }
0x110: {  	v46 =	vsel vm2, $0x44414000, v46;
	v0 =	vsel vm10, $0x443B0000, v0;
	v1 =	vsel vm0, $0x443D8000, v1  }
0x111: {  	v47 =	vsel vm0, $0x44418000, v46;
	v0 =	vsel vm9, $0x443B4000, v0;
	v1 =	vsel vm1, $0x443DC000, v1  }
0x112: {  	v46 =	vsel vm7, $0x443B8000, v0;
	v0 =	vsel vm14, $0x443E0000, v1;
	v1 =	vsel vm1, $0x4441C000, v47  }
0x113: {  	v63 =	vimm.f32 $7.990000000e+02;
	v0 =	vsel vm13, $0x443E4000, v0;
	v1 =	vsel vm14, $0x44420000, v1  }
0x114: {  	v47 =	vsel vm8, $0x44440000, v63;
	v0 =	vsel vm12, $0x443E8000, v0;
	v1 =	vsel vm13, $0x44424000, v1  }
0x115: {  	v47 =	vsel vm6, $0x44444000, v47;
	v0 =	vsel vm11, $0x443EC000, v0;
	v1 =	vsel vm12, $0x44428000, v1  }
0x116: {  	v47 =	vsel vm5, $0x44448000, v47;
	v0 =	vsel vm10, $0x443F0000, v0;
	v1 =	vsel vm11, $0x4442C000, v1  }
0x117: {  	v48 =	vsel vm4, $0x4444C000, v47;
	v0 =	vsel vm9, $0x443F4000, v0;
	v1 =	vsel vm10, $0x44430000, v1  }
0x118: {  	v47 =	vsel vm7, $0x443F8000, v0;
	v0 =	vsel vm9, $0x44434000, v1;
	v1 =	vsel vm3, $0x44450000, v48  }
0x119: {  	v48 =	vsel vm7, $0x44438000, v0;
	v0 =	vsel vm2, $0x44454000, v1  }
0x11a: {  	v1 =	vimm.f32 $8.150000000e+02;
	v0 =	vsel vm0, $0x44458000, v0  }
0x11b: {  	v49 =	vimm.f32 $8.310000000e+02;
	v1 =	vsel vm8, $0x44480000, v1;
	v0 =	vsel vm1, $0x4445C000, v0  }
0x11c: {  	v49 =	vsel vm8, $0x444C0000, v49;
	v1 =	vsel vm6, $0x44484000, v1;
	v0 =	vsel vm14, $0x44460000, v0  }
0x11d: {  	v49 =	vsel vm6, $0x444C4000, v49;
	v1 =	vsel vm5, $0x44488000, v1;
	v0 =	vsel vm13, $0x44464000, v0  }
0x11e: {  	v49 =	vsel vm5, $0x444C8000, v49;
	v1 =	vsel vm4, $0x4448C000, v1;
	v0 =	vsel vm12, $0x44468000, v0  }
0x11f: {  	v49 =	vsel vm4, $0x444CC000, v49;
	v1 =	vsel vm3, $0x44490000, v1;
	v0 =	vsel vm11, $0x4446C000, v0  }
0x120: {  	v49 =	vsel vm3, $0x444D0000, v49;
	v1 =	vsel vm2, $0x44494000, v1;
	v0 =	vsel vm10, $0x44470000, v0  }
0x121: {  	v49 =	vsel vm2, $0x444D4000, v49;
	v1 =	vsel vm0, $0x44498000, v1;
	v0 =	vsel vm9, $0x44474000, v0  }
0x122: {  	v50 =	vsel vm0, $0x444D8000, v49;
	v1 =	vsel vm1, $0x4449C000, v1;
	v0 =	vsel vm7, $0x44478000, v0  }
0x123: {  	[tilespmem:$0x1FF30] =	vst v0;
	v0 =	vsel vm14, $0x444A0000, v1;
	v1 =	vsel vm1, $0x444DC000, v50  }
0x124: {  	v40 =	vimm.f32 $8.470000000e+02;
	v0 =	vsel vm13, $0x444A4000, v0;
	v1 =	vsel vm14, $0x444E0000, v1  }
0x125: {  	v50 =	vsel vm8, $0x44500000, v40;
	v0 =	vsel vm12, $0x444A8000, v0;
	v1 =	vsel vm13, $0x444E4000, v1  }
0x126: {  	v50 =	vsel vm6, $0x44504000, v50;
	v0 =	vsel vm11, $0x444AC000, v0;
	v1 =	vsel vm12, $0x444E8000, v1  }
0x127: {  	v50 =	vsel vm5, $0x44508000, v50;
	v0 =	vsel vm10, $0x444B0000, v0;
	v1 =	vsel vm11, $0x444EC000, v1  }
0x128: {  	v51 =	vsel vm4, $0x4450C000, v50;
	v0 =	vsel vm9, $0x444B4000, v0;
	v1 =	vsel vm10, $0x444F0000, v1  }
0x129: {  	v50 =	vsel vm7, $0x444B8000, v0;
	v0 =	vsel vm9, $0x444F4000, v1;
	v1 =	vsel vm3, $0x44510000, v51  }
0x12a: {  	v51 =	vsel vm7, $0x444F8000, v0;
	v0 =	vsel vm2, $0x44514000, v1;
	v1 =	vimm.f32 $8.630000000e+02  }
0x12b: {  	v52 =	vimm.f32 $8.790000000e+02;
	v0 =	vsel vm0, $0x44518000, v0;
	v1 =	vsel vm8, $0x44540000, v1  }
0x12c: {  	v52 =	vsel vm8, $0x44580000, v52;
	v0 =	vsel vm1, $0x4451C000, v0;
	v1 =	vsel vm6, $0x44544000, v1  }
0x12d: {  	v52 =	vsel vm6, $0x44584000, v52;
	v0 =	vsel vm14, $0x44520000, v0;
	v1 =	vsel vm5, $0x44548000, v1  }
0x12e: {  	v52 =	vsel vm5, $0x44588000, v52;
	v0 =	vsel vm13, $0x44524000, v0;
	v1 =	vsel vm4, $0x4454C000, v1  }
0x12f: {  	v52 =	vsel vm4, $0x4458C000, v52;
	v0 =	vsel vm12, $0x44528000, v0;
	v1 =	vsel vm3, $0x44550000, v1  }
0x130: {  	v52 =	vsel vm3, $0x44590000, v52;
	v0 =	vsel vm11, $0x4452C000, v0;
	v1 =	vsel vm2, $0x44554000, v1  }
0x131: {  	v52 =	vsel vm2, $0x44594000, v52;
	v0 =	vsel vm10, $0x44530000, v0;
	v1 =	vsel vm0, $0x44558000, v1  }
0x132: {  	v53 =	vsel vm0, $0x44598000, v52;
	v0 =	vsel vm9, $0x44534000, v0;
	v1 =	vsel vm1, $0x4455C000, v1  }
0x133: {  	v52 =	vsel vm7, $0x44538000, v0;
	v0 =	vsel vm14, $0x44560000, v1;
	v1 =	vsel vm1, $0x4459C000, v53  }
0x134: {  	v43 =	vimm.f32 $8.950000000e+02;
	v0 =	vsel vm13, $0x44564000, v0;
	v1 =	vsel vm14, $0x445A0000, v1  }
0x135: {  	v53 =	vsel vm8, $0x445C0000, v43;
	v0 =	vsel vm12, $0x44568000, v0;
	v1 =	vsel vm13, $0x445A4000, v1  }
0x136: {  	v53 =	vsel vm6, $0x445C4000, v53;
	v0 =	vsel vm11, $0x4456C000, v0;
	v1 =	vsel vm12, $0x445A8000, v1  }
0x137: {  	v53 =	vsel vm5, $0x445C8000, v53;
	v0 =	vsel vm10, $0x44570000, v0;
	v1 =	vsel vm11, $0x445AC000, v1  }
0x138: {  	v54 =	vsel vm4, $0x445CC000, v53;
	v0 =	vsel vm9, $0x44574000, v0;
	v1 =	vsel vm10, $0x445B0000, v1  }
0x139: {  	v53 =	vsel vm7, $0x44578000, v0;
	v0 =	vsel vm9, $0x445B4000, v1;
	v1 =	vsel vm3, $0x445D0000, v54  }
0x13a: {  	v12 =	vsel vm7, $0x445B8000, v0;
	v0 =	vsel vm2, $0x445D4000, v1;
	v1 =	vimm.f32 $9.110000000e+02  }
0x13b: {  	v55 =	vimm.f32 $9.270000000e+02;
	v0 =	vsel vm0, $0x445D8000, v0;
	v1 =	vsel vm8, $0x44600000, v1  }
0x13c: {  	v55 =	vsel vm8, $0x44640000, v55;
	v0 =	vsel vm1, $0x445DC000, v0;
	v1 =	vsel vm6, $0x44604000, v1  }
0x13d: {  	v55 =	vsel vm6, $0x44644000, v55;
	v0 =	vsel vm14, $0x445E0000, v0;
	v1 =	vsel vm5, $0x44608000, v1  }
0x13e: {  	v55 =	vsel vm5, $0x44648000, v55;
	v0 =	vsel vm13, $0x445E4000, v0;
	v1 =	vsel vm4, $0x4460C000, v1  }
0x13f: {  	v55 =	vsel vm4, $0x4464C000, v55;
	v0 =	vsel vm12, $0x445E8000, v0;
	v1 =	vsel vm3, $0x44610000, v1  }
0x140: {  	v55 =	vsel vm3, $0x44650000, v55;
	v0 =	vsel vm11, $0x445EC000, v0;
	v1 =	vsel vm2, $0x44614000, v1  }
0x141: {  	v55 =	vsel vm2, $0x44654000, v55;
	v0 =	vsel vm10, $0x445F0000, v0;
	v1 =	vsel vm0, $0x44618000, v1  }
0x142: {  	v56 =	vsel vm0, $0x44658000, v55;
	v0 =	vsel vm9, $0x445F4000, v0;
	v1 =	vsel vm1, $0x4461C000, v1  }
0x143: {  	v13 =	vsel vm7, $0x445F8000, v0;
	v0 =	vsel vm14, $0x44620000, v1;
	v1 =	vsel vm1, $0x4465C000, v56  }
0x144: {  	v49 =	vimm.f32 $9.430000000e+02;
	v0 =	vsel vm13, $0x44624000, v0;
	v1 =	vsel vm14, $0x44660000, v1  }
0x145: {  	v56 =	vsel vm8, $0x44680000, v49;
	v0 =	vsel vm12, $0x44628000, v0;
	v1 =	vsel vm13, $0x44664000, v1  }
0x146: {  	v56 =	vsel vm6, $0x44684000, v56;
	v0 =	vsel vm11, $0x4462C000, v0;
	v1 =	vsel vm12, $0x44668000, v1  }
0x147: {  	v56 =	vsel vm5, $0x44688000, v56;
	v0 =	vsel vm10, $0x44630000, v0;
	v1 =	vsel vm11, $0x4466C000, v1  }
0x148: {  	v57 =	vsel vm4, $0x4468C000, v56;
	v0 =	vsel vm9, $0x44634000, v0;
	v1 =	vsel vm10, $0x44670000, v1  }
0x149: {  	v22 =	vsel vm7, $0x44638000, v0;
	v0 =	vsel vm9, $0x44674000, v1;
	v1 =	vsel vm3, $0x44690000, v57  }
0x14a: {  	v56 =	vsel vm7, $0x44678000, v0;
	v0 =	vsel vm2, $0x44694000, v1;
	v1 =	vimm.f32 $9.590000000e+02  }
0x14b: {  	v0 =	vsel vm0, $0x44698000, v0;
	v1 =	vsel vm8, $0x446C0000, v1  }
0x14c: {  	v8 =	vimm.f32 $9.750000000e+02;
	v0 =	vsel vm1, $0x4469C000, v0;
	v1 =	vsel vm6, $0x446C4000, v1  }
0x14d: {  	v8 =	vsel vm8, $0x44700000, v8;
	v0 =	vsel vm14, $0x446A0000, v0;
	v1 =	vsel vm5, $0x446C8000, v1  }
0x14e: {  	v8 =	vsel vm6, $0x44704000, v8;
	v0 =	vsel vm13, $0x446A4000, v0;
	v1 =	vsel vm4, $0x446CC000, v1  }
0x14f: {  	v8 =	vsel vm5, $0x44708000, v8;
	v0 =	vsel vm12, $0x446A8000, v0;
	v1 =	vsel vm3, $0x446D0000, v1  }
0x150: {  	v8 =	vsel vm4, $0x4470C000, v8;
	v0 =	vsel vm11, $0x446AC000, v0;
	v1 =	vsel vm2, $0x446D4000, v1  }
0x151: {  	v8 =	vsel vm3, $0x44710000, v8;
	v0 =	vsel vm10, $0x446B0000, v0;
	v1 =	vsel vm0, $0x446D8000, v1  }
0x152: {  	v8 =	vsel vm2, $0x44714000, v8;
	v0 =	vsel vm9, $0x446B4000, v0;
	v1 =	vsel vm1, $0x446DC000, v1  }
0x153: {  	v8 =	vsel vm0, $0x44718000, v8;
	v31 =	vsel vm7, $0x446B8000, v0;
	v0 =	vsel vm14, $0x446E0000, v1  }
0x154: {  	v57 =	vimm.f32 $1.007000000e+03;
	v1 =	vsel vm1, $0x4471C000, v8;
	v0 =	vsel vm13, $0x446E4000, v0  }
0x155: {  	v8 =	vimm.f32 $9.910000000e+02;
	v1 =	vsel vm14, $0x44720000, v1;
	v0 =	vsel vm12, $0x446E8000, v0  }
0x156: {  	v8 =	vsel vm8, $0x44740000, v8;
	v1 =	vsel vm13, $0x44724000, v1;
	v0 =	vsel vm11, $0x446EC000, v0  }
0x157: {  	v8 =	vsel vm6, $0x44744000, v8;
	v1 =	vsel vm12, $0x44728000, v1;
	v0 =	vsel vm10, $0x446F0000, v0  }
0x158: {  	v8 =	vsel vm5, $0x44748000, v8;
	v1 =	vsel vm11, $0x4472C000, v1;
	v0 =	vsel vm9, $0x446F4000, v0  }
0x159: {  	v60 =	vsel vm4, $0x4474C000, v8;
	v1 =	vsel vm10, $0x44730000, v1;
	v40 =	vsel vm7, $0x446F8000, v0  }
0x15a: {  	v8 =	vsel vm9, $0x44734000, v1;
	v1 =	vsel vm3, $0x44750000, v60;
	v0 =	vimm.f32 $1.023000000e+03  }
0x15b: {  	v60 =	vsel vm8, $0x44780000, v57;
	v1 =	vsel vm2, $0x44754000, v1;
	v0 =	vsel vm8, $0x447C0000, v0  }
0x15c: {  	v60 =	vsel vm6, $0x44784000, v60;
	v49 =	vsel vm7, $0x44738000, v8;
	v0 =	vsel vm6, $0x447C4000, v0  }
0x15d: {  	v1 =	vsel vm0, $0x44758000, v1;
	v60 =	vsel vm5, $0x44788000, v60;
	v0 =	vsel vm5, $0x447C8000, v0  }
0x15e: {  	v1 =	vsel vm1, $0x4475C000, v1;
	v60 =	vsel vm4, $0x4478C000, v60;
	v0 =	vsel vm4, $0x447CC000, v0  }
0x15f: {  	v1 =	vsel vm14, $0x44760000, v1;
	v60 =	vsel vm3, $0x44790000, v60;
	v0 =	vsel vm3, $0x447D0000, v0  }
0x160: {  	s6 =	rddreg [dreg:$0x0];
	s2 =	simm.s32 $0x0;
	v1 =	vsel vm13, $0x44764000, v1;
	v60 =	vsel vm2, $0x44794000, v60;
	v0 =	vsel vm2, $0x447D4000, v0  }
0x161: {  	[smem:$0x7FF] =	sst s2;
	v1 =	vsel vm12, $0x44768000, v1;
	v60 =	vsel vm0, $0x44798000, v60;
	v0 =	vsel vm0, $0x447D8000, v0  }
0x162: {  	s0 =	rddreg [dreg:$0x1];
	_ =	strace $0x80000047;
	[tilespmem:$0x1FFA0] =	vst v41;
	v1 =	vsel vm11, $0x4476C000, v1;
	v60 =	vsel vm1, $0x4479C000, v60;
	v0 =	vsel vm1, $0x447DC000, v0  }
0x163: {  	[tilespmem:$0x1FFB0] =	vst v25;
	v1 =	vsel vm10, $0x44770000, v1;
	v63 =	vsel vm14, $0x447E0000, v0;
	v0 =	vimm.f32 $0.0e+00  }
0x164: {  	[tilespmem:$0x1FFC0] =	vst v19;
	v11 =	vsel vm14, $0x447A0000, v60;
	v1 =	vsel vm9, $0x44774000, v1;
	v0 =	vsel vm8, $0x44780000, v0  }
0x165: {  	[tilespmem:$0x1FFD0] =	vst v58;
	v57 =	vsel vm7, $0x44778000, v1;
	v1 =	vsel vm13, $0x447A4000, v11;
	v0 =	vsel vm6, $0x44784000, v0  }
0x166: {  	s3 =	srdreg.scid;
	[tilespmem:$0x1FFE0] =	vst v2;
	v11 =	vsel vm13, $0x447E4000, v63;
	v1 =	vsel vm12, $0x447A8000, v1;
	v0 =	vsel vm5, $0x44788000, v0  }
0x167: {  	s1 =	stileid.u32;
	s10 =	simm.s32 $0x4000;
	s4 =	sand.u32 $0x1, s3;
	[tilespmem:$0x1FFF0] =	vst v61;
	v11 =	vsel vm12, $0x447E8000, v11;
	v1 =	vsel vm11, $0x447AC000, v1;
	v0 =	vsel vm4, $0x4478C000, v0  }
0x168: {  	s11 =	simm.s32 $0x7E80;
	s31 =	sshll.u32 s1, $0x8;
	s5 =	sshll.u32 s4, $0x7;
	[tilespmem:$0x1FF90] =	vst v50;
	v11 =	vsel vm11, $0x447EC000, v11;
	v1 =	vsel vm10, $0x447B0000, v1;
	v0 =	vsel vm3, $0x44790000, v0  }
0x169: {  	s12 =	simm.s32 $0x8280;
	s13 =	simm.s32 $0x8300;
	s3 =	sor.u32 s5, s31;
	[tilespmem:$0x1FF40] =	vst v49;
	v11 =	vsel vm10, $0x447F0000, v11;
	v1 =	vsel vm9, $0x447B4000, v1;
	v0 =	vsel vm2, $0x44794000, v0  }
0x16a: {  	s14 =	simm.s32 $0x0;
	s7 =	ssub.s32 $0x2, s4;
	s8 =	sshrl.u32 s3, $0x3;
	[tilespmem:$0x1FF80] =	vst v57;
	v43 =	vsel vm9, $0x447F4000, v11;
	v54 =	vsel vm7, $0x447B8000, v1;
	v0 =	vsel vm0, $0x44798000, v0  }
0x16b: {  	s4 =	sadd.s32 $0x7F000, s6;
	s9 =	sshrl.u32 s7, $0x1;
	s8 =	sadd.s32 s8, s6;
	v55 =	vsel vm7, $0x447F8000, v43;
	[tilespmem:$0x1FF50] =	vst v54  }
0x16c: {  	s5 =	sadd.s32 $0x2000, s6;
	s9 =	ssub.s32 s7, s9;
	s6 =	sadd.s32 $0xFF000, s8;
	v63 =	vmov v12;
	[tilespmem:$0x1FF60] =	vst v55;
	v12 =	vsel vm1, $0x4479C000, v0  }
0x16d: {  	s7 =	sadd.s32 $0xFF200, s8;
	s8 =	smax.u32 s9, $0x1;
	s9 =	simm.s32 $0x1;
	vm0 =	vmmov $0x1f;
	vm1 =	vcmask $0xB20;
	[tilespmem:$0x1FF70] =	vst v12;
	v0 =	vmov v22  }
.LBB2_1:
0x16e: {  	s15 =	simm.s32 $0x0  }
.LBB2_2:
0x16f: {  	s18 =	sshll.u32 s15, $0x4  }
0x170: {  	s17 =	sor.u32 s3, s18  }
0x171: {  	s16 =	sshll.u32 s17, $0x7  }
0x172: {  	s19 =	sadd.s32 s4, s16;
	s16 =	simm.s32 $0x0  }
0x173: {  	[tilespmem:s16], [sflag:$0x1] =	stream.linear.gather [hbm4b:s19+s16], $0x4000, $0x38;
	[tilespmem:$0x8380] =	vst v63  }
0x174: {  	s17 =	smul.u32 $0x7D, s17;
	_ =	swait.ge [sflag:s9], $0x4000  }
0x175: {  	[sflag:s9] =	ssyncset.done $0x0  }
0x176: {  	s17 =	sadd.s32 s5, s17;
	[sflag:s9] =	ssyncadd.s32 $0xFFFFC000  }
0x177: {  	[tilespmem:s10], [sflag:$0x1] =	stream.linear.gather [hbm4b:s17+s16], $0x3E80, $0x38;
	[tilespmem:$0x8380] =	vst v63  }
0x178: {  	_ =	swait.ge [sflag:s9], $0x3E80  }
0x179: {  	s20 =	simm.s32 $0x0;
	s19 =	simm.s32 $0x200;
	[sflag:s9] =	ssyncset.done $0x0  }
0x17a: {  	s17 =	sadd.s32 $0x8280, s18;
	s18 =	sadd.s32 $0x8300, s18;
	[sflag:s9] =	ssyncadd.s32 $0xFFFFC180  }
.LBB2_3:
0x17b: {  	v1 =	vld [tilespmem:s19+$0xFFFFFE00];
	_ =	sdelay $0x4  }
0x17c: {  	v1 =	vshrl.u32 v1, $0xA  }
0x17d: {  	v22 =	vld [tilespmem:$0x1FEA0];
	v1 =	vand.u32 $0x3FF, v1;
	_ =	sdelay $0x4  }
0x17e: {  	[tilespmem:v1+s11+$0x0] =	vst.idx.msk $0xffff, v22  }
0x17f: {  	v1 =	vld [tilespmem:s19+$0xFFFFFE10];
	_ =	sdelay $0x4  }
0x180: {  	v1 =	vshrl.u32 v1, $0xA  }
0x181: {  	v16 =	vld [tilespmem:$0x1FEB0];
	v1 =	vand.u32 $0x3FF, v1;
	_ =	sdelay $0x4  }
0x182: {  	[tilespmem:v1+s11+$0x0] =	vst.idx.msk $0xffff, v16  }
0x183: {  	v1 =	vld [tilespmem:s19+$0xFFFFFE20];
	_ =	sdelay $0x4  }
0x184: {  	v1 =	vshrl.u32 v1, $0xA  }
0x185: {  	v1 =	vand.u32 $0x3FF, v1;
	_ =	sdelay $0x4  }
0x186: {  	[tilespmem:v1+s11+$0x0] =	vst.idx.msk $0xffff, v2  }
0x187: {  	v1 =	vld [tilespmem:s19+$0xFFFFFE30];
	_ =	sdelay $0x4  }
0x188: {  	v1 =	vshrl.u32 v1, $0xA  }
0x189: {  	v1 =	vand.u32 $0x3FF, v1;
	_ =	sdelay $0x4  }
0x18a: {  	[tilespmem:v1+s11+$0x0] =	vst.idx.msk $0xffff, v14  }
0x18b: {  	v1 =	vld [tilespmem:s19+$0xFFFFFE40];
	_ =	sdelay $0x4  }
0x18c: {  	v1 =	vshrl.u32 v1, $0xA  }
0x18d: {  	v1 =	vand.u32 $0x3FF, v1;
	_ =	sdelay $0x4  }
0x18e: {  	[tilespmem:v1+s11+$0x0] =	vst.idx.msk $0xffff, v32  }
0x18f: {  	v1 =	vld [tilespmem:s19+$0xFFFFFE50];
	_ =	sdelay $0x4  }
0x190: {  	v1 =	vshrl.u32 v1, $0xA  }
0x191: {  	v1 =	vand.u32 $0x3FF, v1;
	_ =	sdelay $0x4  }
0x192: {  	[tilespmem:v1+s11+$0x0] =	vst.idx.msk $0xffff, v17  }
0x193: {  	v1 =	vld [tilespmem:s19+$0xFFFFFE60];
	_ =	sdelay $0x4  }
0x194: {  	v1 =	vshrl.u32 v1, $0xA  }
0x195: {  	v1 =	vand.u32 $0x3FF, v1;
	_ =	sdelay $0x4  }
0x196: {  	[tilespmem:v1+s11+$0x0] =	vst.idx.msk $0xffff, v23  }
0x197: {  	v1 =	vld [tilespmem:s19+$0xFFFFFE70];
	_ =	sdelay $0x4  }
0x198: {  	v1 =	vshrl.u32 v1, $0xA  }
0x199: {  	v1 =	vand.u32 $0x3FF, v1;
	_ =	sdelay $0x4  }
0x19a: {  	[tilespmem:v1+s11+$0x0] =	vst.idx.msk $0xffff, v62  }
0x19b: {  	v1 =	vld [tilespmem:s19+$0xFFFFFE80];
	_ =	sdelay $0x4  }
0x19c: {  	v1 =	vshrl.u32 v1, $0xA  }
0x19d: {  	v1 =	vand.u32 $0x3FF, v1;
	_ =	sdelay $0x4  }
0x19e: {  	[tilespmem:v1+s11+$0x0] =	vst.idx.msk $0xffff, v20  }
0x19f: {  	v1 =	vld [tilespmem:s19+$0xFFFFFE90];
	_ =	sdelay $0x4  }
0x1a0: {  	v1 =	vshrl.u32 v1, $0xA  }
0x1a1: {  	v1 =	vand.u32 $0x3FF, v1;
	_ =	sdelay $0x4  }
0x1a2: {  	[tilespmem:v1+s11+$0x0] =	vst.idx.msk $0xffff, v30  }
0x1a3: {  	v1 =	vld [tilespmem:s19+$0xFFFFFEA0];
	_ =	sdelay $0x4  }
0x1a4: {  	v1 =	vshrl.u32 v1, $0xA  }
0x1a5: {  	v1 =	vand.u32 $0x3FF, v1;
	_ =	sdelay $0x4  }
0x1a6: {  	[tilespmem:v1+s11+$0x0] =	vst.idx.msk $0xffff, v10  }
0x1a7: {  	v1 =	vld [tilespmem:s19+$0xFFFFFEB0];
	_ =	sdelay $0x4  }
0x1a8: {  	v1 =	vshrl.u32 v1, $0xA  }
0x1a9: {  	v12 =	vld [tilespmem:$0x1FEC0];
	v1 =	vand.u32 $0x3FF, v1;
	_ =	sdelay $0x4  }
0x1aa: {  	[tilespmem:v1+s11+$0x0] =	vst.idx.msk $0xffff, v12  }
0x1ab: {  	v1 =	vld [tilespmem:s19+$0xFFFFFEC0];
	_ =	sdelay $0x4  }
0x1ac: {  	v1 =	vshrl.u32 v1, $0xA  }
0x1ad: {  	v21 =	vmov v30;
	v30 =	vld [tilespmem:$0x1FED0];
	v1 =	vand.u32 $0x3FF, v1;
	_ =	sdelay $0x4  }
0x1ae: {  	[tilespmem:v1+s11+$0x0] =	vst.idx.msk $0xffff, v30  }
0x1af: {  	v1 =	vld [tilespmem:s19+$0xFFFFFED0];
	_ =	sdelay $0x4  }
0x1b0: {  	v1 =	vshrl.u32 v1, $0xA  }
0x1b1: {  	v8 =	vmov v17;
	v17 =	vld [tilespmem:$0x1FEE0];
	v1 =	vand.u32 $0x3FF, v1;
	_ =	sdelay $0x4  }
0x1b2: {  	[tilespmem:v1+s11+$0x0] =	vst.idx.msk $0xffff, v17  }
0x1b3: {  	v1 =	vld [tilespmem:s19+$0xFFFFFEE0];
	_ =	sdelay $0x4  }
0x1b4: {  	v1 =	vshrl.u32 v1, $0xA  }
0x1b5: {  	v1 =	vand.u32 $0x3FF, v1;
	_ =	sdelay $0x4  }
0x1b6: {  	[tilespmem:v1+s11+$0x0] =	vst.idx.msk $0xffff, v58  }
0x1b7: {  	v1 =	vld [tilespmem:s19+$0xFFFFFEF0];
	_ =	sdelay $0x4  }
0x1b8: {  	v1 =	vshrl.u32 v1, $0xA  }
0x1b9: {  	v1 =	vand.u32 $0x3FF, v1;
	_ =	sdelay $0x4  }
0x1ba: {  	[tilespmem:v1+s11+$0x0] =	vst.idx.msk $0xffff, v33  }
0x1bb: {  	v1 =	vld [tilespmem:s19+$0xFFFFFF00];
	_ =	sdelay $0x4  }
0x1bc: {  	v1 =	vshrl.u32 v1, $0xA  }
0x1bd: {  	v1 =	vand.u32 $0x3FF, v1;
	_ =	sdelay $0x4  }
0x1be: {  	[tilespmem:v1+s11+$0x0] =	vst.idx.msk $0xffff, v61  }
0x1bf: {  	v1 =	vld [tilespmem:s19+$0xFFFFFF10];
	_ =	sdelay $0x4  }
0x1c0: {  	v1 =	vshrl.u32 v1, $0xA  }
0x1c1: {  	v1 =	vand.u32 $0x3FF, v1;
	_ =	sdelay $0x4  }
0x1c2: {  	[tilespmem:v1+s11+$0x0] =	vst.idx.msk $0xffff, v26  }
0x1c3: {  	v1 =	vld [tilespmem:s19+$0xFFFFFF20];
	_ =	sdelay $0x4  }
0x1c4: {  	v1 =	vshrl.u32 v1, $0xA  }
0x1c5: {  	v1 =	vand.u32 $0x3FF, v1;
	_ =	sdelay $0x4  }
0x1c6: {  	[tilespmem:v1+s11+$0x0] =	vst.idx.msk $0xffff, v6  }
0x1c7: {  	v1 =	vld [tilespmem:s19+$0xFFFFFF30];
	_ =	sdelay $0x4  }
0x1c8: {  	v1 =	vshrl.u32 v1, $0xA  }
0x1c9: {  	v1 =	vand.u32 $0x3FF, v1;
	_ =	sdelay $0x4  }
0x1ca: {  	[tilespmem:v1+s11+$0x0] =	vst.idx.msk $0xffff, v7  }
0x1cb: {  	v1 =	vld [tilespmem:s19+$0xFFFFFF40];
	_ =	sdelay $0x4  }
0x1cc: {  	v1 =	vshrl.u32 v1, $0xA  }
0x1cd: {  	v60 =	vmovc v32;
	v32 =	vmovc v23;
	v23 =	vmov v62;
	v62 =	vmov v10;
	v10 =	vld [tilespmem:$0x1FEF0];
	v1 =	vand.u32 $0x3FF, v1;
	_ =	sdelay $0x4  }
0x1ce: {  	[tilespmem:v1+s11+$0x0] =	vst.idx.msk $0xffff, v10  }
0x1cf: {  	v1 =	vld [tilespmem:s19+$0xFFFFFF50];
	_ =	sdelay $0x4  }
0x1d0: {  	v1 =	vshrl.u32 v1, $0xA  }
0x1d1: {  	v1 =	vand.u32 $0x3FF, v1;
	_ =	sdelay $0x4  }
0x1d2: {  	[tilespmem:v1+s11+$0x0] =	vst.idx.msk $0xffff, v15  }
0x1d3: {  	v1 =	vld [tilespmem:s19+$0xFFFFFF60];
	_ =	sdelay $0x4  }
0x1d4: {  	v1 =	vshrl.u32 v1, $0xA  }
0x1d5: {  	v24 =	vld [tilespmem:$0x1FF00];
	v1 =	vand.u32 $0x3FF, v1;
	_ =	sdelay $0x4  }
0x1d6: {  	[tilespmem:v1+s11+$0x0] =	vst.idx.msk $0xffff, v24  }
0x1d7: {  	v1 =	vld [tilespmem:s19+$0xFFFFFF70];
	_ =	sdelay $0x4  }
0x1d8: {  	v1 =	vshrl.u32 v1, $0xA  }
0x1d9: {  	v1 =	vand.u32 $0x3FF, v1;
	_ =	sdelay $0x4  }
0x1da: {  	[tilespmem:v1+s11+$0x0] =	vst.idx.msk $0xffff, v19  }
0x1db: {  	v1 =	vld [tilespmem:s19+$0xFFFFFF80];
	_ =	sdelay $0x4  }
0x1dc: {  	v1 =	vshrl.u32 v1, $0xA  }
0x1dd: {  	v1 =	vand.u32 $0x3FF, v1;
	_ =	sdelay $0x4  }
0x1de: {  	[tilespmem:v1+s11+$0x0] =	vst.idx.msk $0xffff, v3  }
0x1df: {  	v1 =	vld [tilespmem:s19+$0xFFFFFF90];
	_ =	sdelay $0x4  }
0x1e0: {  	v1 =	vshrl.u32 v1, $0xA  }
0x1e1: {  	v1 =	vand.u32 $0x3FF, v1;
	_ =	sdelay $0x4  }
0x1e2: {  	[tilespmem:v1+s11+$0x0] =	vst.idx.msk $0xffff, v4  }
0x1e3: {  	v1 =	vld [tilespmem:s19+$0xFFFFFFA0];
	_ =	sdelay $0x4  }
0x1e4: {  	v1 =	vshrl.u32 v1, $0xA  }
0x1e5: {  	v1 =	vand.u32 $0x3FF, v1;
	_ =	sdelay $0x4  }
0x1e6: {  	[tilespmem:v1+s11+$0x0] =	vst.idx.msk $0xffff, v18  }
0x1e7: {  	v1 =	vld [tilespmem:s19+$0xFFFFFFB0];
	_ =	sdelay $0x4  }
0x1e8: {  	v1 =	vshrl.u32 v1, $0xA  }
0x1e9: {  	v1 =	vand.u32 $0x3FF, v1;
	_ =	sdelay $0x4  }
0x1ea: {  	[tilespmem:v1+s11+$0x0] =	vst.idx.msk $0xffff, v27  }
0x1eb: {  	v1 =	vld [tilespmem:s19+$0xFFFFFFC0];
	_ =	sdelay $0x4  }
0x1ec: {  	v1 =	vshrl.u32 v1, $0xA  }
0x1ed: {  	v1 =	vand.u32 $0x3FF, v1;
	_ =	sdelay $0x4  }
0x1ee: {  	[tilespmem:v1+s11+$0x0] =	vst.idx.msk $0xffff, v28  }
0x1ef: {  	v1 =	vld [tilespmem:s19+$0xFFFFFFD0];
	_ =	sdelay $0x4  }
0x1f0: {  	v1 =	vshrl.u32 v1, $0xA  }
0x1f1: {  	v1 =	vand.u32 $0x3FF, v1;
	_ =	sdelay $0x4  }
0x1f2: {  	[tilespmem:v1+s11+$0x0] =	vst.idx.msk $0xffff, v29  }
0x1f3: {  	v1 =	vld [tilespmem:s19+$0xFFFFFFE0];
	_ =	sdelay $0x4  }
0x1f4: {  	v1 =	vshrl.u32 v1, $0xA  }
0x1f5: {  	v1 =	vand.u32 $0x3FF, v1;
	_ =	sdelay $0x4  }
0x1f6: {  	[tilespmem:v1+s11+$0x0] =	vst.idx.msk $0xffff, v9  }
0x1f7: {  	v1 =	vld [tilespmem:s19+$0xFFFFFFF0];
	_ =	sdelay $0x4  }
0x1f8: {  	v1 =	vshrl.u32 v1, $0xA  }
0x1f9: {  	v19 =	vmov v18;
	v18 =	vld [tilespmem:$0x1FF10];
	v1 =	vand.u32 $0x3FF, v1;
	_ =	sdelay $0x4  }
0x1fa: {  	[tilespmem:v1+s11+$0x0] =	vst.idx.msk $0xffff, v18  }
0x1fb: {  	v1 =	vld [tilespmem:s19+$0x0];
	_ =	sdelay $0x4  }
0x1fc: {  	v1 =	vshrl.u32 v1, $0xA  }
0x1fd: {  	v1 =	vand.u32 $0x3FF, v1;
	_ =	sdelay $0x4  }
0x1fe: {  	[tilespmem:v1+s11+$0x0] =	vst.idx.msk $0xffff, v25  }
0x1ff: {  	v1 =	vld [tilespmem:s19+$0x10];
	_ =	sdelay $0x4  }
0x200: {  	v1 =	vshrl.u32 v1, $0xA  }
0x201: {  	v1 =	vand.u32 $0x3FF, v1;
	_ =	sdelay $0x4  }
0x202: {  	[tilespmem:v1+s11+$0x0] =	vst.idx.msk $0xffff, v34  }
0x203: {  	v1 =	vld [tilespmem:s19+$0x20];
	_ =	sdelay $0x4  }
0x204: {  	v1 =	vshrl.u32 v1, $0xA  }
0x205: {  	v1 =	vand.u32 $0x3FF, v1;
	_ =	sdelay $0x4  }
0x206: {  	[tilespmem:v1+s11+$0x0] =	vst.idx.msk $0xffff, v5  }
0x207: {  	v1 =	vld [tilespmem:s19+$0x30];
	_ =	sdelay $0x4  }
0x208: {  	v1 =	vshrl.u32 v1, $0xA  }
0x209: {  	v1 =	vand.u32 $0x3FF, v1;
	_ =	sdelay $0x4  }
0x20a: {  	[tilespmem:v1+s11+$0x0] =	vst.idx.msk $0xffff, v35  }
0x20b: {  	v1 =	vld [tilespmem:s19+$0x40];
	_ =	sdelay $0x4  }
0x20c: {  	v1 =	vshrl.u32 v1, $0xA  }
0x20d: {  	v1 =	vand.u32 $0x3FF, v1;
	_ =	sdelay $0x4  }
0x20e: {  	[tilespmem:v1+s11+$0x0] =	vst.idx.msk $0xffff, v36  }
0x20f: {  	v1 =	vld [tilespmem:s19+$0x50];
	_ =	sdelay $0x4  }
0x210: {  	v1 =	vshrl.u32 v1, $0xA  }
0x211: {  	v1 =	vand.u32 $0x3FF, v1;
	_ =	sdelay $0x4  }
0x212: {  	[tilespmem:v1+s11+$0x0] =	vst.idx.msk $0xffff, v37  }
0x213: {  	v1 =	vld [tilespmem:s19+$0x60];
	_ =	sdelay $0x4  }
0x214: {  	v1 =	vshrl.u32 v1, $0xA  }
0x215: {  	v1 =	vand.u32 $0x3FF, v1;
	_ =	sdelay $0x4  }
0x216: {  	[tilespmem:v1+s11+$0x0] =	vst.idx.msk $0xffff, v38  }
0x217: {  	v1 =	vld [tilespmem:s19+$0x70];
	_ =	sdelay $0x4  }
0x218: {  	v1 =	vshrl.u32 v1, $0xA  }
0x219: {  	v1 =	vand.u32 $0x3FF, v1;
	_ =	sdelay $0x4  }
0x21a: {  	[tilespmem:v1+s11+$0x0] =	vst.idx.msk $0xffff, v39  }
0x21b: {  	v1 =	vld [tilespmem:s19+$0x80];
	_ =	sdelay $0x4  }
0x21c: {  	v1 =	vshrl.u32 v1, $0xA  }
0x21d: {  	v25 =	vld [tilespmem:$0x1FF20];
	v1 =	vand.u32 $0x3FF, v1;
	_ =	sdelay $0x4  }
0x21e: {  	[tilespmem:v1+s11+$0x0] =	vst.idx.msk $0xffff, v25  }
0x21f: {  	v1 =	vld [tilespmem:s19+$0x90];
	_ =	sdelay $0x4  }
0x220: {  	v1 =	vshrl.u32 v1, $0xA  }
0x221: {  	v1 =	vand.u32 $0x3FF, v1;
	_ =	sdelay $0x4  }
0x222: {  	[tilespmem:v1+s11+$0x0] =	vst.idx.msk $0xffff, v41  }
0x223: {  	v1 =	vld [tilespmem:s19+$0xA0];
	_ =	sdelay $0x4  }
0x224: {  	v1 =	vshrl.u32 v1, $0xA  }
0x225: {  	v1 =	vand.u32 $0x3FF, v1;
	_ =	sdelay $0x4  }
0x226: {  	[tilespmem:v1+s11+$0x0] =	vst.idx.msk $0xffff, v42  }
0x227: {  	v1 =	vld [tilespmem:s19+$0xB0];
	_ =	sdelay $0x4  }
0x228: {  	v1 =	vshrl.u32 v1, $0xA  }
0x229: {  	v1 =	vand.u32 $0x3FF, v1;
	_ =	sdelay $0x4  }
0x22a: {  	[tilespmem:v1+s11+$0x0] =	vst.idx.msk $0xffff, v59  }
0x22b: {  	v1 =	vld [tilespmem:s19+$0xC0];
	_ =	sdelay $0x4  }
0x22c: {  	v1 =	vshrl.u32 v1, $0xA  }
0x22d: {  	v1 =	vand.u32 $0x3FF, v1;
	_ =	sdelay $0x4  }
0x22e: {  	[tilespmem:v1+s11+$0x0] =	vst.idx.msk $0xffff, v44  }
0x22f: {  	v1 =	vld [tilespmem:s19+$0xD0];
	_ =	sdelay $0x4  }
0x230: {  	v1 =	vshrl.u32 v1, $0xA  }
0x231: {  	v1 =	vand.u32 $0x3FF, v1;
	_ =	sdelay $0x4  }
0x232: {  	[tilespmem:v1+s11+$0x0] =	vst.idx.msk $0xffff, v45  }
0x233: {  	v1 =	vld [tilespmem:s19+$0xE0];
	_ =	sdelay $0x4  }
0x234: {  	v1 =	vshrl.u32 v1, $0xA  }
0x235: {  	v1 =	vand.u32 $0x3FF, v1;
	_ =	sdelay $0x4  }
0x236: {  	[tilespmem:v1+s11+$0x0] =	vst.idx.msk $0xffff, v46  }
0x237: {  	v1 =	vld [tilespmem:s19+$0xF0];
	_ =	sdelay $0x4  }
0x238: {  	v1 =	vshrl.u32 v1, $0xA  }
0x239: {  	v1 =	vand.u32 $0x3FF, v1;
	_ =	sdelay $0x4  }
0x23a: {  	[tilespmem:v1+s11+$0x0] =	vst.idx.msk $0xffff, v47  }
0x23b: {  	v1 =	vld [tilespmem:s19+$0x100];
	_ =	sdelay $0x4  }
0x23c: {  	v1 =	vshrl.u32 v1, $0xA  }
0x23d: {  	v1 =	vand.u32 $0x3FF, v1;
	_ =	sdelay $0x4  }
0x23e: {  	[tilespmem:v1+s11+$0x0] =	vst.idx.msk $0xffff, v48  }
0x23f: {  	v1 =	vld [tilespmem:s19+$0x110];
	_ =	sdelay $0x4  }
0x240: {  	v1 =	vshrl.u32 v1, $0xA  }
0x241: {  	v58 =	vmov v33;
	v33 =	vld [tilespmem:$0x1FF30];
	v1 =	vand.u32 $0x3FF, v1;
	_ =	sdelay $0x4  }
0x242: {  	[tilespmem:v1+s11+$0x0] =	vst.idx.msk $0xffff, v33  }
0x243: {  	v1 =	vld [tilespmem:s19+$0x120];
	_ =	sdelay $0x4  }
0x244: {  	v1 =	vshrl.u32 v1, $0xA  }
0x245: {  	v1 =	vand.u32 $0x3FF, v1;
	_ =	sdelay $0x4  }
0x246: {  	[tilespmem:v1+s11+$0x0] =	vst.idx.msk $0xffff, v50  }
0x247: {  	v1 =	vld [tilespmem:s19+$0x130];
	_ =	sdelay $0x4  }
0x248: {  	v1 =	vshrl.u32 v1, $0xA  }
0x249: {  	v1 =	vand.u32 $0x3FF, v1;
	_ =	sdelay $0x4  }
0x24a: {  	[tilespmem:v1+s11+$0x0] =	vst.idx.msk $0xffff, v51  }
0x24b: {  	v1 =	vld [tilespmem:s19+$0x140];
	_ =	sdelay $0x4  }
0x24c: {  	v1 =	vshrl.u32 v1, $0xA  }
0x24d: {  	v1 =	vand.u32 $0x3FF, v1;
	_ =	sdelay $0x4  }
0x24e: {  	[tilespmem:v1+s11+$0x0] =	vst.idx.msk $0xffff, v52  }
0x24f: {  	v1 =	vld [tilespmem:s19+$0x150];
	_ =	sdelay $0x4  }
0x250: {  	v1 =	vshrl.u32 v1, $0xA  }
0x251: {  	v1 =	vand.u32 $0x3FF, v1;
	_ =	sdelay $0x4  }
0x252: {  	[tilespmem:v1+s11+$0x0] =	vst.idx.msk $0xffff, v53  }
0x253: {  	v1 =	vld [tilespmem:s19+$0x160];
	_ =	sdelay $0x4  }
0x254: {  	v1 =	vshrl.u32 v1, $0xA  }
0x255: {  	v1 =	vand.u32 $0x3FF, v1;
	_ =	sdelay $0x4  }
0x256: {  	[tilespmem:v1+s11+$0x0] =	vst.idx.msk $0xffff, v63  }
0x257: {  	v1 =	vld [tilespmem:s19+$0x170];
	_ =	sdelay $0x4  }
0x258: {  	v1 =	vshrl.u32 v1, $0xA  }
0x259: {  	v1 =	vand.u32 $0x3FF, v1;
	_ =	sdelay $0x4  }
0x25a: {  	[tilespmem:v1+s11+$0x0] =	vst.idx.msk $0xffff, v13  }
0x25b: {  	v1 =	vld [tilespmem:s19+$0x180];
	_ =	sdelay $0x4  }
0x25c: {  	v1 =	vshrl.u32 v1, $0xA  }
0x25d: {  	v1 =	vand.u32 $0x3FF, v1;
	_ =	sdelay $0x4  }
0x25e: {  	[tilespmem:v1+s11+$0x0] =	vst.idx.msk $0xffff, v0  }
0x25f: {  	v1 =	vld [tilespmem:s19+$0x190];
	_ =	sdelay $0x4  }
0x260: {  	v1 =	vshrl.u32 v1, $0xA  }
0x261: {  	v1 =	vand.u32 $0x3FF, v1;
	_ =	sdelay $0x4  }
0x262: {  	[tilespmem:v1+s11+$0x0] =	vst.idx.msk $0xffff, v56  }
0x263: {  	v1 =	vld [tilespmem:s19+$0x1A0];
	_ =	sdelay $0x4  }
0x264: {  	v1 =	vshrl.u32 v1, $0xA  }
0x265: {  	v1 =	vand.u32 $0x3FF, v1;
	_ =	sdelay $0x4  }
0x266: {  	[tilespmem:v1+s11+$0x0] =	vst.idx.msk $0xffff, v31  }
0x267: {  	v1 =	vld [tilespmem:s19+$0x1B0];
	_ =	sdelay $0x4  }
0x268: {  	v1 =	vshrl.u32 v1, $0xA  }
0x269: {  	v1 =	vand.u32 $0x3FF, v1;
	_ =	sdelay $0x4  }
0x26a: {  	[tilespmem:v1+s11+$0x0] =	vst.idx.msk $0xffff, v40  }
0x26b: {  	v1 =	vld [tilespmem:s19+$0x1C0];
	_ =	sdelay $0x4  }
0x26c: {  	v1 =	vshrl.u32 v1, $0xA  }
0x26d: {  	v1 =	vand.u32 $0x3FF, v1;
	_ =	sdelay $0x4  }
0x26e: {  	[tilespmem:v1+s11+$0x0] =	vst.idx.msk $0xffff, v49  }
0x26f: {  	v1 =	vld [tilespmem:s19+$0x1D0];
	_ =	sdelay $0x4  }
0x270: {  	v1 =	vshrl.u32 v1, $0xA  }
0x271: {  	v1 =	vand.u32 $0x3FF, v1;
	_ =	sdelay $0x4  }
0x272: {  	[tilespmem:v1+s11+$0x0] =	vst.idx.msk $0xffff, v57  }
0x273: {  	v1 =	vld [tilespmem:s19+$0x1E0];
	_ =	sdelay $0x4  }
0x274: {  	v1 =	vshrl.u32 v1, $0xA  }
0x275: {  	v1 =	vand.u32 $0x3FF, v1;
	_ =	sdelay $0x4  }
0x276: {  	[tilespmem:v1+s11+$0x0] =	vst.idx.msk $0xffff, v54  }
0x277: {  	v1 =	vld [tilespmem:s19+$0x1F0];
	_ =	sdelay $0x4  }
0x278: {  	v1 =	vshrl.u32 v1, $0xA  }
0x279: {  	v1 =	vand.u32 $0x3FF, v1;
	_ =	sdelay $0x4  }
0x27a: {  	[tilespmem:v1+s11+$0x0] =	vst.idx.msk $0xffff, v55  }
0x27b: {  	v1 =	vld [tilespmem:s19+$0xFFFFFE00];
	_ =	sdelay $0x1  }
0x27c: {  	v2 =	vld [tilespmem:s19+$0xFFFFFE10];
	_ =	sdelay $0x2  }
0x27d: {  	v1 =	vand.u32 $0x3FF, v1;
	_ =	sdelay $0x1  }
0x27e: {  	v2 =	vand.u32 $0x3FF, v2  }
0x27f: {  	v41 =	vmov v3;
	v3 =	vld [tilespmem:s19+$0xFFFFFE20];
	_ =	sdelay $0x1  }
0x280: {  	v54 =	vmov v6;
	v6 =	vld.idx.msk [tilespmem:v1+s11+$0x0], $0xffff  }
0x281: {  	v43 =	vmov v42;
	v42 =	vmov v58;
	v58 =	vmov v4;
	v4 =	vld [tilespmem:s19+$0xFFFFFE30]  }
0x282: {  	v2 =	vld.idx.msk [tilespmem:v2+s11+$0x0], $0xffff  }
0x283: {  	v50 =	vmov v5;
	v5 =	vld [tilespmem:s19+$0xFFFFFE40];
	v3 =	vand.u32 $0x3FF, v3  }
0x284: {  	v55 =	vmov v7;
	v7 =	vld [tilespmem:s19+$0xFFFFFE50]  }
0x285: {  	v6 =	vmul.f32 v22, v6  }
0x286: {  	v61 =	vmovc v51;
	v51 =	vmovc v34;
	v34 =	vmov v14;
	v14 =	vmov v8;
	v8 =	vld [tilespmem:s19+$0xFFFFFE60];
	v4 =	vand.u32 $0x3FF, v4  }
0x287: {  	v57 =	vmov v9;
	v9 =	vld [tilespmem:s19+$0xFFFFFE70];
	v2 =	vmul.f32 v16, v2;
	v6 =	vadd.f32 $0.0e+00, v6  }
0x288: {  	v5 =	vand.u32 $0x3FF, v5;
	v3 =	vld.idx.msk [tilespmem:v3+s11+$0x0], $0xffff  }
0x289: {  	v7 =	vand.u32 $0x3FF, v7;
	v2 =	vadd.f32 v2, v6;
	v6 =	vld [tilespmem:$0x1FFE0]  }
0x28a: {  	v49 =	vmovc v40;
	v40 =	vmov v31;
	v31 =	vmov v56;
	v56 =	vmov v10;
	v10 =	vld [tilespmem:s19+$0xFFFFFE80]  }
0x28b: {  	v8 =	vand.u32 $0x3FF, v8;
	v4 =	vld.idx.msk [tilespmem:v4+s11+$0x0], $0xffff  }
0x28c: {  	v11 =	vld [tilespmem:s19+$0xFFFFFE90]  }
0x28d: {  	v5 =	vld.idx.msk [tilespmem:v5+s11+$0x0], $0xffff  }
0x28e: {  	v7 =	vld.idx.msk [tilespmem:v7+s11+$0x0], $0xffff;
	v3 =	vmul.f32 v6, v3;
	v6 =	vand.u32 $0x3FF, v9  }
0x28f: {  	v9 =	vld [tilespmem:s19+$0xFFFFFEA0]  }
0x290: {  	v8 =	vld.idx.msk [tilespmem:v8+s11+$0x0], $0xffff;
	v2 =	vadd.f32 v3, v2;
	v3 =	vmul.f32 v34, v4;
	v4 =	vand.u32 $0x3FF, v10  }
0x291: {  	v10 =	vld [tilespmem:s19+$0xFFFFFEB0]  }
0x292: {  	v11 =	vand.u32 $0x3FF, v11;
	v2 =	vadd.f32 v3, v2;
	v3 =	vmul.f32 v60, v5;
	v5 =	vld [tilespmem:s19+$0xFFFFFEC0]  }
0x293: {  	v6 =	vld.idx.msk [tilespmem:v6+s11+$0x0], $0xffff  }
0x294: {  	v9 =	vand.u32 $0x3FF, v9;
	v2 =	vadd.f32 v3, v2;
	v3 =	vmul.f32 v14, v7;
	v7 =	vld [tilespmem:s19+$0xFFFFFED0]  }
0x295: {  	v4 =	vld.idx.msk [tilespmem:v4+s11+$0x0], $0xffff  }
0x296: {  	v10 =	vand.u32 $0x3FF, v10;
	v2 =	vadd.f32 v3, v2;
	v3 =	vmul.f32 v32, v8  }
0x297: {  	v8 =	vld.idx.msk [tilespmem:v11+s11+$0x0], $0xffff  }
0x298: {  	v5 =	vand.u32 $0x3FF, v5;
	v2 =	vadd.f32 v3, v2;
	v3 =	vmul.f32 v23, v6  }
0x299: {  	v6 =	vld.idx.msk [tilespmem:v9+s11+$0x0], $0xffff  }
0x29a: {  	v11 =	vld [tilespmem:s19+$0xFFFFFEE0];
	v7 =	vand.u32 $0x3FF, v7;
	v2 =	vadd.f32 v3, v2;
	v3 =	vmul.f32 v20, v4  }
0x29b: {  	v4 =	vld.idx.msk [tilespmem:v10+s11+$0x0], $0xffff  }
0x29c: {  	v2 =	vadd.f32 v3, v2;
	v3 =	vmul.f32 v21, v8  }
0x29d: {  	v5 =	vld.idx.msk [tilespmem:v5+s11+$0x0], $0xffff  }
0x29e: {  	v9 =	vld [tilespmem:s19+$0xFFFFFEF0];
	v2 =	vadd.f32 v3, v2;
	v3 =	vmul.f32 v62, v6  }
0x29f: {  	v6 =	vld.idx.msk [tilespmem:v7+s11+$0x0], $0xffff  }
0x2a0: {  	v8 =	vand.u32 $0x3FF, v11;
	v2 =	vadd.f32 v3, v2;
	v3 =	vmul.f32 v12, v4;
	_ =	sdelay $0x1  }
0x2a1: {  	v2 =	vadd.f32 v3, v2;
	v3 =	vmul.f32 v30, v5  }
0x2a2: {  	v10 =	vld [tilespmem:s19+$0xFFFFFF00];
	v7 =	vand.u32 $0x3FF, v9  }
0x2a3: {  	v11 =	vld [tilespmem:s19+$0xFFFFFF10];
	v2 =	vadd.f32 v3, v2;
	v3 =	vmul.f32 v17, v6  }
0x2a4: {  	v8 =	vld.idx.msk [tilespmem:v8+s11+$0x0], $0xffff  }
0x2a5: {  	v2 =	vadd.f32 v3, v2;
	v3 =	vld [tilespmem:$0x1FFD0]  }
0x2a6: {  	v9 =	vld [tilespmem:s19+$0xFFFFFF20]  }
0x2a7: {  	v7 =	vld.idx.msk [tilespmem:v7+s11+$0x0], $0xffff  }
0x2a8: {  	v4 =	vand.u32 $0x3FF, v10;
	_ =	sdelay $0x1  }
0x2a9: {  	v10 =	vld [tilespmem:s19+$0xFFFFFF30];
	v5 =	vand.u32 $0x3FF, v11;
	v3 =	vmul.f32 v3, v8  }
0x2aa: {  	v11 =	vld [tilespmem:s19+$0xFFFFFF40]  }
0x2ab: {  	v6 =	vand.u32 $0x3FF, v9;
	v9 =	vld [tilespmem:s19+$0xFFFFFF50];
	v2 =	vadd.f32 v3, v2;
	v3 =	vmul.f32 v42, v7  }
0x2ac: {  	v4 =	vld.idx.msk [tilespmem:v4+s11+$0x0], $0xffff  }
0x2ad: {  	v2 =	vadd.f32 v3, v2;
	v3 =	vld [tilespmem:$0x1FFF0]  }
0x2ae: {  	v10 =	vand.u32 $0x3FF, v10;
	v5 =	vld.idx.msk [tilespmem:v5+s11+$0x0], $0xffff  }
0x2af: {  	v8 =	vld [tilespmem:s19+$0xFFFFFF60]  }
0x2b0: {  	v11 =	vand.u32 $0x3FF, v11  }
0x2b1: {  	v6 =	vld.idx.msk [tilespmem:v6+s11+$0x0], $0xffff  }
0x2b2: {  	v9 =	vand.u32 $0x3FF, v9;
	v3 =	vmul.f32 v3, v4  }
0x2b3: {  	v4 =	vld.idx.msk [tilespmem:v10+s11+$0x0], $0xffff  }
0x2b4: {  	v7 =	vld [tilespmem:s19+$0xFFFFFF70];
	v8 =	vand.u32 $0x3FF, v8;
	v2 =	vadd.f32 v3, v2;
	v3 =	vmul.f32 v26, v5  }
0x2b5: {  	v5 =	vld.idx.msk [tilespmem:v11+s11+$0x0], $0xffff  }
0x2b6: {  	v2 =	vadd.f32 v3, v2;
	v3 =	vmul.f32 v54, v6  }
0x2b7: {  	v6 =	vld.idx.msk [tilespmem:v9+s11+$0x0], $0xffff  }
0x2b8: {  	v10 =	vld [tilespmem:s19+$0xFFFFFF80];
	v2 =	vadd.f32 v3, v2;
	v3 =	vmul.f32 v55, v4  }
0x2b9: {  	v7 =	vand.u32 $0x3FF, v7;
	v4 =	vld.idx.msk [tilespmem:v8+s11+$0x0], $0xffff  }
0x2ba: {  	v11 =	vld [tilespmem:s19+$0xFFFFFF90];
	v2 =	vadd.f32 v3, v2;
	v3 =	vmul.f32 v56, v5  }
0x2bb: {  	v9 =	vld [tilespmem:s19+$0xFFFFFFA0]  }
0x2bc: {  	v2 =	vadd.f32 v3, v2;
	v3 =	vmul.f32 v15, v6  }
0x2bd: {  	v8 =	vand.u32 $0x3FF, v10;
	v10 =	vld [tilespmem:s19+$0xFFFFFFB0]  }
0x2be: {  	v5 =	vld.idx.msk [tilespmem:v7+s11+$0x0], $0xffff;
	v2 =	vadd.f32 v3, v2;
	v3 =	vmul.f32 v24, v4  }
0x2bf: {  	v7 =	vand.u32 $0x3FF, v11;
	v11 =	vld [tilespmem:s19+$0xFFFFFFC0]  }
0x2c0: {  	v6 =	vand.u32 $0x3FF, v9;
	v2 =	vadd.f32 v3, v2;
	v3 =	vld [tilespmem:$0x1FFC0]  }
0x2c1: {  	v9 =	vld [tilespmem:s19+$0xFFFFFFD0]  }
0x2c2: {  	v8 =	vld.idx.msk [tilespmem:v8+s11+$0x0], $0xffff  }
0x2c3: {  	v4 =	vand.u32 $0x3FF, v10;
	v10 =	vld [tilespmem:s19+$0xFFFFFFE0]  }
0x2c4: {  	v7 =	vld.idx.msk [tilespmem:v7+s11+$0x0], $0xffff  }
0x2c5: {  	v6 =	vld.idx.msk [tilespmem:v6+s11+$0x0], $0xffff;
	v3 =	vmul.f32 v3, v5;
	v5 =	vand.u32 $0x3FF, v11  }
0x2c6: {  	v11 =	vld [tilespmem:s19+$0xFFFFFFF0]  }
0x2c7: {  	v9 =	vand.u32 $0x3FF, v9;
	v2 =	vadd.f32 v3, v2;
	v3 =	vmul.f32 v41, v8  }
0x2c8: {  	v4 =	vld.idx.msk [tilespmem:v4+s11+$0x0], $0xffff  }
0x2c9: {  	v10 =	vand.u32 $0x3FF, v10;
	v8 =	vld [tilespmem:s19+$0x0];
	v2 =	vadd.f32 v3, v2;
	v3 =	vmul.f32 v58, v7  }
0x2ca: {  	v5 =	vld.idx.msk [tilespmem:v5+s11+$0x0], $0xffff  }
0x2cb: {  	v7 =	vld [tilespmem:s19+$0x10];
	v11 =	vand.u32 $0x3FF, v11;
	v2 =	vadd.f32 v3, v2;
	v3 =	vmul.f32 v19, v6  }
0x2cc: {  	v6 =	vld.idx.msk [tilespmem:v9+s11+$0x0], $0xffff  }
0x2cd: {  	v2 =	vadd.f32 v3, v2;
	v3 =	vmul.f32 v27, v4  }
0x2ce: {  	v4 =	vld.idx.msk [tilespmem:v10+s11+$0x0], $0xffff  }
0x2cf: {  	v9 =	vld [tilespmem:s19+$0x20];
	v8 =	vand.u32 $0x3FF, v8;
	v2 =	vadd.f32 v3, v2;
	v3 =	vmul.f32 v28, v5  }
0x2d0: {  	v5 =	vld.idx.msk [tilespmem:v11+s11+$0x0], $0xffff  }
0x2d1: {  	v7 =	vand.u32 $0x3FF, v7;
	v2 =	vadd.f32 v3, v2;
	v3 =	vmul.f32 v29, v6  }
0x2d2: {  	v10 =	vld [tilespmem:s19+$0x30]  }
0x2d3: {  	v11 =	vld [tilespmem:s19+$0x40];
	v2 =	vadd.f32 v3, v2;
	v3 =	vmul.f32 v57, v4  }
0x2d4: {  	v6 =	vld.idx.msk [tilespmem:v8+s11+$0x0], $0xffff  }
0x2d5: {  	v8 =	vand.u32 $0x3FF, v9;
	v9 =	vld [tilespmem:s19+$0x50];
	v2 =	vadd.f32 v3, v2;
	v3 =	vmul.f32 v18, v5  }
0x2d6: {  	v4 =	vld.idx.msk [tilespmem:v7+s11+$0x0], $0xffff  }
0x2d7: {  	v7 =	vand.u32 $0x3FF, v10;
	v2 =	vadd.f32 v3, v2;
	v3 =	vld [tilespmem:$0x1FFB0];
	_ =	sdelay $0x1  }
0x2d8: {  	v10 =	vld [tilespmem:s19+$0x60]  }
0x2d9: {  	v5 =	vand.u32 $0x3FF, v11;
	v11 =	vld [tilespmem:s19+$0x70]  }
0x2da: {  	v8 =	vld.idx.msk [tilespmem:v8+s11+$0x0], $0xffff  }
0x2db: {  	v7 =	vld.idx.msk [tilespmem:v7+s11+$0x0], $0xffff;
	v3 =	vmul.f32 v3, v6;
	v6 =	vand.u32 $0x3FF, v9  }
0x2dc: {  	v9 =	vld [tilespmem:s19+$0x80]  }
0x2dd: {  	v2 =	vadd.f32 v3, v2;
	v3 =	vmul.f32 v51, v4;
	v4 =	vand.u32 $0x3FF, v10  }
0x2de: {  	v5 =	vld.idx.msk [tilespmem:v5+s11+$0x0], $0xffff  }
0x2df: {  	v11 =	vand.u32 $0x3FF, v11;
	v10 =	vld [tilespmem:s19+$0x90];
	v2 =	vadd.f32 v3, v2;
	v3 =	vmul.f32 v50, v8  }
0x2e0: {  	v6 =	vld.idx.msk [tilespmem:v6+s11+$0x0], $0xffff  }
0x2e1: {  	v8 =	vld [tilespmem:s19+$0xA0];
	v9 =	vand.u32 $0x3FF, v9;
	v2 =	vadd.f32 v3, v2;
	v3 =	vmul.f32 v35, v7  }
0x2e2: {  	v4 =	vld.idx.msk [tilespmem:v4+s11+$0x0], $0xffff  }
0x2e3: {  	v2 =	vadd.f32 v3, v2;
	v3 =	vmul.f32 v36, v5  }
0x2e4: {  	v5 =	vld.idx.msk [tilespmem:v11+s11+$0x0], $0xffff  }
0x2e5: {  	v7 =	vld [tilespmem:s19+$0xB0];
	v10 =	vand.u32 $0x3FF, v10;
	v2 =	vadd.f32 v3, v2;
	v3 =	vmul.f32 v37, v6  }
0x2e6: {  	v6 =	vld.idx.msk [tilespmem:v9+s11+$0x0], $0xffff  }
0x2e7: {  	v8 =	vand.u32 $0x3FF, v8;
	v2 =	vadd.f32 v3, v2;
	v3 =	vmul.f32 v38, v4  }
0x2e8: {  	v11 =	vld [tilespmem:s19+$0xC0]  }
0x2e9: {  	v9 =	vld [tilespmem:s19+$0xD0];
	v2 =	vadd.f32 v3, v2;
	v3 =	vmul.f32 v39, v5  }
0x2ea: {  	v4 =	vld.idx.msk [tilespmem:v10+s11+$0x0], $0xffff  }
0x2eb: {  	v7 =	vand.u32 $0x3FF, v7;
	v10 =	vld [tilespmem:s19+$0xE0];
	v2 =	vadd.f32 v3, v2;
	v3 =	vmul.f32 v25, v6  }
0x2ec: {  	v5 =	vld.idx.msk [tilespmem:v8+s11+$0x0], $0xffff  }
0x2ed: {  	v8 =	vand.u32 $0x3FF, v11;
	v2 =	vadd.f32 v3, v2;
	v3 =	vld [tilespmem:$0x1FFA0];
	_ =	sdelay $0x1  }
0x2ee: {  	v11 =	vld [tilespmem:s19+$0xF0]  }
0x2ef: {  	v6 =	vld.idx.msk [tilespmem:v7+s11+$0x0], $0xffff;
	v7 =	vand.u32 $0x3FF, v9  }
0x2f0: {  	v9 =	vld [tilespmem:s19+$0x100]  }
0x2f1: {  	v8 =	vld.idx.msk [tilespmem:v8+s11+$0x0], $0xffff;
	v3 =	vmul.f32 v3, v4;
	v4 =	vand.u32 $0x3FF, v10  }
0x2f2: {  	v10 =	vld [tilespmem:s19+$0x110]  }
0x2f3: {  	v2 =	vadd.f32 v3, v2;
	v3 =	vmul.f32 v43, v5;
	v5 =	vand.u32 $0x3FF, v11  }
0x2f4: {  	v7 =	vld.idx.msk [tilespmem:v7+s11+$0x0], $0xffff  }
0x2f5: {  	v2 =	vadd.f32 v3, v2;
	v3 =	vmul.f32 v59, v6;
	v6 =	vand.u32 $0x3FF, v9  }
0x2f6: {  	v4 =	vld.idx.msk [tilespmem:v4+s11+$0x0], $0xffff  }
0x2f7: {  	v11 =	vld [tilespmem:s19+$0x120];
	v10 =	vand.u32 $0x3FF, v10;
	v2 =	vadd.f32 v3, v2;
	v3 =	vmul.f32 v44, v8  }
0x2f8: {  	v5 =	vld.idx.msk [tilespmem:v5+s11+$0x0], $0xffff  }
0x2f9: {  	v9 =	vld [tilespmem:s19+$0x130];
	v2 =	vadd.f32 v3, v2;
	v3 =	vmul.f32 v45, v7  }
0x2fa: {  	v6 =	vld.idx.msk [tilespmem:v6+s11+$0x0], $0xffff  }
0x2fb: {  	v8 =	vld [tilespmem:s19+$0x140];
	v2 =	vadd.f32 v3, v2;
	v3 =	vmul.f32 v46, v4  }
0x2fc: {  	v11 =	vand.u32 $0x3FF, v11;
	v4 =	vld.idx.msk [tilespmem:v10+s11+$0x0], $0xffff  }
0x2fd: {  	v2 =	vadd.f32 v3, v2;
	v3 =	vmul.f32 v47, v5  }
0x2fe: {  	v7 =	vld [tilespmem:s19+$0x150]  }
0x2ff: {  	v9 =	vand.u32 $0x3FF, v9;
	v2 =	vadd.f32 v3, v2;
	v3 =	vmul.f32 v48, v6  }
0x300: {  	v10 =	vld [tilespmem:s19+$0x160]  }
0x301: {  	v8 =	vand.u32 $0x3FF, v8;
	v5 =	vld.idx.msk [tilespmem:v11+s11+$0x0], $0xffff;
	v2 =	vadd.f32 v3, v2;
	v3 =	vmul.f32 v33, v4  }
0x302: {  	v11 =	vld [tilespmem:s19+$0x170]  }
0x303: {  	v7 =	vand.u32 $0x3FF, v7;
	v2 =	vadd.f32 v3, v2;
	v3 =	vld [tilespmem:$0x1FF90]  }
0x304: {  	v6 =	vld.idx.msk [tilespmem:v9+s11+$0x0], $0xffff  }
0x305: {  	v9 =	vld [tilespmem:s19+$0x180]  }
0x306: {  	v4 =	vld.idx.msk [tilespmem:v8+s11+$0x0], $0xffff;
	v8 =	vand.u32 $0x3FF, v10  }
0x307: {  	v10 =	vld [tilespmem:s19+$0x190]  }
0x308: {  	v3 =	vmul.f32 v3, v5;
	v5 =	vld.idx.msk [tilespmem:v7+s11+$0x0], $0xffff;
	v7 =	vand.u32 $0x3FF, v11  }
0x309: {  	v11 =	vld [tilespmem:s19+$0x1A0]  }
0x30a: {  	v2 =	vadd.f32 v3, v2;
	v3 =	vmul.f32 v61, v6;
	v6 =	vand.u32 $0x3FF, v9  }
0x30b: {  	v8 =	vld.idx.msk [tilespmem:v8+s11+$0x0], $0xffff  }
0x30c: {  	v9 =	vld [tilespmem:s19+$0x1B0];
	v2 =	vadd.f32 v3, v2;
	v3 =	vmul.f32 v52, v4;
	v4 =	vand.u32 $0x3FF, v10  }
0x30d: {  	v7 =	vld.idx.msk [tilespmem:v7+s11+$0x0], $0xffff  }
0x30e: {  	v10 =	vld [tilespmem:s19+$0x1C0];
	v2 =	vadd.f32 v3, v2;
	v3 =	vmul.f32 v53, v5;
	v5 =	vand.u32 $0x3FF, v11  }
0x30f: {  	v6 =	vld.idx.msk [tilespmem:v6+s11+$0x0], $0xffff  }
0x310: {  	v2 =	vadd.f32 v3, v2;
	v3 =	vmul.f32 v63, v8;
	v8 =	vld [tilespmem:s19+$0x1D0]  }
0x311: {  	v9 =	vand.u32 $0x3FF, v9;
	v4 =	vld.idx.msk [tilespmem:v4+s11+$0x0], $0xffff  }
0x312: {  	v2 =	vadd.f32 v3, v2;
	v3 =	vmul.f32 v13, v7;
	v7 =	vld [tilespmem:s19+$0x1E0]  }
0x313: {  	v22 =	vmov v0;
	v10 =	vand.u32 $0x3FF, v10;
	v5 =	vld.idx.msk [tilespmem:v5+s11+$0x0], $0xffff  }
0x314: {  	v2 =	vadd.f32 v3, v2;
	v3 =	vmul.f32 v22, v6  }
0x315: {  	v56 =	vmov v31;
	v6 =	vand.u32 $0x3FF, v8  }
0x316: {  	v2 =	vadd.f32 v3, v2;
	v3 =	vmul.f32 v56, v4;
	v4 =	vld.idx.msk [tilespmem:v9+s11+$0x0], $0xffff  }
0x317: {  	v31 =	vmov v40;
	v40 =	vmov v49;
	v49 =	vld [tilespmem:$0x1FF40];
	v7 =	vand.u32 $0x3FF, v7  }
0x318: {  	v2 =	vadd.f32 v3, v2;
	v3 =	vmul.f32 v31, v5;
	v5 =	vld.idx.msk [tilespmem:v10+s11+$0x0], $0xffff  }
0x319: {  	v9 =	vmov v57;
	v57 =	vld [tilespmem:$0x1FF80]  }
0x31a: {  	v1 =	vmin.u32 v1, $0x3E7;
	v2 =	vadd.f32 v3, v2;
	v3 =	vld.idx.msk [tilespmem:v6+s11+$0x0], $0xffff  }
0x31b: {  	v1 =	vadd.s32 s16, v1;
	v12 =	vld [tilespmem:$0x1FF70];
	v6 =	vmin.u32 v7, $0x3E7;
	v4 =	vmul.f32 v40, v4  }
0x31c: {  	v6 =	vadd.s32 s16, v6;
	v7 =	vld.idx.msk [tilespmem:v7+s11+$0x0], $0xffff  }
0x31d: {  	v2 =	vadd.f32 v4, v2;
	v4 =	vmul.f32 v49, v5;
	_ =	sdelay $0x1  }
0x31e: {  	v2 =	vadd.f32 v4, v2;
	v3 =	vmul.f32 v57, v3  }
0x31f: {  	v1 =	vld.idx.msk [tilespmem:v1+s10+$0x0], $0xffff  }
0x320: {  	v4 =	vld.idx.msk [tilespmem:v6+s10+$0x0], $0xffff;
	v2 =	vadd.f32 v3, v2;
	v3 =	vmul.f32 v12, v7;
	_ =	sdelay $0x1  }
0x321: {  	v2 =	vadd.f32 v3, v2;
	_ =	sdelay $0x1  }
0x322: {  	v1 =	vnsel vm0, $0x0, v1;
	(xrf2) =	vadd.scan.msk.f32 $0xffff, v2  }
0x323: {  	(xrf2) =	vadd.scan.msk.f32 $0xffff, v1;
	v1 =	vsel vm1, $0x0, v4  }
0x324: {  	(xrf2) =	vadd.scan.msk.f32 $0xffff, v1;
	_ =	sdelay $0x7  }
0x325: {  	v1, _, _ =	vpop (xrf2)  }
0x326: {  	v2, _, _ =	vpop (xrf2)  }
0x327: {  	(v2sf) =	vpush v2, $0xF;
	v2, _, _ =	vpop (xrf2)  }
0x328: {  	(v2sf) =	vpush v2, $0xF;
	_ =	sdelay $0xd  }
0x329: {  	s21 =	spop (v2sf)  }
0x32a: {  	v18 =	vmov v19;
	v19 =	vld [tilespmem:$0x1FFC0];
	s22 =	spop (v2sf)  }
0x32b: {  	v25 =	vld [tilespmem:$0x1FFB0];
	s21 =	ssub.f32 s22, s21  }
0x32c: {  	v17 =	vmovc v14;
	v14 =	vmovc v34;
	v34 =	vmov v51;
	v51 =	vmov v61;
	v61 =	vld [tilespmem:$0x1FFF0];
	v2 =	vmov s20  }
0x32d: {  	p0 =	sne.s32 s20, $0xF;
	v5 =	vmov v50;
	v50 =	vld [tilespmem:$0x1FF90];
	s21 =	smul.f32 $2.000000030e-01, s21  }
.Ltmp0:
0x32e: {  	v6 =	vmov v54;
	v54 =	vld [tilespmem:$0x1FF50];
	(pc) =	sbr.rel @p0 .LBB2_3-.Ltmp0, $4  }
0x32f: {  	v7 =	vmov v55;
	v55 =	vld [tilespmem:$0x1FF60];
	v1 =	vbroadcast v1, $0xF;
	s21 =	sadd.f32 $-2.000000090e-03, s21  }
0x330: {  	v3 =	vmov v41;
	v41 =	vld [tilespmem:$0x1FFA0]  }
0x331: {  	v0 =	vmovc v22;
	v30 =	vmovc v21;
	v33 =	vmov v42;
	v4 =	vmov v58;
	v58 =	vld [tilespmem:$0x1FFD0];
	[tilespmem:v2+s17+$0x0] =	vst.idx.msk $0x1, v1;
	v1 =	vmov s21  }
0x332: {  	v42 =	vmovc v43;
	s19 =	sadd.s32 $0x400, s19;
	v10 =	vmovc v62;
	v62 =	vmov v23;
	v23 =	vmov v32;
	v32 =	vmov v60;
	s16 =	sadd.s32 $0x3E8, s16;
	s20 =	sadd.s32 $0x1, s20;
	[tilespmem:v2+s18+$0x0] =	vst.idx.msk $0x1, v1;
	v2 =	vld [tilespmem:$0x1FFE0]  }
0x333: {  	s15 =	sadd.s32 $0x1, s15  }
0x334: {  	p0 =	sne.s32 s15, $0x8  }
.Ltmp1:
0x335: {  	_ = 	snop;
	(pc) =	sbr.rel @p0 .LBB2_2-.Ltmp1, $1  }
0x336: {  	_ =	sdelay $0x3  }
0x337: {  	[hbm4b:s6+s2] =	stream.linear.scatter [tilespmem:s12], [sflag:$0x1], $0x80, $0x38;
	[tilespmem:$0x8380] =	vst v63  }
0x338: {  	s14 =	sadd.s32 $0x1, s14;
	_ =	swait.ge [sflag:s9], $0x80  }
0x339: {  	p0 =	sne.s32 s14, s8;
	[sflag:s9] =	ssyncset.done $0x0  }
.Ltmp2:
0x33a: {  	[sflag:s9] =	ssyncadd.s32 $0xFFFFFF80;
	(pc) =	sbr.rel @p0 .LBB2_1-.Ltmp2, $4  }
0x33b: {  	[hbm4b:s7+s2] =	stream.linear.scatter [tilespmem:s13], [sflag:$0x1], $0x80, $0x38;
	[tilespmem:$0x8380] =	vst v63  }
0x33c: {  	_ =	swait.ge [sflag:s9], $0x80  }
0x33d: {  	[sflag:s9] =	ssyncset.done $0x0  }
0x33e: {  	[sflag:s9] =	ssyncadd.s32 $0xFFFFFF80  }
0x33f: {  	_ =	sfence.sel $0x180000  }
0x340: {  	[bflag:$0x0] =	sbarrier.arrive $0xFFFF  }
0x341: {  	p0 =	sne.s32 s1, $0x0;
	_ =	strace $0x90000047  }
0x342: {  	s0 =	sadd.s32 @!p0 $0x100000, s0;
	[bflag:$0x2] =	sbarrier.arrive $0xFFFF  }
0x343: {  	[sflag:s0] =	ssyncadd.tile.s32 @!p0 $0x1;
	_ =	shalt  }
.Lfunc_end2:
_tile_overlayer_lowered:
.L_overlay_start_2:
0x344: {  	(tag) =	ssettag $0x2  }
0x345: {  	s0 =	rddreg [dreg:$0x0];
	s2 =	stileid.u32  }
0x346: {  	s1 =	rddreg [dreg:$0x1];
	p0 =	sne.s32 s2, $0x0  }
0x347: {  	s3 =	rddreg [dreg:$0x2];
	[bflag:$0x3] =	sbarrier.arrive $0xFFFF;
	s2 =	simm.s32 @!p0 $0x1C01  }
0x348: {  	[timem:s3], [sflag:s2] =	dma.local @!p0 [hbm:s0], s1  }
0x349: {  	s0 =	simm.s32 @!p0 $0x1  }
0x34a: {  	_ =	swait.ge @!p0 [sflag:s0], s1  }
0x34b: {  	s1 =	ssub.s32 @!p0 $0x0, s1;
	[sflag:s0] =	ssyncset.done @!p0 $0x0  }
0x34c: {  	[sflag:s0] =	ssyncadd.s32 @!p0 s1  }
0x34d: {  	[bflag:$0x3] =	sbarrier.arrive $0xFFFF  }
0x34e: {  	_ =	shalt  }

</sc_bundles>
